<compile_context>
chip_gen: v7x
topology: tpu7x:2x2x1
jax: 0.10.2.dev20260603
libtpu: 0.0.44.dev20260713+nightly
codegen_flags: <defaults>
</compile_context>

<pallas_src>
import functools

import jax
import jax.numpy as jnp
from jax import lax
from jax.experimental import pallas as pl
from jax.experimental.pallas import tpu as pltpu
from jax.experimental.pallas import tpu_sc as plsc

EPS_ = 1e-4
B_ = 4096
N_ = 262144
D_ = 128
H_ = 128
O_ = 64
NW_ = 32
SLICE_ = N_ // NW_
VECS_ = SLICE_ // 16
TN_ = 1024
GN_ = N_ // TN_


def _sc_mesh():
    return plsc.VectorSubcoreMesh(core_axis_name="c", subcore_axis_name="s")


def _state_body(st, qw1, qb1, qw2, qb2, qfw, qfb, f1wa, out):
    q = jnp.maximum(jnp.dot(st[...], qw1[...]) + qb1[0:1, :], 0.0)
    q = jnp.maximum(jnp.dot(q, qw2[...]) + qb2[0:1, :], 0.0)
    q = jnp.dot(q, qfw[...]) + qfb[0:1, :]
    out[...] = jnp.dot(jnp.maximum(q, 0.0), f1wa[...])


def _state_call(st, qw1, qb1, qw2, qb2, qfw, qfb, f1wa):
    return pl.pallas_call(
        _state_body,
        out_shape=jax.ShapeDtypeStruct((B_, D_), jnp.float32),
    )(st, qw1, qb1, qw2, qb2, qfw, qfb, f1wa)


_GCH_ = 256


def _gather_body(a_hbm, idx_hbm, out_hbm, idx0, idx1, rows0, rows1,
                 gsem0, gsem1, osem0, osem1):
    w = lax.axis_index("s") * 2 + lax.axis_index("c")
    base = w * SLICE_
    nch = SLICE_ // _GCH_
    idx_v = [idx0, idx1]
    rows_v = [rows0, rows1]
    gsem = [gsem0, gsem1]
    osem = [osem0, osem1]
    out_desc = [None, None]
    g_desc = [None, None]
    pltpu.sync_copy(idx_hbm.at[pl.ds(base, _GCH_)], idx_v[0])
    g_desc[0] = pltpu.async_copy(a_hbm.at[idx_v[0]], rows_v[0], gsem[0])
    for c in range(nch):
        b = c % 2
        nb = (c + 1) % 2
        if c + 1 < nch:
            if out_desc[nb] is not None:
                out_desc[nb].wait()
            noff = base + (c + 1) * _GCH_
            pltpu.sync_copy(idx_hbm.at[pl.ds(noff, _GCH_)], idx_v[nb])
            g_desc[nb] = pltpu.async_copy(a_hbm.at[idx_v[nb]], rows_v[nb],
                                          gsem[nb])
        g_desc[b].wait()
        out_desc[b] = pltpu.async_copy(
            rows_v[b], out_hbm.at[pl.ds(base + c * _GCH_, _GCH_)], osem[b])
    out_desc[0].wait()
    out_desc[1].wait()


def _gather_call(a, bidx):
    mesh = _sc_mesh()
    return pl.kernel(
        _gather_body,
        out_type=jax.ShapeDtypeStruct((N_, D_), jnp.float32),
        mesh=mesh,
        compiler_params=pltpu.CompilerParams(needs_layout_passes=False),
        scratch_types=[
            pltpu.VMEM((_GCH_,), jnp.int32),
            pltpu.VMEM((_GCH_,), jnp.int32),
            pltpu.VMEM((_GCH_, D_), jnp.float32),
            pltpu.VMEM((_GCH_, D_), jnp.float32),
            pltpu.SemaphoreType.DMA,
            pltpu.SemaphoreType.DMA,
            pltpu.SemaphoreType.DMA,
            pltpu.SemaphoreType.DMA,
        ],
    )(a, bidx)


def _main_body(cand, qx, kw1, kb1, kw2, kb2, kfw, kfb, f1wb, f1b, f2w, out):
    x = jnp.maximum(jnp.dot(cand[...], kw1[...]) + kb1[0:1, :], 0.0)
    x = jnp.maximum(jnp.dot(x, kw2[...]) + kb2[0:1, :], 0.0)
    x = jnp.dot(x, kfw[...]) + kfb[0:1, :]
    h = jnp.dot(jnp.maximum(x, 0.0), f1wb[...]) + qx[...] + f1b[0:1, :]
    h = jnp.maximum(h, 0.0)
    row = lax.dot_general(f2w[0:1, :], h, (((1,), (1,)), ((), ())))
    out[0] = row


def _main_call(cand, qx, kw1, kb1, kw2, kb2, kfw, kfb, f1wb, f1b, f2w):
    full = lambda shape: pl.BlockSpec(shape, lambda i: (0,) * len(shape))
    return pl.pallas_call(
        _main_body,
        grid=(GN_,),
        in_specs=[
            pl.BlockSpec((TN_, D_), lambda i: (i, 0)),
            pl.BlockSpec((TN_, D_), lambda i: (i, 0)),
            full((D_, H_)), full((8, H_)),
            full((H_, H_)), full((8, H_)),
            full((H_, O_)), full((8, O_)),
            full((O_, D_)), full((8, D_)),
            full((8, D_)),
        ],
        out_specs=pl.BlockSpec((1, 1, TN_), lambda i: (i, 0, 0)),
        out_shape=jax.ShapeDtypeStruct((GN_, 1, TN_), jnp.float32),
    )(cand, qx, kw1, kb1, kw2, kb2, kfw, kfb, f1wb, f1b, f2w)


def _lane_iota():
    return lax.iota(jnp.int32, 16)


def _shift_get(x, sidx):
    return x.at[sidx].get(mode="promise_in_bounds")


def _seg_scan_add(ids, x):
    iota = _lane_iota()
    for k in (1, 2, 4, 8):
        sidx = jnp.maximum(iota - k, 0)
        sv = _shift_get(x, sidx)
        sid = _shift_get(ids, sidx)
        x = jnp.where((iota >= k) & (sid == ids), x + sv, x)
    return x


def _lane15(x, fill):
    return jnp.max(jnp.where(_lane_iota() == 15, x, fill))


def _done_mask(ids):
    iota = _lane_iota()
    nid = _shift_get(ids, jnp.minimum(iota + 1, 15))
    return ((ids != nid) & (iota < 15)) | (iota == 15)


def _pass1_body(lg_hbm, id_hbm, zero_hbm, es_out, ct_out,
                lg_v, id_v, es_acc, ct_acc):
    w = lax.axis_index("s") * 2 + lax.axis_index("c")
    pltpu.sync_copy(lg_hbm.at[pl.ds(w * SLICE_, SLICE_)], lg_v)
    pltpu.sync_copy(id_hbm.at[pl.ds(w * SLICE_, SLICE_)], id_v)
    pltpu.sync_copy(zero_hbm, es_acc)
    pltpu.sync_copy(zero_hbm, ct_acc)
    iota = _lane_iota()

    def body(v, carry):
        c_id, c_es, c_ct = carry
        base = v * 16 + iota
        ids = plsc.load_gather(id_v, [base])
        ex = jnp.exp(plsc.load_gather(lg_v, [base]))
        es = _seg_scan_add(ids, ex)
        ct = _seg_scan_add(ids, jnp.ones((16,), jnp.float32))
        lead = ids == c_id
        es = jnp.where(lead, es + c_es, es)
        ct = jnp.where(lead, ct + c_ct, ct)
        done = _done_mask(ids)
        plsc.store_scatter(es_acc, [ids], es, mask=done)
        plsc.store_scatter(ct_acc, [ids], ct, mask=done)
        return (_lane15(ids, jnp.int32(-1)),
                _lane15(es, jnp.float32(0.0)),
                _lane15(ct, jnp.float32(0.0)))

    lax.fori_loop(0, VECS_, body,
                  (jnp.int32(-1), jnp.float32(0.0), jnp.float32(0.0)))
    pltpu.sync_copy(es_acc, es_out.at[w])
    pltpu.sync_copy(ct_acc, ct_out.at[w])


def _pass1_call(logits, bidx, zeros):
    mesh = _sc_mesh()
    return pl.kernel(
        _pass1_body,
        out_type=(jax.ShapeDtypeStruct((NW_, B_), jnp.float32),
                  jax.ShapeDtypeStruct((NW_, B_), jnp.float32)),
        mesh=mesh,
        compiler_params=pltpu.CompilerParams(needs_layout_passes=False),
        scratch_types=[
            pltpu.VMEM((SLICE_,), jnp.float32),
            pltpu.VMEM((SLICE_,), jnp.int32),
            pltpu.VMEM((B_,), jnp.float32),
            pltpu.VMEM((B_,), jnp.float32),
        ],
    )(logits, bidx, zeros)


def _mini2_body(es_p, ct_p, rd_out, ld_out, bs_out):
    es = jnp.sum(es_p[...], axis=0, keepdims=True)
    ct = jnp.sum(ct_p[...], axis=0, keepdims=True)
    denom = es + EPS_
    rd_out[0] = 1.0 / denom
    ld_out[0] = jnp.log(denom)
    lane = lax.broadcasted_iota(jnp.int32, (1, B_), 1)
    cs = ct
    k = 1
    while k < B_:
        r = pltpu.roll(cs, k, axis=1)
        cs = cs + jnp.where(lane >= k, r, 0.0)
        k *= 2
    bs_out[0] = (cs - ct).astype(jnp.int32)


def _mini2_call(es_p, ct_p):
    return pl.pallas_call(
        _mini2_body,
        out_shape=(jax.ShapeDtypeStruct((1, 1, B_), jnp.float32),
                   jax.ShapeDtypeStruct((1, 1, B_), jnp.float32),
                   jax.ShapeDtypeStruct((1, 1, B_), jnp.int32)),
    )(es_p, ct_p)


def _pass2_body(lg_hbm, id_hbm, g_hbm, rd_hbm, ld_hbm, zero_hbm, ninf_hbm,
                nm1_hbm, pr_out, val_out, idx_out, lgw_out,
                lg_v, id_v, g_v, pr_v, rd_acc, ld_acc, v_acc, i_acc, l_acc):
    w = lax.axis_index("s") * 2 + lax.axis_index("c")
    pltpu.sync_copy(lg_hbm.at[pl.ds(w * SLICE_, SLICE_)], lg_v)
    pltpu.sync_copy(id_hbm.at[pl.ds(w * SLICE_, SLICE_)], id_v)
    pltpu.sync_copy(g_hbm.at[pl.ds(w * SLICE_, SLICE_)], g_v)
    pltpu.sync_copy(rd_hbm, rd_acc)
    pltpu.sync_copy(ld_hbm, ld_acc)
    pltpu.sync_copy(ninf_hbm, v_acc)
    pltpu.sync_copy(nm1_hbm, i_acc)
    pltpu.sync_copy(zero_hbm, l_acc)
    iota = _lane_iota()
    ninf = jnp.float32(-jnp.inf)

    def body(v, carry):
        c_id, c_s, c_i, c_l = carry
        base = v * 16 + iota
        ids = plsc.load_gather(id_v, [base])
        lg = plsc.load_gather(lg_v, [base])
        gv = plsc.load_gather(g_v, [base])
        rd = plsc.load_gather(rd_acc, [ids])
        ld = plsc.load_gather(ld_acc, [ids])
        pr = jnp.exp(lg) * rd
        plsc.store_scatter(pr_v, [base], pr)
        s = jnp.where(pr > EPS_, lg - ld + gv, ninf)
        gi = w * SLICE_ + base
        x_s, x_i, x_l = s, gi, lg
        for k in (1, 2, 4, 8):
            sidx = jnp.maximum(iota - k, 0)
            sv = _shift_get(x_s, sidx)
            si = _shift_get(x_i, sidx)
            sl = _shift_get(x_l, sidx)
            sid = _shift_get(ids, sidx)
            take = (iota >= k) & (sid == ids) & (sv >= x_s)
            x_s = jnp.where(take, sv, x_s)
            x_i = jnp.where(take, si, x_i)
            x_l = jnp.where(take, sl, x_l)
        lead = (ids == c_id) & (c_s >= x_s)
        x_s = jnp.where(lead, c_s, x_s)
        x_i = jnp.where(lead, c_i, x_i)
        x_l = jnp.where(lead, c_l, x_l)
        done = _done_mask(ids)
        plsc.store_scatter(v_acc, [ids], x_s, mask=done)
        plsc.store_scatter(i_acc, [ids], x_i, mask=done)
        plsc.store_scatter(l_acc, [ids], x_l, mask=done)
        return (_lane15(ids, jnp.int32(-1)), _lane15(x_s, ninf),
                _lane15(x_i, jnp.int32(0)), _lane15(x_l, ninf))

    lax.fori_loop(0, VECS_, body,
                  (jnp.int32(-1), ninf, jnp.int32(0), jnp.float32(0.0)))
    pltpu.sync_copy(pr_v, pr_out.at[pl.ds(w * SLICE_, SLICE_)])
    pltpu.sync_copy(v_acc, val_out.at[w])
    pltpu.sync_copy(i_acc, idx_out.at[w])
    pltpu.sync_copy(l_acc, lgw_out.at[w])


def _pass2_call(logits, bidx, g, rdenom, logden, zeros, ninf, nm1):
    mesh = _sc_mesh()
    return pl.kernel(
        _pass2_body,
        out_type=(jax.ShapeDtypeStruct((N_,), jnp.float32),
                  jax.ShapeDtypeStruct((NW_, B_), jnp.float32),
                  jax.ShapeDtypeStruct((NW_, B_), jnp.int32),
                  jax.ShapeDtypeStruct((NW_, B_), jnp.float32)),
        mesh=mesh,
        compiler_params=pltpu.CompilerParams(needs_layout_passes=False),
        scratch_types=[
            pltpu.VMEM((SLICE_,), jnp.float32),
            pltpu.VMEM((SLICE_,), jnp.int32),
            pltpu.VMEM((SLICE_,), jnp.float32),
            pltpu.VMEM((SLICE_,), jnp.float32),
            pltpu.VMEM((B_,), jnp.float32),
            pltpu.VMEM((B_,), jnp.float32),
            pltpu.VMEM((B_,), jnp.float32),
            pltpu.VMEM((B_,), jnp.int32),
            pltpu.VMEM((B_,), jnp.float32),
        ],
    )(logits, bidx, g, rdenom, logden, zeros, ninf, nm1)


def _mini3_body(v_p, i_p, l_p, bs3, ld3, act_out, alp_out):
    v = v_p[...]
    i = i_p[...]
    l = l_p[...]
    bv, bi, bl = v[0:1, :], i[0:1, :], l[0:1, :]
    for r in range(1, NW_):
        vr, ir, lr = v[r:r + 1, :], i[r:r + 1, :], l[r:r + 1, :]
        take = (vr > bv) | ((vr == bv) & (ir < bi))
        bv = jnp.where(take, vr, bv)
        bi = jnp.where(take, ir, bi)
        bl = jnp.where(take, lr, bl)
    act_out[0] = bi - bs3[0]
    alp_out[0] = bl - ld3[0]


def _mini3_call(v_p, i_p, l_p, bs3, ld3):
    return pl.pallas_call(
        _mini3_body,
        out_shape=(jax.ShapeDtypeStruct((1, 1, B_), jnp.int32),
                   jax.ShapeDtypeStruct((1, 1, B_), jnp.float32)),
    )(v_p, i_p, l_p, bs3, ld3)


def kernel(states, candidates, batch_idx, Qw1, Qb1, Qw2, Qb2, Kw1, Kb1,
           Kw2, Kb2, Qfw, Qfb, Kfw, Kfb, F1w, F1b, F2w, F2b):
    row = lambda x: jnp.broadcast_to(x[None, :], (8, x.shape[0]))
    padw = lambda x: jnp.pad(x, ((0, 0), (0, D_ - O_)))
    padv = lambda x: jnp.pad(x, (0, D_ - O_))
    f1wa = padw(F1w[:O_, :])
    f1wb = padw(F1w[O_:, :])
    a = _state_call(states, Qw1, row(Qb1), Qw2, row(Qb2), Qfw, row(Qfb), f1wa)
    qx = _gather_call(a, batch_idx)
    logits = _main_call(candidates, qx, Kw1, row(Kb1), Kw2, row(Kb2), Kfw,
                        row(Kfb), f1wb, row(padv(F1b)), row(padv(F2w[:, 0]))).reshape(N_)
    zeros = jnp.zeros((B_,), jnp.float32)
    es_p, ct_p = _pass1_call(logits, batch_idx, zeros)
    rd3, ld3, bs3 = _mini2_call(es_p, ct_p)
    g = jax.random.gumbel(jax.random.key(42), (N_,), jnp.float32)
    ninf = jnp.full((B_,), -jnp.inf, jnp.float32)
    nm1 = jnp.full((B_,), N_ - 1, jnp.int32)
    probs, v_p, i_p, l_p = _pass2_call(
        logits, batch_idx, g, rd3.reshape(B_), ld3.reshape(B_),
        zeros, ninf, nm1)
    act3, alp3 = _mini3_call(v_p, i_p, l_p, bs3, ld3)
    return probs, alp3.reshape(B_), act3.reshape(B_)

# --- scband reference (transcript-rebuilt; emitter-appended) ---
"""Pipeline reference for scband-actor-critic-gapn-28802050686997 (READ-ONLY COPY).

The authoritative reference and input builder live on the scoring server;
editing this copy changes nothing except your own understanding.
"""

import jax, jax.numpy as jnp
import numpy as np

EPS = 1e-4
B = 4096
N = 262144
D = 128
H = 128
O = 64


def _lin(k, i, o, s=0.05):
    k1, k2 = jax.random.split(k)
    w = jax.random.normal(k1, (i, o), jnp.float32) * s
    b = jax.random.normal(k2, (o,), jnp.float32) * s
    return w, b


def setup_inputs(seed: int = 0) -> dict:
    key = jax.random.key(seed)
    ks = jax.random.split(key, 12)
    states = jax.random.normal(ks[0], (B, D), jnp.float32)
    candidates = jax.random.normal(ks[1], (N, D), jnp.float32)
    batch_idx = jnp.sort(jax.random.randint(ks[2], (N,), 0, B, dtype=jnp.int32))
    Qw1, Qb1 = _lin(ks[3], D, H)
    Qw2, Qb2 = _lin(ks[4], H, H)
    Kw1, Kb1 = _lin(ks[5], D, H)
    Kw2, Kb2 = _lin(ks[6], H, H)
    Qfw, Qfb = _lin(ks[7], H, O)
    Kfw, Kfb = _lin(ks[8], H, O)
    F1w, F1b = _lin(ks[9], 2 * O, O)
    F2w, F2b = _lin(ks[10], O, 1)
    return {
        "states": states, "candidates": candidates, "batch_idx": batch_idx,
        "Qw1": Qw1, "Qb1": Qb1, "Qw2": Qw2, "Qb2": Qb2,
        "Kw1": Kw1, "Kb1": Kb1, "Kw2": Kw2, "Kb2": Kb2,
        "Qfw": Qfw, "Qfb": Qfb, "Kfw": Kfw, "Kfb": Kfb,
        "F1w": F1w, "F1b": F1b, "F2w": F2w, "F2b": F2b,
    }


def reference(states, candidates, batch_idx, Qw1, Qb1, Qw2, Qb2, Kw1, Kb1, Kw2, Kb2,
              Qfw, Qfb, Kfw, Kfb, F1w, F1b, F2w, F2b):
    relu = jax.nn.relu
    # encoder MLPs (GNN stages are identity with 0 layers)
    Q = relu(states @ Qw1 + Qb1)
    K = relu(candidates @ Kw1 + Kb1)
    Q = relu(Q @ Qw2 + Qb2)
    K = relu(K @ Kw2 + Kb2)
    Q = Q @ Qfw + Qfb
    K = K @ Kfw + Kfb
    # batched_expand: repeat each state's embedding over its candidates
    counts = jnp.bincount(batch_idx, length=B)
    Qx = jnp.repeat(Q, counts, axis=0, total_repeat_length=N)
    h = jnp.concatenate([Qx, K], axis=-1)
    h = relu(h) @ F1w + F1b
    h = relu(h) @ F2w + F2b
    logits = h[:, 0]
    # batched_softmax via segment reductions
    lmax = jax.ops.segment_max(logits, batch_idx, num_segments=B)
    ex = jnp.exp(logits - lmax[batch_idx])
    esum = jax.ops.segment_sum(ex, batch_idx, num_segments=B) + EPS
    probs = ex / esum[batch_idx]
    # batched_sample: per-segment categorical over p*(p>EPS) via Gumbel-max
    p = jnp.where(probs > EPS, probs, 0.0)
    logp = jnp.where(p > 0, jnp.log(jnp.maximum(p, 1e-30)), -jnp.inf)
    g = jax.random.gumbel(jax.random.key(42), (N,), jnp.float32)
    vals = logp + g
    smax = jax.ops.segment_max(vals, batch_idx, num_segments=B)
    is_max = vals >= smax[batch_idx]
    cand_idx = jnp.where(is_max, jnp.arange(N, dtype=jnp.int32), N)
    shifted_actions = jax.ops.segment_min(cand_idx, batch_idx, num_segments=B)
    shifted_actions = jnp.minimum(shifted_actions, N - 1)
    batch_shift = jnp.concatenate([jnp.zeros((1,), counts.dtype), jnp.cumsum(counts)[:-1]])
    actions = shifted_actions - batch_shift
    action_logprobs = jnp.log(jnp.maximum(probs[shifted_actions], 1e-30))
    return probs, action_logprobs, actions

if __name__ == "__main__":
    import jax
    _d = setup_inputs()
    print(jax.jit(kernel)(*tuple(_d.values())))

</pallas_src>

<mosaic_0001>
#map = affine_map<(d0, d1) -> (0)>
#map1 = affine_map<(d0, d1) -> (0, 0)>
module attributes {stable_mosaic.version = 14 : i64} {
  func.func @_pass1_body(%arg0: i32, %arg1: i32, %arg2: memref<262144xf32, #tpu.memory_space<hbm>>, %arg3: memref<262144xi32, #tpu.memory_space<hbm>>, %arg4: memref<4096xf32, #tpu.memory_space<hbm>>, %arg5: memref<32x4096xf32, #tpu.memory_space<hbm>>, %arg6: memref<32x4096xf32, #tpu.memory_space<hbm>>, %arg7: memref<8192xf32, #tpu.memory_space<vmem>>, %arg8: memref<8192xi32, #tpu.memory_space<vmem>>, %arg9: memref<4096xf32, #tpu.memory_space<vmem>>, %arg10: memref<4096xf32, #tpu.memory_space<vmem>>) attributes {dimension_semantics = [#tpu.dimension_semantics<core_parallel>, #tpu.dimension_semantics<subcore_parallel>], iteration_bounds = array<i64: 2, 16>, scalar_prefetch = 0 : i64, scratch_operands = 4 : i64, tpu.core_type = #tpu.core_type<sc_vector_subcore>, window_params = [{transform_indices = #map}, {transform_indices = #map}, {transform_indices = #map}, {transform_indices = #map1}, {transform_indices = #map1}]} {
    %mul3A = arith.constant 2 : i32
    %mul3A_0 = arith.muli %arg1, %mul3A : i32
    %add3A = arith.addi %mul3A_0, %arg0 : i32
    %mul3A_1 = arith.constant 8192 : i32
    %mul3A_2 = arith.muli %add3A, %mul3A_1 : i32
    "tpu.region"() ({
      %run_scoped3A = tpu.sem_alloc : memref<!tpu.dma_semaphore, #tpu.memory_space<semaphore_mem>>
      %dma_start3A = tpu.memref_slice %arg2[%mul3A_2] : memref<262144xf32, #tpu.memory_space<hbm>> -> memref<8192xf32, #tpu.memory_space<hbm>>
      %dma_start3A_13 = tpu.memref_slice %arg2[%mul3A_2] : memref<262144xf32, #tpu.memory_space<hbm>> -> memref<8192xf32, #tpu.memory_space<hbm>>
      tpu.enqueue_dma source(%dma_start3A_13 : memref<8192xf32, #tpu.memory_space<hbm>>) target(%arg7 : memref<8192xf32, #tpu.memory_space<vmem>>) target_semaphore(%run_scoped3A : memref<!tpu.dma_semaphore, #tpu.memory_space<semaphore_mem>>)
      %dma_wait3A = tpu.memref_slice %arg2[%mul3A_2] : memref<262144xf32, #tpu.memory_space<hbm>> -> memref<8192xf32, #tpu.memory_space<hbm>>
      %dma_wait3A_14 = tpu.memref_slice %arg2[%mul3A_2] : memref<262144xf32, #tpu.memory_space<hbm>> -> memref<8192xf32, #tpu.memory_space<hbm>>
      tpu.wait_dma2 semaphore(%run_scoped3A : memref<!tpu.dma_semaphore, #tpu.memory_space<semaphore_mem>>) src(%dma_wait3A_14 : memref<8192xf32, #tpu.memory_space<hbm>>) dst(%arg7 : memref<8192xf32, #tpu.memory_space<vmem>>)
      tpu.yield
    }) : () -> ()
    %mul3A_3 = arith.constant 8192 : i32
    %mul3A_4 = arith.muli %add3A, %mul3A_3 : i32
    "tpu.region"() ({
      %run_scoped3A = tpu.sem_alloc : memref<!tpu.dma_semaphore, #tpu.memory_space<semaphore_mem>>
      %dma_start3A = tpu.memref_slice %arg3[%mul3A_4] : memref<262144xi32, #tpu.memory_space<hbm>> -> memref<8192xi32, #tpu.memory_space<hbm>>
      %dma_start3A_13 = tpu.memref_slice %arg3[%mul3A_4] : memref<262144xi32, #tpu.memory_space<hbm>> -> memref<8192xi32, #tpu.memory_space<hbm>>
      tpu.enqueue_dma source(%dma_start3A_13 : memref<8192xi32, #tpu.memory_space<hbm>>) target(%arg8 : memref<8192xi32, #tpu.memory_space<vmem>>) target_semaphore(%run_scoped3A : memref<!tpu.dma_semaphore, #tpu.memory_space<semaphore_mem>>)
      %dma_wait3A = tpu.memref_slice %arg3[%mul3A_4] : memref<262144xi32, #tpu.memory_space<hbm>> -> memref<8192xi32, #tpu.memory_space<hbm>>
      %dma_wait3A_14 = tpu.memref_slice %arg3[%mul3A_4] : memref<262144xi32, #tpu.memory_space<hbm>> -> memref<8192xi32, #tpu.memory_space<hbm>>
      tpu.wait_dma2 semaphore(%run_scoped3A : memref<!tpu.dma_semaphore, #tpu.memory_space<semaphore_mem>>) src(%dma_wait3A_14 : memref<8192xi32, #tpu.memory_space<hbm>>) dst(%arg8 : memref<8192xi32, #tpu.memory_space<vmem>>)
      tpu.yield
    }) : () -> ()
    "tpu.region"() ({
      %run_scoped3A = tpu.sem_alloc : memref<!tpu.dma_semaphore, #tpu.memory_space<semaphore_mem>>
      tpu.enqueue_dma source(%arg4 : memref<4096xf32, #tpu.memory_space<hbm>>) target(%arg9 : memref<4096xf32, #tpu.memory_space<vmem>>) target_semaphore(%run_scoped3A : memref<!tpu.dma_semaphore, #tpu.memory_space<semaphore_mem>>)
      tpu.wait_dma2 semaphore(%run_scoped3A : memref<!tpu.dma_semaphore, #tpu.memory_space<semaphore_mem>>) src(%arg4 : memref<4096xf32, #tpu.memory_space<hbm>>) dst(%arg9 : memref<4096xf32, #tpu.memory_space<vmem>>)
      tpu.yield
    }) : () -> ()
    "tpu.region"() ({
      %run_scoped3A = tpu.sem_alloc : memref<!tpu.dma_semaphore, #tpu.memory_space<semaphore_mem>>
      tpu.enqueue_dma source(%arg4 : memref<4096xf32, #tpu.memory_space<hbm>>) target(%arg10 : memref<4096xf32, #tpu.memory_space<vmem>>) target_semaphore(%run_scoped3A : memref<!tpu.dma_semaphore, #tpu.memory_space<semaphore_mem>>)
      tpu.wait_dma2 semaphore(%run_scoped3A : memref<!tpu.dma_semaphore, #tpu.memory_space<semaphore_mem>>) src(%arg4 : memref<4096xf32, #tpu.memory_space<hbm>>) dst(%arg10 : memref<4096xf32, #tpu.memory_space<vmem>>)
      tpu.yield
    }) : () -> ()
    %iota3A = tpu.iota {dimensions = array<i32: 0>} : vector<16xi32>
    %scan3A = arith.constant -1 : i32
    %scan3A_5 = arith.constant 0.000000e+00 : f32
    %scan3A_6 = arith.constant 0.000000e+00 : f32
    %scan3A_7 = arith.constant 0 : i32
    %scan3A_8 = arith.constant 512 : i32
    %scan3A_9 = arith.addi %scan3A_7, %scan3A_8 : i32
    %scan3A_10 = arith.constant 1 : i32
    %scan3A_11:3 = scf.for %scan3A_13 = %scan3A_7 to %scan3A_9 step %scan3A_10 iter_args(%scan3A_14 = %scan3A, %scan3A_15 = %scan3A_5, %scan3A_16 = %scan3A_6) -> (i32, f32, f32)  : i32 {
      %mul3A_17 = arith.constant 16 : i32
      %mul3A_18 = arith.muli %scan3A_13, %mul3A_17 : i32
      %add3A_19 = vector.broadcast %mul3A_18 : i32 to vector<16xi32>
      %add3A_20 = arith.addi %add3A_19, %iota3A : vector<16xi32>
      %gather3A = tpu.vector_load_idx %arg8[%add3A_20] : memref<8192xi32, #tpu.memory_space<vmem>>[vector<16xi32>], vector<16xi32>,
      %gather3A_21 = tpu.vector_load_idx %arg7[%add3A_20] : memref<8192xf32, #tpu.memory_space<vmem>>[vector<16xi32>], vector<16xf32>,
      %exp3A = math.exp %gather3A_21 : vector<16xf32>
      %iota3A_22 = tpu.iota {dimensions = array<i32: 0>} : vector<16xi32>
      %sub3A = arith.constant 1 : i32
      %sub3A_23 = vector.broadcast %sub3A : i32 to vector<16xi32>
      %sub3A_24 = arith.subi %iota3A_22, %sub3A_23 : vector<16xi32>
      %max3A = arith.constant 0 : i32
      %max3A_25 = vector.broadcast %max3A : i32 to vector<16xi32>
      %max3A_26 = arith.maxsi %sub3A_24, %max3A_25 : vector<16xi32>
      %lt3A = arith.constant 0 : i32
      %lt3A_27 = vector.broadcast %lt3A : i32 to vector<16xi32>
      %lt3A_28 = arith.cmpi slt, %max3A_26, %lt3A_27 : vector<16xi32>
      %add3A_29 = arith.constant 16 : i32
      %add3A_30 = vector.broadcast %add3A_29 : i32 to vector<16xi32>
      %add3A_31 = arith.addi %max3A_26, %add3A_30 : vector<16xi32>
      %select_n3A = arith.select %lt3A_28, %add3A_31, %max3A_26 : vector<16xi1>, vector<16xi32>
      %broadcast_in_dim3A = vector.shape_cast %select_n3A : vector<16xi32> to vector<16x1xi32>
      %gather3A_32 = vector.shape_cast %broadcast_in_dim3A : vector<16x1xi32> to vector<16xi32>
      %gather3A_33 = tpu.dynamic_gather %exp3A[%gather3A_32] in [0] : vector<16xf32>, vector<16xi32> -> vector<16xf32>
      %lt3A_34 = arith.constant 0 : i32
      %lt3A_35 = vector.broadcast %lt3A_34 : i32 to vector<16xi32>
      %lt3A_36 = arith.cmpi slt, %max3A_26, %lt3A_35 : vector<16xi32>
      %add3A_37 = arith.constant 16 : i32
      %add3A_38 = vector.broadcast %add3A_37 : i32 to vector<16xi32>
      %add3A_39 = arith.addi %max3A_26, %add3A_38 : vector<16xi32>
      %select_n3A_40 = arith.select %lt3A_36, %add3A_39, %max3A_26 : vector<16xi1>, vector<16xi32>
      %broadcast_in_dim3A_41 = vector.shape_cast %select_n3A_40 : vector<16xi32> to vector<16x1xi32>
      %gather3A_42 = vector.shape_cast %broadcast_in_dim3A_41 : vector<16x1xi32> to vector<16xi32>
      %gather3A_43 = tpu.dynamic_gather %gather3A[%gather3A_42] in [0] : vector<16xi32>, vector<16xi32> -> vector<16xi32>
      %ge3A = arith.constant 1 : i32
      %ge3A_44 = vector.broadcast %ge3A : i32 to vector<16xi32>
      %ge3A_45 = arith.cmpi sge, %iota3A_22, %ge3A_44 : vector<16xi32>
      %eq3A = arith.cmpi eq, %gather3A_43, %gather3A : vector<16xi32>
      %and3A = arith.andi %ge3A_45, %eq3A : vector<16xi1>
      %add3A_46 = arith.addf %exp3A, %gather3A_33 : vector<16xf32>
      %select_n3A_47 = arith.select %and3A, %add3A_46, %exp3A : vector<16xi1>, vector<16xf32>
      %sub3A_48 = arith.constant 2 : i32
      %sub3A_49 = vector.broadcast %sub3A_48 : i32 to vector<16xi32>
      %sub3A_50 = arith.subi %iota3A_22, %sub3A_49 : vector<16xi32>
      %max3A_51 = arith.constant 0 : i32
      %max3A_52 = vector.broadcast %max3A_51 : i32 to vector<16xi32>
      %max3A_53 = arith.maxsi %sub3A_50, %max3A_52 : vector<16xi32>
      %lt3A_54 = arith.constant 0 : i32
      %lt3A_55 = vector.broadcast %lt3A_54 : i32 to vector<16xi32>
      %lt3A_56 = arith.cmpi slt, %max3A_53, %lt3A_55 : vector<16xi32>
      %add3A_57 = arith.constant 16 : i32
      %add3A_58 = vector.broadcast %add3A_57 : i32 to vector<16xi32>
      %add3A_59 = arith.addi %max3A_53, %add3A_58 : vector<16xi32>
      %select_n3A_60 = arith.select %lt3A_56, %add3A_59, %max3A_53 : vector<16xi1>, vector<16xi32>
      %broadcast_in_dim3A_61 = vector.shape_cast %select_n3A_60 : vector<16xi32> to vector<16x1xi32>
      %gather3A_62 = vector.shape_cast %broadcast_in_dim3A_61 : vector<16x1xi32> to vector<16xi32>
      %gather3A_63 = tpu.dynamic_gather %select_n3A_47[%gather3A_62] in [0] : vector<16xf32>, vector<16xi32> -> vector<16xf32>
      %lt3A_64 = arith.constant 0 : i32
      %lt3A_65 = vector.broadcast %lt3A_64 : i32 to vector<16xi32>
      %lt3A_66 = arith.cmpi slt, %max3A_53, %lt3A_65 : vector<16xi32>
      %add3A_67 = arith.constant 16 : i32
      %add3A_68 = vector.broadcast %add3A_67 : i32 to vector<16xi32>
      %add3A_69 = arith.addi %max3A_53, %add3A_68 : vector<16xi32>
      %select_n3A_70 = arith.select %lt3A_66, %add3A_69, %max3A_53 : vector<16xi1>, vector<16xi32>
      %broadcast_in_dim3A_71 = vector.shape_cast %select_n3A_70 : vector<16xi32> to vector<16x1xi32>
      %gather3A_72 = vector.shape_cast %broadcast_in_dim3A_71 : vector<16x1xi32> to vector<16xi32>
      %gather3A_73 = tpu.dynamic_gather %gather3A[%gather3A_72] in [0] : vector<16xi32>, vector<16xi32> -> vector<16xi32>
      %ge3A_74 = arith.constant 2 : i32
      %ge3A_75 = vector.broadcast %ge3A_74 : i32 to vector<16xi32>
      %ge3A_76 = arith.cmpi sge, %iota3A_22, %ge3A_75 : vector<16xi32>
      %eq3A_77 = arith.cmpi eq, %gather3A_73, %gather3A : vector<16xi32>
      %and3A_78 = arith.andi %ge3A_76, %eq3A_77 : vector<16xi1>
      %add3A_79 = arith.addf %select_n3A_47, %gather3A_63 : vector<16xf32>
      %select_n3A_80 = arith.select %and3A_78, %add3A_79, %select_n3A_47 : vector<16xi1>, vector<16xf32>
      %sub3A_81 = arith.constant 4 : i32
      %sub3A_82 = vector.broadcast %sub3A_81 : i32 to vector<16xi32>
      %sub3A_83 = arith.subi %iota3A_22, %sub3A_82 : vector<16xi32>
      %max3A_84 = arith.constant 0 : i32
      %max3A_85 = vector.broadcast %max3A_84 : i32 to vector<16xi32>
      %max3A_86 = arith.maxsi %sub3A_83, %max3A_85 : vector<16xi32>
      %lt3A_87 = arith.constant 0 : i32
      %lt3A_88 = vector.broadcast %lt3A_87 : i32 to vector<16xi32>
      %lt3A_89 = arith.cmpi slt, %max3A_86, %lt3A_88 : vector<16xi32>
      %add3A_90 = arith.constant 16 : i32
      %add3A_91 = vector.broadcast %add3A_90 : i32 to vector<16xi32>
      %add3A_92 = arith.addi %max3A_86, %add3A_91 : vector<16xi32>
      %select_n3A_93 = arith.select %lt3A_89, %add3A_92, %max3A_86 : vector<16xi1>, vector<16xi32>
      %broadcast_in_dim3A_94 = vector.shape_cast %select_n3A_93 : vector<16xi32> to vector<16x1xi32>
      %gather3A_95 = vector.shape_cast %broadcast_in_dim3A_94 : vector<16x1xi32> to vector<16xi32>
      %gather3A_96 = tpu.dynamic_gather %select_n3A_80[%gather3A_95] in [0] : vector<16xf32>, vector<16xi32> -> vector<16xf32>
      %lt3A_97 = arith.constant 0 : i32
      %lt3A_98 = vector.broadcast %lt3A_97 : i32 to vector<16xi32>
      %lt3A_99 = arith.cmpi slt, %max3A_86, %lt3A_98 : vector<16xi32>
      %add3A_100 = arith.constant 16 : i32
      %add3A_101 = vector.broadcast %add3A_100 : i32 to vector<16xi32>
      %add3A_102 = arith.addi %max3A_86, %add3A_101 : vector<16xi32>
      %select_n3A_103 = arith.select %lt3A_99, %add3A_102, %max3A_86 : vector<16xi1>, vector<16xi32>
      %broadcast_in_dim3A_104 = vector.shape_cast %select_n3A_103 : vector<16xi32> to vector<16x1xi32>
      %gather3A_105 = vector.shape_cast %broadcast_in_dim3A_104 : vector<16x1xi32> to vector<16xi32>
      %gather3A_106 = tpu.dynamic_gather %gather3A[%gather3A_105] in [0] : vector<16xi32>, vector<16xi32> -> vector<16xi32>
      %ge3A_107 = arith.constant 4 : i32
      %ge3A_108 = vector.broadcast %ge3A_107 : i32 to vector<16xi32>
      %ge3A_109 = arith.cmpi sge, %iota3A_22, %ge3A_108 : vector<16xi32>
      %eq3A_110 = arith.cmpi eq, %gather3A_106, %gather3A : vector<16xi32>
      %and3A_111 = arith.andi %ge3A_109, %eq3A_110 : vector<16xi1>
      %add3A_112 = arith.addf %select_n3A_80, %gather3A_96 : vector<16xf32>
      %select_n3A_113 = arith.select %and3A_111, %add3A_112, %select_n3A_80 : vector<16xi1>, vector<16xf32>
      %sub3A_114 = arith.constant 8 : i32
      %sub3A_115 = vector.broadcast %sub3A_114 : i32 to vector<16xi32>
      %sub3A_116 = arith.subi %iota3A_22, %sub3A_115 : vector<16xi32>
      %max3A_117 = arith.constant 0 : i32
      %max3A_118 = vector.broadcast %max3A_117 : i32 to vector<16xi32>
      %max3A_119 = arith.maxsi %sub3A_116, %max3A_118 : vector<16xi32>
      %lt3A_120 = arith.constant 0 : i32
      %lt3A_121 = vector.broadcast %lt3A_120 : i32 to vector<16xi32>
      %lt3A_122 = arith.cmpi slt, %max3A_119, %lt3A_121 : vector<16xi32>
      %add3A_123 = arith.constant 16 : i32
      %add3A_124 = vector.broadcast %add3A_123 : i32 to vector<16xi32>
      %add3A_125 = arith.addi %max3A_119, %add3A_124 : vector<16xi32>
      %select_n3A_126 = arith.select %lt3A_122, %add3A_125, %max3A_119 : vector<16xi1>, vector<16xi32>
      %broadcast_in_dim3A_127 = vector.shape_cast %select_n3A_126 : vector<16xi32> to vector<16x1xi32>
      %gather3A_128 = vector.shape_cast %broadcast_in_dim3A_127 : vector<16x1xi32> to vector<16xi32>
      %gather3A_129 = tpu.dynamic_gather %select_n3A_113[%gather3A_128] in [0] : vector<16xf32>, vector<16xi32> -> vector<16xf32>
      %lt3A_130 = arith.constant 0 : i32
      %lt3A_131 = vector.broadcast %lt3A_130 : i32 to vector<16xi32>
      %lt3A_132 = arith.cmpi slt, %max3A_119, %lt3A_131 : vector<16xi32>
      %add3A_133 = arith.constant 16 : i32
      %add3A_134 = vector.broadcast %add3A_133 : i32 to vector<16xi32>
      %add3A_135 = arith.addi %max3A_119, %add3A_134 : vector<16xi32>
      %select_n3A_136 = arith.select %lt3A_132, %add3A_135, %max3A_119 : vector<16xi1>, vector<16xi32>
      %broadcast_in_dim3A_137 = vector.shape_cast %select_n3A_136 : vector<16xi32> to vector<16x1xi32>
      %gather3A_138 = vector.shape_cast %broadcast_in_dim3A_137 : vector<16x1xi32> to vector<16xi32>
      %gather3A_139 = tpu.dynamic_gather %gather3A[%gather3A_138] in [0] : vector<16xi32>, vector<16xi32> -> vector<16xi32>
      %ge3A_140 = arith.constant 8 : i32
      %ge3A_141 = vector.broadcast %ge3A_140 : i32 to vector<16xi32>
      %ge3A_142 = arith.cmpi sge, %iota3A_22, %ge3A_141 : vector<16xi32>
      %eq3A_143 = arith.cmpi eq, %gather3A_139, %gather3A : vector<16xi32>
      %and3A_144 = arith.andi %ge3A_142, %eq3A_143 : vector<16xi1>
      %add3A_145 = arith.addf %select_n3A_113, %gather3A_129 : vector<16xf32>
      %select_n3A_146 = arith.select %and3A_144, %add3A_145, %select_n3A_113 : vector<16xi1>, vector<16xf32>
      %broadcast_in_dim3A_147 = arith.constant 1.000000e+00 : f32
      %broadcast_in_dim3A_148 = vector.broadcast %broadcast_in_dim3A_147 : f32 to vector<16xf32>
      %iota3A_149 = tpu.iota {dimensions = array<i32: 0>} : vector<16xi32>
      %sub3A_150 = arith.constant 1 : i32
      %sub3A_151 = vector.broadcast %sub3A_150 : i32 to vector<16xi32>
      %sub3A_152 = arith.subi %iota3A_149, %sub3A_151 : vector<16xi32>
      %max3A_153 = arith.constant 0 : i32
      %max3A_154 = vector.broadcast %max3A_153 : i32 to vector<16xi32>
      %max3A_155 = arith.maxsi %sub3A_152, %max3A_154 : vector<16xi32>
      %lt3A_156 = arith.constant 0 : i32
      %lt3A_157 = vector.broadcast %lt3A_156 : i32 to vector<16xi32>
      %lt3A_158 = arith.cmpi slt, %max3A_155, %lt3A_157 : vector<16xi32>
      %add3A_159 = arith.constant 16 : i32
      %add3A_160 = vector.broadcast %add3A_159 : i32 to vector<16xi32>
      %add3A_161 = arith.addi %max3A_155, %add3A_160 : vector<16xi32>
      %select_n3A_162 = arith.select %lt3A_158, %add3A_161, %max3A_155 : vector<16xi1>, vector<16xi32>
      %broadcast_in_dim3A_163 = vector.shape_cast %select_n3A_162 : vector<16xi32> to vector<16x1xi32>
      %gather3A_164 = vector.shape_cast %broadcast_in_dim3A_163 : vector<16x1xi32> to vector<16xi32>
      %gather3A_165 = tpu.dynamic_gather %broadcast_in_dim3A_148[%gather3A_164] in [0] : vector<16xf32>, vector<16xi32> -> vector<16xf32>
      %lt3A_166 = arith.constant 0 : i32
      %lt3A_167 = vector.broadcast %lt3A_166 : i32 to vector<16xi32>
      %lt3A_168 = arith.cmpi slt, %max3A_155, %lt3A_167 : vector<16xi32>
      %add3A_169 = arith.constant 16 : i32
      %add3A_170 = vector.broadcast %add3A_169 : i32 to vector<16xi32>
      %add3A_171 = arith.addi %max3A_155, %add3A_170 : vector<16xi32>
      %select_n3A_172 = arith.select %lt3A_168, %add3A_171, %max3A_155 : vector<16xi1>, vector<16xi32>
      %broadcast_in_dim3A_173 = vector.shape_cast %select_n3A_172 : vector<16xi32> to vector<16x1xi32>
      %gather3A_174 = vector.shape_cast %broadcast_in_dim3A_173 : vector<16x1xi32> to vector<16xi32>
      %gather3A_175 = tpu.dynamic_gather %gather3A[%gather3A_174] in [0] : vector<16xi32>, vector<16xi32> -> vector<16xi32>
      %ge3A_176 = arith.constant 1 : i32
      %ge3A_177 = vector.broadcast %ge3A_176 : i32 to vector<16xi32>
      %ge3A_178 = arith.cmpi sge, %iota3A_149, %ge3A_177 : vector<16xi32>
      %eq3A_179 = arith.cmpi eq, %gather3A_175, %gather3A : vector<16xi32>
      %and3A_180 = arith.andi %ge3A_178, %eq3A_179 : vector<16xi1>
      %add3A_181 = arith.addf %broadcast_in_dim3A_148, %gather3A_165 : vector<16xf32>
      %select_n3A_182 = arith.select %and3A_180, %add3A_181, %broadcast_in_dim3A_148 : vector<16xi1>, vector<16xf32>
      %sub3A_183 = arith.constant 2 : i32
      %sub3A_184 = vector.broadcast %sub3A_183 : i32 to vector<16xi32>
      %sub3A_185 = arith.subi %iota3A_149, %sub3A_184 : vector<16xi32>
      %max3A_186 = arith.constant 0 : i32
      %max3A_187 = vector.broadcast %max3A_186 : i32 to vector<16xi32>
      %max3A_188 = arith.maxsi %sub3A_185, %max3A_187 : vector<16xi32>
      %lt3A_189 = arith.constant 0 : i32
      %lt3A_190 = vector.broadcast %lt3A_189 : i32 to vector<16xi32>
      %lt3A_191 = arith.cmpi slt, %max3A_188, %lt3A_190 : vector<16xi32>
      %add3A_192 = arith.constant 16 : i32
      %add3A_193 = vector.broadcast %add3A_192 : i32 to vector<16xi32>
      %add3A_194 = arith.addi %max3A_188, %add3A_193 : vector<16xi32>
      %select_n3A_195 = arith.select %lt3A_191, %add3A_194, %max3A_188 : vector<16xi1>, vector<16xi32>
      %broadcast_in_dim3A_196 = vector.shape_cast %select_n3A_195 : vector<16xi32> to vector<16x1xi32>
      %gather3A_197 = vector.shape_cast %broadcast_in_dim3A_196 : vector<16x1xi32> to vector<16xi32>
      %gather3A_198 = tpu.dynamic_gather %select_n3A_182[%gather3A_197] in [0] : vector<16xf32>, vector<16xi32> -> vector<16xf32>
      %lt3A_199 = arith.constant 0 : i32
      %lt3A_200 = vector.broadcast %lt3A_199 : i32 to vector<16xi32>
      %lt3A_201 = arith.cmpi slt, %max3A_188, %lt3A_200 : vector<16xi32>
      %add3A_202 = arith.constant 16 : i32
      %add3A_203 = vector.broadcast %add3A_202 : i32 to vector<16xi32>
      %add3A_204 = arith.addi %max3A_188, %add3A_203 : vector<16xi32>
      %select_n3A_205 = arith.select %lt3A_201, %add3A_204, %max3A_188 : vector<16xi1>, vector<16xi32>
      %broadcast_in_dim3A_206 = vector.shape_cast %select_n3A_205 : vector<16xi32> to vector<16x1xi32>
      %gather3A_207 = vector.shape_cast %broadcast_in_dim3A_206 : vector<16x1xi32> to vector<16xi32>
      %gather3A_208 = tpu.dynamic_gather %gather3A[%gather3A_207] in [0] : vector<16xi32>, vector<16xi32> -> vector<16xi32>
      %ge3A_209 = arith.constant 2 : i32
      %ge3A_210 = vector.broadcast %ge3A_209 : i32 to vector<16xi32>
      %ge3A_211 = arith.cmpi sge, %iota3A_149, %ge3A_210 : vector<16xi32>
      %eq3A_212 = arith.cmpi eq, %gather3A_208, %gather3A : vector<16xi32>
      %and3A_213 = arith.andi %ge3A_211, %eq3A_212 : vector<16xi1>
      %add3A_214 = arith.addf %select_n3A_182, %gather3A_198 : vector<16xf32>
      %select_n3A_215 = arith.select %and3A_213, %add3A_214, %select_n3A_182 : vector<16xi1>, vector<16xf32>
      %sub3A_216 = arith.constant 4 : i32
      %sub3A_217 = vector.broadcast %sub3A_216 : i32 to vector<16xi32>
      %sub3A_218 = arith.subi %iota3A_149, %sub3A_217 : vector<16xi32>
      %max3A_219 = arith.constant 0 : i32
      %max3A_220 = vector.broadcast %max3A_219 : i32 to vector<16xi32>
      %max3A_221 = arith.maxsi %sub3A_218, %max3A_220 : vector<16xi32>
      %lt3A_222 = arith.constant 0 : i32
      %lt3A_223 = vector.broadcast %lt3A_222 : i32 to vector<16xi32>
      %lt3A_224 = arith.cmpi slt, %max3A_221, %lt3A_223 : vector<16xi32>
      %add3A_225 = arith.constant 16 : i32
      %add3A_226 = vector.broadcast %add3A_225 : i32 to vector<16xi32>
      %add3A_227 = arith.addi %max3A_221, %add3A_226 : vector<16xi32>
      %select_n3A_228 = arith.select %lt3A_224, %add3A_227, %max3A_221 : vector<16xi1>, vector<16xi32>
      %broadcast_in_dim3A_229 = vector.shape_cast %select_n3A_228 : vector<16xi32> to vector<16x1xi32>
      %gather3A_230 = vector.shape_cast %broadcast_in_dim3A_229 : vector<16x1xi32> to vector<16xi32>
      %gather3A_231 = tpu.dynamic_gather %select_n3A_215[%gather3A_230] in [0] : vector<16xf32>, vector<16xi32> -> vector<16xf32>
      %lt3A_232 = arith.constant 0 : i32
      %lt3A_233 = vector.broadcast %lt3A_232 : i32 to vector<16xi32>
      %lt3A_234 = arith.cmpi slt, %max3A_221, %lt3A_233 : vector<16xi32>
      %add3A_235 = arith.constant 16 : i32
      %add3A_236 = vector.broadcast %add3A_235 : i32 to vector<16xi32>
      %add3A_237 = arith.addi %max3A_221, %add3A_236 : vector<16xi32>
      %select_n3A_238 = arith.select %lt3A_234, %add3A_237, %max3A_221 : vector<16xi1>, vector<16xi32>
      %broadcast_in_dim3A_239 = vector.shape_cast %select_n3A_238 : vector<16xi32> to vector<16x1xi32>
      %gather3A_240 = vector.shape_cast %broadcast_in_dim3A_239 : vector<16x1xi32> to vector<16xi32>
      %gather3A_241 = tpu.dynamic_gather %gather3A[%gather3A_240] in [0] : vector<16xi32>, vector<16xi32> -> vector<16xi32>
      %ge3A_242 = arith.constant 4 : i32
      %ge3A_243 = vector.broadcast %ge3A_242 : i32 to vector<16xi32>
      %ge3A_244 = arith.cmpi sge, %iota3A_149, %ge3A_243 : vector<16xi32>
      %eq3A_245 = arith.cmpi eq, %gather3A_241, %gather3A : vector<16xi32>
      %and3A_246 = arith.andi %ge3A_244, %eq3A_245 : vector<16xi1>
      %add3A_247 = arith.addf %select_n3A_215, %gather3A_231 : vector<16xf32>
      %select_n3A_248 = arith.select %and3A_246, %add3A_247, %select_n3A_215 : vector<16xi1>, vector<16xf32>
      %sub3A_249 = arith.constant 8 : i32
      %sub3A_250 = vector.broadcast %sub3A_249 : i32 to vector<16xi32>
      %sub3A_251 = arith.subi %iota3A_149, %sub3A_250 : vector<16xi32>
      %max3A_252 = arith.constant 0 : i32
      %max3A_253 = vector.broadcast %max3A_252 : i32 to vector<16xi32>
      %max3A_254 = arith.maxsi %sub3A_251, %max3A_253 : vector<16xi32>
      %lt3A_255 = arith.constant 0 : i32
      %lt3A_256 = vector.broadcast %lt3A_255 : i32 to vector<16xi32>
      %lt3A_257 = arith.cmpi slt, %max3A_254, %lt3A_256 : vector<16xi32>
      %add3A_258 = arith.constant 16 : i32
      %add3A_259 = vector.broadcast %add3A_258 : i32 to vector<16xi32>
      %add3A_260 = arith.addi %max3A_254, %add3A_259 : vector<16xi32>
      %select_n3A_261 = arith.select %lt3A_257, %add3A_260, %max3A_254 : vector<16xi1>, vector<16xi32>
      %broadcast_in_dim3A_262 = vector.shape_cast %select_n3A_261 : vector<16xi32> to vector<16x1xi32>
      %gather3A_263 = vector.shape_cast %broadcast_in_dim3A_262 : vector<16x1xi32> to vector<16xi32>
      %gather3A_264 = tpu.dynamic_gather %select_n3A_248[%gather3A_263] in [0] : vector<16xf32>, vector<16xi32> -> vector<16xf32>
      %lt3A_265 = arith.constant 0 : i32
      %lt3A_266 = vector.broadcast %lt3A_265 : i32 to vector<16xi32>
      %lt3A_267 = arith.cmpi slt, %max3A_254, %lt3A_266 : vector<16xi32>
      %add3A_268 = arith.constant 16 : i32
      %add3A_269 = vector.broadcast %add3A_268 : i32 to vector<16xi32>
      %add3A_270 = arith.addi %max3A_254, %add3A_269 : vector<16xi32>
      %select_n3A_271 = arith.select %lt3A_267, %add3A_270, %max3A_254 : vector<16xi1>, vector<16xi32>
      %broadcast_in_dim3A_272 = vector.shape_cast %select_n3A_271 : vector<16xi32> to vector<16x1xi32>
      %gather3A_273 = vector.shape_cast %broadcast_in_dim3A_272 : vector<16x1xi32> to vector<16xi32>
      %gather3A_274 = tpu.dynamic_gather %gather3A[%gather3A_273] in [0] : vector<16xi32>, vector<16xi32> -> vector<16xi32>
      %ge3A_275 = arith.constant 8 : i32
      %ge3A_276 = vector.broadcast %ge3A_275 : i32 to vector<16xi32>
      %ge3A_277 = arith.cmpi sge, %iota3A_149, %ge3A_276 : vector<16xi32>
      %eq3A_278 = arith.cmpi eq, %gather3A_274, %gather3A : vector<16xi32>
      %and3A_279 = arith.andi %ge3A_277, %eq3A_278 : vector<16xi1>
      %add3A_280 = arith.addf %select_n3A_248, %gather3A_264 : vector<16xf32>
      %select_n3A_281 = arith.select %and3A_279, %add3A_280, %select_n3A_248 : vector<16xi1>, vector<16xf32>
      %eq3A_282 = vector.broadcast %scan3A_14 : i32 to vector<16xi32>
      %eq3A_283 = arith.cmpi eq, %gather3A, %eq3A_282 : vector<16xi32>
      %add3A_284 = vector.broadcast %scan3A_15 : f32 to vector<16xf32>
      %add3A_285 = arith.addf %select_n3A_146, %add3A_284 : vector<16xf32>
      %select_n3A_286 = arith.select %eq3A_283, %add3A_285, %select_n3A_146 : vector<16xi1>, vector<16xf32>
      %add3A_287 = vector.broadcast %scan3A_16 : f32 to vector<16xf32>
      %add3A_288 = arith.addf %select_n3A_281, %add3A_287 : vector<16xf32>
      %select_n3A_289 = arith.select %eq3A_283, %add3A_288, %select_n3A_281 : vector<16xi1>, vector<16xf32>
      %iota3A_290 = tpu.iota {dimensions = array<i32: 0>} : vector<16xi32>
      %add3A_291 = arith.constant 1 : i32
      %add3A_292 = vector.broadcast %add3A_291 : i32 to vector<16xi32>
      %add3A_293 = arith.addi %iota3A_290, %add3A_292 : vector<16xi32>
      %min3A = arith.constant 15 : i32
      %min3A_294 = vector.broadcast %min3A : i32 to vector<16xi32>
      %min3A_295 = arith.minsi %add3A_293, %min3A_294 : vector<16xi32>
      %lt3A_296 = arith.constant 0 : i32
      %lt3A_297 = vector.broadcast %lt3A_296 : i32 to vector<16xi32>
      %lt3A_298 = arith.cmpi slt, %min3A_295, %lt3A_297 : vector<16xi32>
      %add3A_299 = arith.constant 16 : i32
      %add3A_300 = vector.broadcast %add3A_299 : i32 to vector<16xi32>
      %add3A_301 = arith.addi %min3A_295, %add3A_300 : vector<16xi32>
      %select_n3A_302 = arith.select %lt3A_298, %add3A_301, %min3A_295 : vector<16xi1>, vector<16xi32>
      %broadcast_in_dim3A_303 = vector.shape_cast %select_n3A_302 : vector<16xi32> to vector<16x1xi32>
      %gather3A_304 = vector.shape_cast %broadcast_in_dim3A_303 : vector<16x1xi32> to vector<16xi32>
      %gather3A_305 = tpu.dynamic_gather %gather3A[%gather3A_304] in [0] : vector<16xi32>, vector<16xi32> -> vector<16xi32>
      %ne3A = arith.cmpi ne, %gather3A, %gather3A_305 : vector<16xi32>
      %lt3A_306 = arith.constant 15 : i32
      %lt3A_307 = vector.broadcast %lt3A_306 : i32 to vector<16xi32>
      %lt3A_308 = arith.cmpi slt, %iota3A_290, %lt3A_307 : vector<16xi32>
      %and3A_309 = arith.andi %ne3A, %lt3A_308 : vector<16xi1>
      %eq3A_310 = arith.constant 15 : i32
      %eq3A_311 = vector.broadcast %eq3A_310 : i32 to vector<16xi32>
      %eq3A_312 = arith.cmpi eq, %iota3A_290, %eq3A_311 : vector<16xi32>
      %or3A = arith.ori %and3A_309, %eq3A_312 : vector<16xi1>
      tpu.vector_store_idx %arg9[%gather3A], %select_n3A_286 masked %or3A : memref<4096xf32, #tpu.memory_space<vmem>>[vector<16xi32>], vector<16xf32>, vector<16xi1>
      tpu.vector_store_idx %arg10[%gather3A], %select_n3A_289 masked %or3A : memref<4096xf32, #tpu.memory_space<vmem>>[vector<16xi32>], vector<16xf32>, vector<16xi1>
      %iota3A_313 = tpu.iota {dimensions = array<i32: 0>} : vector<16xi32>
      %eq3A_314 = arith.constant 15 : i32
      %eq3A_315 = vector.broadcast %eq3A_314 : i32 to vector<16xi32>
      %eq3A_316 = arith.cmpi eq, %iota3A_313, %eq3A_315 : vector<16xi32>
      %jit3A = arith.constant -1 : i32
      %broadcast_in_dim3A_317 = vector.broadcast %jit3A : i32 to vector<16xi32>
      %select_n3A_318 = arith.select %eq3A_316, %gather3A, %broadcast_in_dim3A_317 : vector<16xi1>, vector<16xi32>
      %reduce_max3A = arith.constant true
      %reduce_max3A_319 = vector.broadcast %reduce_max3A : i1 to vector<16xi1>
      %reduce_max3A_320 = arith.constant -2147483648 : i32
      %reduce_max3A_321 = vector.broadcast %reduce_max3A_320 : i32 to vector<16xi32>
      %reduce_max3A_322 = arith.xori %select_n3A_318, %reduce_max3A_321 : vector<16xi32>
      %reduce_max3A_323 = tpu.scan <max>, %reduce_max3A_322 masked %reduce_max3A_319 : vector<16xi32>, vector<16xi1> -> vector<16xi32>
      %reduce_max3A_324 = arith.xori %reduce_max3A_323, %reduce_max3A_321 : vector<16xi32>
      %reduce_max3A_325 = vector.extract %reduce_max3A_324[15] : i32 from vector<16xi32>
      %iota3A_326 = tpu.iota {dimensions = array<i32: 0>} : vector<16xi32>
      %eq3A_327 = arith.constant 15 : i32
      %eq3A_328 = vector.broadcast %eq3A_327 : i32 to vector<16xi32>
      %eq3A_329 = arith.cmpi eq, %iota3A_326, %eq3A_328 : vector<16xi32>
      %jit3A_330 = arith.constant 0.000000e+00 : f32
      %broadcast_in_dim3A_331 = vector.broadcast %jit3A_330 : f32 to vector<16xf32>
      %select_n3A_332 = arith.select %eq3A_329, %select_n3A_286, %broadcast_in_dim3A_331 : vector<16xi1>, vector<16xf32>
      %reduce_max3A_333 = arith.constant true
      %reduce_max3A_334 = vector.broadcast %reduce_max3A_333 : i1 to vector<16xi1>
      %reduce_max3A_335 = tpu.scan <max>, %select_n3A_332 masked %reduce_max3A_334 : vector<16xf32>, vector<16xi1> -> vector<16xf32>
      %reduce_max3A_336 = vector.extract %reduce_max3A_335[15] : f32 from vector<16xf32>
      %iota3A_337 = tpu.iota {dimensions = array<i32: 0>} : vector<16xi32>
      %eq3A_338 = arith.constant 15 : i32
      %eq3A_339 = vector.broadcast %eq3A_338 : i32 to vector<16xi32>
      %eq3A_340 = arith.cmpi eq, %iota3A_337, %eq3A_339 : vector<16xi32>
      %jit3A_341 = arith.constant 0.000000e+00 : f32
      %broadcast_in_dim3A_342 = vector.broadcast %jit3A_341 : f32 to vector<16xf32>
      %select_n3A_343 = arith.select %eq3A_340, %select_n3A_289, %broadcast_in_dim3A_342 : vector<16xi1>, vector<16xf32>
      %reduce_max3A_344 = arith.constant true
      %reduce_max3A_345 = vector.broadcast %reduce_max3A_344 : i1 to vector<16xi1>
      %reduce_max3A_346 = tpu.scan <max>, %select_n3A_343 masked %reduce_max3A_345 : vector<16xf32>, vector<16xi1> -> vector<16xf32>
      %reduce_max3A_347 = vector.extract %reduce_max3A_346[15] : f32 from vector<16xf32>
      scf.yield %reduce_max3A_325, %reduce_max3A_336, %reduce_max3A_347 : i32, f32, f32
    }
    %scan3A_12 = arith.constant 512 : i32
    "tpu.region"() ({
      %run_scoped3A = tpu.sem_alloc : memref<!tpu.dma_semaphore, #tpu.memory_space<semaphore_mem>>
      %dma_start3A = arith.constant 0 : i32
      %dma_start3A_13 = tpu.memref_slice %arg5[%add3A, %dma_start3A] : memref<32x4096xf32, #tpu.memory_space<hbm>> -> memref<1x4096xf32, #tpu.memory_space<hbm>>
      %dma_start3A_14 = tpu.memref_squeeze %dma_start3A_13 : memref<1x4096xf32, #tpu.memory_space<hbm>> -> memref<4096xf32, #tpu.memory_space<hbm>>
      %dma_start3A_15 = arith.constant 0 : i32
      %dma_start3A_16 = tpu.memref_slice %arg5[%add3A, %dma_start3A_15] : memref<32x4096xf32, #tpu.memory_space<hbm>> -> memref<1x4096xf32, #tpu.memory_space<hbm>>
      %dma_start3A_17 = tpu.memref_squeeze %dma_start3A_16 : memref<1x4096xf32, #tpu.memory_space<hbm>> -> memref<4096xf32, #tpu.memory_space<hbm>>
      tpu.enqueue_dma source(%arg9 : memref<4096xf32, #tpu.memory_space<vmem>>) target(%dma_start3A_17 : memref<4096xf32, #tpu.memory_space<hbm>>) target_semaphore(%run_scoped3A : memref<!tpu.dma_semaphore, #tpu.memory_space<semaphore_mem>>)
      %dma_wait3A = arith.constant 0 : i32
      %dma_wait3A_18 = tpu.memref_slice %arg5[%add3A, %dma_wait3A] : memref<32x4096xf32, #tpu.memory_space<hbm>> -> memref<1x4096xf32, #tpu.memory_space<hbm>>
      %dma_wait3A_19 = tpu.memref_squeeze %dma_wait3A_18 : memref<1x4096xf32, #tpu.memory_space<hbm>> -> memref<4096xf32, #tpu.memory_space<hbm>>
      %dma_wait3A_20 = arith.constant 0 : i32
      %dma_wait3A_21 = tpu.memref_slice %arg5[%add3A, %dma_wait3A_20] : memref<32x4096xf32, #tpu.memory_space<hbm>> -> memref<1x4096xf32, #tpu.memory_space<hbm>>
      %dma_wait3A_22 = tpu.memref_squeeze %dma_wait3A_21 : memref<1x4096xf32, #tpu.memory_space<hbm>> -> memref<4096xf32, #tpu.memory_space<hbm>>
      tpu.wait_dma2 semaphore(%run_scoped3A : memref<!tpu.dma_semaphore, #tpu.memory_space<semaphore_mem>>) src(%arg9 : memref<4096xf32, #tpu.memory_space<vmem>>) dst(%dma_wait3A_22 : memref<4096xf32, #tpu.memory_space<hbm>>)
      tpu.yield
    }) : () -> ()
    "tpu.region"() ({
      %run_scoped3A = tpu.sem_alloc : memref<!tpu.dma_semaphore, #tpu.memory_space<semaphore_mem>>
      %dma_start3A = arith.constant 0 : i32
      %dma_start3A_13 = tpu.memref_slice %arg6[%add3A, %dma_start3A] : memref<32x4096xf32, #tpu.memory_space<hbm>> -> memref<1x4096xf32, #tpu.memory_space<hbm>>
      %dma_start3A_14 = tpu.memref_squeeze %dma_start3A_13 : memref<1x4096xf32, #tpu.memory_space<hbm>> -> memref<4096xf32, #tpu.memory_space<hbm>>
      %dma_start3A_15 = arith.constant 0 : i32
      %dma_start3A_16 = tpu.memref_slice %arg6[%add3A, %dma_start3A_15] : memref<32x4096xf32, #tpu.memory_space<hbm>> -> memref<1x4096xf32, #tpu.memory_space<hbm>>
      %dma_start3A_17 = tpu.memref_squeeze %dma_start3A_16 : memref<1x4096xf32, #tpu.memory_space<hbm>> -> memref<4096xf32, #tpu.memory_space<hbm>>
      tpu.enqueue_dma source(%arg10 : memref<4096xf32, #tpu.memory_space<vmem>>) target(%dma_start3A_17 : memref<4096xf32, #tpu.memory_space<hbm>>) target_semaphore(%run_scoped3A : memref<!tpu.dma_semaphore, #tpu.memory_space<semaphore_mem>>)
      %dma_wait3A = arith.constant 0 : i32
      %dma_wait3A_18 = tpu.memref_slice %arg6[%add3A, %dma_wait3A] : memref<32x4096xf32, #tpu.memory_space<hbm>> -> memref<1x4096xf32, #tpu.memory_space<hbm>>
      %dma_wait3A_19 = tpu.memref_squeeze %dma_wait3A_18 : memref<1x4096xf32, #tpu.memory_space<hbm>> -> memref<4096xf32, #tpu.memory_space<hbm>>
      %dma_wait3A_20 = arith.constant 0 : i32
      %dma_wait3A_21 = tpu.memref_slice %arg6[%add3A, %dma_wait3A_20] : memref<32x4096xf32, #tpu.memory_space<hbm>> -> memref<1x4096xf32, #tpu.memory_space<hbm>>
      %dma_wait3A_22 = tpu.memref_squeeze %dma_wait3A_21 : memref<1x4096xf32, #tpu.memory_space<hbm>> -> memref<4096xf32, #tpu.memory_space<hbm>>
      tpu.wait_dma2 semaphore(%run_scoped3A : memref<!tpu.dma_semaphore, #tpu.memory_space<semaphore_mem>>) src(%arg10 : memref<4096xf32, #tpu.memory_space<vmem>>) dst(%dma_wait3A_22 : memref<4096xf32, #tpu.memory_space<hbm>>)
      tpu.yield
    }) : () -> ()
    return
  }
}

#map = affine_map<(d0, d1) -> (0)>
#map1 = affine_map<(d0, d1) -> (0, 0)>
module attributes {stable_mosaic.version = 14 : i64} {
  func.func @_pass2_body(%arg0: i32, %arg1: i32, %arg2: memref<262144xf32, #tpu.memory_space<hbm>>, %arg3: memref<262144xi32, #tpu.memory_space<hbm>>, %arg4: memref<262144xf32, #tpu.memory_space<hbm>>, %arg5: memref<4096xf32, #tpu.memory_space<hbm>>, %arg6: memref<4096xf32, #tpu.memory_space<hbm>>, %arg7: memref<4096xf32, #tpu.memory_space<hbm>>, %arg8: memref<4096xf32, #tpu.memory_space<hbm>>, %arg9: memref<4096xi32, #tpu.memory_space<hbm>>, %arg10: memref<262144xf32, #tpu.memory_space<hbm>>, %arg11: memref<32x4096xf32, #tpu.memory_space<hbm>>, %arg12: memref<32x4096xi32, #tpu.memory_space<hbm>>, %arg13: memref<32x4096xf32, #tpu.memory_space<hbm>>, %arg14: memref<8192xf32, #tpu.memory_space<vmem>>, %arg15: memref<8192xi32, #tpu.memory_space<vmem>>, %arg16: memref<8192xf32, #tpu.memory_space<vmem>>, %arg17: memref<8192xf32, #tpu.memory_space<vmem>>, %arg18: memref<4096xf32, #tpu.memory_space<vmem>>, %arg19: memref<4096xf32, #tpu.memory_space<vmem>>, %arg20: memref<4096xf32, #tpu.memory_space<vmem>>, %arg21: memref<4096xi32, #tpu.memory_space<vmem>>, %arg22: memref<4096xf32, #tpu.memory_space<vmem>>) attributes {dimension_semantics = [#tpu.dimension_semantics<core_parallel>, #tpu.dimension_semantics<subcore_parallel>], iteration_bounds = array<i64: 2, 16>, scalar_prefetch = 0 : i64, scratch_operands = 9 : i64, tpu.core_type = #tpu.core_type<sc_vector_subcore>, window_params = [{transform_indices = #map}, {transform_indices = #map}, {transform_indices = #map}, {transform_indices = #map}, {transform_indices = #map}, {transform_indices = #map}, {transform_indices = #map}, {transform_indices = #map}, {transform_indices = #map}, {transform_indices = #map1}, {transform_indices = #map1}, {transform_indices = #map1}]} {
    %mul3A = arith.constant 2 : i32
    %mul3A_0 = arith.muli %arg1, %mul3A : i32
    %add3A = arith.addi %mul3A_0, %arg0 : i32
    %mul3A_1 = arith.constant 8192 : i32
    %mul3A_2 = arith.muli %add3A, %mul3A_1 : i32
    "tpu.region"() ({
      %run_scoped3A = tpu.sem_alloc : memref<!tpu.dma_semaphore, #tpu.memory_space<semaphore_mem>>
      %dma_start3A = tpu.memref_slice %arg2[%mul3A_2] : memref<262144xf32, #tpu.memory_space<hbm>> -> memref<8192xf32, #tpu.memory_space<hbm>>
      %dma_start3A_19 = tpu.memref_slice %arg2[%mul3A_2] : memref<262144xf32, #tpu.memory_space<hbm>> -> memref<8192xf32, #tpu.memory_space<hbm>>
      tpu.enqueue_dma source(%dma_start3A_19 : memref<8192xf32, #tpu.memory_space<hbm>>) target(%arg14 : memref<8192xf32, #tpu.memory_space<vmem>>) target_semaphore(%run_scoped3A : memref<!tpu.dma_semaphore, #tpu.memory_space<semaphore_mem>>)
      %dma_wait3A = tpu.memref_slice %arg2[%mul3A_2] : memref<262144xf32, #tpu.memory_space<hbm>> -> memref<8192xf32, #tpu.memory_space<hbm>>
      %dma_wait3A_20 = tpu.memref_slice %arg2[%mul3A_2] : memref<262144xf32, #tpu.memory_space<hbm>> -> memref<8192xf32, #tpu.memory_space<hbm>>
      tpu.wait_dma2 semaphore(%run_scoped3A : memref<!tpu.dma_semaphore, #tpu.memory_space<semaphore_mem>>) src(%dma_wait3A_20 : memref<8192xf32, #tpu.memory_space<hbm>>) dst(%arg14 : memref<8192xf32, #tpu.memory_space<vmem>>)
      tpu.yield
    }) : () -> ()
    %mul3A_3 = arith.constant 8192 : i32
    %mul3A_4 = arith.muli %add3A, %mul3A_3 : i32
    "tpu.region"() ({
      %run_scoped3A = tpu.sem_alloc : memref<!tpu.dma_semaphore, #tpu.memory_space<semaphore_mem>>
      %dma_start3A = tpu.memref_slice %arg3[%mul3A_4] : memref<262144xi32, #tpu.memory_space<hbm>> -> memref<8192xi32, #tpu.memory_space<hbm>>
      %dma_start3A_19 = tpu.memref_slice %arg3[%mul3A_4] : memref<262144xi32, #tpu.memory_space<hbm>> -> memref<8192xi32, #tpu.memory_space<hbm>>
      tpu.enqueue_dma source(%dma_start3A_19 : memref<8192xi32, #tpu.memory_space<hbm>>) target(%arg15 : memref<8192xi32, #tpu.memory_space<vmem>>) target_semaphore(%run_scoped3A : memref<!tpu.dma_semaphore, #tpu.memory_space<semaphore_mem>>)
      %dma_wait3A = tpu.memref_slice %arg3[%mul3A_4] : memref<262144xi32, #tpu.memory_space<hbm>> -> memref<8192xi32, #tpu.memory_space<hbm>>
      %dma_wait3A_20 = tpu.memref_slice %arg3[%mul3A_4] : memref<262144xi32, #tpu.memory_space<hbm>> -> memref<8192xi32, #tpu.memory_space<hbm>>
      tpu.wait_dma2 semaphore(%run_scoped3A : memref<!tpu.dma_semaphore, #tpu.memory_space<semaphore_mem>>) src(%dma_wait3A_20 : memref<8192xi32, #tpu.memory_space<hbm>>) dst(%arg15 : memref<8192xi32, #tpu.memory_space<vmem>>)
      tpu.yield
    }) : () -> ()
    %mul3A_5 = arith.constant 8192 : i32
    %mul3A_6 = arith.muli %add3A, %mul3A_5 : i32
    "tpu.region"() ({
      %run_scoped3A = tpu.sem_alloc : memref<!tpu.dma_semaphore, #tpu.memory_space<semaphore_mem>>
      %dma_start3A = tpu.memref_slice %arg4[%mul3A_6] : memref<262144xf32, #tpu.memory_space<hbm>> -> memref<8192xf32, #tpu.memory_space<hbm>>
      %dma_start3A_19 = tpu.memref_slice %arg4[%mul3A_6] : memref<262144xf32, #tpu.memory_space<hbm>> -> memref<8192xf32, #tpu.memory_space<hbm>>
      tpu.enqueue_dma source(%dma_start3A_19 : memref<8192xf32, #tpu.memory_space<hbm>>) target(%arg16 : memref<8192xf32, #tpu.memory_space<vmem>>) target_semaphore(%run_scoped3A : memref<!tpu.dma_semaphore, #tpu.memory_space<semaphore_mem>>)
      %dma_wait3A = tpu.memref_slice %arg4[%mul3A_6] : memref<262144xf32, #tpu.memory_space<hbm>> -> memref<8192xf32, #tpu.memory_space<hbm>>
      %dma_wait3A_20 = tpu.memref_slice %arg4[%mul3A_6] : memref<262144xf32, #tpu.memory_space<hbm>> -> memref<8192xf32, #tpu.memory_space<hbm>>
      tpu.wait_dma2 semaphore(%run_scoped3A : memref<!tpu.dma_semaphore, #tpu.memory_space<semaphore_mem>>) src(%dma_wait3A_20 : memref<8192xf32, #tpu.memory_space<hbm>>) dst(%arg16 : memref<8192xf32, #tpu.memory_space<vmem>>)
      tpu.yield
    }) : () -> ()
    "tpu.region"() ({
      %run_scoped3A = tpu.sem_alloc : memref<!tpu.dma_semaphore, #tpu.memory_space<semaphore_mem>>
      tpu.enqueue_dma source(%arg5 : memref<4096xf32, #tpu.memory_space<hbm>>) target(%arg18 : memref<4096xf32, #tpu.memory_space<vmem>>) target_semaphore(%run_scoped3A : memref<!tpu.dma_semaphore, #tpu.memory_space<semaphore_mem>>)
      tpu.wait_dma2 semaphore(%run_scoped3A : memref<!tpu.dma_semaphore, #tpu.memory_space<semaphore_mem>>) src(%arg5 : memref<4096xf32, #tpu.memory_space<hbm>>) dst(%arg18 : memref<4096xf32, #tpu.memory_space<vmem>>)
      tpu.yield
    }) : () -> ()
    "tpu.region"() ({
      %run_scoped3A = tpu.sem_alloc : memref<!tpu.dma_semaphore, #tpu.memory_space<semaphore_mem>>
      tpu.enqueue_dma source(%arg6 : memref<4096xf32, #tpu.memory_space<hbm>>) target(%arg19 : memref<4096xf32, #tpu.memory_space<vmem>>) target_semaphore(%run_scoped3A : memref<!tpu.dma_semaphore, #tpu.memory_space<semaphore_mem>>)
      tpu.wait_dma2 semaphore(%run_scoped3A : memref<!tpu.dma_semaphore, #tpu.memory_space<semaphore_mem>>) src(%arg6 : memref<4096xf32, #tpu.memory_space<hbm>>) dst(%arg19 : memref<4096xf32, #tpu.memory_space<vmem>>)
      tpu.yield
    }) : () -> ()
    "tpu.region"() ({
      %run_scoped3A = tpu.sem_alloc : memref<!tpu.dma_semaphore, #tpu.memory_space<semaphore_mem>>
      tpu.enqueue_dma source(%arg8 : memref<4096xf32, #tpu.memory_space<hbm>>) target(%arg20 : memref<4096xf32, #tpu.memory_space<vmem>>) target_semaphore(%run_scoped3A : memref<!tpu.dma_semaphore, #tpu.memory_space<semaphore_mem>>)
      tpu.wait_dma2 semaphore(%run_scoped3A : memref<!tpu.dma_semaphore, #tpu.memory_space<semaphore_mem>>) src(%arg8 : memref<4096xf32, #tpu.memory_space<hbm>>) dst(%arg20 : memref<4096xf32, #tpu.memory_space<vmem>>)
      tpu.yield
    }) : () -> ()
    "tpu.region"() ({
      %run_scoped3A = tpu.sem_alloc : memref<!tpu.dma_semaphore, #tpu.memory_space<semaphore_mem>>
      tpu.enqueue_dma source(%arg9 : memref<4096xi32, #tpu.memory_space<hbm>>) target(%arg21 : memref<4096xi32, #tpu.memory_space<vmem>>) target_semaphore(%run_scoped3A : memref<!tpu.dma_semaphore, #tpu.memory_space<semaphore_mem>>)
      tpu.wait_dma2 semaphore(%run_scoped3A : memref<!tpu.dma_semaphore, #tpu.memory_space<semaphore_mem>>) src(%arg9 : memref<4096xi32, #tpu.memory_space<hbm>>) dst(%arg21 : memref<4096xi32, #tpu.memory_space<vmem>>)
      tpu.yield
    }) : () -> ()
    "tpu.region"() ({
      %run_scoped3A = tpu.sem_alloc : memref<!tpu.dma_semaphore, #tpu.memory_space<semaphore_mem>>
      tpu.enqueue_dma source(%arg7 : memref<4096xf32, #tpu.memory_space<hbm>>) target(%arg22 : memref<4096xf32, #tpu.memory_space<vmem>>) target_semaphore(%run_scoped3A : memref<!tpu.dma_semaphore, #tpu.memory_space<semaphore_mem>>)
      tpu.wait_dma2 semaphore(%run_scoped3A : memref<!tpu.dma_semaphore, #tpu.memory_space<semaphore_mem>>) src(%arg7 : memref<4096xf32, #tpu.memory_space<hbm>>) dst(%arg22 : memref<4096xf32, #tpu.memory_space<vmem>>)
      tpu.yield
    }) : () -> ()
    %iota3A = tpu.iota {dimensions = array<i32: 0>} : vector<16xi32>
    %scan3A = arith.constant 0xFF800000 : f32
    %scan3A_7 = arith.constant -1 : i32
    %scan3A_8 = arith.constant 0xFF800000 : f32
    %scan3A_9 = arith.constant 0 : i32
    %scan3A_10 = arith.constant 0.000000e+00 : f32
    %scan3A_11 = arith.constant 0 : i32
    %scan3A_12 = arith.constant 512 : i32
    %scan3A_13 = arith.addi %scan3A_11, %scan3A_12 : i32
    %scan3A_14 = arith.constant 1 : i32
    %scan3A_15:4 = scf.for %scan3A_19 = %scan3A_11 to %scan3A_13 step %scan3A_14 iter_args(%scan3A_20 = %scan3A_7, %scan3A_21 = %scan3A_8, %scan3A_22 = %scan3A_9, %scan3A_23 = %scan3A_10) -> (i32, f32, i32, f32)  : i32 {
      %mul3A_24 = arith.constant 16 : i32
      %mul3A_25 = arith.muli %scan3A_19, %mul3A_24 : i32
      %add3A_26 = vector.broadcast %mul3A_25 : i32 to vector<16xi32>
      %add3A_27 = arith.addi %add3A_26, %iota3A : vector<16xi32>
      %gather3A = tpu.vector_load_idx %arg15[%add3A_27] : memref<8192xi32, #tpu.memory_space<vmem>>[vector<16xi32>], vector<16xi32>,
      %gather3A_28 = tpu.vector_load_idx %arg14[%add3A_27] : memref<8192xf32, #tpu.memory_space<vmem>>[vector<16xi32>], vector<16xf32>,
      %gather3A_29 = tpu.vector_load_idx %arg16[%add3A_27] : memref<8192xf32, #tpu.memory_space<vmem>>[vector<16xi32>], vector<16xf32>,
      %gather3A_30 = tpu.vector_load_idx %arg18[%gather3A] : memref<4096xf32, #tpu.memory_space<vmem>>[vector<16xi32>], vector<16xf32>,
      %gather3A_31 = tpu.vector_load_idx %arg19[%gather3A] : memref<4096xf32, #tpu.memory_space<vmem>>[vector<16xi32>], vector<16xf32>,
      %exp3A = math.exp %gather3A_28 : vector<16xf32>
      %mul3A_32 = arith.mulf %exp3A, %gather3A_30 : vector<16xf32>
      tpu.vector_store_idx %arg17[%add3A_27], %mul3A_32 : memref<8192xf32, #tpu.memory_space<vmem>>[vector<16xi32>], vector<16xf32>,
      %gt3A = arith.constant 9.99999974E-5 : f32
      %gt3A_33 = vector.broadcast %gt3A : f32 to vector<16xf32>
      %gt3A_34 = arith.cmpf ogt, %mul3A_32, %gt3A_33 : vector<16xf32>
      %sub3A = arith.subf %gather3A_28, %gather3A_31 : vector<16xf32>
      %add3A_35 = arith.addf %sub3A, %gather3A_29 : vector<16xf32>
      %broadcast_in_dim3A = vector.broadcast %scan3A : f32 to vector<16xf32>
      %select_n3A = arith.select %gt3A_34, %add3A_35, %broadcast_in_dim3A : vector<16xi1>, vector<16xf32>
      %mul3A_36 = arith.constant 8192 : i32
      %mul3A_37 = arith.muli %add3A, %mul3A_36 : i32
      %add3A_38 = vector.broadcast %mul3A_37 : i32 to vector<16xi32>
      %add3A_39 = arith.addi %add3A_38, %add3A_27 : vector<16xi32>
      %sub3A_40 = arith.constant 1 : i32
      %sub3A_41 = vector.broadcast %sub3A_40 : i32 to vector<16xi32>
      %sub3A_42 = arith.subi %iota3A, %sub3A_41 : vector<16xi32>
      %max3A = arith.constant 0 : i32
      %max3A_43 = vector.broadcast %max3A : i32 to vector<16xi32>
      %max3A_44 = arith.maxsi %sub3A_42, %max3A_43 : vector<16xi32>
      %lt3A = arith.constant 0 : i32
      %lt3A_45 = vector.broadcast %lt3A : i32 to vector<16xi32>
      %lt3A_46 = arith.cmpi slt, %max3A_44, %lt3A_45 : vector<16xi32>
      %add3A_47 = arith.constant 16 : i32
      %add3A_48 = vector.broadcast %add3A_47 : i32 to vector<16xi32>
      %add3A_49 = arith.addi %max3A_44, %add3A_48 : vector<16xi32>
      %select_n3A_50 = arith.select %lt3A_46, %add3A_49, %max3A_44 : vector<16xi1>, vector<16xi32>
      %broadcast_in_dim3A_51 = vector.shape_cast %select_n3A_50 : vector<16xi32> to vector<16x1xi32>
      %gather3A_52 = vector.shape_cast %broadcast_in_dim3A_51 : vector<16x1xi32> to vector<16xi32>
      %gather3A_53 = tpu.dynamic_gather %select_n3A[%gather3A_52] in [0] : vector<16xf32>, vector<16xi32> -> vector<16xf32>
      %lt3A_54 = arith.constant 0 : i32
      %lt3A_55 = vector.broadcast %lt3A_54 : i32 to vector<16xi32>
      %lt3A_56 = arith.cmpi slt, %max3A_44, %lt3A_55 : vector<16xi32>
      %add3A_57 = arith.constant 16 : i32
      %add3A_58 = vector.broadcast %add3A_57 : i32 to vector<16xi32>
      %add3A_59 = arith.addi %max3A_44, %add3A_58 : vector<16xi32>
      %select_n3A_60 = arith.select %lt3A_56, %add3A_59, %max3A_44 : vector<16xi1>, vector<16xi32>
      %broadcast_in_dim3A_61 = vector.shape_cast %select_n3A_60 : vector<16xi32> to vector<16x1xi32>
      %gather3A_62 = vector.shape_cast %broadcast_in_dim3A_61 : vector<16x1xi32> to vector<16xi32>
      %gather3A_63 = tpu.dynamic_gather %add3A_39[%gather3A_62] in [0] : vector<16xi32>, vector<16xi32> -> vector<16xi32>
      %lt3A_64 = arith.constant 0 : i32
      %lt3A_65 = vector.broadcast %lt3A_64 : i32 to vector<16xi32>
      %lt3A_66 = arith.cmpi slt, %max3A_44, %lt3A_65 : vector<16xi32>
      %add3A_67 = arith.constant 16 : i32
      %add3A_68 = vector.broadcast %add3A_67 : i32 to vector<16xi32>
      %add3A_69 = arith.addi %max3A_44, %add3A_68 : vector<16xi32>
      %select_n3A_70 = arith.select %lt3A_66, %add3A_69, %max3A_44 : vector<16xi1>, vector<16xi32>
      %broadcast_in_dim3A_71 = vector.shape_cast %select_n3A_70 : vector<16xi32> to vector<16x1xi32>
      %gather3A_72 = vector.shape_cast %broadcast_in_dim3A_71 : vector<16x1xi32> to vector<16xi32>
      %gather3A_73 = tpu.dynamic_gather %gather3A_28[%gather3A_72] in [0] : vector<16xf32>, vector<16xi32> -> vector<16xf32>
      %lt3A_74 = arith.constant 0 : i32
      %lt3A_75 = vector.broadcast %lt3A_74 : i32 to vector<16xi32>
      %lt3A_76 = arith.cmpi slt, %max3A_44, %lt3A_75 : vector<16xi32>
      %add3A_77 = arith.constant 16 : i32
      %add3A_78 = vector.broadcast %add3A_77 : i32 to vector<16xi32>
      %add3A_79 = arith.addi %max3A_44, %add3A_78 : vector<16xi32>
      %select_n3A_80 = arith.select %lt3A_76, %add3A_79, %max3A_44 : vector<16xi1>, vector<16xi32>
      %broadcast_in_dim3A_81 = vector.shape_cast %select_n3A_80 : vector<16xi32> to vector<16x1xi32>
      %gather3A_82 = vector.shape_cast %broadcast_in_dim3A_81 : vector<16x1xi32> to vector<16xi32>
      %gather3A_83 = tpu.dynamic_gather %gather3A[%gather3A_82] in [0] : vector<16xi32>, vector<16xi32> -> vector<16xi32>
      %ge3A = arith.constant 1 : i32
      %ge3A_84 = vector.broadcast %ge3A : i32 to vector<16xi32>
      %ge3A_85 = arith.cmpi sge, %iota3A, %ge3A_84 : vector<16xi32>
      %eq3A = arith.cmpi eq, %gather3A_83, %gather3A : vector<16xi32>
      %and3A = arith.andi %ge3A_85, %eq3A : vector<16xi1>
      %ge3A_86 = arith.cmpf oge, %gather3A_53, %select_n3A : vector<16xf32>
      %and3A_87 = arith.andi %and3A, %ge3A_86 : vector<16xi1>
      %select_n3A_88 = arith.select %and3A_87, %gather3A_53, %select_n3A : vector<16xi1>, vector<16xf32>
      %select_n3A_89 = arith.select %and3A_87, %gather3A_63, %add3A_39 : vector<16xi1>, vector<16xi32>
      %select_n3A_90 = arith.select %and3A_87, %gather3A_73, %gather3A_28 : vector<16xi1>, vector<16xf32>
      %sub3A_91 = arith.constant 2 : i32
      %sub3A_92 = vector.broadcast %sub3A_91 : i32 to vector<16xi32>
      %sub3A_93 = arith.subi %iota3A, %sub3A_92 : vector<16xi32>
      %max3A_94 = arith.constant 0 : i32
      %max3A_95 = vector.broadcast %max3A_94 : i32 to vector<16xi32>
      %max3A_96 = arith.maxsi %sub3A_93, %max3A_95 : vector<16xi32>
      %lt3A_97 = arith.constant 0 : i32
      %lt3A_98 = vector.broadcast %lt3A_97 : i32 to vector<16xi32>
      %lt3A_99 = arith.cmpi slt, %max3A_96, %lt3A_98 : vector<16xi32>
      %add3A_100 = arith.constant 16 : i32
      %add3A_101 = vector.broadcast %add3A_100 : i32 to vector<16xi32>
      %add3A_102 = arith.addi %max3A_96, %add3A_101 : vector<16xi32>
      %select_n3A_103 = arith.select %lt3A_99, %add3A_102, %max3A_96 : vector<16xi1>, vector<16xi32>
      %broadcast_in_dim3A_104 = vector.shape_cast %select_n3A_103 : vector<16xi32> to vector<16x1xi32>
      %gather3A_105 = vector.shape_cast %broadcast_in_dim3A_104 : vector<16x1xi32> to vector<16xi32>
      %gather3A_106 = tpu.dynamic_gather %select_n3A_88[%gather3A_105] in [0] : vector<16xf32>, vector<16xi32> -> vector<16xf32>
      %lt3A_107 = arith.constant 0 : i32
      %lt3A_108 = vector.broadcast %lt3A_107 : i32 to vector<16xi32>
      %lt3A_109 = arith.cmpi slt, %max3A_96, %lt3A_108 : vector<16xi32>
      %add3A_110 = arith.constant 16 : i32
      %add3A_111 = vector.broadcast %add3A_110 : i32 to vector<16xi32>
      %add3A_112 = arith.addi %max3A_96, %add3A_111 : vector<16xi32>
      %select_n3A_113 = arith.select %lt3A_109, %add3A_112, %max3A_96 : vector<16xi1>, vector<16xi32>
      %broadcast_in_dim3A_114 = vector.shape_cast %select_n3A_113 : vector<16xi32> to vector<16x1xi32>
      %gather3A_115 = vector.shape_cast %broadcast_in_dim3A_114 : vector<16x1xi32> to vector<16xi32>
      %gather3A_116 = tpu.dynamic_gather %select_n3A_89[%gather3A_115] in [0] : vector<16xi32>, vector<16xi32> -> vector<16xi32>
      %lt3A_117 = arith.constant 0 : i32
      %lt3A_118 = vector.broadcast %lt3A_117 : i32 to vector<16xi32>
      %lt3A_119 = arith.cmpi slt, %max3A_96, %lt3A_118 : vector<16xi32>
      %add3A_120 = arith.constant 16 : i32
      %add3A_121 = vector.broadcast %add3A_120 : i32 to vector<16xi32>
      %add3A_122 = arith.addi %max3A_96, %add3A_121 : vector<16xi32>
      %select_n3A_123 = arith.select %lt3A_119, %add3A_122, %max3A_96 : vector<16xi1>, vector<16xi32>
      %broadcast_in_dim3A_124 = vector.shape_cast %select_n3A_123 : vector<16xi32> to vector<16x1xi32>
      %gather3A_125 = vector.shape_cast %broadcast_in_dim3A_124 : vector<16x1xi32> to vector<16xi32>
      %gather3A_126 = tpu.dynamic_gather %select_n3A_90[%gather3A_125] in [0] : vector<16xf32>, vector<16xi32> -> vector<16xf32>
      %lt3A_127 = arith.constant 0 : i32
      %lt3A_128 = vector.broadcast %lt3A_127 : i32 to vector<16xi32>
      %lt3A_129 = arith.cmpi slt, %max3A_96, %lt3A_128 : vector<16xi32>
      %add3A_130 = arith.constant 16 : i32
      %add3A_131 = vector.broadcast %add3A_130 : i32 to vector<16xi32>
      %add3A_132 = arith.addi %max3A_96, %add3A_131 : vector<16xi32>
      %select_n3A_133 = arith.select %lt3A_129, %add3A_132, %max3A_96 : vector<16xi1>, vector<16xi32>
      %broadcast_in_dim3A_134 = vector.shape_cast %select_n3A_133 : vector<16xi32> to vector<16x1xi32>
      %gather3A_135 = vector.shape_cast %broadcast_in_dim3A_134 : vector<16x1xi32> to vector<16xi32>
      %gather3A_136 = tpu.dynamic_gather %gather3A[%gather3A_135] in [0] : vector<16xi32>, vector<16xi32> -> vector<16xi32>
      %ge3A_137 = arith.constant 2 : i32
      %ge3A_138 = vector.broadcast %ge3A_137 : i32 to vector<16xi32>
      %ge3A_139 = arith.cmpi sge, %iota3A, %ge3A_138 : vector<16xi32>
      %eq3A_140 = arith.cmpi eq, %gather3A_136, %gather3A : vector<16xi32>
      %and3A_141 = arith.andi %ge3A_139, %eq3A_140 : vector<16xi1>
      %ge3A_142 = arith.cmpf oge, %gather3A_106, %select_n3A_88 : vector<16xf32>
      %and3A_143 = arith.andi %and3A_141, %ge3A_142 : vector<16xi1>
      %select_n3A_144 = arith.select %and3A_143, %gather3A_106, %select_n3A_88 : vector<16xi1>, vector<16xf32>
      %select_n3A_145 = arith.select %and3A_143, %gather3A_116, %select_n3A_89 : vector<16xi1>, vector<16xi32>
      %select_n3A_146 = arith.select %and3A_143, %gather3A_126, %select_n3A_90 : vector<16xi1>, vector<16xf32>
      %sub3A_147 = arith.constant 4 : i32
      %sub3A_148 = vector.broadcast %sub3A_147 : i32 to vector<16xi32>
      %sub3A_149 = arith.subi %iota3A, %sub3A_148 : vector<16xi32>
      %max3A_150 = arith.constant 0 : i32
      %max3A_151 = vector.broadcast %max3A_150 : i32 to vector<16xi32>
      %max3A_152 = arith.maxsi %sub3A_149, %max3A_151 : vector<16xi32>
      %lt3A_153 = arith.constant 0 : i32
      %lt3A_154 = vector.broadcast %lt3A_153 : i32 to vector<16xi32>
      %lt3A_155 = arith.cmpi slt, %max3A_152, %lt3A_154 : vector<16xi32>
      %add3A_156 = arith.constant 16 : i32
      %add3A_157 = vector.broadcast %add3A_156 : i32 to vector<16xi32>
      %add3A_158 = arith.addi %max3A_152, %add3A_157 : vector<16xi32>
      %select_n3A_159 = arith.select %lt3A_155, %add3A_158, %max3A_152 : vector<16xi1>, vector<16xi32>
      %broadcast_in_dim3A_160 = vector.shape_cast %select_n3A_159 : vector<16xi32> to vector<16x1xi32>
      %gather3A_161 = vector.shape_cast %broadcast_in_dim3A_160 : vector<16x1xi32> to vector<16xi32>
      %gather3A_162 = tpu.dynamic_gather %select_n3A_144[%gather3A_161] in [0] : vector<16xf32>, vector<16xi32> -> vector<16xf32>
      %lt3A_163 = arith.constant 0 : i32
      %lt3A_164 = vector.broadcast %lt3A_163 : i32 to vector<16xi32>
      %lt3A_165 = arith.cmpi slt, %max3A_152, %lt3A_164 : vector<16xi32>
      %add3A_166 = arith.constant 16 : i32
      %add3A_167 = vector.broadcast %add3A_166 : i32 to vector<16xi32>
      %add3A_168 = arith.addi %max3A_152, %add3A_167 : vector<16xi32>
      %select_n3A_169 = arith.select %lt3A_165, %add3A_168, %max3A_152 : vector<16xi1>, vector<16xi32>
      %broadcast_in_dim3A_170 = vector.shape_cast %select_n3A_169 : vector<16xi32> to vector<16x1xi32>
      %gather3A_171 = vector.shape_cast %broadcast_in_dim3A_170 : vector<16x1xi32> to vector<16xi32>
      %gather3A_172 = tpu.dynamic_gather %select_n3A_145[%gather3A_171] in [0] : vector<16xi32>, vector<16xi32> -> vector<16xi32>
      %lt3A_173 = arith.constant 0 : i32
      %lt3A_174 = vector.broadcast %lt3A_173 : i32 to vector<16xi32>
      %lt3A_175 = arith.cmpi slt, %max3A_152, %lt3A_174 : vector<16xi32>
      %add3A_176 = arith.constant 16 : i32
      %add3A_177 = vector.broadcast %add3A_176 : i32 to vector<16xi32>
      %add3A_178 = arith.addi %max3A_152, %add3A_177 : vector<16xi32>
      %select_n3A_179 = arith.select %lt3A_175, %add3A_178, %max3A_152 : vector<16xi1>, vector<16xi32>
      %broadcast_in_dim3A_180 = vector.shape_cast %select_n3A_179 : vector<16xi32> to vector<16x1xi32>
      %gather3A_181 = vector.shape_cast %broadcast_in_dim3A_180 : vector<16x1xi32> to vector<16xi32>
      %gather3A_182 = tpu.dynamic_gather %select_n3A_146[%gather3A_181] in [0] : vector<16xf32>, vector<16xi32> -> vector<16xf32>
      %lt3A_183 = arith.constant 0 : i32
      %lt3A_184 = vector.broadcast %lt3A_183 : i32 to vector<16xi32>
      %lt3A_185 = arith.cmpi slt, %max3A_152, %lt3A_184 : vector<16xi32>
      %add3A_186 = arith.constant 16 : i32
      %add3A_187 = vector.broadcast %add3A_186 : i32 to vector<16xi32>
      %add3A_188 = arith.addi %max3A_152, %add3A_187 : vector<16xi32>
      %select_n3A_189 = arith.select %lt3A_185, %add3A_188, %max3A_152 : vector<16xi1>, vector<16xi32>
      %broadcast_in_dim3A_190 = vector.shape_cast %select_n3A_189 : vector<16xi32> to vector<16x1xi32>
      %gather3A_191 = vector.shape_cast %broadcast_in_dim3A_190 : vector<16x1xi32> to vector<16xi32>
      %gather3A_192 = tpu.dynamic_gather %gather3A[%gather3A_191] in [0] : vector<16xi32>, vector<16xi32> -> vector<16xi32>
      %ge3A_193 = arith.constant 4 : i32
      %ge3A_194 = vector.broadcast %ge3A_193 : i32 to vector<16xi32>
      %ge3A_195 = arith.cmpi sge, %iota3A, %ge3A_194 : vector<16xi32>
      %eq3A_196 = arith.cmpi eq, %gather3A_192, %gather3A : vector<16xi32>
      %and3A_197 = arith.andi %ge3A_195, %eq3A_196 : vector<16xi1>
      %ge3A_198 = arith.cmpf oge, %gather3A_162, %select_n3A_144 : vector<16xf32>
      %and3A_199 = arith.andi %and3A_197, %ge3A_198 : vector<16xi1>
      %select_n3A_200 = arith.select %and3A_199, %gather3A_162, %select_n3A_144 : vector<16xi1>, vector<16xf32>
      %select_n3A_201 = arith.select %and3A_199, %gather3A_172, %select_n3A_145 : vector<16xi1>, vector<16xi32>
      %select_n3A_202 = arith.select %and3A_199, %gather3A_182, %select_n3A_146 : vector<16xi1>, vector<16xf32>
      %sub3A_203 = arith.constant 8 : i32
      %sub3A_204 = vector.broadcast %sub3A_203 : i32 to vector<16xi32>
      %sub3A_205 = arith.subi %iota3A, %sub3A_204 : vector<16xi32>
      %max3A_206 = arith.constant 0 : i32
      %max3A_207 = vector.broadcast %max3A_206 : i32 to vector<16xi32>
      %max3A_208 = arith.maxsi %sub3A_205, %max3A_207 : vector<16xi32>
      %lt3A_209 = arith.constant 0 : i32
      %lt3A_210 = vector.broadcast %lt3A_209 : i32 to vector<16xi32>
      %lt3A_211 = arith.cmpi slt, %max3A_208, %lt3A_210 : vector<16xi32>
      %add3A_212 = arith.constant 16 : i32
      %add3A_213 = vector.broadcast %add3A_212 : i32 to vector<16xi32>
      %add3A_214 = arith.addi %max3A_208, %add3A_213 : vector<16xi32>
      %select_n3A_215 = arith.select %lt3A_211, %add3A_214, %max3A_208 : vector<16xi1>, vector<16xi32>
      %broadcast_in_dim3A_216 = vector.shape_cast %select_n3A_215 : vector<16xi32> to vector<16x1xi32>
      %gather3A_217 = vector.shape_cast %broadcast_in_dim3A_216 : vector<16x1xi32> to vector<16xi32>
      %gather3A_218 = tpu.dynamic_gather %select_n3A_200[%gather3A_217] in [0] : vector<16xf32>, vector<16xi32> -> vector<16xf32>
      %lt3A_219 = arith.constant 0 : i32
      %lt3A_220 = vector.broadcast %lt3A_219 : i32 to vector<16xi32>
      %lt3A_221 = arith.cmpi slt, %max3A_208, %lt3A_220 : vector<16xi32>
      %add3A_222 = arith.constant 16 : i32
      %add3A_223 = vector.broadcast %add3A_222 : i32 to vector<16xi32>
      %add3A_224 = arith.addi %max3A_208, %add3A_223 : vector<16xi32>
      %select_n3A_225 = arith.select %lt3A_221, %add3A_224, %max3A_208 : vector<16xi1>, vector<16xi32>
      %broadcast_in_dim3A_226 = vector.shape_cast %select_n3A_225 : vector<16xi32> to vector<16x1xi32>
      %gather3A_227 = vector.shape_cast %broadcast_in_dim3A_226 : vector<16x1xi32> to vector<16xi32>
      %gather3A_228 = tpu.dynamic_gather %select_n3A_201[%gather3A_227] in [0] : vector<16xi32>, vector<16xi32> -> vector<16xi32>
      %lt3A_229 = arith.constant 0 : i32
      %lt3A_230 = vector.broadcast %lt3A_229 : i32 to vector<16xi32>
      %lt3A_231 = arith.cmpi slt, %max3A_208, %lt3A_230 : vector<16xi32>
      %add3A_232 = arith.constant 16 : i32
      %add3A_233 = vector.broadcast %add3A_232 : i32 to vector<16xi32>
      %add3A_234 = arith.addi %max3A_208, %add3A_233 : vector<16xi32>
      %select_n3A_235 = arith.select %lt3A_231, %add3A_234, %max3A_208 : vector<16xi1>, vector<16xi32>
      %broadcast_in_dim3A_236 = vector.shape_cast %select_n3A_235 : vector<16xi32> to vector<16x1xi32>
      %gather3A_237 = vector.shape_cast %broadcast_in_dim3A_236 : vector<16x1xi32> to vector<16xi32>
      %gather3A_238 = tpu.dynamic_gather %select_n3A_202[%gather3A_237] in [0] : vector<16xf32>, vector<16xi32> -> vector<16xf32>
      %lt3A_239 = arith.constant 0 : i32
      %lt3A_240 = vector.broadcast %lt3A_239 : i32 to vector<16xi32>
      %lt3A_241 = arith.cmpi slt, %max3A_208, %lt3A_240 : vector<16xi32>
      %add3A_242 = arith.constant 16 : i32
      %add3A_243 = vector.broadcast %add3A_242 : i32 to vector<16xi32>
      %add3A_244 = arith.addi %max3A_208, %add3A_243 : vector<16xi32>
      %select_n3A_245 = arith.select %lt3A_241, %add3A_244, %max3A_208 : vector<16xi1>, vector<16xi32>
      %broadcast_in_dim3A_246 = vector.shape_cast %select_n3A_245 : vector<16xi32> to vector<16x1xi32>
      %gather3A_247 = vector.shape_cast %broadcast_in_dim3A_246 : vector<16x1xi32> to vector<16xi32>
      %gather3A_248 = tpu.dynamic_gather %gather3A[%gather3A_247] in [0] : vector<16xi32>, vector<16xi32> -> vector<16xi32>
      %ge3A_249 = arith.constant 8 : i32
      %ge3A_250 = vector.broadcast %ge3A_249 : i32 to vector<16xi32>
      %ge3A_251 = arith.cmpi sge, %iota3A, %ge3A_250 : vector<16xi32>
      %eq3A_252 = arith.cmpi eq, %gather3A_248, %gather3A : vector<16xi32>
      %and3A_253 = arith.andi %ge3A_251, %eq3A_252 : vector<16xi1>
      %ge3A_254 = arith.cmpf oge, %gather3A_218, %select_n3A_200 : vector<16xf32>
      %and3A_255 = arith.andi %and3A_253, %ge3A_254 : vector<16xi1>
      %select_n3A_256 = arith.select %and3A_255, %gather3A_218, %select_n3A_200 : vector<16xi1>, vector<16xf32>
      %select_n3A_257 = arith.select %and3A_255, %gather3A_228, %select_n3A_201 : vector<16xi1>, vector<16xi32>
      %select_n3A_258 = arith.select %and3A_255, %gather3A_238, %select_n3A_202 : vector<16xi1>, vector<16xf32>
      %eq3A_259 = vector.broadcast %scan3A_20 : i32 to vector<16xi32>
      %eq3A_260 = arith.cmpi eq, %gather3A, %eq3A_259 : vector<16xi32>
      %ge3A_261 = vector.broadcast %scan3A_21 : f32 to vector<16xf32>
      %ge3A_262 = arith.cmpf oge, %ge3A_261, %select_n3A_256 : vector<16xf32>
      %and3A_263 = arith.andi %eq3A_260, %ge3A_262 : vector<16xi1>
      %broadcast_in_dim3A_264 = vector.broadcast %scan3A_21 : f32 to vector<16xf32>
      %select_n3A_265 = arith.select %and3A_263, %broadcast_in_dim3A_264, %select_n3A_256 : vector<16xi1>, vector<16xf32>
      %broadcast_in_dim3A_266 = vector.broadcast %scan3A_22 : i32 to vector<16xi32>
      %select_n3A_267 = arith.select %and3A_263, %broadcast_in_dim3A_266, %select_n3A_257 : vector<16xi1>, vector<16xi32>
      %broadcast_in_dim3A_268 = vector.broadcast %scan3A_23 : f32 to vector<16xf32>
      %select_n3A_269 = arith.select %and3A_263, %broadcast_in_dim3A_268, %select_n3A_258 : vector<16xi1>, vector<16xf32>
      %iota3A_270 = tpu.iota {dimensions = array<i32: 0>} : vector<16xi32>
      %add3A_271 = arith.constant 1 : i32
      %add3A_272 = vector.broadcast %add3A_271 : i32 to vector<16xi32>
      %add3A_273 = arith.addi %iota3A_270, %add3A_272 : vector<16xi32>
      %min3A = arith.constant 15 : i32
      %min3A_274 = vector.broadcast %min3A : i32 to vector<16xi32>
      %min3A_275 = arith.minsi %add3A_273, %min3A_274 : vector<16xi32>
      %lt3A_276 = arith.constant 0 : i32
      %lt3A_277 = vector.broadcast %lt3A_276 : i32 to vector<16xi32>
      %lt3A_278 = arith.cmpi slt, %min3A_275, %lt3A_277 : vector<16xi32>
      %add3A_279 = arith.constant 16 : i32
      %add3A_280 = vector.broadcast %add3A_279 : i32 to vector<16xi32>
      %add3A_281 = arith.addi %min3A_275, %add3A_280 : vector<16xi32>
      %select_n3A_282 = arith.select %lt3A_278, %add3A_281, %min3A_275 : vector<16xi1>, vector<16xi32>
      %broadcast_in_dim3A_283 = vector.shape_cast %select_n3A_282 : vector<16xi32> to vector<16x1xi32>
      %gather3A_284 = vector.shape_cast %broadcast_in_dim3A_283 : vector<16x1xi32> to vector<16xi32>
      %gather3A_285 = tpu.dynamic_gather %gather3A[%gather3A_284] in [0] : vector<16xi32>, vector<16xi32> -> vector<16xi32>
      %ne3A = arith.cmpi ne, %gather3A, %gather3A_285 : vector<16xi32>
      %lt3A_286 = arith.constant 15 : i32
      %lt3A_287 = vector.broadcast %lt3A_286 : i32 to vector<16xi32>
      %lt3A_288 = arith.cmpi slt, %iota3A_270, %lt3A_287 : vector<16xi32>
      %and3A_289 = arith.andi %ne3A, %lt3A_288 : vector<16xi1>
      %eq3A_290 = arith.constant 15 : i32
      %eq3A_291 = vector.broadcast %eq3A_290 : i32 to vector<16xi32>
      %eq3A_292 = arith.cmpi eq, %iota3A_270, %eq3A_291 : vector<16xi32>
      %or3A = arith.ori %and3A_289, %eq3A_292 : vector<16xi1>
      tpu.vector_store_idx %arg20[%gather3A], %select_n3A_265 masked %or3A : memref<4096xf32, #tpu.memory_space<vmem>>[vector<16xi32>], vector<16xf32>, vector<16xi1>
      tpu.vector_store_idx %arg21[%gather3A], %select_n3A_267 masked %or3A : memref<4096xi32, #tpu.memory_space<vmem>>[vector<16xi32>], vector<16xi32>, vector<16xi1>
      tpu.vector_store_idx %arg22[%gather3A], %select_n3A_269 masked %or3A : memref<4096xf32, #tpu.memory_space<vmem>>[vector<16xi32>], vector<16xf32>, vector<16xi1>
      %iota3A_293 = tpu.iota {dimensions = array<i32: 0>} : vector<16xi32>
      %eq3A_294 = arith.constant 15 : i32
      %eq3A_295 = vector.broadcast %eq3A_294 : i32 to vector<16xi32>
      %eq3A_296 = arith.cmpi eq, %iota3A_293, %eq3A_295 : vector<16xi32>
      %jit3A = arith.constant -1 : i32
      %broadcast_in_dim3A_297 = vector.broadcast %jit3A : i32 to vector<16xi32>
      %select_n3A_298 = arith.select %eq3A_296, %gather3A, %broadcast_in_dim3A_297 : vector<16xi1>, vector<16xi32>
      %reduce_max3A = arith.constant true
      %reduce_max3A_299 = vector.broadcast %reduce_max3A : i1 to vector<16xi1>
      %reduce_max3A_300 = arith.constant -2147483648 : i32
      %reduce_max3A_301 = vector.broadcast %reduce_max3A_300 : i32 to vector<16xi32>
      %reduce_max3A_302 = arith.xori %select_n3A_298, %reduce_max3A_301 : vector<16xi32>
      %reduce_max3A_303 = tpu.scan <max>, %reduce_max3A_302 masked %reduce_max3A_299 : vector<16xi32>, vector<16xi1> -> vector<16xi32>
      %reduce_max3A_304 = arith.xori %reduce_max3A_303, %reduce_max3A_301 : vector<16xi32>
      %reduce_max3A_305 = vector.extract %reduce_max3A_304[15] : i32 from vector<16xi32>
      %iota3A_306 = tpu.iota {dimensions = array<i32: 0>} : vector<16xi32>
      %eq3A_307 = arith.constant 15 : i32
      %eq3A_308 = vector.broadcast %eq3A_307 : i32 to vector<16xi32>
      %eq3A_309 = arith.cmpi eq, %iota3A_306, %eq3A_308 : vector<16xi32>
      %broadcast_in_dim3A_310 = vector.broadcast %scan3A : f32 to vector<16xf32>
      %select_n3A_311 = arith.select %eq3A_309, %select_n3A_265, %broadcast_in_dim3A_310 : vector<16xi1>, vector<16xf32>
      %reduce_max3A_312 = arith.constant true
      %reduce_max3A_313 = vector.broadcast %reduce_max3A_312 : i1 to vector<16xi1>
      %reduce_max3A_314 = tpu.scan <max>, %select_n3A_311 masked %reduce_max3A_313 : vector<16xf32>, vector<16xi1> -> vector<16xf32>
      %reduce_max3A_315 = vector.extract %reduce_max3A_314[15] : f32 from vector<16xf32>
      %iota3A_316 = tpu.iota {dimensions = array<i32: 0>} : vector<16xi32>
      %eq3A_317 = arith.constant 15 : i32
      %eq3A_318 = vector.broadcast %eq3A_317 : i32 to vector<16xi32>
      %eq3A_319 = arith.cmpi eq, %iota3A_316, %eq3A_318 : vector<16xi32>
      %jit3A_320 = arith.constant 0 : i32
      %broadcast_in_dim3A_321 = vector.broadcast %jit3A_320 : i32 to vector<16xi32>
      %select_n3A_322 = arith.select %eq3A_319, %select_n3A_267, %broadcast_in_dim3A_321 : vector<16xi1>, vector<16xi32>
      %reduce_max3A_323 = arith.constant true
      %reduce_max3A_324 = vector.broadcast %reduce_max3A_323 : i1 to vector<16xi1>
      %reduce_max3A_325 = arith.constant -2147483648 : i32
      %reduce_max3A_326 = vector.broadcast %reduce_max3A_325 : i32 to vector<16xi32>
      %reduce_max3A_327 = arith.xori %select_n3A_322, %reduce_max3A_326 : vector<16xi32>
      %reduce_max3A_328 = tpu.scan <max>, %reduce_max3A_327 masked %reduce_max3A_324 : vector<16xi32>, vector<16xi1> -> vector<16xi32>
      %reduce_max3A_329 = arith.xori %reduce_max3A_328, %reduce_max3A_326 : vector<16xi32>
      %reduce_max3A_330 = vector.extract %reduce_max3A_329[15] : i32 from vector<16xi32>
      %iota3A_331 = tpu.iota {dimensions = array<i32: 0>} : vector<16xi32>
      %eq3A_332 = arith.constant 15 : i32
      %eq3A_333 = vector.broadcast %eq3A_332 : i32 to vector<16xi32>
      %eq3A_334 = arith.cmpi eq, %iota3A_331, %eq3A_333 : vector<16xi32>
      %broadcast_in_dim3A_335 = vector.broadcast %scan3A : f32 to vector<16xf32>
      %select_n3A_336 = arith.select %eq3A_334, %select_n3A_269, %broadcast_in_dim3A_335 : vector<16xi1>, vector<16xf32>
      %reduce_max3A_337 = arith.constant true
      %reduce_max3A_338 = vector.broadcast %reduce_max3A_337 : i1 to vector<16xi1>
      %reduce_max3A_339 = tpu.scan <max>, %select_n3A_336 masked %reduce_max3A_338 : vector<16xf32>, vector<16xi1> -> vector<16xf32>
      %reduce_max3A_340 = vector.extract %reduce_max3A_339[15] : f32 from vector<16xf32>
      scf.yield %reduce_max3A_305, %reduce_max3A_315, %reduce_max3A_330, %reduce_max3A_340 : i32, f32, i32, f32
    }
    %scan3A_16 = arith.constant 512 : i32
    %mul3A_17 = arith.constant 8192 : i32
    %mul3A_18 = arith.muli %add3A, %mul3A_17 : i32
    "tpu.region"() ({
      %run_scoped3A = tpu.sem_alloc : memref<!tpu.dma_semaphore, #tpu.memory_space<semaphore_mem>>
      %dma_start3A = tpu.memref_slice %arg10[%mul3A_18] : memref<262144xf32, #tpu.memory_space<hbm>> -> memref<8192xf32, #tpu.memory_space<hbm>>
      %dma_start3A_19 = tpu.memref_slice %arg10[%mul3A_18] : memref<262144xf32, #tpu.memory_space<hbm>> -> memref<8192xf32, #tpu.memory_space<hbm>>
      tpu.enqueue_dma source(%arg17 : memref<8192xf32, #tpu.memory_space<vmem>>) target(%dma_start3A_19 : memref<8192xf32, #tpu.memory_space<hbm>>) target_semaphore(%run_scoped3A : memref<!tpu.dma_semaphore, #tpu.memory_space<semaphore_mem>>)
      %dma_wait3A = tpu.memref_slice %arg10[%mul3A_18] : memref<262144xf32, #tpu.memory_space<hbm>> -> memref<8192xf32, #tpu.memory_space<hbm>>
      %dma_wait3A_20 = tpu.memref_slice %arg10[%mul3A_18] : memref<262144xf32, #tpu.memory_space<hbm>> -> memref<8192xf32, #tpu.memory_space<hbm>>
      tpu.wait_dma2 semaphore(%run_scoped3A : memref<!tpu.dma_semaphore, #tpu.memory_space<semaphore_mem>>) src(%arg17 : memref<8192xf32, #tpu.memory_space<vmem>>) dst(%dma_wait3A_20 : memref<8192xf32, #tpu.memory_space<hbm>>)
      tpu.yield
    }) : () -> ()
    "tpu.region"() ({
      %run_scoped3A = tpu.sem_alloc : memref<!tpu.dma_semaphore, #tpu.memory_space<semaphore_mem>>
      %dma_start3A = arith.constant 0 : i32
      %dma_start3A_19 = tpu.memref_slice %arg11[%add3A, %dma_start3A] : memref<32x4096xf32, #tpu.memory_space<hbm>> -> memref<1x4096xf32, #tpu.memory_space<hbm>>
      %dma_start3A_20 = tpu.memref_squeeze %dma_start3A_19 : memref<1x4096xf32, #tpu.memory_space<hbm>> -> memref<4096xf32, #tpu.memory_space<hbm>>
      %dma_start3A_21 = arith.constant 0 : i32
      %dma_start3A_22 = tpu.memref_slice %arg11[%add3A, %dma_start3A_21] : memref<32x4096xf32, #tpu.memory_space<hbm>> -> memref<1x4096xf32, #tpu.memory_space<hbm>>
      %dma_start3A_23 = tpu.memref_squeeze %dma_start3A_22 : memref<1x4096xf32, #tpu.memory_space<hbm>> -> memref<4096xf32, #tpu.memory_space<hbm>>
      tpu.enqueue_dma source(%arg20 : memref<4096xf32, #tpu.memory_space<vmem>>) target(%dma_start3A_23 : memref<4096xf32, #tpu.memory_space<hbm>>) target_semaphore(%run_scoped3A : memref<!tpu.dma_semaphore, #tpu.memory_space<semaphore_mem>>)
      %dma_wait3A = arith.constant 0 : i32
      %dma_wait3A_24 = tpu.memref_slice %arg11[%add3A, %dma_wait3A] : memref<32x4096xf32, #tpu.memory_space<hbm>> -> memref<1x4096xf32, #tpu.memory_space<hbm>>
      %dma_wait3A_25 = tpu.memref_squeeze %dma_wait3A_24 : memref<1x4096xf32, #tpu.memory_space<hbm>> -> memref<4096xf32, #tpu.memory_space<hbm>>
      %dma_wait3A_26 = arith.constant 0 : i32
      %dma_wait3A_27 = tpu.memref_slice %arg11[%add3A, %dma_wait3A_26] : memref<32x4096xf32, #tpu.memory_space<hbm>> -> memref<1x4096xf32, #tpu.memory_space<hbm>>
      %dma_wait3A_28 = tpu.memref_squeeze %dma_wait3A_27 : memref<1x4096xf32, #tpu.memory_space<hbm>> -> memref<4096xf32, #tpu.memory_space<hbm>>
      tpu.wait_dma2 semaphore(%run_scoped3A : memref<!tpu.dma_semaphore, #tpu.memory_space<semaphore_mem>>) src(%arg20 : memref<4096xf32, #tpu.memory_space<vmem>>) dst(%dma_wait3A_28 : memref<4096xf32, #tpu.memory_space<hbm>>)
      tpu.yield
    }) : () -> ()
    "tpu.region"() ({
      %run_scoped3A = tpu.sem_alloc : memref<!tpu.dma_semaphore, #tpu.memory_space<semaphore_mem>>
      %dma_start3A = arith.constant 0 : i32
      %dma_start3A_19 = tpu.memref_slice %arg12[%add3A, %dma_start3A] : memref<32x4096xi32, #tpu.memory_space<hbm>> -> memref<1x4096xi32, #tpu.memory_space<hbm>>
      %dma_start3A_20 = tpu.memref_squeeze %dma_start3A_19 : memref<1x4096xi32, #tpu.memory_space<hbm>> -> memref<4096xi32, #tpu.memory_space<hbm>>
      %dma_start3A_21 = arith.constant 0 : i32
      %dma_start3A_22 = tpu.memref_slice %arg12[%add3A, %dma_start3A_21] : memref<32x4096xi32, #tpu.memory_space<hbm>> -> memref<1x4096xi32, #tpu.memory_space<hbm>>
      %dma_start3A_23 = tpu.memref_squeeze %dma_start3A_22 : memref<1x4096xi32, #tpu.memory_space<hbm>> -> memref<4096xi32, #tpu.memory_space<hbm>>
      tpu.enqueue_dma source(%arg21 : memref<4096xi32, #tpu.memory_space<vmem>>) target(%dma_start3A_23 : memref<4096xi32, #tpu.memory_space<hbm>>) target_semaphore(%run_scoped3A : memref<!tpu.dma_semaphore, #tpu.memory_space<semaphore_mem>>)
      %dma_wait3A = arith.constant 0 : i32
      %dma_wait3A_24 = tpu.memref_slice %arg12[%add3A, %dma_wait3A] : memref<32x4096xi32, #tpu.memory_space<hbm>> -> memref<1x4096xi32, #tpu.memory_space<hbm>>
      %dma_wait3A_25 = tpu.memref_squeeze %dma_wait3A_24 : memref<1x4096xi32, #tpu.memory_space<hbm>> -> memref<4096xi32, #tpu.memory_space<hbm>>
      %dma_wait3A_26 = arith.constant 0 : i32
      %dma_wait3A_27 = tpu.memref_slice %arg12[%add3A, %dma_wait3A_26] : memref<32x4096xi32, #tpu.memory_space<hbm>> -> memref<1x4096xi32, #tpu.memory_space<hbm>>
      %dma_wait3A_28 = tpu.memref_squeeze %dma_wait3A_27 : memref<1x4096xi32, #tpu.memory_space<hbm>> -> memref<4096xi32, #tpu.memory_space<hbm>>
      tpu.wait_dma2 semaphore(%run_scoped3A : memref<!tpu.dma_semaphore, #tpu.memory_space<semaphore_mem>>) src(%arg21 : memref<4096xi32, #tpu.memory_space<vmem>>) dst(%dma_wait3A_28 : memref<4096xi32, #tpu.memory_space<hbm>>)
      tpu.yield
    }) : () -> ()
    "tpu.region"() ({
      %run_scoped3A = tpu.sem_alloc : memref<!tpu.dma_semaphore, #tpu.memory_space<semaphore_mem>>
      %dma_start3A = arith.constant 0 : i32
      %dma_start3A_19 = tpu.memref_slice %arg13[%add3A, %dma_start3A] : memref<32x4096xf32, #tpu.memory_space<hbm>> -> memref<1x4096xf32, #tpu.memory_space<hbm>>
      %dma_start3A_20 = tpu.memref_squeeze %dma_start3A_19 : memref<1x4096xf32, #tpu.memory_space<hbm>> -> memref<4096xf32, #tpu.memory_space<hbm>>
      %dma_start3A_21 = arith.constant 0 : i32
      %dma_start3A_22 = tpu.memref_slice %arg13[%add3A, %dma_start3A_21] : memref<32x4096xf32, #tpu.memory_space<hbm>> -> memref<1x4096xf32, #tpu.memory_space<hbm>>
      %dma_start3A_23 = tpu.memref_squeeze %dma_start3A_22 : memref<1x4096xf32, #tpu.memory_space<hbm>> -> memref<4096xf32, #tpu.memory_space<hbm>>
      tpu.enqueue_dma source(%arg22 : memref<4096xf32, #tpu.memory_space<vmem>>) target(%dma_start3A_23 : memref<4096xf32, #tpu.memory_space<hbm>>) target_semaphore(%run_scoped3A : memref<!tpu.dma_semaphore, #tpu.memory_space<semaphore_mem>>)
      %dma_wait3A = arith.constant 0 : i32
      %dma_wait3A_24 = tpu.memref_slice %arg13[%add3A, %dma_wait3A] : memref<32x4096xf32, #tpu.memory_space<hbm>> -> memref<1x4096xf32, #tpu.memory_space<hbm>>
      %dma_wait3A_25 = tpu.memref_squeeze %dma_wait3A_24 : memref<1x4096xf32, #tpu.memory_space<hbm>> -> memref<4096xf32, #tpu.memory_space<hbm>>
      %dma_wait3A_26 = arith.constant 0 : i32
      %dma_wait3A_27 = tpu.memref_slice %arg13[%add3A, %dma_wait3A_26] : memref<32x4096xf32, #tpu.memory_space<hbm>> -> memref<1x4096xf32, #tpu.memory_space<hbm>>
      %dma_wait3A_28 = tpu.memref_squeeze %dma_wait3A_27 : memref<1x4096xf32, #tpu.memory_space<hbm>> -> memref<4096xf32, #tpu.memory_space<hbm>>
      tpu.wait_dma2 semaphore(%run_scoped3A : memref<!tpu.dma_semaphore, #tpu.memory_space<semaphore_mem>>) src(%arg22 : memref<4096xf32, #tpu.memory_space<vmem>>) dst(%dma_wait3A_28 : memref<4096xf32, #tpu.memory_space<hbm>>)
      tpu.yield
    }) : () -> ()
    return
  }
}

#map = affine_map<(d0, d1) -> (0, 0)>
#map1 = affine_map<(d0, d1) -> (0)>
module attributes {stable_mosaic.version = 14 : i64} {
  func.func @_gather_body(%arg0: i32, %arg1: i32, %arg2: memref<4096x128xf32, #tpu.memory_space<hbm>>, %arg3: memref<262144xi32, #tpu.memory_space<hbm>>, %arg4: memref<262144x128xf32, #tpu.memory_space<hbm>>, %arg5: memref<256xi32, #tpu.memory_space<vmem>>, %arg6: memref<256xi32, #tpu.memory_space<vmem>>, %arg7: memref<256x128xf32, #tpu.memory_space<vmem>>, %arg8: memref<256x128xf32, #tpu.memory_space<vmem>>, %arg9: memref<!tpu.dma_semaphore, #tpu.memory_space<semaphore_mem>>, %arg10: memref<!tpu.dma_semaphore, #tpu.memory_space<semaphore_mem>>, %arg11: memref<!tpu.dma_semaphore, #tpu.memory_space<semaphore_mem>>, %arg12: memref<!tpu.dma_semaphore, #tpu.memory_space<semaphore_mem>>) attributes {dimension_semantics = [#tpu.dimension_semantics<core_parallel>, #tpu.dimension_semantics<subcore_parallel>], iteration_bounds = array<i64: 2, 16>, scalar_prefetch = 0 : i64, scratch_operands = 8 : i64, tpu.core_type = #tpu.core_type<sc_vector_subcore>, window_params = [{transform_indices = #map}, {transform_indices = #map1}, {transform_indices = #map}]} {
    %mul3A = arith.constant 2 : i32
    %mul3A_0 = arith.muli %arg1, %mul3A : i32
    %add3A = arith.addi %mul3A_0, %arg0 : i32
    %mul3A_1 = arith.constant 8192 : i32
    %mul3A_2 = arith.muli %add3A, %mul3A_1 : i32
    "tpu.region"() ({
      %run_scoped3A = tpu.sem_alloc : memref<!tpu.dma_semaphore, #tpu.memory_space<semaphore_mem>>
      %dma_start3A_575 = tpu.memref_slice %arg3[%mul3A_2] : memref<262144xi32, #tpu.memory_space<hbm>> -> memref<256xi32, #tpu.memory_space<hbm>>
      %dma_start3A_576 = tpu.memref_slice %arg3[%mul3A_2] : memref<262144xi32, #tpu.memory_space<hbm>> -> memref<256xi32, #tpu.memory_space<hbm>>
      tpu.enqueue_dma source(%dma_start3A_576 : memref<256xi32, #tpu.memory_space<hbm>>) target(%arg5 : memref<256xi32, #tpu.memory_space<vmem>>) target_semaphore(%run_scoped3A : memref<!tpu.dma_semaphore, #tpu.memory_space<semaphore_mem>>)
      %dma_wait3A_577 = tpu.memref_slice %arg3[%mul3A_2] : memref<262144xi32, #tpu.memory_space<hbm>> -> memref<256xi32, #tpu.memory_space<hbm>>
      %dma_wait3A_578 = tpu.memref_slice %arg3[%mul3A_2] : memref<262144xi32, #tpu.memory_space<hbm>> -> memref<256xi32, #tpu.memory_space<hbm>>
      tpu.wait_dma2 semaphore(%run_scoped3A : memref<!tpu.dma_semaphore, #tpu.memory_space<semaphore_mem>>) src(%dma_wait3A_578 : memref<256xi32, #tpu.memory_space<hbm>>) dst(%arg5 : memref<256xi32, #tpu.memory_space<vmem>>)
      tpu.yield
    }) : () -> ()
    %dma_start3A = arith.constant 0 : i32
    %dma_start3A_3 = arith.constant 0 : i32
    %dma_start3A_4 = tpu.memref_slice %arg2[%dma_start3A, %dma_start3A_3] : memref<4096x128xf32, #tpu.memory_space<hbm>> -> memref<4096x128xf32, #tpu.memory_space<hbm>>
    tpu.enqueue_indirect_dma source(%dma_start3A_4 : memref<4096x128xf32, #tpu.memory_space<hbm>>) target(%arg7 : memref<256x128xf32, #tpu.memory_space<vmem>>) offsets(%arg5 : memref<256xi32, #tpu.memory_space<vmem>>) semaphore(%arg9 : memref<!tpu.dma_semaphore, #tpu.memory_space<semaphore_mem>>)
    %add3A_5 = arith.constant 256 : i32
    %add3A_6 = arith.addi %mul3A_2, %add3A_5 : i32
    "tpu.region"() ({
      %run_scoped3A = tpu.sem_alloc : memref<!tpu.dma_semaphore, #tpu.memory_space<semaphore_mem>>
      %dma_start3A_575 = tpu.memref_slice %arg3[%add3A_6] : memref<262144xi32, #tpu.memory_space<hbm>> -> memref<256xi32, #tpu.memory_space<hbm>>
      %dma_start3A_576 = tpu.memref_slice %arg3[%add3A_6] : memref<262144xi32, #tpu.memory_space<hbm>> -> memref<256xi32, #tpu.memory_space<hbm>>
      tpu.enqueue_dma source(%dma_start3A_576 : memref<256xi32, #tpu.memory_space<hbm>>) target(%arg6 : memref<256xi32, #tpu.memory_space<vmem>>) target_semaphore(%run_scoped3A : memref<!tpu.dma_semaphore, #tpu.memory_space<semaphore_mem>>)
      %dma_wait3A_577 = tpu.memref_slice %arg3[%add3A_6] : memref<262144xi32, #tpu.memory_space<hbm>> -> memref<256xi32, #tpu.memory_space<hbm>>
      %dma_wait3A_578 = tpu.memref_slice %arg3[%add3A_6] : memref<262144xi32, #tpu.memory_space<hbm>> -> memref<256xi32, #tpu.memory_space<hbm>>
      tpu.wait_dma2 semaphore(%run_scoped3A : memref<!tpu.dma_semaphore, #tpu.memory_space<semaphore_mem>>) src(%dma_wait3A_578 : memref<256xi32, #tpu.memory_space<hbm>>) dst(%arg6 : memref<256xi32, #tpu.memory_space<vmem>>)
      tpu.yield
    }) : () -> ()
    %dma_start3A_7 = arith.constant 0 : i32
    %dma_start3A_8 = arith.constant 0 : i32
    %dma_start3A_9 = tpu.memref_slice %arg2[%dma_start3A_7, %dma_start3A_8] : memref<4096x128xf32, #tpu.memory_space<hbm>> -> memref<4096x128xf32, #tpu.memory_space<hbm>>
    tpu.enqueue_indirect_dma source(%dma_start3A_9 : memref<4096x128xf32, #tpu.memory_space<hbm>>) target(%arg8 : memref<256x128xf32, #tpu.memory_space<vmem>>) offsets(%arg6 : memref<256xi32, #tpu.memory_space<vmem>>) semaphore(%arg10 : memref<!tpu.dma_semaphore, #tpu.memory_space<semaphore_mem>>)
    %dma_wait3A = arith.constant 0 : i32
    %dma_wait3A_10 = arith.constant 0 : i32
    %dma_wait3A_11 = tpu.memref_slice %arg2[%dma_wait3A, %dma_wait3A_10] : memref<4096x128xf32, #tpu.memory_space<hbm>> -> memref<4096x128xf32, #tpu.memory_space<hbm>>
    tpu.wait_indirect_dma semaphore(%arg9 : memref<!tpu.dma_semaphore, #tpu.memory_space<semaphore_mem>>) src(%dma_wait3A_11 : memref<4096x128xf32, #tpu.memory_space<hbm>>) dst(%arg7 : memref<256x128xf32, #tpu.memory_space<vmem>>)
    %add3A_12 = arith.constant 0 : i32
    %add3A_13 = arith.addi %mul3A_2, %add3A_12 : i32
    %dma_start3A_14 = arith.constant 0 : i32
    %dma_start3A_15 = tpu.memref_slice %arg4[%add3A_13, %dma_start3A_14] : memref<262144x128xf32, #tpu.memory_space<hbm>> -> memref<256x128xf32, #tpu.memory_space<hbm>>
    %dma_start3A_16 = arith.constant 0 : i32
    %dma_start3A_17 = tpu.memref_slice %arg4[%add3A_13, %dma_start3A_16] : memref<262144x128xf32, #tpu.memory_space<hbm>> -> memref<256x128xf32, #tpu.memory_space<hbm>>
    tpu.enqueue_dma source(%arg7 : memref<256x128xf32, #tpu.memory_space<vmem>>) target(%dma_start3A_17 : memref<256x128xf32, #tpu.memory_space<hbm>>) target_semaphore(%arg11 : memref<!tpu.dma_semaphore, #tpu.memory_space<semaphore_mem>>)
    %dma_wait3A_18 = arith.constant 0 : i32
    %dma_wait3A_19 = tpu.memref_slice %arg4[%add3A_13, %dma_wait3A_18] : memref<262144x128xf32, #tpu.memory_space<hbm>> -> memref<256x128xf32, #tpu.memory_space<hbm>>
    %dma_wait3A_20 = arith.constant 0 : i32
    %dma_wait3A_21 = tpu.memref_slice %arg4[%add3A_13, %dma_wait3A_20] : memref<262144x128xf32, #tpu.memory_space<hbm>> -> memref<256x128xf32, #tpu.memory_space<hbm>>
    tpu.wait_dma2 semaphore(%arg11 : memref<!tpu.dma_semaphore, #tpu.memory_space<semaphore_mem>>) src(%arg7 : memref<256x128xf32, #tpu.memory_space<vmem>>) dst(%dma_wait3A_21 : memref<256x128xf32, #tpu.memory_space<hbm>>)
    %add3A_22 = arith.constant 512 : i32
    %add3A_23 = arith.addi %mul3A_2, %add3A_22 : i32
    "tpu.region"() ({
      %run_scoped3A = tpu.sem_alloc : memref<!tpu.dma_semaphore, #tpu.memory_space<semaphore_mem>>
      %dma_start3A_575 = tpu.memref_slice %arg3[%add3A_23] : memref<262144xi32, #tpu.memory_space<hbm>> -> memref<256xi32, #tpu.memory_space<hbm>>
      %dma_start3A_576 = tpu.memref_slice %arg3[%add3A_23] : memref<262144xi32, #tpu.memory_space<hbm>> -> memref<256xi32, #tpu.memory_space<hbm>>
      tpu.enqueue_dma source(%dma_start3A_576 : memref<256xi32, #tpu.memory_space<hbm>>) target(%arg5 : memref<256xi32, #tpu.memory_space<vmem>>) target_semaphore(%run_scoped3A : memref<!tpu.dma_semaphore, #tpu.memory_space<semaphore_mem>>)
      %dma_wait3A_577 = tpu.memref_slice %arg3[%add3A_23] : memref<262144xi32, #tpu.memory_space<hbm>> -> memref<256xi32, #tpu.memory_space<hbm>>
      %dma_wait3A_578 = tpu.memref_slice %arg3[%add3A_23] : memref<262144xi32, #tpu.memory_space<hbm>> -> memref<256xi32, #tpu.memory_space<hbm>>
      tpu.wait_dma2 semaphore(%run_scoped3A : memref<!tpu.dma_semaphore, #tpu.memory_space<semaphore_mem>>) src(%dma_wait3A_578 : memref<256xi32, #tpu.memory_space<hbm>>) dst(%arg5 : memref<256xi32, #tpu.memory_space<vmem>>)
      tpu.yield
    }) : () -> ()
    %dma_start3A_24 = arith.constant 0 : i32
    %dma_start3A_25 = arith.constant 0 : i32
    %dma_start3A_26 = tpu.memref_slice %arg2[%dma_start3A_24, %dma_start3A_25] : memref<4096x128xf32, #tpu.memory_space<hbm>> -> memref<4096x128xf32, #tpu.memory_space<hbm>>
    tpu.enqueue_indirect_dma source(%dma_start3A_26 : memref<4096x128xf32, #tpu.memory_space<hbm>>) target(%arg7 : memref<256x128xf32, #tpu.memory_space<vmem>>) offsets(%arg5 : memref<256xi32, #tpu.memory_space<vmem>>) semaphore(%arg9 : memref<!tpu.dma_semaphore, #tpu.memory_space<semaphore_mem>>)
    %dma_wait3A_27 = arith.constant 0 : i32
    %dma_wait3A_28 = arith.constant 0 : i32
    %dma_wait3A_29 = tpu.memref_slice %arg2[%dma_wait3A_27, %dma_wait3A_28] : memref<4096x128xf32, #tpu.memory_space<hbm>> -> memref<4096x128xf32, #tpu.memory_space<hbm>>
    tpu.wait_indirect_dma semaphore(%arg10 : memref<!tpu.dma_semaphore, #tpu.memory_space<semaphore_mem>>) src(%dma_wait3A_29 : memref<4096x128xf32, #tpu.memory_space<hbm>>) dst(%arg8 : memref<256x128xf32, #tpu.memory_space<vmem>>)
    %add3A_30 = arith.constant 256 : i32
    %add3A_31 = arith.addi %mul3A_2, %add3A_30 : i32
    %dma_start3A_32 = arith.constant 0 : i32
    %dma_start3A_33 = tpu.memref_slice %arg4[%add3A_31, %dma_start3A_32] : memref<262144x128xf32, #tpu.memory_space<hbm>> -> memref<256x128xf32, #tpu.memory_space<hbm>>
    %dma_start3A_34 = arith.constant 0 : i32
    %dma_start3A_35 = tpu.memref_slice %arg4[%add3A_31, %dma_start3A_34] : memref<262144x128xf32, #tpu.memory_space<hbm>> -> memref<256x128xf32, #tpu.memory_space<hbm>>
    tpu.enqueue_dma source(%arg8 : memref<256x128xf32, #tpu.memory_space<vmem>>) target(%dma_start3A_35 : memref<256x128xf32, #tpu.memory_space<hbm>>) target_semaphore(%arg12 : memref<!tpu.dma_semaphore, #tpu.memory_space<semaphore_mem>>)
    %dma_wait3A_36 = arith.constant 0 : i32
    %dma_wait3A_37 = tpu.memref_slice %arg4[%add3A_31, %dma_wait3A_36] : memref<262144x128xf32, #tpu.memory_space<hbm>> -> memref<256x128xf32, #tpu.memory_space<hbm>>
    %dma_wait3A_38 = arith.constant 0 : i32
    %dma_wait3A_39 = tpu.memref_slice %arg4[%add3A_31, %dma_wait3A_38] : memref<262144x128xf32, #tpu.memory_space<hbm>> -> memref<256x128xf32, #tpu.memory_space<hbm>>
    tpu.wait_dma2 semaphore(%arg12 : memref<!tpu.dma_semaphore, #tpu.memory_space<semaphore_mem>>) src(%arg8 : memref<256x128xf32, #tpu.memory_space<vmem>>) dst(%dma_wait3A_39 : memref<256x128xf32, #tpu.memory_space<hbm>>)
    %add3A_40 = arith.constant 768 : i32
    %add3A_41 = arith.addi %mul3A_2, %add3A_40 : i32
    "tpu.region"() ({
      %run_scoped3A = tpu.sem_alloc : memref<!tpu.dma_semaphore, #tpu.memory_space<semaphore_mem>>
      %dma_start3A_575 = tpu.memref_slice %arg3[%add3A_41] : memref<262144xi32, #tpu.memory_space<hbm>> -> memref<256xi32, #tpu.memory_space<hbm>>
      %dma_start3A_576 = tpu.memref_slice %arg3[%add3A_41] : memref<262144xi32, #tpu.memory_space<hbm>> -> memref<256xi32, #tpu.memory_space<hbm>>
      tpu.enqueue_dma source(%dma_start3A_576 : memref<256xi32, #tpu.memory_space<hbm>>) target(%arg6 : memref<256xi32, #tpu.memory_space<vmem>>) target_semaphore(%run_scoped3A : memref<!tpu.dma_semaphore, #tpu.memory_space<semaphore_mem>>)
      %dma_wait3A_577 = tpu.memref_slice %arg3[%add3A_41] : memref<262144xi32, #tpu.memory_space<hbm>> -> memref<256xi32, #tpu.memory_space<hbm>>
      %dma_wait3A_578 = tpu.memref_slice %arg3[%add3A_41] : memref<262144xi32, #tpu.memory_space<hbm>> -> memref<256xi32, #tpu.memory_space<hbm>>
      tpu.wait_dma2 semaphore(%run_scoped3A : memref<!tpu.dma_semaphore, #tpu.memory_space<semaphore_mem>>) src(%dma_wait3A_578 : memref<256xi32, #tpu.memory_space<hbm>>) dst(%arg6 : memref<256xi32, #tpu.memory_space<vmem>>)
      tpu.yield
    }) : () -> ()
    %dma_start3A_42 = arith.constant 0 : i32
    %dma_start3A_43 = arith.constant 0 : i32
    %dma_start3A_44 = tpu.memref_slice %arg2[%dma_start3A_42, %dma_start3A_43] : memref<4096x128xf32, #tpu.memory_space<hbm>> -> memref<4096x128xf32, #tpu.memory_space<hbm>>
    tpu.enqueue_indirect_dma source(%dma_start3A_44 : memref<4096x128xf32, #tpu.memory_space<hbm>>) target(%arg8 : memref<256x128xf32, #tpu.memory_space<vmem>>) offsets(%arg6 : memref<256xi32, #tpu.memory_space<vmem>>) semaphore(%arg10 : memref<!tpu.dma_semaphore, #tpu.memory_space<semaphore_mem>>)
    %dma_wait3A_45 = arith.constant 0 : i32
    %dma_wait3A_46 = arith.constant 0 : i32
    %dma_wait3A_47 = tpu.memref_slice %arg2[%dma_wait3A_45, %dma_wait3A_46] : memref<4096x128xf32, #tpu.memory_space<hbm>> -> memref<4096x128xf32, #tpu.memory_space<hbm>>
    tpu.wait_indirect_dma semaphore(%arg9 : memref<!tpu.dma_semaphore, #tpu.memory_space<semaphore_mem>>) src(%dma_wait3A_47 : memref<4096x128xf32, #tpu.memory_space<hbm>>) dst(%arg7 : memref<256x128xf32, #tpu.memory_space<vmem>>)
    %add3A_48 = arith.constant 512 : i32
    %add3A_49 = arith.addi %mul3A_2, %add3A_48 : i32
    %dma_start3A_50 = arith.constant 0 : i32
    %dma_start3A_51 = tpu.memref_slice %arg4[%add3A_49, %dma_start3A_50] : memref<262144x128xf32, #tpu.memory_space<hbm>> -> memref<256x128xf32, #tpu.memory_space<hbm>>
    %dma_start3A_52 = arith.constant 0 : i32
    %dma_start3A_53 = tpu.memref_slice %arg4[%add3A_49, %dma_start3A_52] : memref<262144x128xf32, #tpu.memory_space<hbm>> -> memref<256x128xf32, #tpu.memory_space<hbm>>
    tpu.enqueue_dma source(%arg7 : memref<256x128xf32, #tpu.memory_space<vmem>>) target(%dma_start3A_53 : memref<256x128xf32, #tpu.memory_space<hbm>>) target_semaphore(%arg11 : memref<!tpu.dma_semaphore, #tpu.memory_space<semaphore_mem>>)
    %dma_wait3A_54 = arith.constant 0 : i32
    %dma_wait3A_55 = tpu.memref_slice %arg4[%add3A_49, %dma_wait3A_54] : memref<262144x128xf32, #tpu.memory_space<hbm>> -> memref<256x128xf32, #tpu.memory_space<hbm>>
    %dma_wait3A_56 = arith.constant 0 : i32
    %dma_wait3A_57 = tpu.memref_slice %arg4[%add3A_49, %dma_wait3A_56] : memref<262144x128xf32, #tpu.memory_space<hbm>> -> memref<256x128xf32, #tpu.memory_space<hbm>>
    tpu.wait_dma2 semaphore(%arg11 : memref<!tpu.dma_semaphore, #tpu.memory_space<semaphore_mem>>) src(%arg7 : memref<256x128xf32, #tpu.memory_space<vmem>>) dst(%dma_wait3A_57 : memref<256x128xf32, #tpu.memory_space<hbm>>)
    %add3A_58 = arith.constant 1024 : i32
    %add3A_59 = arith.addi %mul3A_2, %add3A_58 : i32
    "tpu.region"() ({
      %run_scoped3A = tpu.sem_alloc : memref<!tpu.dma_semaphore, #tpu.memory_space<semaphore_mem>>
      %dma_start3A_575 = tpu.memref_slice %arg3[%add3A_59] : memref<262144xi32, #tpu.memory_space<hbm>> -> memref<256xi32, #tpu.memory_space<hbm>>
      %dma_start3A_576 = tpu.memref_slice %arg3[%add3A_59] : memref<262144xi32, #tpu.memory_space<hbm>> -> memref<256xi32, #tpu.memory_space<hbm>>
      tpu.enqueue_dma source(%dma_start3A_576 : memref<256xi32, #tpu.memory_space<hbm>>) target(%arg5 : memref<256xi32, #tpu.memory_space<vmem>>) target_semaphore(%run_scoped3A : memref<!tpu.dma_semaphore, #tpu.memory_space<semaphore_mem>>)
      %dma_wait3A_577 = tpu.memref_slice %arg3[%add3A_59] : memref<262144xi32, #tpu.memory_space<hbm>> -> memref<256xi32, #tpu.memory_space<hbm>>
      %dma_wait3A_578 = tpu.memref_slice %arg3[%add3A_59] : memref<262144xi32, #tpu.memory_space<hbm>> -> memref<256xi32, #tpu.memory_space<hbm>>
      tpu.wait_dma2 semaphore(%run_scoped3A : memref<!tpu.dma_semaphore, #tpu.memory_space<semaphore_mem>>) src(%dma_wait3A_578 : memref<256xi32, #tpu.memory_space<hbm>>) dst(%arg5 : memref<256xi32, #tpu.memory_space<vmem>>)
      tpu.yield
    }) : () -> ()
    %dma_start3A_60 = arith.constant 0 : i32
    %dma_start3A_61 = arith.constant 0 : i32
    %dma_start3A_62 = tpu.memref_slice %arg2[%dma_start3A_60, %dma_start3A_61] : memref<4096x128xf32, #tpu.memory_space<hbm>> -> memref<4096x128xf32, #tpu.memory_space<hbm>>
    tpu.enqueue_indirect_dma source(%dma_start3A_62 : memref<4096x128xf32, #tpu.memory_space<hbm>>) target(%arg7 : memref<256x128xf32, #tpu.memory_space<vmem>>) offsets(%arg5 : memref<256xi32, #tpu.memory_space<vmem>>) semaphore(%arg9 : memref<!tpu.dma_semaphore, #tpu.memory_space<semaphore_mem>>)
    %dma_wait3A_63 = arith.constant 0 : i32
    %dma_wait3A_64 = arith.constant 0 : i32
    %dma_wait3A_65 = tpu.memref_slice %arg2[%dma_wait3A_63, %dma_wait3A_64] : memref<4096x128xf32, #tpu.memory_space<hbm>> -> memref<4096x128xf32, #tpu.memory_space<hbm>>
    tpu.wait_indirect_dma semaphore(%arg10 : memref<!tpu.dma_semaphore, #tpu.memory_space<semaphore_mem>>) src(%dma_wait3A_65 : memref<4096x128xf32, #tpu.memory_space<hbm>>) dst(%arg8 : memref<256x128xf32, #tpu.memory_space<vmem>>)
    %add3A_66 = arith.constant 768 : i32
    %add3A_67 = arith.addi %mul3A_2, %add3A_66 : i32
    %dma_start3A_68 = arith.constant 0 : i32
    %dma_start3A_69 = tpu.memref_slice %arg4[%add3A_67, %dma_start3A_68] : memref<262144x128xf32, #tpu.memory_space<hbm>> -> memref<256x128xf32, #tpu.memory_space<hbm>>
    %dma_start3A_70 = arith.constant 0 : i32
    %dma_start3A_71 = tpu.memref_slice %arg4[%add3A_67, %dma_start3A_70] : memref<262144x128xf32, #tpu.memory_space<hbm>> -> memref<256x128xf32, #tpu.memory_space<hbm>>
    tpu.enqueue_dma source(%arg8 : memref<256x128xf32, #tpu.memory_space<vmem>>) target(%dma_start3A_71 : memref<256x128xf32, #tpu.memory_space<hbm>>) target_semaphore(%arg12 : memref<!tpu.dma_semaphore, #tpu.memory_space<semaphore_mem>>)
    %dma_wait3A_72 = arith.constant 0 : i32
    %dma_wait3A_73 = tpu.memref_slice %arg4[%add3A_67, %dma_wait3A_72] : memref<262144x128xf32, #tpu.memory_space<hbm>> -> memref<256x128xf32, #tpu.memory_space<hbm>>
    %dma_wait3A_74 = arith.constant 0 : i32
    %dma_wait3A_75 = tpu.memref_slice %arg4[%add3A_67, %dma_wait3A_74] : memref<262144x128xf32, #tpu.memory_space<hbm>> -> memref<256x128xf32, #tpu.memory_space<hbm>>
    tpu.wait_dma2 semaphore(%arg12 : memref<!tpu.dma_semaphore, #tpu.memory_space<semaphore_mem>>) src(%arg8 : memref<256x128xf32, #tpu.memory_space<vmem>>) dst(%dma_wait3A_75 : memref<256x128xf32, #tpu.memory_space<hbm>>)
    %add3A_76 = arith.constant 1280 : i32
    %add3A_77 = arith.addi %mul3A_2, %add3A_76 : i32
    "tpu.region"() ({
      %run_scoped3A = tpu.sem_alloc : memref<!tpu.dma_semaphore, #tpu.memory_space<semaphore_mem>>
      %dma_start3A_575 = tpu.memref_slice %arg3[%add3A_77] : memref<262144xi32, #tpu.memory_space<hbm>> -> memref<256xi32, #tpu.memory_space<hbm>>
      %dma_start3A_576 = tpu.memref_slice %arg3[%add3A_77] : memref<262144xi32, #tpu.memory_space<hbm>> -> memref<256xi32, #tpu.memory_space<hbm>>
      tpu.enqueue_dma source(%dma_start3A_576 : memref<256xi32, #tpu.memory_space<hbm>>) target(%arg6 : memref<256xi32, #tpu.memory_space<vmem>>) target_semaphore(%run_scoped3A : memref<!tpu.dma_semaphore, #tpu.memory_space<semaphore_mem>>)
      %dma_wait3A_577 = tpu.memref_slice %arg3[%add3A_77] : memref<262144xi32, #tpu.memory_space<hbm>> -> memref<256xi32, #tpu.memory_space<hbm>>
      %dma_wait3A_578 = tpu.memref_slice %arg3[%add3A_77] : memref<262144xi32, #tpu.memory_space<hbm>> -> memref<256xi32, #tpu.memory_space<hbm>>
      tpu.wait_dma2 semaphore(%run_scoped3A : memref<!tpu.dma_semaphore, #tpu.memory_space<semaphore_mem>>) src(%dma_wait3A_578 : memref<256xi32, #tpu.memory_space<hbm>>) dst(%arg6 : memref<256xi32, #tpu.memory_space<vmem>>)
      tpu.yield
    }) : () -> ()
    %dma_start3A_78 = arith.constant 0 : i32
    %dma_start3A_79 = arith.constant 0 : i32
    %dma_start3A_80 = tpu.memref_slice %arg2[%dma_start3A_78, %dma_start3A_79] : memref<4096x128xf32, #tpu.memory_space<hbm>> -> memref<4096x128xf32, #tpu.memory_space<hbm>>
    tpu.enqueue_indirect_dma source(%dma_start3A_80 : memref<4096x128xf32, #tpu.memory_space<hbm>>) target(%arg8 : memref<256x128xf32, #tpu.memory_space<vmem>>) offsets(%arg6 : memref<256xi32, #tpu.memory_space<vmem>>) semaphore(%arg10 : memref<!tpu.dma_semaphore, #tpu.memory_space<semaphore_mem>>)
    %dma_wait3A_81 = arith.constant 0 : i32
    %dma_wait3A_82 = arith.constant 0 : i32
    %dma_wait3A_83 = tpu.memref_slice %arg2[%dma_wait3A_81, %dma_wait3A_82] : memref<4096x128xf32, #tpu.memory_space<hbm>> -> memref<4096x128xf32, #tpu.memory_space<hbm>>
    tpu.wait_indirect_dma semaphore(%arg9 : memref<!tpu.dma_semaphore, #tpu.memory_space<semaphore_mem>>) src(%dma_wait3A_83 : memref<4096x128xf32, #tpu.memory_space<hbm>>) dst(%arg7 : memref<256x128xf32, #tpu.memory_space<vmem>>)
    %add3A_84 = arith.constant 1024 : i32
    %add3A_85 = arith.addi %mul3A_2, %add3A_84 : i32
    %dma_start3A_86 = arith.constant 0 : i32
    %dma_start3A_87 = tpu.memref_slice %arg4[%add3A_85, %dma_start3A_86] : memref<262144x128xf32, #tpu.memory_space<hbm>> -> memref<256x128xf32, #tpu.memory_space<hbm>>
    %dma_start3A_88 = arith.constant 0 : i32
    %dma_start3A_89 = tpu.memref_slice %arg4[%add3A_85, %dma_start3A_88] : memref<262144x128xf32, #tpu.memory_space<hbm>> -> memref<256x128xf32, #tpu.memory_space<hbm>>
    tpu.enqueue_dma source(%arg7 : memref<256x128xf32, #tpu.memory_space<vmem>>) target(%dma_start3A_89 : memref<256x128xf32, #tpu.memory_space<hbm>>) target_semaphore(%arg11 : memref<!tpu.dma_semaphore, #tpu.memory_space<semaphore_mem>>)
    %dma_wait3A_90 = arith.constant 0 : i32
    %dma_wait3A_91 = tpu.memref_slice %arg4[%add3A_85, %dma_wait3A_90] : memref<262144x128xf32, #tpu.memory_space<hbm>> -> memref<256x128xf32, #tpu.memory_space<hbm>>
    %dma_wait3A_92 = arith.constant 0 : i32
    %dma_wait3A_93 = tpu.memref_slice %arg4[%add3A_85, %dma_wait3A_92] : memref<262144x128xf32, #tpu.memory_space<hbm>> -> memref<256x128xf32, #tpu.memory_space<hbm>>
    tpu.wait_dma2 semaphore(%arg11 : memref<!tpu.dma_semaphore, #tpu.memory_space<semaphore_mem>>) src(%arg7 : memref<256x128xf32, #tpu.memory_space<vmem>>) dst(%dma_wait3A_93 : memref<256x128xf32, #tpu.memory_space<hbm>>)
    %add3A_94 = arith.constant 1536 : i32
    %add3A_95 = arith.addi %mul3A_2, %add3A_94 : i32
    "tpu.region"() ({
      %run_scoped3A = tpu.sem_alloc : memref<!tpu.dma_semaphore, #tpu.memory_space<semaphore_mem>>
      %dma_start3A_575 = tpu.memref_slice %arg3[%add3A_95] : memref<262144xi32, #tpu.memory_space<hbm>> -> memref<256xi32, #tpu.memory_space<hbm>>
      %dma_start3A_576 = tpu.memref_slice %arg3[%add3A_95] : memref<262144xi32, #tpu.memory_space<hbm>> -> memref<256xi32, #tpu.memory_space<hbm>>
      tpu.enqueue_dma source(%dma_start3A_576 : memref<256xi32, #tpu.memory_space<hbm>>) target(%arg5 : memref<256xi32, #tpu.memory_space<vmem>>) target_semaphore(%run_scoped3A : memref<!tpu.dma_semaphore, #tpu.memory_space<semaphore_mem>>)
      %dma_wait3A_577 = tpu.memref_slice %arg3[%add3A_95] : memref<262144xi32, #tpu.memory_space<hbm>> -> memref<256xi32, #tpu.memory_space<hbm>>
      %dma_wait3A_578 = tpu.memref_slice %arg3[%add3A_95] : memref<262144xi32, #tpu.memory_space<hbm>> -> memref<256xi32, #tpu.memory_space<hbm>>
      tpu.wait_dma2 semaphore(%run_scoped3A : memref<!tpu.dma_semaphore, #tpu.memory_space<semaphore_mem>>) src(%dma_wait3A_578 : memref<256xi32, #tpu.memory_space<hbm>>) dst(%arg5 : memref<256xi32, #tpu.memory_space<vmem>>)
      tpu.yield
    }) : () -> ()
    %dma_start3A_96 = arith.constant 0 : i32
    %dma_start3A_97 = arith.constant 0 : i32
    %dma_start3A_98 = tpu.memref_slice %arg2[%dma_start3A_96, %dma_start3A_97] : memref<4096x128xf32, #tpu.memory_space<hbm>> -> memref<4096x128xf32, #tpu.memory_space<hbm>>
    tpu.enqueue_indirect_dma source(%dma_start3A_98 : memref<4096x128xf32, #tpu.memory_space<hbm>>) target(%arg7 : memref<256x128xf32, #tpu.memory_space<vmem>>) offsets(%arg5 : memref<256xi32, #tpu.memory_space<vmem>>) semaphore(%arg9 : memref<!tpu.dma_semaphore, #tpu.memory_space<semaphore_mem>>)
    %dma_wait3A_99 = arith.constant 0 : i32
    %dma_wait3A_100 = arith.constant 0 : i32
    %dma_wait3A_101 = tpu.memref_slice %arg2[%dma_wait3A_99, %dma_wait3A_100] : memref<4096x128xf32, #tpu.memory_space<hbm>> -> memref<4096x128xf32, #tpu.memory_space<hbm>>
    tpu.wait_indirect_dma semaphore(%arg10 : memref<!tpu.dma_semaphore, #tpu.memory_space<semaphore_mem>>) src(%dma_wait3A_101 : memref<4096x128xf32, #tpu.memory_space<hbm>>) dst(%arg8 : memref<256x128xf32, #tpu.memory_space<vmem>>)
    %add3A_102 = arith.constant 1280 : i32
    %add3A_103 = arith.addi %mul3A_2, %add3A_102 : i32
    %dma_start3A_104 = arith.constant 0 : i32
    %dma_start3A_105 = tpu.memref_slice %arg4[%add3A_103, %dma_start3A_104] : memref<262144x128xf32, #tpu.memory_space<hbm>> -> memref<256x128xf32, #tpu.memory_space<hbm>>
    %dma_start3A_106 = arith.constant 0 : i32
    %dma_start3A_107 = tpu.memref_slice %arg4[%add3A_103, %dma_start3A_106] : memref<262144x128xf32, #tpu.memory_space<hbm>> -> memref<256x128xf32, #tpu.memory_space<hbm>>
    tpu.enqueue_dma source(%arg8 : memref<256x128xf32, #tpu.memory_space<vmem>>) target(%dma_start3A_107 : memref<256x128xf32, #tpu.memory_space<hbm>>) target_semaphore(%arg12 : memref<!tpu.dma_semaphore, #tpu.memory_space<semaphore_mem>>)
    %dma_wait3A_108 = arith.constant 0 : i32
    %dma_wait3A_109 = tpu.memref_slice %arg4[%add3A_103, %dma_wait3A_108] : memref<262144x128xf32, #tpu.memory_space<hbm>> -> memref<256x128xf32, #tpu.memory_space<hbm>>
    %dma_wait3A_110 = arith.constant 0 : i32
    %dma_wait3A_111 = tpu.memref_slice %arg4[%add3A_103, %dma_wait3A_110] : memref<262144x128xf32, #tpu.memory_space<hbm>> -> memref<256x128xf32, #tpu.memory_space<hbm>>
    tpu.wait_dma2 semaphore(%arg12 : memref<!tpu.dma_semaphore, #tpu.memory_space<semaphore_mem>>) src(%arg8 : memref<256x128xf32, #tpu.memory_space<vmem>>) dst(%dma_wait3A_111 : memref<256x128xf32, #tpu.memory_space<hbm>>)
    %add3A_112 = arith.constant 1792 : i32
    %add3A_113 = arith.addi %mul3A_2, %add3A_112 : i32
    "tpu.region"() ({
      %run_scoped3A = tpu.sem_alloc : memref<!tpu.dma_semaphore, #tpu.memory_space<semaphore_mem>>
      %dma_start3A_575 = tpu.memref_slice %arg3[%add3A_113] : memref<262144xi32, #tpu.memory_space<hbm>> -> memref<256xi32, #tpu.memory_space<hbm>>
      %dma_start3A_576 = tpu.memref_slice %arg3[%add3A_113] : memref<262144xi32, #tpu.memory_space<hbm>> -> memref<256xi32, #tpu.memory_space<hbm>>
      tpu.enqueue_dma source(%dma_start3A_576 : memref<256xi32, #tpu.memory_space<hbm>>) target(%arg6 : memref<256xi32, #tpu.memory_space<vmem>>) target_semaphore(%run_scoped3A : memref<!tpu.dma_semaphore, #tpu.memory_space<semaphore_mem>>)
      %dma_wait3A_577 = tpu.memref_slice %arg3[%add3A_113] : memref<262144xi32, #tpu.memory_space<hbm>> -> memref<256xi32, #tpu.memory_space<hbm>>
      %dma_wait3A_578 = tpu.memref_slice %arg3[%add3A_113] : memref<262144xi32, #tpu.memory_space<hbm>> -> memref<256xi32, #tpu.memory_space<hbm>>
      tpu.wait_dma2 semaphore(%run_scoped3A : memref<!tpu.dma_semaphore, #tpu.memory_space<semaphore_mem>>) src(%dma_wait3A_578 : memref<256xi32, #tpu.memory_space<hbm>>) dst(%arg6 : memref<256xi32, #tpu.memory_space<vmem>>)
      tpu.yield
    }) : () -> ()
    %dma_start3A_114 = arith.constant 0 : i32
    %dma_start3A_115 = arith.constant 0 : i32
    %dma_start3A_116 = tpu.memref_slice %arg2[%dma_start3A_114, %dma_start3A_115] : memref<4096x128xf32, #tpu.memory_space<hbm>> -> memref<4096x128xf32, #tpu.memory_space<hbm>>
    tpu.enqueue_indirect_dma source(%dma_start3A_116 : memref<4096x128xf32, #tpu.memory_space<hbm>>) target(%arg8 : memref<256x128xf32, #tpu.memory_space<vmem>>) offsets(%arg6 : memref<256xi32, #tpu.memory_space<vmem>>) semaphore(%arg10 : memref<!tpu.dma_semaphore, #tpu.memory_space<semaphore_mem>>)
    %dma_wait3A_117 = arith.constant 0 : i32
    %dma_wait3A_118 = arith.constant 0 : i32
    %dma_wait3A_119 = tpu.memref_slice %arg2[%dma_wait3A_117, %dma_wait3A_118] : memref<4096x128xf32, #tpu.memory_space<hbm>> -> memref<4096x128xf32, #tpu.memory_space<hbm>>
    tpu.wait_indirect_dma semaphore(%arg9 : memref<!tpu.dma_semaphore, #tpu.memory_space<semaphore_mem>>) src(%dma_wait3A_119 : memref<4096x128xf32, #tpu.memory_space<hbm>>) dst(%arg7 : memref<256x128xf32, #tpu.memory_space<vmem>>)
    %add3A_120 = arith.constant 1536 : i32
    %add3A_121 = arith.addi %mul3A_2, %add3A_120 : i32
    %dma_start3A_122 = arith.constant 0 : i32
    %dma_start3A_123 = tpu.memref_slice %arg4[%add3A_121, %dma_start3A_122] : memref<262144x128xf32, #tpu.memory_space<hbm>> -> memref<256x128xf32, #tpu.memory_space<hbm>>
    %dma_start3A_124 = arith.constant 0 : i32
    %dma_start3A_125 = tpu.memref_slice %arg4[%add3A_121, %dma_start3A_124] : memref<262144x128xf32, #tpu.memory_space<hbm>> -> memref<256x128xf32, #tpu.memory_space<hbm>>
    tpu.enqueue_dma source(%arg7 : memref<256x128xf32, #tpu.memory_space<vmem>>) target(%dma_start3A_125 : memref<256x128xf32, #tpu.memory_space<hbm>>) target_semaphore(%arg11 : memref<!tpu.dma_semaphore, #tpu.memory_space<semaphore_mem>>)
    %dma_wait3A_126 = arith.constant 0 : i32
    %dma_wait3A_127 = tpu.memref_slice %arg4[%add3A_121, %dma_wait3A_126] : memref<262144x128xf32, #tpu.memory_space<hbm>> -> memref<256x128xf32, #tpu.memory_space<hbm>>
    %dma_wait3A_128 = arith.constant 0 : i32
    %dma_wait3A_129 = tpu.memref_slice %arg4[%add3A_121, %dma_wait3A_128] : memref<262144x128xf32, #tpu.memory_space<hbm>> -> memref<256x128xf32, #tpu.memory_space<hbm>>
    tpu.wait_dma2 semaphore(%arg11 : memref<!tpu.dma_semaphore, #tpu.memory_space<semaphore_mem>>) src(%arg7 : memref<256x128xf32, #tpu.memory_space<vmem>>) dst(%dma_wait3A_129 : memref<256x128xf32, #tpu.memory_space<hbm>>)
    %add3A_130 = arith.constant 2048 : i32
    %add3A_131 = arith.addi %mul3A_2, %add3A_130 : i32
    "tpu.region"() ({
      %run_scoped3A = tpu.sem_alloc : memref<!tpu.dma_semaphore, #tpu.memory_space<semaphore_mem>>
      %dma_start3A_575 = tpu.memref_slice %arg3[%add3A_131] : memref<262144xi32, #tpu.memory_space<hbm>> -> memref<256xi32, #tpu.memory_space<hbm>>
      %dma_start3A_576 = tpu.memref_slice %arg3[%add3A_131] : memref<262144xi32, #tpu.memory_space<hbm>> -> memref<256xi32, #tpu.memory_space<hbm>>
      tpu.enqueue_dma source(%dma_start3A_576 : memref<256xi32, #tpu.memory_space<hbm>>) target(%arg5 : memref<256xi32, #tpu.memory_space<vmem>>) target_semaphore(%run_scoped3A : memref<!tpu.dma_semaphore, #tpu.memory_space<semaphore_mem>>)
      %dma_wait3A_577 = tpu.memref_slice %arg3[%add3A_131] : memref<262144xi32, #tpu.memory_space<hbm>> -> memref<256xi32, #tpu.memory_space<hbm>>
      %dma_wait3A_578 = tpu.memref_slice %arg3[%add3A_131] : memref<262144xi32, #tpu.memory_space<hbm>> -> memref<256xi32, #tpu.memory_space<hbm>>
      tpu.wait_dma2 semaphore(%run_scoped3A : memref<!tpu.dma_semaphore, #tpu.memory_space<semaphore_mem>>) src(%dma_wait3A_578 : memref<256xi32, #tpu.memory_space<hbm>>) dst(%arg5 : memref<256xi32, #tpu.memory_space<vmem>>)
      tpu.yield
    }) : () -> ()
    %dma_start3A_132 = arith.constant 0 : i32
    %dma_start3A_133 = arith.constant 0 : i32
    %dma_start3A_134 = tpu.memref_slice %arg2[%dma_start3A_132, %dma_start3A_133] : memref<4096x128xf32, #tpu.memory_space<hbm>> -> memref<4096x128xf32, #tpu.memory_space<hbm>>
    tpu.enqueue_indirect_dma source(%dma_start3A_134 : memref<4096x128xf32, #tpu.memory_space<hbm>>) target(%arg7 : memref<256x128xf32, #tpu.memory_space<vmem>>) offsets(%arg5 : memref<256xi32, #tpu.memory_space<vmem>>) semaphore(%arg9 : memref<!tpu.dma_semaphore, #tpu.memory_space<semaphore_mem>>)
    %dma_wait3A_135 = arith.constant 0 : i32
    %dma_wait3A_136 = arith.constant 0 : i32
    %dma_wait3A_137 = tpu.memref_slice %arg2[%dma_wait3A_135, %dma_wait3A_136] : memref<4096x128xf32, #tpu.memory_space<hbm>> -> memref<4096x128xf32, #tpu.memory_space<hbm>>
    tpu.wait_indirect_dma semaphore(%arg10 : memref<!tpu.dma_semaphore, #tpu.memory_space<semaphore_mem>>) src(%dma_wait3A_137 : memref<4096x128xf32, #tpu.memory_space<hbm>>) dst(%arg8 : memref<256x128xf32, #tpu.memory_space<vmem>>)
    %add3A_138 = arith.constant 1792 : i32
    %add3A_139 = arith.addi %mul3A_2, %add3A_138 : i32
    %dma_start3A_140 = arith.constant 0 : i32
    %dma_start3A_141 = tpu.memref_slice %arg4[%add3A_139, %dma_start3A_140] : memref<262144x128xf32, #tpu.memory_space<hbm>> -> memref<256x128xf32, #tpu.memory_space<hbm>>
    %dma_start3A_142 = arith.constant 0 : i32
    %dma_start3A_143 = tpu.memref_slice %arg4[%add3A_139, %dma_start3A_142] : memref<262144x128xf32, #tpu.memory_space<hbm>> -> memref<256x128xf32, #tpu.memory_space<hbm>>
    tpu.enqueue_dma source(%arg8 : memref<256x128xf32, #tpu.memory_space<vmem>>) target(%dma_start3A_143 : memref<256x128xf32, #tpu.memory_space<hbm>>) target_semaphore(%arg12 : memref<!tpu.dma_semaphore, #tpu.memory_space<semaphore_mem>>)
    %dma_wait3A_144 = arith.constant 0 : i32
    %dma_wait3A_145 = tpu.memref_slice %arg4[%add3A_139, %dma_wait3A_144] : memref<262144x128xf32, #tpu.memory_space<hbm>> -> memref<256x128xf32, #tpu.memory_space<hbm>>
    %dma_wait3A_146 = arith.constant 0 : i32
    %dma_wait3A_147 = tpu.memref_slice %arg4[%add3A_139, %dma_wait3A_146] : memref<262144x128xf32, #tpu.memory_space<hbm>> -> memref<256x128xf32, #tpu.memory_space<hbm>>
    tpu.wait_dma2 semaphore(%arg12 : memref<!tpu.dma_semaphore, #tpu.memory_space<semaphore_mem>>) src(%arg8 : memref<256x128xf32, #tpu.memory_space<vmem>>) dst(%dma_wait3A_147 : memref<256x128xf32, #tpu.memory_space<hbm>>)
    %add3A_148 = arith.constant 2304 : i32
    %add3A_149 = arith.addi %mul3A_2, %add3A_148 : i32
    "tpu.region"() ({
      %run_scoped3A = tpu.sem_alloc : memref<!tpu.dma_semaphore, #tpu.memory_space<semaphore_mem>>
      %dma_start3A_575 = tpu.memref_slice %arg3[%add3A_149] : memref<262144xi32, #tpu.memory_space<hbm>> -> memref<256xi32, #tpu.memory_space<hbm>>
      %dma_start3A_576 = tpu.memref_slice %arg3[%add3A_149] : memref<262144xi32, #tpu.memory_space<hbm>> -> memref<256xi32, #tpu.memory_space<hbm>>
      tpu.enqueue_dma source(%dma_start3A_576 : memref<256xi32, #tpu.memory_space<hbm>>) target(%arg6 : memref<256xi32, #tpu.memory_space<vmem>>) target_semaphore(%run_scoped3A : memref<!tpu.dma_semaphore, #tpu.memory_space<semaphore_mem>>)
      %dma_wait3A_577 = tpu.memref_slice %arg3[%add3A_149] : memref<262144xi32, #tpu.memory_space<hbm>> -> memref<256xi32, #tpu.memory_space<hbm>>
      %dma_wait3A_578 = tpu.memref_slice %arg3[%add3A_149] : memref<262144xi32, #tpu.memory_space<hbm>> -> memref<256xi32, #tpu.memory_space<hbm>>
      tpu.wait_dma2 semaphore(%run_scoped3A : memref<!tpu.dma_semaphore, #tpu.memory_space<semaphore_mem>>) src(%dma_wait3A_578 : memref<256xi32, #tpu.memory_space<hbm>>) dst(%arg6 : memref<256xi32, #tpu.memory_space<vmem>>)
      tpu.yield
    }) : () -> ()
    %dma_start3A_150 = arith.constant 0 : i32
    %dma_start3A_151 = arith.constant 0 : i32
    %dma_start3A_152 = tpu.memref_slice %arg2[%dma_start3A_150, %dma_start3A_151] : memref<4096x128xf32, #tpu.memory_space<hbm>> -> memref<4096x128xf32, #tpu.memory_space<hbm>>
    tpu.enqueue_indirect_dma source(%dma_start3A_152 : memref<4096x128xf32, #tpu.memory_space<hbm>>) target(%arg8 : memref<256x128xf32, #tpu.memory_space<vmem>>) offsets(%arg6 : memref<256xi32, #tpu.memory_space<vmem>>) semaphore(%arg10 : memref<!tpu.dma_semaphore, #tpu.memory_space<semaphore_mem>>)
    %dma_wait3A_153 = arith.constant 0 : i32
    %dma_wait3A_154 = arith.constant 0 : i32
    %dma_wait3A_155 = tpu.memref_slice %arg2[%dma_wait3A_153, %dma_wait3A_154] : memref<4096x128xf32, #tpu.memory_space<hbm>> -> memref<4096x128xf32, #tpu.memory_space<hbm>>
    tpu.wait_indirect_dma semaphore(%arg9 : memref<!tpu.dma_semaphore, #tpu.memory_space<semaphore_mem>>) src(%dma_wait3A_155 : memref<4096x128xf32, #tpu.memory_space<hbm>>) dst(%arg7 : memref<256x128xf32, #tpu.memory_space<vmem>>)
    %add3A_156 = arith.constant 2048 : i32
    %add3A_157 = arith.addi %mul3A_2, %add3A_156 : i32
    %dma_start3A_158 = arith.constant 0 : i32
    %dma_start3A_159 = tpu.memref_slice %arg4[%add3A_157, %dma_start3A_158] : memref<262144x128xf32, #tpu.memory_space<hbm>> -> memref<256x128xf32, #tpu.memory_space<hbm>>
    %dma_start3A_160 = arith.constant 0 : i32
    %dma_start3A_161 = tpu.memref_slice %arg4[%add3A_157, %dma_start3A_160] : memref<262144x128xf32, #tpu.memory_space<hbm>> -> memref<256x128xf32, #tpu.memory_space<hbm>>
    tpu.enqueue_dma source(%arg7 : memref<256x128xf32, #tpu.memory_space<vmem>>) target(%dma_start3A_161 : memref<256x128xf32, #tpu.memory_space<hbm>>) target_semaphore(%arg11 : memref<!tpu.dma_semaphore, #tpu.memory_space<semaphore_mem>>)
    %dma_wait3A_162 = arith.constant 0 : i32
    %dma_wait3A_163 = tpu.memref_slice %arg4[%add3A_157, %dma_wait3A_162] : memref<262144x128xf32, #tpu.memory_space<hbm>> -> memref<256x128xf32, #tpu.memory_space<hbm>>
    %dma_wait3A_164 = arith.constant 0 : i32
    %dma_wait3A_165 = tpu.memref_slice %arg4[%add3A_157, %dma_wait3A_164] : memref<262144x128xf32, #tpu.memory_space<hbm>> -> memref<256x128xf32, #tpu.memory_space<hbm>>
    tpu.wait_dma2 semaphore(%arg11 : memref<!tpu.dma_semaphore, #tpu.memory_space<semaphore_mem>>) src(%arg7 : memref<256x128xf32, #tpu.memory_space<vmem>>) dst(%dma_wait3A_165 : memref<256x128xf32, #tpu.memory_space<hbm>>)
    %add3A_166 = arith.constant 2560 : i32
    %add3A_167 = arith.addi %mul3A_2, %add3A_166 : i32
    "tpu.region"() ({
      %run_scoped3A = tpu.sem_alloc : memref<!tpu.dma_semaphore, #tpu.memory_space<semaphore_mem>>
      %dma_start3A_575 = tpu.memref_slice %arg3[%add3A_167] : memref<262144xi32, #tpu.memory_space<hbm>> -> memref<256xi32, #tpu.memory_space<hbm>>
      %dma_start3A_576 = tpu.memref_slice %arg3[%add3A_167] : memref<262144xi32, #tpu.memory_space<hbm>> -> memref<256xi32, #tpu.memory_space<hbm>>
      tpu.enqueue_dma source(%dma_start3A_576 : memref<256xi32, #tpu.memory_space<hbm>>) target(%arg5 : memref<256xi32, #tpu.memory_space<vmem>>) target_semaphore(%run_scoped3A : memref<!tpu.dma_semaphore, #tpu.memory_space<semaphore_mem>>)
      %dma_wait3A_577 = tpu.memref_slice %arg3[%add3A_167] : memref<262144xi32, #tpu.memory_space<hbm>> -> memref<256xi32, #tpu.memory_space<hbm>>
      %dma_wait3A_578 = tpu.memref_slice %arg3[%add3A_167] : memref<262144xi32, #tpu.memory_space<hbm>> -> memref<256xi32, #tpu.memory_space<hbm>>
      tpu.wait_dma2 semaphore(%run_scoped3A : memref<!tpu.dma_semaphore, #tpu.memory_space<semaphore_mem>>) src(%dma_wait3A_578 : memref<256xi32, #tpu.memory_space<hbm>>) dst(%arg5 : memref<256xi32, #tpu.memory_space<vmem>>)
      tpu.yield
    }) : () -> ()
    %dma_start3A_168 = arith.constant 0 : i32
    %dma_start3A_169 = arith.constant 0 : i32
    %dma_start3A_170 = tpu.memref_slice %arg2[%dma_start3A_168, %dma_start3A_169] : memref<4096x128xf32, #tpu.memory_space<hbm>> -> memref<4096x128xf32, #tpu.memory_space<hbm>>
    tpu.enqueue_indirect_dma source(%dma_start3A_170 : memref<4096x128xf32, #tpu.memory_space<hbm>>) target(%arg7 : memref<256x128xf32, #tpu.memory_space<vmem>>) offsets(%arg5 : memref<256xi32, #tpu.memory_space<vmem>>) semaphore(%arg9 : memref<!tpu.dma_semaphore, #tpu.memory_space<semaphore_mem>>)
    %dma_wait3A_171 = arith.constant 0 : i32
    %dma_wait3A_172 = arith.constant 0 : i32
    %dma_wait3A_173 = tpu.memref_slice %arg2[%dma_wait3A_171, %dma_wait3A_172] : memref<4096x128xf32, #tpu.memory_space<hbm>> -> memref<4096x128xf32, #tpu.memory_space<hbm>>
    tpu.wait_indirect_dma semaphore(%arg10 : memref<!tpu.dma_semaphore, #tpu.memory_space<semaphore_mem>>) src(%dma_wait3A_173 : memref<4096x128xf32, #tpu.memory_space<hbm>>) dst(%arg8 : memref<256x128xf32, #tpu.memory_space<vmem>>)
    %add3A_174 = arith.constant 2304 : i32
    %add3A_175 = arith.addi %mul3A_2, %add3A_174 : i32
    %dma_start3A_176 = arith.constant 0 : i32
    %dma_start3A_177 = tpu.memref_slice %arg4[%add3A_175, %dma_start3A_176] : memref<262144x128xf32, #tpu.memory_space<hbm>> -> memref<256x128xf32, #tpu.memory_space<hbm>>
    %dma_start3A_178 = arith.constant 0 : i32
    %dma_start3A_179 = tpu.memref_slice %arg4[%add3A_175, %dma_start3A_178] : memref<262144x128xf32, #tpu.memory_space<hbm>> -> memref<256x128xf32, #tpu.memory_space<hbm>>
    tpu.enqueue_dma source(%arg8 : memref<256x128xf32, #tpu.memory_space<vmem>>) target(%dma_start3A_179 : memref<256x128xf32, #tpu.memory_space<hbm>>) target_semaphore(%arg12 : memref<!tpu.dma_semaphore, #tpu.memory_space<semaphore_mem>>)
    %dma_wait3A_180 = arith.constant 0 : i32
    %dma_wait3A_181 = tpu.memref_slice %arg4[%add3A_175, %dma_wait3A_180] : memref<262144x128xf32, #tpu.memory_space<hbm>> -> memref<256x128xf32, #tpu.memory_space<hbm>>
    %dma_wait3A_182 = arith.constant 0 : i32
    %dma_wait3A_183 = tpu.memref_slice %arg4[%add3A_175, %dma_wait3A_182] : memref<262144x128xf32, #tpu.memory_space<hbm>> -> memref<256x128xf32, #tpu.memory_space<hbm>>
    tpu.wait_dma2 semaphore(%arg12 : memref<!tpu.dma_semaphore, #tpu.memory_space<semaphore_mem>>) src(%arg8 : memref<256x128xf32, #tpu.memory_space<vmem>>) dst(%dma_wait3A_183 : memref<256x128xf32, #tpu.memory_space<hbm>>)
    %add3A_184 = arith.constant 2816 : i32
    %add3A_185 = arith.addi %mul3A_2, %add3A_184 : i32
    "tpu.region"() ({
      %run_scoped3A = tpu.sem_alloc : memref<!tpu.dma_semaphore, #tpu.memory_space<semaphore_mem>>
      %dma_start3A_575 = tpu.memref_slice %arg3[%add3A_185] : memref<262144xi32, #tpu.memory_space<hbm>> -> memref<256xi32, #tpu.memory_space<hbm>>
      %dma_start3A_576 = tpu.memref_slice %arg3[%add3A_185] : memref<262144xi32, #tpu.memory_space<hbm>> -> memref<256xi32, #tpu.memory_space<hbm>>
      tpu.enqueue_dma source(%dma_start3A_576 : memref<256xi32, #tpu.memory_space<hbm>>) target(%arg6 : memref<256xi32, #tpu.memory_space<vmem>>) target_semaphore(%run_scoped3A : memref<!tpu.dma_semaphore, #tpu.memory_space<semaphore_mem>>)
      %dma_wait3A_577 = tpu.memref_slice %arg3[%add3A_185] : memref<262144xi32, #tpu.memory_space<hbm>> -> memref<256xi32, #tpu.memory_space<hbm>>
      %dma_wait3A_578 = tpu.memref_slice %arg3[%add3A_185] : memref<262144xi32, #tpu.memory_space<hbm>> -> memref<256xi32, #tpu.memory_space<hbm>>
      tpu.wait_dma2 semaphore(%run_scoped3A : memref<!tpu.dma_semaphore, #tpu.memory_space<semaphore_mem>>) src(%dma_wait3A_578 : memref<256xi32, #tpu.memory_space<hbm>>) dst(%arg6 : memref<256xi32, #tpu.memory_space<vmem>>)
      tpu.yield
    }) : () -> ()
    %dma_start3A_186 = arith.constant 0 : i32
    %dma_start3A_187 = arith.constant 0 : i32
    %dma_start3A_188 = tpu.memref_slice %arg2[%dma_start3A_186, %dma_start3A_187] : memref<4096x128xf32, #tpu.memory_space<hbm>> -> memref<4096x128xf32, #tpu.memory_space<hbm>>
    tpu.enqueue_indirect_dma source(%dma_start3A_188 : memref<4096x128xf32, #tpu.memory_space<hbm>>) target(%arg8 : memref<256x128xf32, #tpu.memory_space<vmem>>) offsets(%arg6 : memref<256xi32, #tpu.memory_space<vmem>>) semaphore(%arg10 : memref<!tpu.dma_semaphore, #tpu.memory_space<semaphore_mem>>)
    %dma_wait3A_189 = arith.constant 0 : i32
    %dma_wait3A_190 = arith.constant 0 : i32
    %dma_wait3A_191 = tpu.memref_slice %arg2[%dma_wait3A_189, %dma_wait3A_190] : memref<4096x128xf32, #tpu.memory_space<hbm>> -> memref<4096x128xf32, #tpu.memory_space<hbm>>
    tpu.wait_indirect_dma semaphore(%arg9 : memref<!tpu.dma_semaphore, #tpu.memory_space<semaphore_mem>>) src(%dma_wait3A_191 : memref<4096x128xf32, #tpu.memory_space<hbm>>) dst(%arg7 : memref<256x128xf32, #tpu.memory_space<vmem>>)
    %add3A_192 = arith.constant 2560 : i32
    %add3A_193 = arith.addi %mul3A_2, %add3A_192 : i32
    %dma_start3A_194 = arith.constant 0 : i32
    %dma_start3A_195 = tpu.memref_slice %arg4[%add3A_193, %dma_start3A_194] : memref<262144x128xf32, #tpu.memory_space<hbm>> -> memref<256x128xf32, #tpu.memory_space<hbm>>
    %dma_start3A_196 = arith.constant 0 : i32
    %dma_start3A_197 = tpu.memref_slice %arg4[%add3A_193, %dma_start3A_196] : memref<262144x128xf32, #tpu.memory_space<hbm>> -> memref<256x128xf32, #tpu.memory_space<hbm>>
    tpu.enqueue_dma source(%arg7 : memref<256x128xf32, #tpu.memory_space<vmem>>) target(%dma_start3A_197 : memref<256x128xf32, #tpu.memory_space<hbm>>) target_semaphore(%arg11 : memref<!tpu.dma_semaphore, #tpu.memory_space<semaphore_mem>>)
    %dma_wait3A_198 = arith.constant 0 : i32
    %dma_wait3A_199 = tpu.memref_slice %arg4[%add3A_193, %dma_wait3A_198] : memref<262144x128xf32, #tpu.memory_space<hbm>> -> memref<256x128xf32, #tpu.memory_space<hbm>>
    %dma_wait3A_200 = arith.constant 0 : i32
    %dma_wait3A_201 = tpu.memref_slice %arg4[%add3A_193, %dma_wait3A_200] : memref<262144x128xf32, #tpu.memory_space<hbm>> -> memref<256x128xf32, #tpu.memory_space<hbm>>
    tpu.wait_dma2 semaphore(%arg11 : memref<!tpu.dma_semaphore, #tpu.memory_space<semaphore_mem>>) src(%arg7 : memref<256x128xf32, #tpu.memory_space<vmem>>) dst(%dma_wait3A_201 : memref<256x128xf32, #tpu.memory_space<hbm>>)
    %add3A_202 = arith.constant 3072 : i32
    %add3A_203 = arith.addi %mul3A_2, %add3A_202 : i32
    "tpu.region"() ({
      %run_scoped3A = tpu.sem_alloc : memref<!tpu.dma_semaphore, #tpu.memory_space<semaphore_mem>>
      %dma_start3A_575 = tpu.memref_slice %arg3[%add3A_203] : memref<262144xi32, #tpu.memory_space<hbm>> -> memref<256xi32, #tpu.memory_space<hbm>>
      %dma_start3A_576 = tpu.memref_slice %arg3[%add3A_203] : memref<262144xi32, #tpu.memory_space<hbm>> -> memref<256xi32, #tpu.memory_space<hbm>>
      tpu.enqueue_dma source(%dma_start3A_576 : memref<256xi32, #tpu.memory_space<hbm>>) target(%arg5 : memref<256xi32, #tpu.memory_space<vmem>>) target_semaphore(%run_scoped3A : memref<!tpu.dma_semaphore, #tpu.memory_space<semaphore_mem>>)
      %dma_wait3A_577 = tpu.memref_slice %arg3[%add3A_203] : memref<262144xi32, #tpu.memory_space<hbm>> -> memref<256xi32, #tpu.memory_space<hbm>>
      %dma_wait3A_578 = tpu.memref_slice %arg3[%add3A_203] : memref<262144xi32, #tpu.memory_space<hbm>> -> memref<256xi32, #tpu.memory_space<hbm>>
      tpu.wait_dma2 semaphore(%run_scoped3A : memref<!tpu.dma_semaphore, #tpu.memory_space<semaphore_mem>>) src(%dma_wait3A_578 : memref<256xi32, #tpu.memory_space<hbm>>) dst(%arg5 : memref<256xi32, #tpu.memory_space<vmem>>)
      tpu.yield
    }) : () -> ()
    %dma_start3A_204 = arith.constant 0 : i32
    %dma_start3A_205 = arith.constant 0 : i32
    %dma_start3A_206 = tpu.memref_slice %arg2[%dma_start3A_204, %dma_start3A_205] : memref<4096x128xf32, #tpu.memory_space<hbm>> -> memref<4096x128xf32, #tpu.memory_space<hbm>>
    tpu.enqueue_indirect_dma source(%dma_start3A_206 : memref<4096x128xf32, #tpu.memory_space<hbm>>) target(%arg7 : memref<256x128xf32, #tpu.memory_space<vmem>>) offsets(%arg5 : memref<256xi32, #tpu.memory_space<vmem>>) semaphore(%arg9 : memref<!tpu.dma_semaphore, #tpu.memory_space<semaphore_mem>>)
    %dma_wait3A_207 = arith.constant 0 : i32
    %dma_wait3A_208 = arith.constant 0 : i32
    %dma_wait3A_209 = tpu.memref_slice %arg2[%dma_wait3A_207, %dma_wait3A_208] : memref<4096x128xf32, #tpu.memory_space<hbm>> -> memref<4096x128xf32, #tpu.memory_space<hbm>>
    tpu.wait_indirect_dma semaphore(%arg10 : memref<!tpu.dma_semaphore, #tpu.memory_space<semaphore_mem>>) src(%dma_wait3A_209 : memref<4096x128xf32, #tpu.memory_space<hbm>>) dst(%arg8 : memref<256x128xf32, #tpu.memory_space<vmem>>)
    %add3A_210 = arith.constant 2816 : i32
    %add3A_211 = arith.addi %mul3A_2, %add3A_210 : i32
    %dma_start3A_212 = arith.constant 0 : i32
    %dma_start3A_213 = tpu.memref_slice %arg4[%add3A_211, %dma_start3A_212] : memref<262144x128xf32, #tpu.memory_space<hbm>> -> memref<256x128xf32, #tpu.memory_space<hbm>>
    %dma_start3A_214 = arith.constant 0 : i32
    %dma_start3A_215 = tpu.memref_slice %arg4[%add3A_211, %dma_start3A_214] : memref<262144x128xf32, #tpu.memory_space<hbm>> -> memref<256x128xf32, #tpu.memory_space<hbm>>
    tpu.enqueue_dma source(%arg8 : memref<256x128xf32, #tpu.memory_space<vmem>>) target(%dma_start3A_215 : memref<256x128xf32, #tpu.memory_space<hbm>>) target_semaphore(%arg12 : memref<!tpu.dma_semaphore, #tpu.memory_space<semaphore_mem>>)
    %dma_wait3A_216 = arith.constant 0 : i32
    %dma_wait3A_217 = tpu.memref_slice %arg4[%add3A_211, %dma_wait3A_216] : memref<262144x128xf32, #tpu.memory_space<hbm>> -> memref<256x128xf32, #tpu.memory_space<hbm>>
    %dma_wait3A_218 = arith.constant 0 : i32
    %dma_wait3A_219 = tpu.memref_slice %arg4[%add3A_211, %dma_wait3A_218] : memref<262144x128xf32, #tpu.memory_space<hbm>> -> memref<256x128xf32, #tpu.memory_space<hbm>>
    tpu.wait_dma2 semaphore(%arg12 : memref<!tpu.dma_semaphore, #tpu.memory_space<semaphore_mem>>) src(%arg8 : memref<256x128xf32, #tpu.memory_space<vmem>>) dst(%dma_wait3A_219 : memref<256x128xf32, #tpu.memory_space<hbm>>)
    %add3A_220 = arith.constant 3328 : i32
    %add3A_221 = arith.addi %mul3A_2, %add3A_220 : i32
    "tpu.region"() ({
      %run_scoped3A = tpu.sem_alloc : memref<!tpu.dma_semaphore, #tpu.memory_space<semaphore_mem>>
      %dma_start3A_575 = tpu.memref_slice %arg3[%add3A_221] : memref<262144xi32, #tpu.memory_space<hbm>> -> memref<256xi32, #tpu.memory_space<hbm>>
      %dma_start3A_576 = tpu.memref_slice %arg3[%add3A_221] : memref<262144xi32, #tpu.memory_space<hbm>> -> memref<256xi32, #tpu.memory_space<hbm>>
      tpu.enqueue_dma source(%dma_start3A_576 : memref<256xi32, #tpu.memory_space<hbm>>) target(%arg6 : memref<256xi32, #tpu.memory_space<vmem>>) target_semaphore(%run_scoped3A : memref<!tpu.dma_semaphore, #tpu.memory_space<semaphore_mem>>)
      %dma_wait3A_577 = tpu.memref_slice %arg3[%add3A_221] : memref<262144xi32, #tpu.memory_space<hbm>> -> memref<256xi32, #tpu.memory_space<hbm>>
      %dma_wait3A_578 = tpu.memref_slice %arg3[%add3A_221] : memref<262144xi32, #tpu.memory_space<hbm>> -> memref<256xi32, #tpu.memory_space<hbm>>
      tpu.wait_dma2 semaphore(%run_scoped3A : memref<!tpu.dma_semaphore, #tpu.memory_space<semaphore_mem>>) src(%dma_wait3A_578 : memref<256xi32, #tpu.memory_space<hbm>>) dst(%arg6 : memref<256xi32, #tpu.memory_space<vmem>>)
      tpu.yield
    }) : () -> ()
    %dma_start3A_222 = arith.constant 0 : i32
    %dma_start3A_223 = arith.constant 0 : i32
    %dma_start3A_224 = tpu.memref_slice %arg2[%dma_start3A_222, %dma_start3A_223] : memref<4096x128xf32, #tpu.memory_space<hbm>> -> memref<4096x128xf32, #tpu.memory_space<hbm>>
    tpu.enqueue_indirect_dma source(%dma_start3A_224 : memref<4096x128xf32, #tpu.memory_space<hbm>>) target(%arg8 : memref<256x128xf32, #tpu.memory_space<vmem>>) offsets(%arg6 : memref<256xi32, #tpu.memory_space<vmem>>) semaphore(%arg10 : memref<!tpu.dma_semaphore, #tpu.memory_space<semaphore_mem>>)
    %dma_wait3A_225 = arith.constant 0 : i32
    %dma_wait3A_226 = arith.constant 0 : i32
    %dma_wait3A_227 = tpu.memref_slice %arg2[%dma_wait3A_225, %dma_wait3A_226] : memref<4096x128xf32, #tpu.memory_space<hbm>> -> memref<4096x128xf32, #tpu.memory_space<hbm>>
    tpu.wait_indirect_dma semaphore(%arg9 : memref<!tpu.dma_semaphore, #tpu.memory_space<semaphore_mem>>) src(%dma_wait3A_227 : memref<4096x128xf32, #tpu.memory_space<hbm>>) dst(%arg7 : memref<256x128xf32, #tpu.memory_space<vmem>>)
    %add3A_228 = arith.constant 3072 : i32
    %add3A_229 = arith.addi %mul3A_2, %add3A_228 : i32
    %dma_start3A_230 = arith.constant 0 : i32
    %dma_start3A_231 = tpu.memref_slice %arg4[%add3A_229, %dma_start3A_230] : memref<262144x128xf32, #tpu.memory_space<hbm>> -> memref<256x128xf32, #tpu.memory_space<hbm>>
    %dma_start3A_232 = arith.constant 0 : i32
    %dma_start3A_233 = tpu.memref_slice %arg4[%add3A_229, %dma_start3A_232] : memref<262144x128xf32, #tpu.memory_space<hbm>> -> memref<256x128xf32, #tpu.memory_space<hbm>>
    tpu.enqueue_dma source(%arg7 : memref<256x128xf32, #tpu.memory_space<vmem>>) target(%dma_start3A_233 : memref<256x128xf32, #tpu.memory_space<hbm>>) target_semaphore(%arg11 : memref<!tpu.dma_semaphore, #tpu.memory_space<semaphore_mem>>)
    %dma_wait3A_234 = arith.constant 0 : i32
    %dma_wait3A_235 = tpu.memref_slice %arg4[%add3A_229, %dma_wait3A_234] : memref<262144x128xf32, #tpu.memory_space<hbm>> -> memref<256x128xf32, #tpu.memory_space<hbm>>
    %dma_wait3A_236 = arith.constant 0 : i32
    %dma_wait3A_237 = tpu.memref_slice %arg4[%add3A_229, %dma_wait3A_236] : memref<262144x128xf32, #tpu.memory_space<hbm>> -> memref<256x128xf32, #tpu.memory_space<hbm>>
    tpu.wait_dma2 semaphore(%arg11 : memref<!tpu.dma_semaphore, #tpu.memory_space<semaphore_mem>>) src(%arg7 : memref<256x128xf32, #tpu.memory_space<vmem>>) dst(%dma_wait3A_237 : memref<256x128xf32, #tpu.memory_space<hbm>>)
    %add3A_238 = arith.constant 3584 : i32
    %add3A_239 = arith.addi %mul3A_2, %add3A_238 : i32
    "tpu.region"() ({
      %run_scoped3A = tpu.sem_alloc : memref<!tpu.dma_semaphore, #tpu.memory_space<semaphore_mem>>
      %dma_start3A_575 = tpu.memref_slice %arg3[%add3A_239] : memref<262144xi32, #tpu.memory_space<hbm>> -> memref<256xi32, #tpu.memory_space<hbm>>
      %dma_start3A_576 = tpu.memref_slice %arg3[%add3A_239] : memref<262144xi32, #tpu.memory_space<hbm>> -> memref<256xi32, #tpu.memory_space<hbm>>
      tpu.enqueue_dma source(%dma_start3A_576 : memref<256xi32, #tpu.memory_space<hbm>>) target(%arg5 : memref<256xi32, #tpu.memory_space<vmem>>) target_semaphore(%run_scoped3A : memref<!tpu.dma_semaphore, #tpu.memory_space<semaphore_mem>>)
      %dma_wait3A_577 = tpu.memref_slice %arg3[%add3A_239] : memref<262144xi32, #tpu.memory_space<hbm>> -> memref<256xi32, #tpu.memory_space<hbm>>
      %dma_wait3A_578 = tpu.memref_slice %arg3[%add3A_239] : memref<262144xi32, #tpu.memory_space<hbm>> -> memref<256xi32, #tpu.memory_space<hbm>>
      tpu.wait_dma2 semaphore(%run_scoped3A : memref<!tpu.dma_semaphore, #tpu.memory_space<semaphore_mem>>) src(%dma_wait3A_578 : memref<256xi32, #tpu.memory_space<hbm>>) dst(%arg5 : memref<256xi32, #tpu.memory_space<vmem>>)
      tpu.yield
    }) : () -> ()
    %dma_start3A_240 = arith.constant 0 : i32
    %dma_start3A_241 = arith.constant 0 : i32
    %dma_start3A_242 = tpu.memref_slice %arg2[%dma_start3A_240, %dma_start3A_241] : memref<4096x128xf32, #tpu.memory_space<hbm>> -> memref<4096x128xf32, #tpu.memory_space<hbm>>
    tpu.enqueue_indirect_dma source(%dma_start3A_242 : memref<4096x128xf32, #tpu.memory_space<hbm>>) target(%arg7 : memref<256x128xf32, #tpu.memory_space<vmem>>) offsets(%arg5 : memref<256xi32, #tpu.memory_space<vmem>>) semaphore(%arg9 : memref<!tpu.dma_semaphore, #tpu.memory_space<semaphore_mem>>)
    %dma_wait3A_243 = arith.constant 0 : i32
    %dma_wait3A_244 = arith.constant 0 : i32
    %dma_wait3A_245 = tpu.memref_slice %arg2[%dma_wait3A_243, %dma_wait3A_244] : memref<4096x128xf32, #tpu.memory_space<hbm>> -> memref<4096x128xf32, #tpu.memory_space<hbm>>
    tpu.wait_indirect_dma semaphore(%arg10 : memref<!tpu.dma_semaphore, #tpu.memory_space<semaphore_mem>>) src(%dma_wait3A_245 : memref<4096x128xf32, #tpu.memory_space<hbm>>) dst(%arg8 : memref<256x128xf32, #tpu.memory_space<vmem>>)
    %add3A_246 = arith.constant 3328 : i32
    %add3A_247 = arith.addi %mul3A_2, %add3A_246 : i32
    %dma_start3A_248 = arith.constant 0 : i32
    %dma_start3A_249 = tpu.memref_slice %arg4[%add3A_247, %dma_start3A_248] : memref<262144x128xf32, #tpu.memory_space<hbm>> -> memref<256x128xf32, #tpu.memory_space<hbm>>
    %dma_start3A_250 = arith.constant 0 : i32
    %dma_start3A_251 = tpu.memref_slice %arg4[%add3A_247, %dma_start3A_250] : memref<262144x128xf32, #tpu.memory_space<hbm>> -> memref<256x128xf32, #tpu.memory_space<hbm>>
    tpu.enqueue_dma source(%arg8 : memref<256x128xf32, #tpu.memory_space<vmem>>) target(%dma_start3A_251 : memref<256x128xf32, #tpu.memory_space<hbm>>) target_semaphore(%arg12 : memref<!tpu.dma_semaphore, #tpu.memory_space<semaphore_mem>>)
    %dma_wait3A_252 = arith.constant 0 : i32
    %dma_wait3A_253 = tpu.memref_slice %arg4[%add3A_247, %dma_wait3A_252] : memref<262144x128xf32, #tpu.memory_space<hbm>> -> memref<256x128xf32, #tpu.memory_space<hbm>>
    %dma_wait3A_254 = arith.constant 0 : i32
    %dma_wait3A_255 = tpu.memref_slice %arg4[%add3A_247, %dma_wait3A_254] : memref<262144x128xf32, #tpu.memory_space<hbm>> -> memref<256x128xf32, #tpu.memory_space<hbm>>
    tpu.wait_dma2 semaphore(%arg12 : memref<!tpu.dma_semaphore, #tpu.memory_space<semaphore_mem>>) src(%arg8 : memref<256x128xf32, #tpu.memory_space<vmem>>) dst(%dma_wait3A_255 : memref<256x128xf32, #tpu.memory_space<hbm>>)
    %add3A_256 = arith.constant 3840 : i32
    %add3A_257 = arith.addi %mul3A_2, %add3A_256 : i32
    "tpu.region"() ({
      %run_scoped3A = tpu.sem_alloc : memref<!tpu.dma_semaphore, #tpu.memory_space<semaphore_mem>>
      %dma_start3A_575 = tpu.memref_slice %arg3[%add3A_257] : memref<262144xi32, #tpu.memory_space<hbm>> -> memref<256xi32, #tpu.memory_space<hbm>>
      %dma_start3A_576 = tpu.memref_slice %arg3[%add3A_257] : memref<262144xi32, #tpu.memory_space<hbm>> -> memref<256xi32, #tpu.memory_space<hbm>>
      tpu.enqueue_dma source(%dma_start3A_576 : memref<256xi32, #tpu.memory_space<hbm>>) target(%arg6 : memref<256xi32, #tpu.memory_space<vmem>>) target_semaphore(%run_scoped3A : memref<!tpu.dma_semaphore, #tpu.memory_space<semaphore_mem>>)
      %dma_wait3A_577 = tpu.memref_slice %arg3[%add3A_257] : memref<262144xi32, #tpu.memory_space<hbm>> -> memref<256xi32, #tpu.memory_space<hbm>>
      %dma_wait3A_578 = tpu.memref_slice %arg3[%add3A_257] : memref<262144xi32, #tpu.memory_space<hbm>> -> memref<256xi32, #tpu.memory_space<hbm>>
      tpu.wait_dma2 semaphore(%run_scoped3A : memref<!tpu.dma_semaphore, #tpu.memory_space<semaphore_mem>>) src(%dma_wait3A_578 : memref<256xi32, #tpu.memory_space<hbm>>) dst(%arg6 : memref<256xi32, #tpu.memory_space<vmem>>)
      tpu.yield
    }) : () -> ()
    %dma_start3A_258 = arith.constant 0 : i32
    %dma_start3A_259 = arith.constant 0 : i32
    %dma_start3A_260 = tpu.memref_slice %arg2[%dma_start3A_258, %dma_start3A_259] : memref<4096x128xf32, #tpu.memory_space<hbm>> -> memref<4096x128xf32, #tpu.memory_space<hbm>>
    tpu.enqueue_indirect_dma source(%dma_start3A_260 : memref<4096x128xf32, #tpu.memory_space<hbm>>) target(%arg8 : memref<256x128xf32, #tpu.memory_space<vmem>>) offsets(%arg6 : memref<256xi32, #tpu.memory_space<vmem>>) semaphore(%arg10 : memref<!tpu.dma_semaphore, #tpu.memory_space<semaphore_mem>>)
    %dma_wait3A_261 = arith.constant 0 : i32
    %dma_wait3A_262 = arith.constant 0 : i32
    %dma_wait3A_263 = tpu.memref_slice %arg2[%dma_wait3A_261, %dma_wait3A_262] : memref<4096x128xf32, #tpu.memory_space<hbm>> -> memref<4096x128xf32, #tpu.memory_space<hbm>>
    tpu.wait_indirect_dma semaphore(%arg9 : memref<!tpu.dma_semaphore, #tpu.memory_space<semaphore_mem>>) src(%dma_wait3A_263 : memref<4096x128xf32, #tpu.memory_space<hbm>>) dst(%arg7 : memref<256x128xf32, #tpu.memory_space<vmem>>)
    %add3A_264 = arith.constant 3584 : i32
    %add3A_265 = arith.addi %mul3A_2, %add3A_264 : i32
    %dma_start3A_266 = arith.constant 0 : i32
    %dma_start3A_267 = tpu.memref_slice %arg4[%add3A_265, %dma_start3A_266] : memref<262144x128xf32, #tpu.memory_space<hbm>> -> memref<256x128xf32, #tpu.memory_space<hbm>>
    %dma_start3A_268 = arith.constant 0 : i32
    %dma_start3A_269 = tpu.memref_slice %arg4[%add3A_265, %dma_start3A_268] : memref<262144x128xf32, #tpu.memory_space<hbm>> -> memref<256x128xf32, #tpu.memory_space<hbm>>
    tpu.enqueue_dma source(%arg7 : memref<256x128xf32, #tpu.memory_space<vmem>>) target(%dma_start3A_269 : memref<256x128xf32, #tpu.memory_space<hbm>>) target_semaphore(%arg11 : memref<!tpu.dma_semaphore, #tpu.memory_space<semaphore_mem>>)
    %dma_wait3A_270 = arith.constant 0 : i32
    %dma_wait3A_271 = tpu.memref_slice %arg4[%add3A_265, %dma_wait3A_270] : memref<262144x128xf32, #tpu.memory_space<hbm>> -> memref<256x128xf32, #tpu.memory_space<hbm>>
    %dma_wait3A_272 = arith.constant 0 : i32
    %dma_wait3A_273 = tpu.memref_slice %arg4[%add3A_265, %dma_wait3A_272] : memref<262144x128xf32, #tpu.memory_space<hbm>> -> memref<256x128xf32, #tpu.memory_space<hbm>>
    tpu.wait_dma2 semaphore(%arg11 : memref<!tpu.dma_semaphore, #tpu.memory_space<semaphore_mem>>) src(%arg7 : memref<256x128xf32, #tpu.memory_space<vmem>>) dst(%dma_wait3A_273 : memref<256x128xf32, #tpu.memory_space<hbm>>)
    %add3A_274 = arith.constant 4096 : i32
    %add3A_275 = arith.addi %mul3A_2, %add3A_274 : i32
    "tpu.region"() ({
      %run_scoped3A = tpu.sem_alloc : memref<!tpu.dma_semaphore, #tpu.memory_space<semaphore_mem>>
      %dma_start3A_575 = tpu.memref_slice %arg3[%add3A_275] : memref<262144xi32, #tpu.memory_space<hbm>> -> memref<256xi32, #tpu.memory_space<hbm>>
      %dma_start3A_576 = tpu.memref_slice %arg3[%add3A_275] : memref<262144xi32, #tpu.memory_space<hbm>> -> memref<256xi32, #tpu.memory_space<hbm>>
      tpu.enqueue_dma source(%dma_start3A_576 : memref<256xi32, #tpu.memory_space<hbm>>) target(%arg5 : memref<256xi32, #tpu.memory_space<vmem>>) target_semaphore(%run_scoped3A : memref<!tpu.dma_semaphore, #tpu.memory_space<semaphore_mem>>)
      %dma_wait3A_577 = tpu.memref_slice %arg3[%add3A_275] : memref<262144xi32, #tpu.memory_space<hbm>> -> memref<256xi32, #tpu.memory_space<hbm>>
      %dma_wait3A_578 = tpu.memref_slice %arg3[%add3A_275] : memref<262144xi32, #tpu.memory_space<hbm>> -> memref<256xi32, #tpu.memory_space<hbm>>
      tpu.wait_dma2 semaphore(%run_scoped3A : memref<!tpu.dma_semaphore, #tpu.memory_space<semaphore_mem>>) src(%dma_wait3A_578 : memref<256xi32, #tpu.memory_space<hbm>>) dst(%arg5 : memref<256xi32, #tpu.memory_space<vmem>>)
      tpu.yield
    }) : () -> ()
    %dma_start3A_276 = arith.constant 0 : i32
    %dma_start3A_277 = arith.constant 0 : i32
    %dma_start3A_278 = tpu.memref_slice %arg2[%dma_start3A_276, %dma_start3A_277] : memref<4096x128xf32, #tpu.memory_space<hbm>> -> memref<4096x128xf32, #tpu.memory_space<hbm>>
    tpu.enqueue_indirect_dma source(%dma_start3A_278 : memref<4096x128xf32, #tpu.memory_space<hbm>>) target(%arg7 : memref<256x128xf32, #tpu.memory_space<vmem>>) offsets(%arg5 : memref<256xi32, #tpu.memory_space<vmem>>) semaphore(%arg9 : memref<!tpu.dma_semaphore, #tpu.memory_space<semaphore_mem>>)
    %dma_wait3A_279 = arith.constant 0 : i32
    %dma_wait3A_280 = arith.constant 0 : i32
    %dma_wait3A_281 = tpu.memref_slice %arg2[%dma_wait3A_279, %dma_wait3A_280] : memref<4096x128xf32, #tpu.memory_space<hbm>> -> memref<4096x128xf32, #tpu.memory_space<hbm>>
    tpu.wait_indirect_dma semaphore(%arg10 : memref<!tpu.dma_semaphore, #tpu.memory_space<semaphore_mem>>) src(%dma_wait3A_281 : memref<4096x128xf32, #tpu.memory_space<hbm>>) dst(%arg8 : memref<256x128xf32, #tpu.memory_space<vmem>>)
    %add3A_282 = arith.constant 3840 : i32
    %add3A_283 = arith.addi %mul3A_2, %add3A_282 : i32
    %dma_start3A_284 = arith.constant 0 : i32
    %dma_start3A_285 = tpu.memref_slice %arg4[%add3A_283, %dma_start3A_284] : memref<262144x128xf32, #tpu.memory_space<hbm>> -> memref<256x128xf32, #tpu.memory_space<hbm>>
    %dma_start3A_286 = arith.constant 0 : i32
    %dma_start3A_287 = tpu.memref_slice %arg4[%add3A_283, %dma_start3A_286] : memref<262144x128xf32, #tpu.memory_space<hbm>> -> memref<256x128xf32, #tpu.memory_space<hbm>>
    tpu.enqueue_dma source(%arg8 : memref<256x128xf32, #tpu.memory_space<vmem>>) target(%dma_start3A_287 : memref<256x128xf32, #tpu.memory_space<hbm>>) target_semaphore(%arg12 : memref<!tpu.dma_semaphore, #tpu.memory_space<semaphore_mem>>)
    %dma_wait3A_288 = arith.constant 0 : i32
    %dma_wait3A_289 = tpu.memref_slice %arg4[%add3A_283, %dma_wait3A_288] : memref<262144x128xf32, #tpu.memory_space<hbm>> -> memref<256x128xf32, #tpu.memory_space<hbm>>
    %dma_wait3A_290 = arith.constant 0 : i32
    %dma_wait3A_291 = tpu.memref_slice %arg4[%add3A_283, %dma_wait3A_290] : memref<262144x128xf32, #tpu.memory_space<hbm>> -> memref<256x128xf32, #tpu.memory_space<hbm>>
    tpu.wait_dma2 semaphore(%arg12 : memref<!tpu.dma_semaphore, #tpu.memory_space<semaphore_mem>>) src(%arg8 : memref<256x128xf32, #tpu.memory_space<vmem>>) dst(%dma_wait3A_291 : memref<256x128xf32, #tpu.memory_space<hbm>>)
    %add3A_292 = arith.constant 4352 : i32
    %add3A_293 = arith.addi %mul3A_2, %add3A_292 : i32
    "tpu.region"() ({
      %run_scoped3A = tpu.sem_alloc : memref<!tpu.dma_semaphore, #tpu.memory_space<semaphore_mem>>
      %dma_start3A_575 = tpu.memref_slice %arg3[%add3A_293] : memref<262144xi32, #tpu.memory_space<hbm>> -> memref<256xi32, #tpu.memory_space<hbm>>
      %dma_start3A_576 = tpu.memref_slice %arg3[%add3A_293] : memref<262144xi32, #tpu.memory_space<hbm>> -> memref<256xi32, #tpu.memory_space<hbm>>
      tpu.enqueue_dma source(%dma_start3A_576 : memref<256xi32, #tpu.memory_space<hbm>>) target(%arg6 : memref<256xi32, #tpu.memory_space<vmem>>) target_semaphore(%run_scoped3A : memref<!tpu.dma_semaphore, #tpu.memory_space<semaphore_mem>>)
      %dma_wait3A_577 = tpu.memref_slice %arg3[%add3A_293] : memref<262144xi32, #tpu.memory_space<hbm>> -> memref<256xi32, #tpu.memory_space<hbm>>
      %dma_wait3A_578 = tpu.memref_slice %arg3[%add3A_293] : memref<262144xi32, #tpu.memory_space<hbm>> -> memref<256xi32, #tpu.memory_space<hbm>>
      tpu.wait_dma2 semaphore(%run_scoped3A : memref<!tpu.dma_semaphore, #tpu.memory_space<semaphore_mem>>) src(%dma_wait3A_578 : memref<256xi32, #tpu.memory_space<hbm>>) dst(%arg6 : memref<256xi32, #tpu.memory_space<vmem>>)
      tpu.yield
    }) : () -> ()
    %dma_start3A_294 = arith.constant 0 : i32
    %dma_start3A_295 = arith.constant 0 : i32
    %dma_start3A_296 = tpu.memref_slice %arg2[%dma_start3A_294, %dma_start3A_295] : memref<4096x128xf32, #tpu.memory_space<hbm>> -> memref<4096x128xf32, #tpu.memory_space<hbm>>
    tpu.enqueue_indirect_dma source(%dma_start3A_296 : memref<4096x128xf32, #tpu.memory_space<hbm>>) target(%arg8 : memref<256x128xf32, #tpu.memory_space<vmem>>) offsets(%arg6 : memref<256xi32, #tpu.memory_space<vmem>>) semaphore(%arg10 : memref<!tpu.dma_semaphore, #tpu.memory_space<semaphore_mem>>)
    %dma_wait3A_297 = arith.constant 0 : i32
    %dma_wait3A_298 = arith.constant 0 : i32
    %dma_wait3A_299 = tpu.memref_slice %arg2[%dma_wait3A_297, %dma_wait3A_298] : memref<4096x128xf32, #tpu.memory_space<hbm>> -> memref<4096x128xf32, #tpu.memory_space<hbm>>
    tpu.wait_indirect_dma semaphore(%arg9 : memref<!tpu.dma_semaphore, #tpu.memory_space<semaphore_mem>>) src(%dma_wait3A_299 : memref<4096x128xf32, #tpu.memory_space<hbm>>) dst(%arg7 : memref<256x128xf32, #tpu.memory_space<vmem>>)
    %add3A_300 = arith.constant 4096 : i32
    %add3A_301 = arith.addi %mul3A_2, %add3A_300 : i32
    %dma_start3A_302 = arith.constant 0 : i32
    %dma_start3A_303 = tpu.memref_slice %arg4[%add3A_301, %dma_start3A_302] : memref<262144x128xf32, #tpu.memory_space<hbm>> -> memref<256x128xf32, #tpu.memory_space<hbm>>
    %dma_start3A_304 = arith.constant 0 : i32
    %dma_start3A_305 = tpu.memref_slice %arg4[%add3A_301, %dma_start3A_304] : memref<262144x128xf32, #tpu.memory_space<hbm>> -> memref<256x128xf32, #tpu.memory_space<hbm>>
    tpu.enqueue_dma source(%arg7 : memref<256x128xf32, #tpu.memory_space<vmem>>) target(%dma_start3A_305 : memref<256x128xf32, #tpu.memory_space<hbm>>) target_semaphore(%arg11 : memref<!tpu.dma_semaphore, #tpu.memory_space<semaphore_mem>>)
    %dma_wait3A_306 = arith.constant 0 : i32
    %dma_wait3A_307 = tpu.memref_slice %arg4[%add3A_301, %dma_wait3A_306] : memref<262144x128xf32, #tpu.memory_space<hbm>> -> memref<256x128xf32, #tpu.memory_space<hbm>>
    %dma_wait3A_308 = arith.constant 0 : i32
    %dma_wait3A_309 = tpu.memref_slice %arg4[%add3A_301, %dma_wait3A_308] : memref<262144x128xf32, #tpu.memory_space<hbm>> -> memref<256x128xf32, #tpu.memory_space<hbm>>
    tpu.wait_dma2 semaphore(%arg11 : memref<!tpu.dma_semaphore, #tpu.memory_space<semaphore_mem>>) src(%arg7 : memref<256x128xf32, #tpu.memory_space<vmem>>) dst(%dma_wait3A_309 : memref<256x128xf32, #tpu.memory_space<hbm>>)
    %add3A_310 = arith.constant 4608 : i32
    %add3A_311 = arith.addi %mul3A_2, %add3A_310 : i32
    "tpu.region"() ({
      %run_scoped3A = tpu.sem_alloc : memref<!tpu.dma_semaphore, #tpu.memory_space<semaphore_mem>>
      %dma_start3A_575 = tpu.memref_slice %arg3[%add3A_311] : memref<262144xi32, #tpu.memory_space<hbm>> -> memref<256xi32, #tpu.memory_space<hbm>>
      %dma_start3A_576 = tpu.memref_slice %arg3[%add3A_311] : memref<262144xi32, #tpu.memory_space<hbm>> -> memref<256xi32, #tpu.memory_space<hbm>>
      tpu.enqueue_dma source(%dma_start3A_576 : memref<256xi32, #tpu.memory_space<hbm>>) target(%arg5 : memref<256xi32, #tpu.memory_space<vmem>>) target_semaphore(%run_scoped3A : memref<!tpu.dma_semaphore, #tpu.memory_space<semaphore_mem>>)
      %dma_wait3A_577 = tpu.memref_slice %arg3[%add3A_311] : memref<262144xi32, #tpu.memory_space<hbm>> -> memref<256xi32, #tpu.memory_space<hbm>>
      %dma_wait3A_578 = tpu.memref_slice %arg3[%add3A_311] : memref<262144xi32, #tpu.memory_space<hbm>> -> memref<256xi32, #tpu.memory_space<hbm>>
      tpu.wait_dma2 semaphore(%run_scoped3A : memref<!tpu.dma_semaphore, #tpu.memory_space<semaphore_mem>>) src(%dma_wait3A_578 : memref<256xi32, #tpu.memory_space<hbm>>) dst(%arg5 : memref<256xi32, #tpu.memory_space<vmem>>)
      tpu.yield
    }) : () -> ()
    %dma_start3A_312 = arith.constant 0 : i32
    %dma_start3A_313 = arith.constant 0 : i32
    %dma_start3A_314 = tpu.memref_slice %arg2[%dma_start3A_312, %dma_start3A_313] : memref<4096x128xf32, #tpu.memory_space<hbm>> -> memref<4096x128xf32, #tpu.memory_space<hbm>>
    tpu.enqueue_indirect_dma source(%dma_start3A_314 : memref<4096x128xf32, #tpu.memory_space<hbm>>) target(%arg7 : memref<256x128xf32, #tpu.memory_space<vmem>>) offsets(%arg5 : memref<256xi32, #tpu.memory_space<vmem>>) semaphore(%arg9 : memref<!tpu.dma_semaphore, #tpu.memory_space<semaphore_mem>>)
    %dma_wait3A_315 = arith.constant 0 : i32
    %dma_wait3A_316 = arith.constant 0 : i32
    %dma_wait3A_317 = tpu.memref_slice %arg2[%dma_wait3A_315, %dma_wait3A_316] : memref<4096x128xf32, #tpu.memory_space<hbm>> -> memref<4096x128xf32, #tpu.memory_space<hbm>>
    tpu.wait_indirect_dma semaphore(%arg10 : memref<!tpu.dma_semaphore, #tpu.memory_space<semaphore_mem>>) src(%dma_wait3A_317 : memref<4096x128xf32, #tpu.memory_space<hbm>>) dst(%arg8 : memref<256x128xf32, #tpu.memory_space<vmem>>)
    %add3A_318 = arith.constant 4352 : i32
    %add3A_319 = arith.addi %mul3A_2, %add3A_318 : i32
    %dma_start3A_320 = arith.constant 0 : i32
    %dma_start3A_321 = tpu.memref_slice %arg4[%add3A_319, %dma_start3A_320] : memref<262144x128xf32, #tpu.memory_space<hbm>> -> memref<256x128xf32, #tpu.memory_space<hbm>>
    %dma_start3A_322 = arith.constant 0 : i32
    %dma_start3A_323 = tpu.memref_slice %arg4[%add3A_319, %dma_start3A_322] : memref<262144x128xf32, #tpu.memory_space<hbm>> -> memref<256x128xf32, #tpu.memory_space<hbm>>
    tpu.enqueue_dma source(%arg8 : memref<256x128xf32, #tpu.memory_space<vmem>>) target(%dma_start3A_323 : memref<256x128xf32, #tpu.memory_space<hbm>>) target_semaphore(%arg12 : memref<!tpu.dma_semaphore, #tpu.memory_space<semaphore_mem>>)
    %dma_wait3A_324 = arith.constant 0 : i32
    %dma_wait3A_325 = tpu.memref_slice %arg4[%add3A_319, %dma_wait3A_324] : memref<262144x128xf32, #tpu.memory_space<hbm>> -> memref<256x128xf32, #tpu.memory_space<hbm>>
    %dma_wait3A_326 = arith.constant 0 : i32
    %dma_wait3A_327 = tpu.memref_slice %arg4[%add3A_319, %dma_wait3A_326] : memref<262144x128xf32, #tpu.memory_space<hbm>> -> memref<256x128xf32, #tpu.memory_space<hbm>>
    tpu.wait_dma2 semaphore(%arg12 : memref<!tpu.dma_semaphore, #tpu.memory_space<semaphore_mem>>) src(%arg8 : memref<256x128xf32, #tpu.memory_space<vmem>>) dst(%dma_wait3A_327 : memref<256x128xf32, #tpu.memory_space<hbm>>)
    %add3A_328 = arith.constant 4864 : i32
    %add3A_329 = arith.addi %mul3A_2, %add3A_328 : i32
    "tpu.region"() ({
      %run_scoped3A = tpu.sem_alloc : memref<!tpu.dma_semaphore, #tpu.memory_space<semaphore_mem>>
      %dma_start3A_575 = tpu.memref_slice %arg3[%add3A_329] : memref<262144xi32, #tpu.memory_space<hbm>> -> memref<256xi32, #tpu.memory_space<hbm>>
      %dma_start3A_576 = tpu.memref_slice %arg3[%add3A_329] : memref<262144xi32, #tpu.memory_space<hbm>> -> memref<256xi32, #tpu.memory_space<hbm>>
      tpu.enqueue_dma source(%dma_start3A_576 : memref<256xi32, #tpu.memory_space<hbm>>) target(%arg6 : memref<256xi32, #tpu.memory_space<vmem>>) target_semaphore(%run_scoped3A : memref<!tpu.dma_semaphore, #tpu.memory_space<semaphore_mem>>)
      %dma_wait3A_577 = tpu.memref_slice %arg3[%add3A_329] : memref<262144xi32, #tpu.memory_space<hbm>> -> memref<256xi32, #tpu.memory_space<hbm>>
      %dma_wait3A_578 = tpu.memref_slice %arg3[%add3A_329] : memref<262144xi32, #tpu.memory_space<hbm>> -> memref<256xi32, #tpu.memory_space<hbm>>
      tpu.wait_dma2 semaphore(%run_scoped3A : memref<!tpu.dma_semaphore, #tpu.memory_space<semaphore_mem>>) src(%dma_wait3A_578 : memref<256xi32, #tpu.memory_space<hbm>>) dst(%arg6 : memref<256xi32, #tpu.memory_space<vmem>>)
      tpu.yield
    }) : () -> ()
    %dma_start3A_330 = arith.constant 0 : i32
    %dma_start3A_331 = arith.constant 0 : i32
    %dma_start3A_332 = tpu.memref_slice %arg2[%dma_start3A_330, %dma_start3A_331] : memref<4096x128xf32, #tpu.memory_space<hbm>> -> memref<4096x128xf32, #tpu.memory_space<hbm>>
    tpu.enqueue_indirect_dma source(%dma_start3A_332 : memref<4096x128xf32, #tpu.memory_space<hbm>>) target(%arg8 : memref<256x128xf32, #tpu.memory_space<vmem>>) offsets(%arg6 : memref<256xi32, #tpu.memory_space<vmem>>) semaphore(%arg10 : memref<!tpu.dma_semaphore, #tpu.memory_space<semaphore_mem>>)
    %dma_wait3A_333 = arith.constant 0 : i32
    %dma_wait3A_334 = arith.constant 0 : i32
    %dma_wait3A_335 = tpu.memref_slice %arg2[%dma_wait3A_333, %dma_wait3A_334] : memref<4096x128xf32, #tpu.memory_space<hbm>> -> memref<4096x128xf32, #tpu.memory_space<hbm>>
    tpu.wait_indirect_dma semaphore(%arg9 : memref<!tpu.dma_semaphore, #tpu.memory_space<semaphore_mem>>) src(%dma_wait3A_335 : memref<4096x128xf32, #tpu.memory_space<hbm>>) dst(%arg7 : memref<256x128xf32, #tpu.memory_space<vmem>>)
    %add3A_336 = arith.constant 4608 : i32
    %add3A_337 = arith.addi %mul3A_2, %add3A_336 : i32
    %dma_start3A_338 = arith.constant 0 : i32
    %dma_start3A_339 = tpu.memref_slice %arg4[%add3A_337, %dma_start3A_338] : memref<262144x128xf32, #tpu.memory_space<hbm>> -> memref<256x128xf32, #tpu.memory_space<hbm>>
    %dma_start3A_340 = arith.constant 0 : i32
    %dma_start3A_341 = tpu.memref_slice %arg4[%add3A_337, %dma_start3A_340] : memref<262144x128xf32, #tpu.memory_space<hbm>> -> memref<256x128xf32, #tpu.memory_space<hbm>>
    tpu.enqueue_dma source(%arg7 : memref<256x128xf32, #tpu.memory_space<vmem>>) target(%dma_start3A_341 : memref<256x128xf32, #tpu.memory_space<hbm>>) target_semaphore(%arg11 : memref<!tpu.dma_semaphore, #tpu.memory_space<semaphore_mem>>)
    %dma_wait3A_342 = arith.constant 0 : i32
    %dma_wait3A_343 = tpu.memref_slice %arg4[%add3A_337, %dma_wait3A_342] : memref<262144x128xf32, #tpu.memory_space<hbm>> -> memref<256x128xf32, #tpu.memory_space<hbm>>
    %dma_wait3A_344 = arith.constant 0 : i32
    %dma_wait3A_345 = tpu.memref_slice %arg4[%add3A_337, %dma_wait3A_344] : memref<262144x128xf32, #tpu.memory_space<hbm>> -> memref<256x128xf32, #tpu.memory_space<hbm>>
    tpu.wait_dma2 semaphore(%arg11 : memref<!tpu.dma_semaphore, #tpu.memory_space<semaphore_mem>>) src(%arg7 : memref<256x128xf32, #tpu.memory_space<vmem>>) dst(%dma_wait3A_345 : memref<256x128xf32, #tpu.memory_space<hbm>>)
    %add3A_346 = arith.constant 5120 : i32
    %add3A_347 = arith.addi %mul3A_2, %add3A_346 : i32
    "tpu.region"() ({
      %run_scoped3A = tpu.sem_alloc : memref<!tpu.dma_semaphore, #tpu.memory_space<semaphore_mem>>
      %dma_start3A_575 = tpu.memref_slice %arg3[%add3A_347] : memref<262144xi32, #tpu.memory_space<hbm>> -> memref<256xi32, #tpu.memory_space<hbm>>
      %dma_start3A_576 = tpu.memref_slice %arg3[%add3A_347] : memref<262144xi32, #tpu.memory_space<hbm>> -> memref<256xi32, #tpu.memory_space<hbm>>
      tpu.enqueue_dma source(%dma_start3A_576 : memref<256xi32, #tpu.memory_space<hbm>>) target(%arg5 : memref<256xi32, #tpu.memory_space<vmem>>) target_semaphore(%run_scoped3A : memref<!tpu.dma_semaphore, #tpu.memory_space<semaphore_mem>>)
      %dma_wait3A_577 = tpu.memref_slice %arg3[%add3A_347] : memref<262144xi32, #tpu.memory_space<hbm>> -> memref<256xi32, #tpu.memory_space<hbm>>
      %dma_wait3A_578 = tpu.memref_slice %arg3[%add3A_347] : memref<262144xi32, #tpu.memory_space<hbm>> -> memref<256xi32, #tpu.memory_space<hbm>>
      tpu.wait_dma2 semaphore(%run_scoped3A : memref<!tpu.dma_semaphore, #tpu.memory_space<semaphore_mem>>) src(%dma_wait3A_578 : memref<256xi32, #tpu.memory_space<hbm>>) dst(%arg5 : memref<256xi32, #tpu.memory_space<vmem>>)
      tpu.yield
    }) : () -> ()
    %dma_start3A_348 = arith.constant 0 : i32
    %dma_start3A_349 = arith.constant 0 : i32
    %dma_start3A_350 = tpu.memref_slice %arg2[%dma_start3A_348, %dma_start3A_349] : memref<4096x128xf32, #tpu.memory_space<hbm>> -> memref<4096x128xf32, #tpu.memory_space<hbm>>
    tpu.enqueue_indirect_dma source(%dma_start3A_350 : memref<4096x128xf32, #tpu.memory_space<hbm>>) target(%arg7 : memref<256x128xf32, #tpu.memory_space<vmem>>) offsets(%arg5 : memref<256xi32, #tpu.memory_space<vmem>>) semaphore(%arg9 : memref<!tpu.dma_semaphore, #tpu.memory_space<semaphore_mem>>)
    %dma_wait3A_351 = arith.constant 0 : i32
    %dma_wait3A_352 = arith.constant 0 : i32
    %dma_wait3A_353 = tpu.memref_slice %arg2[%dma_wait3A_351, %dma_wait3A_352] : memref<4096x128xf32, #tpu.memory_space<hbm>> -> memref<4096x128xf32, #tpu.memory_space<hbm>>
    tpu.wait_indirect_dma semaphore(%arg10 : memref<!tpu.dma_semaphore, #tpu.memory_space<semaphore_mem>>) src(%dma_wait3A_353 : memref<4096x128xf32, #tpu.memory_space<hbm>>) dst(%arg8 : memref<256x128xf32, #tpu.memory_space<vmem>>)
    %add3A_354 = arith.constant 4864 : i32
    %add3A_355 = arith.addi %mul3A_2, %add3A_354 : i32
    %dma_start3A_356 = arith.constant 0 : i32
    %dma_start3A_357 = tpu.memref_slice %arg4[%add3A_355, %dma_start3A_356] : memref<262144x128xf32, #tpu.memory_space<hbm>> -> memref<256x128xf32, #tpu.memory_space<hbm>>
    %dma_start3A_358 = arith.constant 0 : i32
    %dma_start3A_359 = tpu.memref_slice %arg4[%add3A_355, %dma_start3A_358] : memref<262144x128xf32, #tpu.memory_space<hbm>> -> memref<256x128xf32, #tpu.memory_space<hbm>>
    tpu.enqueue_dma source(%arg8 : memref<256x128xf32, #tpu.memory_space<vmem>>) target(%dma_start3A_359 : memref<256x128xf32, #tpu.memory_space<hbm>>) target_semaphore(%arg12 : memref<!tpu.dma_semaphore, #tpu.memory_space<semaphore_mem>>)
    %dma_wait3A_360 = arith.constant 0 : i32
    %dma_wait3A_361 = tpu.memref_slice %arg4[%add3A_355, %dma_wait3A_360] : memref<262144x128xf32, #tpu.memory_space<hbm>> -> memref<256x128xf32, #tpu.memory_space<hbm>>
    %dma_wait3A_362 = arith.constant 0 : i32
    %dma_wait3A_363 = tpu.memref_slice %arg4[%add3A_355, %dma_wait3A_362] : memref<262144x128xf32, #tpu.memory_space<hbm>> -> memref<256x128xf32, #tpu.memory_space<hbm>>
    tpu.wait_dma2 semaphore(%arg12 : memref<!tpu.dma_semaphore, #tpu.memory_space<semaphore_mem>>) src(%arg8 : memref<256x128xf32, #tpu.memory_space<vmem>>) dst(%dma_wait3A_363 : memref<256x128xf32, #tpu.memory_space<hbm>>)
    %add3A_364 = arith.constant 5376 : i32
    %add3A_365 = arith.addi %mul3A_2, %add3A_364 : i32
    "tpu.region"() ({
      %run_scoped3A = tpu.sem_alloc : memref<!tpu.dma_semaphore, #tpu.memory_space<semaphore_mem>>
      %dma_start3A_575 = tpu.memref_slice %arg3[%add3A_365] : memref<262144xi32, #tpu.memory_space<hbm>> -> memref<256xi32, #tpu.memory_space<hbm>>
      %dma_start3A_576 = tpu.memref_slice %arg3[%add3A_365] : memref<262144xi32, #tpu.memory_space<hbm>> -> memref<256xi32, #tpu.memory_space<hbm>>
      tpu.enqueue_dma source(%dma_start3A_576 : memref<256xi32, #tpu.memory_space<hbm>>) target(%arg6 : memref<256xi32, #tpu.memory_space<vmem>>) target_semaphore(%run_scoped3A : memref<!tpu.dma_semaphore, #tpu.memory_space<semaphore_mem>>)
      %dma_wait3A_577 = tpu.memref_slice %arg3[%add3A_365] : memref<262144xi32, #tpu.memory_space<hbm>> -> memref<256xi32, #tpu.memory_space<hbm>>
      %dma_wait3A_578 = tpu.memref_slice %arg3[%add3A_365] : memref<262144xi32, #tpu.memory_space<hbm>> -> memref<256xi32, #tpu.memory_space<hbm>>
      tpu.wait_dma2 semaphore(%run_scoped3A : memref<!tpu.dma_semaphore, #tpu.memory_space<semaphore_mem>>) src(%dma_wait3A_578 : memref<256xi32, #tpu.memory_space<hbm>>) dst(%arg6 : memref<256xi32, #tpu.memory_space<vmem>>)
      tpu.yield
    }) : () -> ()
    %dma_start3A_366 = arith.constant 0 : i32
    %dma_start3A_367 = arith.constant 0 : i32
    %dma_start3A_368 = tpu.memref_slice %arg2[%dma_start3A_366, %dma_start3A_367] : memref<4096x128xf32, #tpu.memory_space<hbm>> -> memref<4096x128xf32, #tpu.memory_space<hbm>>
    tpu.enqueue_indirect_dma source(%dma_start3A_368 : memref<4096x128xf32, #tpu.memory_space<hbm>>) target(%arg8 : memref<256x128xf32, #tpu.memory_space<vmem>>) offsets(%arg6 : memref<256xi32, #tpu.memory_space<vmem>>) semaphore(%arg10 : memref<!tpu.dma_semaphore, #tpu.memory_space<semaphore_mem>>)
    %dma_wait3A_369 = arith.constant 0 : i32
    %dma_wait3A_370 = arith.constant 0 : i32
    %dma_wait3A_371 = tpu.memref_slice %arg2[%dma_wait3A_369, %dma_wait3A_370] : memref<4096x128xf32, #tpu.memory_space<hbm>> -> memref<4096x128xf32, #tpu.memory_space<hbm>>
    tpu.wait_indirect_dma semaphore(%arg9 : memref<!tpu.dma_semaphore, #tpu.memory_space<semaphore_mem>>) src(%dma_wait3A_371 : memref<4096x128xf32, #tpu.memory_space<hbm>>) dst(%arg7 : memref<256x128xf32, #tpu.memory_space<vmem>>)
    %add3A_372 = arith.constant 5120 : i32
    %add3A_373 = arith.addi %mul3A_2, %add3A_372 : i32
    %dma_start3A_374 = arith.constant 0 : i32
    %dma_start3A_375 = tpu.memref_slice %arg4[%add3A_373, %dma_start3A_374] : memref<262144x128xf32, #tpu.memory_space<hbm>> -> memref<256x128xf32, #tpu.memory_space<hbm>>
    %dma_start3A_376 = arith.constant 0 : i32
    %dma_start3A_377 = tpu.memref_slice %arg4[%add3A_373, %dma_start3A_376] : memref<262144x128xf32, #tpu.memory_space<hbm>> -> memref<256x128xf32, #tpu.memory_space<hbm>>
    tpu.enqueue_dma source(%arg7 : memref<256x128xf32, #tpu.memory_space<vmem>>) target(%dma_start3A_377 : memref<256x128xf32, #tpu.memory_space<hbm>>) target_semaphore(%arg11 : memref<!tpu.dma_semaphore, #tpu.memory_space<semaphore_mem>>)
    %dma_wait3A_378 = arith.constant 0 : i32
    %dma_wait3A_379 = tpu.memref_slice %arg4[%add3A_373, %dma_wait3A_378] : memref<262144x128xf32, #tpu.memory_space<hbm>> -> memref<256x128xf32, #tpu.memory_space<hbm>>
    %dma_wait3A_380 = arith.constant 0 : i32
    %dma_wait3A_381 = tpu.memref_slice %arg4[%add3A_373, %dma_wait3A_380] : memref<262144x128xf32, #tpu.memory_space<hbm>> -> memref<256x128xf32, #tpu.memory_space<hbm>>
    tpu.wait_dma2 semaphore(%arg11 : memref<!tpu.dma_semaphore, #tpu.memory_space<semaphore_mem>>) src(%arg7 : memref<256x128xf32, #tpu.memory_space<vmem>>) dst(%dma_wait3A_381 : memref<256x128xf32, #tpu.memory_space<hbm>>)
    %add3A_382 = arith.constant 5632 : i32
    %add3A_383 = arith.addi %mul3A_2, %add3A_382 : i32
    "tpu.region"() ({
      %run_scoped3A = tpu.sem_alloc : memref<!tpu.dma_semaphore, #tpu.memory_space<semaphore_mem>>
      %dma_start3A_575 = tpu.memref_slice %arg3[%add3A_383] : memref<262144xi32, #tpu.memory_space<hbm>> -> memref<256xi32, #tpu.memory_space<hbm>>
      %dma_start3A_576 = tpu.memref_slice %arg3[%add3A_383] : memref<262144xi32, #tpu.memory_space<hbm>> -> memref<256xi32, #tpu.memory_space<hbm>>
      tpu.enqueue_dma source(%dma_start3A_576 : memref<256xi32, #tpu.memory_space<hbm>>) target(%arg5 : memref<256xi32, #tpu.memory_space<vmem>>) target_semaphore(%run_scoped3A : memref<!tpu.dma_semaphore, #tpu.memory_space<semaphore_mem>>)
      %dma_wait3A_577 = tpu.memref_slice %arg3[%add3A_383] : memref<262144xi32, #tpu.memory_space<hbm>> -> memref<256xi32, #tpu.memory_space<hbm>>
      %dma_wait3A_578 = tpu.memref_slice %arg3[%add3A_383] : memref<262144xi32, #tpu.memory_space<hbm>> -> memref<256xi32, #tpu.memory_space<hbm>>
      tpu.wait_dma2 semaphore(%run_scoped3A : memref<!tpu.dma_semaphore, #tpu.memory_space<semaphore_mem>>) src(%dma_wait3A_578 : memref<256xi32, #tpu.memory_space<hbm>>) dst(%arg5 : memref<256xi32, #tpu.memory_space<vmem>>)
      tpu.yield
    }) : () -> ()
    %dma_start3A_384 = arith.constant 0 : i32
    %dma_start3A_385 = arith.constant 0 : i32
    %dma_start3A_386 = tpu.memref_slice %arg2[%dma_start3A_384, %dma_start3A_385] : memref<4096x128xf32, #tpu.memory_space<hbm>> -> memref<4096x128xf32, #tpu.memory_space<hbm>>
    tpu.enqueue_indirect_dma source(%dma_start3A_386 : memref<4096x128xf32, #tpu.memory_space<hbm>>) target(%arg7 : memref<256x128xf32, #tpu.memory_space<vmem>>) offsets(%arg5 : memref<256xi32, #tpu.memory_space<vmem>>) semaphore(%arg9 : memref<!tpu.dma_semaphore, #tpu.memory_space<semaphore_mem>>)
    %dma_wait3A_387 = arith.constant 0 : i32
    %dma_wait3A_388 = arith.constant 0 : i32
    %dma_wait3A_389 = tpu.memref_slice %arg2[%dma_wait3A_387, %dma_wait3A_388] : memref<4096x128xf32, #tpu.memory_space<hbm>> -> memref<4096x128xf32, #tpu.memory_space<hbm>>
    tpu.wait_indirect_dma semaphore(%arg10 : memref<!tpu.dma_semaphore, #tpu.memory_space<semaphore_mem>>) src(%dma_wait3A_389 : memref<4096x128xf32, #tpu.memory_space<hbm>>) dst(%arg8 : memref<256x128xf32, #tpu.memory_space<vmem>>)
    %add3A_390 = arith.constant 5376 : i32
    %add3A_391 = arith.addi %mul3A_2, %add3A_390 : i32
    %dma_start3A_392 = arith.constant 0 : i32
    %dma_start3A_393 = tpu.memref_slice %arg4[%add3A_391, %dma_start3A_392] : memref<262144x128xf32, #tpu.memory_space<hbm>> -> memref<256x128xf32, #tpu.memory_space<hbm>>
    %dma_start3A_394 = arith.constant 0 : i32
    %dma_start3A_395 = tpu.memref_slice %arg4[%add3A_391, %dma_start3A_394] : memref<262144x128xf32, #tpu.memory_space<hbm>> -> memref<256x128xf32, #tpu.memory_space<hbm>>
    tpu.enqueue_dma source(%arg8 : memref<256x128xf32, #tpu.memory_space<vmem>>) target(%dma_start3A_395 : memref<256x128xf32, #tpu.memory_space<hbm>>) target_semaphore(%arg12 : memref<!tpu.dma_semaphore, #tpu.memory_space<semaphore_mem>>)
    %dma_wait3A_396 = arith.constant 0 : i32
    %dma_wait3A_397 = tpu.memref_slice %arg4[%add3A_391, %dma_wait3A_396] : memref<262144x128xf32, #tpu.memory_space<hbm>> -> memref<256x128xf32, #tpu.memory_space<hbm>>
    %dma_wait3A_398 = arith.constant 0 : i32
    %dma_wait3A_399 = tpu.memref_slice %arg4[%add3A_391, %dma_wait3A_398] : memref<262144x128xf32, #tpu.memory_space<hbm>> -> memref<256x128xf32, #tpu.memory_space<hbm>>
    tpu.wait_dma2 semaphore(%arg12 : memref<!tpu.dma_semaphore, #tpu.memory_space<semaphore_mem>>) src(%arg8 : memref<256x128xf32, #tpu.memory_space<vmem>>) dst(%dma_wait3A_399 : memref<256x128xf32, #tpu.memory_space<hbm>>)
    %add3A_400 = arith.constant 5888 : i32
    %add3A_401 = arith.addi %mul3A_2, %add3A_400 : i32
    "tpu.region"() ({
      %run_scoped3A = tpu.sem_alloc : memref<!tpu.dma_semaphore, #tpu.memory_space<semaphore_mem>>
      %dma_start3A_575 = tpu.memref_slice %arg3[%add3A_401] : memref<262144xi32, #tpu.memory_space<hbm>> -> memref<256xi32, #tpu.memory_space<hbm>>
      %dma_start3A_576 = tpu.memref_slice %arg3[%add3A_401] : memref<262144xi32, #tpu.memory_space<hbm>> -> memref<256xi32, #tpu.memory_space<hbm>>
      tpu.enqueue_dma source(%dma_start3A_576 : memref<256xi32, #tpu.memory_space<hbm>>) target(%arg6 : memref<256xi32, #tpu.memory_space<vmem>>) target_semaphore(%run_scoped3A : memref<!tpu.dma_semaphore, #tpu.memory_space<semaphore_mem>>)
      %dma_wait3A_577 = tpu.memref_slice %arg3[%add3A_401] : memref<262144xi32, #tpu.memory_space<hbm>> -> memref<256xi32, #tpu.memory_space<hbm>>
      %dma_wait3A_578 = tpu.memref_slice %arg3[%add3A_401] : memref<262144xi32, #tpu.memory_space<hbm>> -> memref<256xi32, #tpu.memory_space<hbm>>
      tpu.wait_dma2 semaphore(%run_scoped3A : memref<!tpu.dma_semaphore, #tpu.memory_space<semaphore_mem>>) src(%dma_wait3A_578 : memref<256xi32, #tpu.memory_space<hbm>>) dst(%arg6 : memref<256xi32, #tpu.memory_space<vmem>>)
      tpu.yield
    }) : () -> ()
    %dma_start3A_402 = arith.constant 0 : i32
    %dma_start3A_403 = arith.constant 0 : i32
    %dma_start3A_404 = tpu.memref_slice %arg2[%dma_start3A_402, %dma_start3A_403] : memref<4096x128xf32, #tpu.memory_space<hbm>> -> memref<4096x128xf32, #tpu.memory_space<hbm>>
    tpu.enqueue_indirect_dma source(%dma_start3A_404 : memref<4096x128xf32, #tpu.memory_space<hbm>>) target(%arg8 : memref<256x128xf32, #tpu.memory_space<vmem>>) offsets(%arg6 : memref<256xi32, #tpu.memory_space<vmem>>) semaphore(%arg10 : memref<!tpu.dma_semaphore, #tpu.memory_space<semaphore_mem>>)
    %dma_wait3A_405 = arith.constant 0 : i32
    %dma_wait3A_406 = arith.constant 0 : i32
    %dma_wait3A_407 = tpu.memref_slice %arg2[%dma_wait3A_405, %dma_wait3A_406] : memref<4096x128xf32, #tpu.memory_space<hbm>> -> memref<4096x128xf32, #tpu.memory_space<hbm>>
    tpu.wait_indirect_dma semaphore(%arg9 : memref<!tpu.dma_semaphore, #tpu.memory_space<semaphore_mem>>) src(%dma_wait3A_407 : memref<4096x128xf32, #tpu.memory_space<hbm>>) dst(%arg7 : memref<256x128xf32, #tpu.memory_space<vmem>>)
    %add3A_408 = arith.constant 5632 : i32
    %add3A_409 = arith.addi %mul3A_2, %add3A_408 : i32
    %dma_start3A_410 = arith.constant 0 : i32
    %dma_start3A_411 = tpu.memref_slice %arg4[%add3A_409, %dma_start3A_410] : memref<262144x128xf32, #tpu.memory_space<hbm>> -> memref<256x128xf32, #tpu.memory_space<hbm>>
    %dma_start3A_412 = arith.constant 0 : i32
    %dma_start3A_413 = tpu.memref_slice %arg4[%add3A_409, %dma_start3A_412] : memref<262144x128xf32, #tpu.memory_space<hbm>> -> memref<256x128xf32, #tpu.memory_space<hbm>>
    tpu.enqueue_dma source(%arg7 : memref<256x128xf32, #tpu.memory_space<vmem>>) target(%dma_start3A_413 : memref<256x128xf32, #tpu.memory_space<hbm>>) target_semaphore(%arg11 : memref<!tpu.dma_semaphore, #tpu.memory_space<semaphore_mem>>)
    %dma_wait3A_414 = arith.constant 0 : i32
    %dma_wait3A_415 = tpu.memref_slice %arg4[%add3A_409, %dma_wait3A_414] : memref<262144x128xf32, #tpu.memory_space<hbm>> -> memref<256x128xf32, #tpu.memory_space<hbm>>
    %dma_wait3A_416 = arith.constant 0 : i32
    %dma_wait3A_417 = tpu.memref_slice %arg4[%add3A_409, %dma_wait3A_416] : memref<262144x128xf32, #tpu.memory_space<hbm>> -> memref<256x128xf32, #tpu.memory_space<hbm>>
    tpu.wait_dma2 semaphore(%arg11 : memref<!tpu.dma_semaphore, #tpu.memory_space<semaphore_mem>>) src(%arg7 : memref<256x128xf32, #tpu.memory_space<vmem>>) dst(%dma_wait3A_417 : memref<256x128xf32, #tpu.memory_space<hbm>>)
    %add3A_418 = arith.constant 6144 : i32
    %add3A_419 = arith.addi %mul3A_2, %add3A_418 : i32
    "tpu.region"() ({
      %run_scoped3A = tpu.sem_alloc : memref<!tpu.dma_semaphore, #tpu.memory_space<semaphore_mem>>
      %dma_start3A_575 = tpu.memref_slice %arg3[%add3A_419] : memref<262144xi32, #tpu.memory_space<hbm>> -> memref<256xi32, #tpu.memory_space<hbm>>
      %dma_start3A_576 = tpu.memref_slice %arg3[%add3A_419] : memref<262144xi32, #tpu.memory_space<hbm>> -> memref<256xi32, #tpu.memory_space<hbm>>
      tpu.enqueue_dma source(%dma_start3A_576 : memref<256xi32, #tpu.memory_space<hbm>>) target(%arg5 : memref<256xi32, #tpu.memory_space<vmem>>) target_semaphore(%run_scoped3A : memref<!tpu.dma_semaphore, #tpu.memory_space<semaphore_mem>>)
      %dma_wait3A_577 = tpu.memref_slice %arg3[%add3A_419] : memref<262144xi32, #tpu.memory_space<hbm>> -> memref<256xi32, #tpu.memory_space<hbm>>
      %dma_wait3A_578 = tpu.memref_slice %arg3[%add3A_419] : memref<262144xi32, #tpu.memory_space<hbm>> -> memref<256xi32, #tpu.memory_space<hbm>>
      tpu.wait_dma2 semaphore(%run_scoped3A : memref<!tpu.dma_semaphore, #tpu.memory_space<semaphore_mem>>) src(%dma_wait3A_578 : memref<256xi32, #tpu.memory_space<hbm>>) dst(%arg5 : memref<256xi32, #tpu.memory_space<vmem>>)
      tpu.yield
    }) : () -> ()
    %dma_start3A_420 = arith.constant 0 : i32
    %dma_start3A_421 = arith.constant 0 : i32
    %dma_start3A_422 = tpu.memref_slice %arg2[%dma_start3A_420, %dma_start3A_421] : memref<4096x128xf32, #tpu.memory_space<hbm>> -> memref<4096x128xf32, #tpu.memory_space<hbm>>
    tpu.enqueue_indirect_dma source(%dma_start3A_422 : memref<4096x128xf32, #tpu.memory_space<hbm>>) target(%arg7 : memref<256x128xf32, #tpu.memory_space<vmem>>) offsets(%arg5 : memref<256xi32, #tpu.memory_space<vmem>>) semaphore(%arg9 : memref<!tpu.dma_semaphore, #tpu.memory_space<semaphore_mem>>)
    %dma_wait3A_423 = arith.constant 0 : i32
    %dma_wait3A_424 = arith.constant 0 : i32
    %dma_wait3A_425 = tpu.memref_slice %arg2[%dma_wait3A_423, %dma_wait3A_424] : memref<4096x128xf32, #tpu.memory_space<hbm>> -> memref<4096x128xf32, #tpu.memory_space<hbm>>
    tpu.wait_indirect_dma semaphore(%arg10 : memref<!tpu.dma_semaphore, #tpu.memory_space<semaphore_mem>>) src(%dma_wait3A_425 : memref<4096x128xf32, #tpu.memory_space<hbm>>) dst(%arg8 : memref<256x128xf32, #tpu.memory_space<vmem>>)
    %add3A_426 = arith.constant 5888 : i32
    %add3A_427 = arith.addi %mul3A_2, %add3A_426 : i32
    %dma_start3A_428 = arith.constant 0 : i32
    %dma_start3A_429 = tpu.memref_slice %arg4[%add3A_427, %dma_start3A_428] : memref<262144x128xf32, #tpu.memory_space<hbm>> -> memref<256x128xf32, #tpu.memory_space<hbm>>
    %dma_start3A_430 = arith.constant 0 : i32
    %dma_start3A_431 = tpu.memref_slice %arg4[%add3A_427, %dma_start3A_430] : memref<262144x128xf32, #tpu.memory_space<hbm>> -> memref<256x128xf32, #tpu.memory_space<hbm>>
    tpu.enqueue_dma source(%arg8 : memref<256x128xf32, #tpu.memory_space<vmem>>) target(%dma_start3A_431 : memref<256x128xf32, #tpu.memory_space<hbm>>) target_semaphore(%arg12 : memref<!tpu.dma_semaphore, #tpu.memory_space<semaphore_mem>>)
    %dma_wait3A_432 = arith.constant 0 : i32
    %dma_wait3A_433 = tpu.memref_slice %arg4[%add3A_427, %dma_wait3A_432] : memref<262144x128xf32, #tpu.memory_space<hbm>> -> memref<256x128xf32, #tpu.memory_space<hbm>>
    %dma_wait3A_434 = arith.constant 0 : i32
    %dma_wait3A_435 = tpu.memref_slice %arg4[%add3A_427, %dma_wait3A_434] : memref<262144x128xf32, #tpu.memory_space<hbm>> -> memref<256x128xf32, #tpu.memory_space<hbm>>
    tpu.wait_dma2 semaphore(%arg12 : memref<!tpu.dma_semaphore, #tpu.memory_space<semaphore_mem>>) src(%arg8 : memref<256x128xf32, #tpu.memory_space<vmem>>) dst(%dma_wait3A_435 : memref<256x128xf32, #tpu.memory_space<hbm>>)
    %add3A_436 = arith.constant 6400 : i32
    %add3A_437 = arith.addi %mul3A_2, %add3A_436 : i32
    "tpu.region"() ({
      %run_scoped3A = tpu.sem_alloc : memref<!tpu.dma_semaphore, #tpu.memory_space<semaphore_mem>>
      %dma_start3A_575 = tpu.memref_slice %arg3[%add3A_437] : memref<262144xi32, #tpu.memory_space<hbm>> -> memref<256xi32, #tpu.memory_space<hbm>>
      %dma_start3A_576 = tpu.memref_slice %arg3[%add3A_437] : memref<262144xi32, #tpu.memory_space<hbm>> -> memref<256xi32, #tpu.memory_space<hbm>>
      tpu.enqueue_dma source(%dma_start3A_576 : memref<256xi32, #tpu.memory_space<hbm>>) target(%arg6 : memref<256xi32, #tpu.memory_space<vmem>>) target_semaphore(%run_scoped3A : memref<!tpu.dma_semaphore, #tpu.memory_space<semaphore_mem>>)
      %dma_wait3A_577 = tpu.memref_slice %arg3[%add3A_437] : memref<262144xi32, #tpu.memory_space<hbm>> -> memref<256xi32, #tpu.memory_space<hbm>>
      %dma_wait3A_578 = tpu.memref_slice %arg3[%add3A_437] : memref<262144xi32, #tpu.memory_space<hbm>> -> memref<256xi32, #tpu.memory_space<hbm>>
      tpu.wait_dma2 semaphore(%run_scoped3A : memref<!tpu.dma_semaphore, #tpu.memory_space<semaphore_mem>>) src(%dma_wait3A_578 : memref<256xi32, #tpu.memory_space<hbm>>) dst(%arg6 : memref<256xi32, #tpu.memory_space<vmem>>)
      tpu.yield
    }) : () -> ()
    %dma_start3A_438 = arith.constant 0 : i32
    %dma_start3A_439 = arith.constant 0 : i32
    %dma_start3A_440 = tpu.memref_slice %arg2[%dma_start3A_438, %dma_start3A_439] : memref<4096x128xf32, #tpu.memory_space<hbm>> -> memref<4096x128xf32, #tpu.memory_space<hbm>>
    tpu.enqueue_indirect_dma source(%dma_start3A_440 : memref<4096x128xf32, #tpu.memory_space<hbm>>) target(%arg8 : memref<256x128xf32, #tpu.memory_space<vmem>>) offsets(%arg6 : memref<256xi32, #tpu.memory_space<vmem>>) semaphore(%arg10 : memref<!tpu.dma_semaphore, #tpu.memory_space<semaphore_mem>>)
    %dma_wait3A_441 = arith.constant 0 : i32
    %dma_wait3A_442 = arith.constant 0 : i32
    %dma_wait3A_443 = tpu.memref_slice %arg2[%dma_wait3A_441, %dma_wait3A_442] : memref<4096x128xf32, #tpu.memory_space<hbm>> -> memref<4096x128xf32, #tpu.memory_space<hbm>>
    tpu.wait_indirect_dma semaphore(%arg9 : memref<!tpu.dma_semaphore, #tpu.memory_space<semaphore_mem>>) src(%dma_wait3A_443 : memref<4096x128xf32, #tpu.memory_space<hbm>>) dst(%arg7 : memref<256x128xf32, #tpu.memory_space<vmem>>)
    %add3A_444 = arith.constant 6144 : i32
    %add3A_445 = arith.addi %mul3A_2, %add3A_444 : i32
    %dma_start3A_446 = arith.constant 0 : i32
    %dma_start3A_447 = tpu.memref_slice %arg4[%add3A_445, %dma_start3A_446] : memref<262144x128xf32, #tpu.memory_space<hbm>> -> memref<256x128xf32, #tpu.memory_space<hbm>>
    %dma_start3A_448 = arith.constant 0 : i32
    %dma_start3A_449 = tpu.memref_slice %arg4[%add3A_445, %dma_start3A_448] : memref<262144x128xf32, #tpu.memory_space<hbm>> -> memref<256x128xf32, #tpu.memory_space<hbm>>
    tpu.enqueue_dma source(%arg7 : memref<256x128xf32, #tpu.memory_space<vmem>>) target(%dma_start3A_449 : memref<256x128xf32, #tpu.memory_space<hbm>>) target_semaphore(%arg11 : memref<!tpu.dma_semaphore, #tpu.memory_space<semaphore_mem>>)
    %dma_wait3A_450 = arith.constant 0 : i32
    %dma_wait3A_451 = tpu.memref_slice %arg4[%add3A_445, %dma_wait3A_450] : memref<262144x128xf32, #tpu.memory_space<hbm>> -> memref<256x128xf32, #tpu.memory_space<hbm>>
    %dma_wait3A_452 = arith.constant 0 : i32
    %dma_wait3A_453 = tpu.memref_slice %arg4[%add3A_445, %dma_wait3A_452] : memref<262144x128xf32, #tpu.memory_space<hbm>> -> memref<256x128xf32, #tpu.memory_space<hbm>>
    tpu.wait_dma2 semaphore(%arg11 : memref<!tpu.dma_semaphore, #tpu.memory_space<semaphore_mem>>) src(%arg7 : memref<256x128xf32, #tpu.memory_space<vmem>>) dst(%dma_wait3A_453 : memref<256x128xf32, #tpu.memory_space<hbm>>)
    %add3A_454 = arith.constant 6656 : i32
    %add3A_455 = arith.addi %mul3A_2, %add3A_454 : i32
    "tpu.region"() ({
      %run_scoped3A = tpu.sem_alloc : memref<!tpu.dma_semaphore, #tpu.memory_space<semaphore_mem>>
      %dma_start3A_575 = tpu.memref_slice %arg3[%add3A_455] : memref<262144xi32, #tpu.memory_space<hbm>> -> memref<256xi32, #tpu.memory_space<hbm>>
      %dma_start3A_576 = tpu.memref_slice %arg3[%add3A_455] : memref<262144xi32, #tpu.memory_space<hbm>> -> memref<256xi32, #tpu.memory_space<hbm>>
      tpu.enqueue_dma source(%dma_start3A_576 : memref<256xi32, #tpu.memory_space<hbm>>) target(%arg5 : memref<256xi32, #tpu.memory_space<vmem>>) target_semaphore(%run_scoped3A : memref<!tpu.dma_semaphore, #tpu.memory_space<semaphore_mem>>)
      %dma_wait3A_577 = tpu.memref_slice %arg3[%add3A_455] : memref<262144xi32, #tpu.memory_space<hbm>> -> memref<256xi32, #tpu.memory_space<hbm>>
      %dma_wait3A_578 = tpu.memref_slice %arg3[%add3A_455] : memref<262144xi32, #tpu.memory_space<hbm>> -> memref<256xi32, #tpu.memory_space<hbm>>
      tpu.wait_dma2 semaphore(%run_scoped3A : memref<!tpu.dma_semaphore, #tpu.memory_space<semaphore_mem>>) src(%dma_wait3A_578 : memref<256xi32, #tpu.memory_space<hbm>>) dst(%arg5 : memref<256xi32, #tpu.memory_space<vmem>>)
      tpu.yield
    }) : () -> ()
    %dma_start3A_456 = arith.constant 0 : i32
    %dma_start3A_457 = arith.constant 0 : i32
    %dma_start3A_458 = tpu.memref_slice %arg2[%dma_start3A_456, %dma_start3A_457] : memref<4096x128xf32, #tpu.memory_space<hbm>> -> memref<4096x128xf32, #tpu.memory_space<hbm>>
    tpu.enqueue_indirect_dma source(%dma_start3A_458 : memref<4096x128xf32, #tpu.memory_space<hbm>>) target(%arg7 : memref<256x128xf32, #tpu.memory_space<vmem>>) offsets(%arg5 : memref<256xi32, #tpu.memory_space<vmem>>) semaphore(%arg9 : memref<!tpu.dma_semaphore, #tpu.memory_space<semaphore_mem>>)
    %dma_wait3A_459 = arith.constant 0 : i32
    %dma_wait3A_460 = arith.constant 0 : i32
    %dma_wait3A_461 = tpu.memref_slice %arg2[%dma_wait3A_459, %dma_wait3A_460] : memref<4096x128xf32, #tpu.memory_space<hbm>> -> memref<4096x128xf32, #tpu.memory_space<hbm>>
    tpu.wait_indirect_dma semaphore(%arg10 : memref<!tpu.dma_semaphore, #tpu.memory_space<semaphore_mem>>) src(%dma_wait3A_461 : memref<4096x128xf32, #tpu.memory_space<hbm>>) dst(%arg8 : memref<256x128xf32, #tpu.memory_space<vmem>>)
    %add3A_462 = arith.constant 6400 : i32
    %add3A_463 = arith.addi %mul3A_2, %add3A_462 : i32
    %dma_start3A_464 = arith.constant 0 : i32
    %dma_start3A_465 = tpu.memref_slice %arg4[%add3A_463, %dma_start3A_464] : memref<262144x128xf32, #tpu.memory_space<hbm>> -> memref<256x128xf32, #tpu.memory_space<hbm>>
    %dma_start3A_466 = arith.constant 0 : i32
    %dma_start3A_467 = tpu.memref_slice %arg4[%add3A_463, %dma_start3A_466] : memref<262144x128xf32, #tpu.memory_space<hbm>> -> memref<256x128xf32, #tpu.memory_space<hbm>>
    tpu.enqueue_dma source(%arg8 : memref<256x128xf32, #tpu.memory_space<vmem>>) target(%dma_start3A_467 : memref<256x128xf32, #tpu.memory_space<hbm>>) target_semaphore(%arg12 : memref<!tpu.dma_semaphore, #tpu.memory_space<semaphore_mem>>)
    %dma_wait3A_468 = arith.constant 0 : i32
    %dma_wait3A_469 = tpu.memref_slice %arg4[%add3A_463, %dma_wait3A_468] : memref<262144x128xf32, #tpu.memory_space<hbm>> -> memref<256x128xf32, #tpu.memory_space<hbm>>
    %dma_wait3A_470 = arith.constant 0 : i32
    %dma_wait3A_471 = tpu.memref_slice %arg4[%add3A_463, %dma_wait3A_470] : memref<262144x128xf32, #tpu.memory_space<hbm>> -> memref<256x128xf32, #tpu.memory_space<hbm>>
    tpu.wait_dma2 semaphore(%arg12 : memref<!tpu.dma_semaphore, #tpu.memory_space<semaphore_mem>>) src(%arg8 : memref<256x128xf32, #tpu.memory_space<vmem>>) dst(%dma_wait3A_471 : memref<256x128xf32, #tpu.memory_space<hbm>>)
    %add3A_472 = arith.constant 6912 : i32
    %add3A_473 = arith.addi %mul3A_2, %add3A_472 : i32
    "tpu.region"() ({
      %run_scoped3A = tpu.sem_alloc : memref<!tpu.dma_semaphore, #tpu.memory_space<semaphore_mem>>
      %dma_start3A_575 = tpu.memref_slice %arg3[%add3A_473] : memref<262144xi32, #tpu.memory_space<hbm>> -> memref<256xi32, #tpu.memory_space<hbm>>
      %dma_start3A_576 = tpu.memref_slice %arg3[%add3A_473] : memref<262144xi32, #tpu.memory_space<hbm>> -> memref<256xi32, #tpu.memory_space<hbm>>
      tpu.enqueue_dma source(%dma_start3A_576 : memref<256xi32, #tpu.memory_space<hbm>>) target(%arg6 : memref<256xi32, #tpu.memory_space<vmem>>) target_semaphore(%run_scoped3A : memref<!tpu.dma_semaphore, #tpu.memory_space<semaphore_mem>>)
      %dma_wait3A_577 = tpu.memref_slice %arg3[%add3A_473] : memref<262144xi32, #tpu.memory_space<hbm>> -> memref<256xi32, #tpu.memory_space<hbm>>
      %dma_wait3A_578 = tpu.memref_slice %arg3[%add3A_473] : memref<262144xi32, #tpu.memory_space<hbm>> -> memref<256xi32, #tpu.memory_space<hbm>>
      tpu.wait_dma2 semaphore(%run_scoped3A : memref<!tpu.dma_semaphore, #tpu.memory_space<semaphore_mem>>) src(%dma_wait3A_578 : memref<256xi32, #tpu.memory_space<hbm>>) dst(%arg6 : memref<256xi32, #tpu.memory_space<vmem>>)
      tpu.yield
    }) : () -> ()
    %dma_start3A_474 = arith.constant 0 : i32
    %dma_start3A_475 = arith.constant 0 : i32
    %dma_start3A_476 = tpu.memref_slice %arg2[%dma_start3A_474, %dma_start3A_475] : memref<4096x128xf32, #tpu.memory_space<hbm>> -> memref<4096x128xf32, #tpu.memory_space<hbm>>
    tpu.enqueue_indirect_dma source(%dma_start3A_476 : memref<4096x128xf32, #tpu.memory_space<hbm>>) target(%arg8 : memref<256x128xf32, #tpu.memory_space<vmem>>) offsets(%arg6 : memref<256xi32, #tpu.memory_space<vmem>>) semaphore(%arg10 : memref<!tpu.dma_semaphore, #tpu.memory_space<semaphore_mem>>)
    %dma_wait3A_477 = arith.constant 0 : i32
    %dma_wait3A_478 = arith.constant 0 : i32
    %dma_wait3A_479 = tpu.memref_slice %arg2[%dma_wait3A_477, %dma_wait3A_478] : memref<4096x128xf32, #tpu.memory_space<hbm>> -> memref<4096x128xf32, #tpu.memory_space<hbm>>
    tpu.wait_indirect_dma semaphore(%arg9 : memref<!tpu.dma_semaphore, #tpu.memory_space<semaphore_mem>>) src(%dma_wait3A_479 : memref<4096x128xf32, #tpu.memory_space<hbm>>) dst(%arg7 : memref<256x128xf32, #tpu.memory_space<vmem>>)
    %add3A_480 = arith.constant 6656 : i32
    %add3A_481 = arith.addi %mul3A_2, %add3A_480 : i32
    %dma_start3A_482 = arith.constant 0 : i32
    %dma_start3A_483 = tpu.memref_slice %arg4[%add3A_481, %dma_start3A_482] : memref<262144x128xf32, #tpu.memory_space<hbm>> -> memref<256x128xf32, #tpu.memory_space<hbm>>
    %dma_start3A_484 = arith.constant 0 : i32
    %dma_start3A_485 = tpu.memref_slice %arg4[%add3A_481, %dma_start3A_484] : memref<262144x128xf32, #tpu.memory_space<hbm>> -> memref<256x128xf32, #tpu.memory_space<hbm>>
    tpu.enqueue_dma source(%arg7 : memref<256x128xf32, #tpu.memory_space<vmem>>) target(%dma_start3A_485 : memref<256x128xf32, #tpu.memory_space<hbm>>) target_semaphore(%arg11 : memref<!tpu.dma_semaphore, #tpu.memory_space<semaphore_mem>>)
    %dma_wait3A_486 = arith.constant 0 : i32
    %dma_wait3A_487 = tpu.memref_slice %arg4[%add3A_481, %dma_wait3A_486] : memref<262144x128xf32, #tpu.memory_space<hbm>> -> memref<256x128xf32, #tpu.memory_space<hbm>>
    %dma_wait3A_488 = arith.constant 0 : i32
    %dma_wait3A_489 = tpu.memref_slice %arg4[%add3A_481, %dma_wait3A_488] : memref<262144x128xf32, #tpu.memory_space<hbm>> -> memref<256x128xf32, #tpu.memory_space<hbm>>
    tpu.wait_dma2 semaphore(%arg11 : memref<!tpu.dma_semaphore, #tpu.memory_space<semaphore_mem>>) src(%arg7 : memref<256x128xf32, #tpu.memory_space<vmem>>) dst(%dma_wait3A_489 : memref<256x128xf32, #tpu.memory_space<hbm>>)
    %add3A_490 = arith.constant 7168 : i32
    %add3A_491 = arith.addi %mul3A_2, %add3A_490 : i32
    "tpu.region"() ({
      %run_scoped3A = tpu.sem_alloc : memref<!tpu.dma_semaphore, #tpu.memory_space<semaphore_mem>>
      %dma_start3A_575 = tpu.memref_slice %arg3[%add3A_491] : memref<262144xi32, #tpu.memory_space<hbm>> -> memref<256xi32, #tpu.memory_space<hbm>>
      %dma_start3A_576 = tpu.memref_slice %arg3[%add3A_491] : memref<262144xi32, #tpu.memory_space<hbm>> -> memref<256xi32, #tpu.memory_space<hbm>>
      tpu.enqueue_dma source(%dma_start3A_576 : memref<256xi32, #tpu.memory_space<hbm>>) target(%arg5 : memref<256xi32, #tpu.memory_space<vmem>>) target_semaphore(%run_scoped3A : memref<!tpu.dma_semaphore, #tpu.memory_space<semaphore_mem>>)
      %dma_wait3A_577 = tpu.memref_slice %arg3[%add3A_491] : memref<262144xi32, #tpu.memory_space<hbm>> -> memref<256xi32, #tpu.memory_space<hbm>>
      %dma_wait3A_578 = tpu.memref_slice %arg3[%add3A_491] : memref<262144xi32, #tpu.memory_space<hbm>> -> memref<256xi32, #tpu.memory_space<hbm>>
      tpu.wait_dma2 semaphore(%run_scoped3A : memref<!tpu.dma_semaphore, #tpu.memory_space<semaphore_mem>>) src(%dma_wait3A_578 : memref<256xi32, #tpu.memory_space<hbm>>) dst(%arg5 : memref<256xi32, #tpu.memory_space<vmem>>)
      tpu.yield
    }) : () -> ()
    %dma_start3A_492 = arith.constant 0 : i32
    %dma_start3A_493 = arith.constant 0 : i32
    %dma_start3A_494 = tpu.memref_slice %arg2[%dma_start3A_492, %dma_start3A_493] : memref<4096x128xf32, #tpu.memory_space<hbm>> -> memref<4096x128xf32, #tpu.memory_space<hbm>>
    tpu.enqueue_indirect_dma source(%dma_start3A_494 : memref<4096x128xf32, #tpu.memory_space<hbm>>) target(%arg7 : memref<256x128xf32, #tpu.memory_space<vmem>>) offsets(%arg5 : memref<256xi32, #tpu.memory_space<vmem>>) semaphore(%arg9 : memref<!tpu.dma_semaphore, #tpu.memory_space<semaphore_mem>>)
    %dma_wait3A_495 = arith.constant 0 : i32
    %dma_wait3A_496 = arith.constant 0 : i32
    %dma_wait3A_497 = tpu.memref_slice %arg2[%dma_wait3A_495, %dma_wait3A_496] : memref<4096x128xf32, #tpu.memory_space<hbm>> -> memref<4096x128xf32, #tpu.memory_space<hbm>>
    tpu.wait_indirect_dma semaphore(%arg10 : memref<!tpu.dma_semaphore, #tpu.memory_space<semaphore_mem>>) src(%dma_wait3A_497 : memref<4096x128xf32, #tpu.memory_space<hbm>>) dst(%arg8 : memref<256x128xf32, #tpu.memory_space<vmem>>)
    %add3A_498 = arith.constant 6912 : i32
    %add3A_499 = arith.addi %mul3A_2, %add3A_498 : i32
    %dma_start3A_500 = arith.constant 0 : i32
    %dma_start3A_501 = tpu.memref_slice %arg4[%add3A_499, %dma_start3A_500] : memref<262144x128xf32, #tpu.memory_space<hbm>> -> memref<256x128xf32, #tpu.memory_space<hbm>>
    %dma_start3A_502 = arith.constant 0 : i32
    %dma_start3A_503 = tpu.memref_slice %arg4[%add3A_499, %dma_start3A_502] : memref<262144x128xf32, #tpu.memory_space<hbm>> -> memref<256x128xf32, #tpu.memory_space<hbm>>
    tpu.enqueue_dma source(%arg8 : memref<256x128xf32, #tpu.memory_space<vmem>>) target(%dma_start3A_503 : memref<256x128xf32, #tpu.memory_space<hbm>>) target_semaphore(%arg12 : memref<!tpu.dma_semaphore, #tpu.memory_space<semaphore_mem>>)
    %dma_wait3A_504 = arith.constant 0 : i32
    %dma_wait3A_505 = tpu.memref_slice %arg4[%add3A_499, %dma_wait3A_504] : memref<262144x128xf32, #tpu.memory_space<hbm>> -> memref<256x128xf32, #tpu.memory_space<hbm>>
    %dma_wait3A_506 = arith.constant 0 : i32
    %dma_wait3A_507 = tpu.memref_slice %arg4[%add3A_499, %dma_wait3A_506] : memref<262144x128xf32, #tpu.memory_space<hbm>> -> memref<256x128xf32, #tpu.memory_space<hbm>>
    tpu.wait_dma2 semaphore(%arg12 : memref<!tpu.dma_semaphore, #tpu.memory_space<semaphore_mem>>) src(%arg8 : memref<256x128xf32, #tpu.memory_space<vmem>>) dst(%dma_wait3A_507 : memref<256x128xf32, #tpu.memory_space<hbm>>)
    %add3A_508 = arith.constant 7424 : i32
    %add3A_509 = arith.addi %mul3A_2, %add3A_508 : i32
    "tpu.region"() ({
      %run_scoped3A = tpu.sem_alloc : memref<!tpu.dma_semaphore, #tpu.memory_space<semaphore_mem>>
      %dma_start3A_575 = tpu.memref_slice %arg3[%add3A_509] : memref<262144xi32, #tpu.memory_space<hbm>> -> memref<256xi32, #tpu.memory_space<hbm>>
      %dma_start3A_576 = tpu.memref_slice %arg3[%add3A_509] : memref<262144xi32, #tpu.memory_space<hbm>> -> memref<256xi32, #tpu.memory_space<hbm>>
      tpu.enqueue_dma source(%dma_start3A_576 : memref<256xi32, #tpu.memory_space<hbm>>) target(%arg6 : memref<256xi32, #tpu.memory_space<vmem>>) target_semaphore(%run_scoped3A : memref<!tpu.dma_semaphore, #tpu.memory_space<semaphore_mem>>)
      %dma_wait3A_577 = tpu.memref_slice %arg3[%add3A_509] : memref<262144xi32, #tpu.memory_space<hbm>> -> memref<256xi32, #tpu.memory_space<hbm>>
      %dma_wait3A_578 = tpu.memref_slice %arg3[%add3A_509] : memref<262144xi32, #tpu.memory_space<hbm>> -> memref<256xi32, #tpu.memory_space<hbm>>
      tpu.wait_dma2 semaphore(%run_scoped3A : memref<!tpu.dma_semaphore, #tpu.memory_space<semaphore_mem>>) src(%dma_wait3A_578 : memref<256xi32, #tpu.memory_space<hbm>>) dst(%arg6 : memref<256xi32, #tpu.memory_space<vmem>>)
      tpu.yield
    }) : () -> ()
    %dma_start3A_510 = arith.constant 0 : i32
    %dma_start3A_511 = arith.constant 0 : i32
    %dma_start3A_512 = tpu.memref_slice %arg2[%dma_start3A_510, %dma_start3A_511] : memref<4096x128xf32, #tpu.memory_space<hbm>> -> memref<4096x128xf32, #tpu.memory_space<hbm>>
    tpu.enqueue_indirect_dma source(%dma_start3A_512 : memref<4096x128xf32, #tpu.memory_space<hbm>>) target(%arg8 : memref<256x128xf32, #tpu.memory_space<vmem>>) offsets(%arg6 : memref<256xi32, #tpu.memory_space<vmem>>) semaphore(%arg10 : memref<!tpu.dma_semaphore, #tpu.memory_space<semaphore_mem>>)
    %dma_wait3A_513 = arith.constant 0 : i32
    %dma_wait3A_514 = arith.constant 0 : i32
    %dma_wait3A_515 = tpu.memref_slice %arg2[%dma_wait3A_513, %dma_wait3A_514] : memref<4096x128xf32, #tpu.memory_space<hbm>> -> memref<4096x128xf32, #tpu.memory_space<hbm>>
    tpu.wait_indirect_dma semaphore(%arg9 : memref<!tpu.dma_semaphore, #tpu.memory_space<semaphore_mem>>) src(%dma_wait3A_515 : memref<4096x128xf32, #tpu.memory_space<hbm>>) dst(%arg7 : memref<256x128xf32, #tpu.memory_space<vmem>>)
    %add3A_516 = arith.constant 7168 : i32
    %add3A_517 = arith.addi %mul3A_2, %add3A_516 : i32
    %dma_start3A_518 = arith.constant 0 : i32
    %dma_start3A_519 = tpu.memref_slice %arg4[%add3A_517, %dma_start3A_518] : memref<262144x128xf32, #tpu.memory_space<hbm>> -> memref<256x128xf32, #tpu.memory_space<hbm>>
    %dma_start3A_520 = arith.constant 0 : i32
    %dma_start3A_521 = tpu.memref_slice %arg4[%add3A_517, %dma_start3A_520] : memref<262144x128xf32, #tpu.memory_space<hbm>> -> memref<256x128xf32, #tpu.memory_space<hbm>>
    tpu.enqueue_dma source(%arg7 : memref<256x128xf32, #tpu.memory_space<vmem>>) target(%dma_start3A_521 : memref<256x128xf32, #tpu.memory_space<hbm>>) target_semaphore(%arg11 : memref<!tpu.dma_semaphore, #tpu.memory_space<semaphore_mem>>)
    %dma_wait3A_522 = arith.constant 0 : i32
    %dma_wait3A_523 = tpu.memref_slice %arg4[%add3A_517, %dma_wait3A_522] : memref<262144x128xf32, #tpu.memory_space<hbm>> -> memref<256x128xf32, #tpu.memory_space<hbm>>
    %dma_wait3A_524 = arith.constant 0 : i32
    %dma_wait3A_525 = tpu.memref_slice %arg4[%add3A_517, %dma_wait3A_524] : memref<262144x128xf32, #tpu.memory_space<hbm>> -> memref<256x128xf32, #tpu.memory_space<hbm>>
    tpu.wait_dma2 semaphore(%arg11 : memref<!tpu.dma_semaphore, #tpu.memory_space<semaphore_mem>>) src(%arg7 : memref<256x128xf32, #tpu.memory_space<vmem>>) dst(%dma_wait3A_525 : memref<256x128xf32, #tpu.memory_space<hbm>>)
    %add3A_526 = arith.constant 7680 : i32
    %add3A_527 = arith.addi %mul3A_2, %add3A_526 : i32
    "tpu.region"() ({
      %run_scoped3A = tpu.sem_alloc : memref<!tpu.dma_semaphore, #tpu.memory_space<semaphore_mem>>
      %dma_start3A_575 = tpu.memref_slice %arg3[%add3A_527] : memref<262144xi32, #tpu.memory_space<hbm>> -> memref<256xi32, #tpu.memory_space<hbm>>
      %dma_start3A_576 = tpu.memref_slice %arg3[%add3A_527] : memref<262144xi32, #tpu.memory_space<hbm>> -> memref<256xi32, #tpu.memory_space<hbm>>
      tpu.enqueue_dma source(%dma_start3A_576 : memref<256xi32, #tpu.memory_space<hbm>>) target(%arg5 : memref<256xi32, #tpu.memory_space<vmem>>) target_semaphore(%run_scoped3A : memref<!tpu.dma_semaphore, #tpu.memory_space<semaphore_mem>>)
      %dma_wait3A_577 = tpu.memref_slice %arg3[%add3A_527] : memref<262144xi32, #tpu.memory_space<hbm>> -> memref<256xi32, #tpu.memory_space<hbm>>
      %dma_wait3A_578 = tpu.memref_slice %arg3[%add3A_527] : memref<262144xi32, #tpu.memory_space<hbm>> -> memref<256xi32, #tpu.memory_space<hbm>>
      tpu.wait_dma2 semaphore(%run_scoped3A : memref<!tpu.dma_semaphore, #tpu.memory_space<semaphore_mem>>) src(%dma_wait3A_578 : memref<256xi32, #tpu.memory_space<hbm>>) dst(%arg5 : memref<256xi32, #tpu.memory_space<vmem>>)
      tpu.yield
    }) : () -> ()
    %dma_start3A_528 = arith.constant 0 : i32
    %dma_start3A_529 = arith.constant 0 : i32
    %dma_start3A_530 = tpu.memref_slice %arg2[%dma_start3A_528, %dma_start3A_529] : memref<4096x128xf32, #tpu.memory_space<hbm>> -> memref<4096x128xf32, #tpu.memory_space<hbm>>
    tpu.enqueue_indirect_dma source(%dma_start3A_530 : memref<4096x128xf32, #tpu.memory_space<hbm>>) target(%arg7 : memref<256x128xf32, #tpu.memory_space<vmem>>) offsets(%arg5 : memref<256xi32, #tpu.memory_space<vmem>>) semaphore(%arg9 : memref<!tpu.dma_semaphore, #tpu.memory_space<semaphore_mem>>)
    %dma_wait3A_531 = arith.constant 0 : i32
    %dma_wait3A_532 = arith.constant 0 : i32
    %dma_wait3A_533 = tpu.memref_slice %arg2[%dma_wait3A_531, %dma_wait3A_532] : memref<4096x128xf32, #tpu.memory_space<hbm>> -> memref<4096x128xf32, #tpu.memory_space<hbm>>
    tpu.wait_indirect_dma semaphore(%arg10 : memref<!tpu.dma_semaphore, #tpu.memory_space<semaphore_mem>>) src(%dma_wait3A_533 : memref<4096x128xf32, #tpu.memory_space<hbm>>) dst(%arg8 : memref<256x128xf32, #tpu.memory_space<vmem>>)
    %add3A_534 = arith.constant 7424 : i32
    %add3A_535 = arith.addi %mul3A_2, %add3A_534 : i32
    %dma_start3A_536 = arith.constant 0 : i32
    %dma_start3A_537 = tpu.memref_slice %arg4[%add3A_535, %dma_start3A_536] : memref<262144x128xf32, #tpu.memory_space<hbm>> -> memref<256x128xf32, #tpu.memory_space<hbm>>
    %dma_start3A_538 = arith.constant 0 : i32
    %dma_start3A_539 = tpu.memref_slice %arg4[%add3A_535, %dma_start3A_538] : memref<262144x128xf32, #tpu.memory_space<hbm>> -> memref<256x128xf32, #tpu.memory_space<hbm>>
    tpu.enqueue_dma source(%arg8 : memref<256x128xf32, #tpu.memory_space<vmem>>) target(%dma_start3A_539 : memref<256x128xf32, #tpu.memory_space<hbm>>) target_semaphore(%arg12 : memref<!tpu.dma_semaphore, #tpu.memory_space<semaphore_mem>>)
    %dma_wait3A_540 = arith.constant 0 : i32
    %dma_wait3A_541 = tpu.memref_slice %arg4[%add3A_535, %dma_wait3A_540] : memref<262144x128xf32, #tpu.memory_space<hbm>> -> memref<256x128xf32, #tpu.memory_space<hbm>>
    %dma_wait3A_542 = arith.constant 0 : i32
    %dma_wait3A_543 = tpu.memref_slice %arg4[%add3A_535, %dma_wait3A_542] : memref<262144x128xf32, #tpu.memory_space<hbm>> -> memref<256x128xf32, #tpu.memory_space<hbm>>
    tpu.wait_dma2 semaphore(%arg12 : memref<!tpu.dma_semaphore, #tpu.memory_space<semaphore_mem>>) src(%arg8 : memref<256x128xf32, #tpu.memory_space<vmem>>) dst(%dma_wait3A_543 : memref<256x128xf32, #tpu.memory_space<hbm>>)
    %add3A_544 = arith.constant 7936 : i32
    %add3A_545 = arith.addi %mul3A_2, %add3A_544 : i32
    "tpu.region"() ({
      %run_scoped3A = tpu.sem_alloc : memref<!tpu.dma_semaphore, #tpu.memory_space<semaphore_mem>>
      %dma_start3A_575 = tpu.memref_slice %arg3[%add3A_545] : memref<262144xi32, #tpu.memory_space<hbm>> -> memref<256xi32, #tpu.memory_space<hbm>>
      %dma_start3A_576 = tpu.memref_slice %arg3[%add3A_545] : memref<262144xi32, #tpu.memory_space<hbm>> -> memref<256xi32, #tpu.memory_space<hbm>>
      tpu.enqueue_dma source(%dma_start3A_576 : memref<256xi32, #tpu.memory_space<hbm>>) target(%arg6 : memref<256xi32, #tpu.memory_space<vmem>>) target_semaphore(%run_scoped3A : memref<!tpu.dma_semaphore, #tpu.memory_space<semaphore_mem>>)
      %dma_wait3A_577 = tpu.memref_slice %arg3[%add3A_545] : memref<262144xi32, #tpu.memory_space<hbm>> -> memref<256xi32, #tpu.memory_space<hbm>>
      %dma_wait3A_578 = tpu.memref_slice %arg3[%add3A_545] : memref<262144xi32, #tpu.memory_space<hbm>> -> memref<256xi32, #tpu.memory_space<hbm>>
      tpu.wait_dma2 semaphore(%run_scoped3A : memref<!tpu.dma_semaphore, #tpu.memory_space<semaphore_mem>>) src(%dma_wait3A_578 : memref<256xi32, #tpu.memory_space<hbm>>) dst(%arg6 : memref<256xi32, #tpu.memory_space<vmem>>)
      tpu.yield
    }) : () -> ()
    %dma_start3A_546 = arith.constant 0 : i32
    %dma_start3A_547 = arith.constant 0 : i32
    %dma_start3A_548 = tpu.memref_slice %arg2[%dma_start3A_546, %dma_start3A_547] : memref<4096x128xf32, #tpu.memory_space<hbm>> -> memref<4096x128xf32, #tpu.memory_space<hbm>>
    tpu.enqueue_indirect_dma source(%dma_start3A_548 : memref<4096x128xf32, #tpu.memory_space<hbm>>) target(%arg8 : memref<256x128xf32, #tpu.memory_space<vmem>>) offsets(%arg6 : memref<256xi32, #tpu.memory_space<vmem>>) semaphore(%arg10 : memref<!tpu.dma_semaphore, #tpu.memory_space<semaphore_mem>>)
    %dma_wait3A_549 = arith.constant 0 : i32
    %dma_wait3A_550 = arith.constant 0 : i32
    %dma_wait3A_551 = tpu.memref_slice %arg2[%dma_wait3A_549, %dma_wait3A_550] : memref<4096x128xf32, #tpu.memory_space<hbm>> -> memref<4096x128xf32, #tpu.memory_space<hbm>>
    tpu.wait_indirect_dma semaphore(%arg9 : memref<!tpu.dma_semaphore, #tpu.memory_space<semaphore_mem>>) src(%dma_wait3A_551 : memref<4096x128xf32, #tpu.memory_space<hbm>>) dst(%arg7 : memref<256x128xf32, #tpu.memory_space<vmem>>)
    %add3A_552 = arith.constant 7680 : i32
    %add3A_553 = arith.addi %mul3A_2, %add3A_552 : i32
    %dma_start3A_554 = arith.constant 0 : i32
    %dma_start3A_555 = tpu.memref_slice %arg4[%add3A_553, %dma_start3A_554] : memref<262144x128xf32, #tpu.memory_space<hbm>> -> memref<256x128xf32, #tpu.memory_space<hbm>>
    %dma_start3A_556 = arith.constant 0 : i32
    %dma_start3A_557 = tpu.memref_slice %arg4[%add3A_553, %dma_start3A_556] : memref<262144x128xf32, #tpu.memory_space<hbm>> -> memref<256x128xf32, #tpu.memory_space<hbm>>
    tpu.enqueue_dma source(%arg7 : memref<256x128xf32, #tpu.memory_space<vmem>>) target(%dma_start3A_557 : memref<256x128xf32, #tpu.memory_space<hbm>>) target_semaphore(%arg11 : memref<!tpu.dma_semaphore, #tpu.memory_space<semaphore_mem>>)
    %dma_wait3A_558 = arith.constant 0 : i32
    %dma_wait3A_559 = arith.constant 0 : i32
    %dma_wait3A_560 = tpu.memref_slice %arg2[%dma_wait3A_558, %dma_wait3A_559] : memref<4096x128xf32, #tpu.memory_space<hbm>> -> memref<4096x128xf32, #tpu.memory_space<hbm>>
    tpu.wait_indirect_dma semaphore(%arg10 : memref<!tpu.dma_semaphore, #tpu.memory_space<semaphore_mem>>) src(%dma_wait3A_560 : memref<4096x128xf32, #tpu.memory_space<hbm>>) dst(%arg8 : memref<256x128xf32, #tpu.memory_space<vmem>>)
    %add3A_561 = arith.constant 7936 : i32
    %add3A_562 = arith.addi %mul3A_2, %add3A_561 : i32
    %dma_start3A_563 = arith.constant 0 : i32
    %dma_start3A_564 = tpu.memref_slice %arg4[%add3A_562, %dma_start3A_563] : memref<262144x128xf32, #tpu.memory_space<hbm>> -> memref<256x128xf32, #tpu.memory_space<hbm>>
    %dma_start3A_565 = arith.constant 0 : i32
    %dma_start3A_566 = tpu.memref_slice %arg4[%add3A_562, %dma_start3A_565] : memref<262144x128xf32, #tpu.memory_space<hbm>> -> memref<256x128xf32, #tpu.memory_space<hbm>>
    tpu.enqueue_dma source(%arg8 : memref<256x128xf32, #tpu.memory_space<vmem>>) target(%dma_start3A_566 : memref<256x128xf32, #tpu.memory_space<hbm>>) target_semaphore(%arg12 : memref<!tpu.dma_semaphore, #tpu.memory_space<semaphore_mem>>)
    %dma_wait3A_567 = arith.constant 0 : i32
    %dma_wait3A_568 = tpu.memref_slice %arg4[%add3A_553, %dma_wait3A_567] : memref<262144x128xf32, #tpu.memory_space<hbm>> -> memref<256x128xf32, #tpu.memory_space<hbm>>
    %dma_wait3A_569 = arith.constant 0 : i32
    %dma_wait3A_570 = tpu.memref_slice %arg4[%add3A_553, %dma_wait3A_569] : memref<262144x128xf32, #tpu.memory_space<hbm>> -> memref<256x128xf32, #tpu.memory_space<hbm>>
    tpu.wait_dma2 semaphore(%arg11 : memref<!tpu.dma_semaphore, #tpu.memory_space<semaphore_mem>>) src(%arg7 : memref<256x128xf32, #tpu.memory_space<vmem>>) dst(%dma_wait3A_570 : memref<256x128xf32, #tpu.memory_space<hbm>>)
    %dma_wait3A_571 = arith.constant 0 : i32
    %dma_wait3A_572 = tpu.memref_slice %arg4[%add3A_562, %dma_wait3A_571] : memref<262144x128xf32, #tpu.memory_space<hbm>> -> memref<256x128xf32, #tpu.memory_space<hbm>>
    %dma_wait3A_573 = arith.constant 0 : i32
    %dma_wait3A_574 = tpu.memref_slice %arg4[%add3A_562, %dma_wait3A_573] : memref<262144x128xf32, #tpu.memory_space<hbm>> -> memref<256x128xf32, #tpu.memory_space<hbm>>
    tpu.wait_dma2 semaphore(%arg12 : memref<!tpu.dma_semaphore, #tpu.memory_space<semaphore_mem>>) src(%arg8 : memref<256x128xf32, #tpu.memory_space<vmem>>) dst(%dma_wait3A_574 : memref<256x128xf32, #tpu.memory_space<hbm>>)
    return
  }
}

module attributes {stable_mosaic.version = 14 : i64} {
  func.func @_main_body(%arg0: i32, %arg1: memref<1024x128xf32, #tpu.memory_space<vmem>>, %arg2: memref<1024x128xf32, #tpu.memory_space<vmem>>, %arg3: memref<128x128xf32, #tpu.memory_space<vmem>>, %arg4: memref<8x128xf32, #tpu.memory_space<vmem>>, %arg5: memref<128x128xf32, #tpu.memory_space<vmem>>, %arg6: memref<8x128xf32, #tpu.memory_space<vmem>>, %arg7: memref<128x64xf32, #tpu.memory_space<vmem>>, %arg8: memref<8x64xf32, #tpu.memory_space<vmem>>, %arg9: memref<64x128xf32, #tpu.memory_space<vmem>>, %arg10: memref<8x128xf32, #tpu.memory_space<vmem>>, %arg11: memref<8x128xf32, #tpu.memory_space<vmem>>, %arg12: memref<1x1x1024xf32, #tpu.memory_space<vmem>>) attributes {dimension_semantics = [#tpu.dimension_semantics<arbitrary>], iteration_bounds = array<i64: 256>, scalar_prefetch = 0 : i64, scratch_operands = 0 : i64, tpu.core_type = #tpu.core_type<tc>, window_params = [{transform_indices = @transform_0, window_bounds = array<i64: 1024, 128>}, {transform_indices = @transform_1, window_bounds = array<i64: 1024, 128>}, {pipeline_mode = #tpu.pipeline_mode<synchronous>, transform_indices = @transform_2, window_bounds = array<i64: 128, 128>}, {pipeline_mode = #tpu.pipeline_mode<synchronous>, transform_indices = @transform_3, window_bounds = array<i64: 8, 128>}, {pipeline_mode = #tpu.pipeline_mode<synchronous>, transform_indices = @transform_4, window_bounds = array<i64: 128, 128>}, {pipeline_mode = #tpu.pipeline_mode<synchronous>, transform_indices = @transform_5, window_bounds = array<i64: 8, 128>}, {pipeline_mode = #tpu.pipeline_mode<synchronous>, transform_indices = @transform_6, window_bounds = array<i64: 128, 64>}, {pipeline_mode = #tpu.pipeline_mode<synchronous>, transform_indices = @transform_7, window_bounds = array<i64: 8, 64>}, {pipeline_mode = #tpu.pipeline_mode<synchronous>, transform_indices = @transform_8, window_bounds = array<i64: 64, 128>}, {pipeline_mode = #tpu.pipeline_mode<synchronous>, transform_indices = @transform_9, window_bounds = array<i64: 8, 128>}, {pipeline_mode = #tpu.pipeline_mode<synchronous>, transform_indices = @transform_10, window_bounds = array<i64: 8, 128>}, {transform_indices = @transform_11, window_bounds = array<i64: 1, 1, 1024>}]} {
    %get3A = arith.constant 0 : index
    %get3A_0 = arith.constant 0 : index
    %get3A_1 = vector.load %arg1[%get3A, %get3A_0] : memref<1024x128xf32, #tpu.memory_space<vmem>>, vector<1024x128xf32>
    %get3A_2 = arith.constant 0 : index
    %get3A_3 = arith.constant 0 : index
    %get3A_4 = vector.load %arg3[%get3A_2, %get3A_3] : memref<128x128xf32, #tpu.memory_space<vmem>>, vector<128x128xf32>
    %dot_general3A = arith.constant dense<0.000000e+00> : vector<1024x128xf32>
    %dot_general3A_5 = tpu.matmul %get3A_1, %get3A_4, %dot_general3A {dimension_numbers = #tpu.dot_dimension_numbers<[1], [0], [0], [1], [0, 0, 1, 1], [], []>, transpose_lhs_hint = false} : vector<1024x128xf32>, vector<128x128xf32>, vector<1024x128xf32> -> vector<1024x128xf32>
    %get3A_6 = arith.constant 0 : index
    %get3A_7 = arith.constant 0 : index
    %get3A_8 = vector.load %arg4[%get3A_6, %get3A_7] : memref<8x128xf32, #tpu.memory_space<vmem>>, vector<1x128xf32>
    %add3A = vector.broadcast %get3A_8 : vector<1x128xf32> to vector<1024x128xf32>
    %add3A_9 = arith.addf %dot_general3A_5, %add3A : vector<1024x128xf32>
    %max3A = arith.constant 0.000000e+00 : f32
    %max3A_10 = vector.broadcast %max3A : f32 to vector<1024x128xf32>
    %max3A_11 = arith.maximumf %add3A_9, %max3A_10 : vector<1024x128xf32>
    %get3A_12 = arith.constant 0 : index
    %get3A_13 = arith.constant 0 : index
    %get3A_14 = vector.load %arg5[%get3A_12, %get3A_13] : memref<128x128xf32, #tpu.memory_space<vmem>>, vector<128x128xf32>
    %dot_general3A_15 = arith.constant dense<0.000000e+00> : vector<1024x128xf32>
    %dot_general3A_16 = tpu.matmul %max3A_11, %get3A_14, %dot_general3A_15 {dimension_numbers = #tpu.dot_dimension_numbers<[1], [0], [0], [1], [0, 0, 1, 1], [], []>, transpose_lhs_hint = false} : vector<1024x128xf32>, vector<128x128xf32>, vector<1024x128xf32> -> vector<1024x128xf32>
    %get3A_17 = arith.constant 0 : index
    %get3A_18 = arith.constant 0 : index
    %get3A_19 = vector.load %arg6[%get3A_17, %get3A_18] : memref<8x128xf32, #tpu.memory_space<vmem>>, vector<1x128xf32>
    %add3A_20 = vector.broadcast %get3A_19 : vector<1x128xf32> to vector<1024x128xf32>
    %add3A_21 = arith.addf %dot_general3A_16, %add3A_20 : vector<1024x128xf32>
    %max3A_22 = arith.constant 0.000000e+00 : f32
    %max3A_23 = vector.broadcast %max3A_22 : f32 to vector<1024x128xf32>
    %max3A_24 = arith.maximumf %add3A_21, %max3A_23 : vector<1024x128xf32>
    %get3A_25 = arith.constant 0 : index
    %get3A_26 = arith.constant 0 : index
    %get3A_27 = vector.load %arg7[%get3A_25, %get3A_26] : memref<128x64xf32, #tpu.memory_space<vmem>>, vector<128x64xf32>
    %dot_general3A_28 = arith.constant dense<0.000000e+00> : vector<1024x64xf32>
    %dot_general3A_29 = tpu.matmul %max3A_24, %get3A_27, %dot_general3A_28 {dimension_numbers = #tpu.dot_dimension_numbers<[1], [0], [0], [1], [0, 0, 1, 1], [], []>, transpose_lhs_hint = false} : vector<1024x128xf32>, vector<128x64xf32>, vector<1024x64xf32> -> vector<1024x64xf32>
    %get3A_30 = arith.constant 0 : index
    %get3A_31 = arith.constant 0 : index
    %get3A_32 = vector.load %arg8[%get3A_30, %get3A_31] : memref<8x64xf32, #tpu.memory_space<vmem>>, vector<1x64xf32>
    %add3A_33 = vector.broadcast %get3A_32 : vector<1x64xf32> to vector<1024x64xf32>
    %add3A_34 = arith.addf %dot_general3A_29, %add3A_33 : vector<1024x64xf32>
    %max3A_35 = arith.constant 0.000000e+00 : f32
    %max3A_36 = vector.broadcast %max3A_35 : f32 to vector<1024x64xf32>
    %max3A_37 = arith.maximumf %add3A_34, %max3A_36 : vector<1024x64xf32>
    %get3A_38 = arith.constant 0 : index
    %get3A_39 = arith.constant 0 : index
    %get3A_40 = vector.load %arg9[%get3A_38, %get3A_39] : memref<64x128xf32, #tpu.memory_space<vmem>>, vector<64x128xf32>
    %dot_general3A_41 = arith.constant dense<0.000000e+00> : vector<1024x128xf32>
    %dot_general3A_42 = tpu.matmul %max3A_37, %get3A_40, %dot_general3A_41 {dimension_numbers = #tpu.dot_dimension_numbers<[1], [0], [0], [1], [0, 0, 1, 1], [], []>, transpose_lhs_hint = false} : vector<1024x64xf32>, vector<64x128xf32>, vector<1024x128xf32> -> vector<1024x128xf32>
    %get3A_43 = arith.constant 0 : index
    %get3A_44 = arith.constant 0 : index
    %get3A_45 = vector.load %arg2[%get3A_43, %get3A_44] : memref<1024x128xf32, #tpu.memory_space<vmem>>, vector<1024x128xf32>
    %add3A_46 = arith.addf %dot_general3A_42, %get3A_45 : vector<1024x128xf32>
    %get3A_47 = arith.constant 0 : index
    %get3A_48 = arith.constant 0 : index
    %get3A_49 = vector.load %arg10[%get3A_47, %get3A_48] : memref<8x128xf32, #tpu.memory_space<vmem>>, vector<1x128xf32>
    %add3A_50 = vector.broadcast %get3A_49 : vector<1x128xf32> to vector<1024x128xf32>
    %add3A_51 = arith.addf %add3A_46, %add3A_50 : vector<1024x128xf32>
    %max3A_52 = arith.constant 0.000000e+00 : f32
    %max3A_53 = vector.broadcast %max3A_52 : f32 to vector<1024x128xf32>
    %max3A_54 = arith.maximumf %add3A_51, %max3A_53 : vector<1024x128xf32>
    %get3A_55 = arith.constant 0 : index
    %get3A_56 = arith.constant 0 : index
    %get3A_57 = vector.load %arg11[%get3A_55, %get3A_56] : memref<8x128xf32, #tpu.memory_space<vmem>>, vector<1x128xf32>
    %dot_general3A_58 = arith.constant dense<0.000000e+00> : vector<1x1024xf32>
    %dot_general3A_59 = tpu.matmul %get3A_57, %max3A_54, %dot_general3A_58 {dimension_numbers = #tpu.dot_dimension_numbers<[1], [1], [0], [0], [0, 0, 1, 0], [], []>, transpose_lhs_hint = false} : vector<1x128xf32>, vector<1024x128xf32>, vector<1x1024xf32> -> vector<1x1024xf32>
    %swap3A = arith.constant 0 : index
    %swap3A_60 = arith.constant 0 : index
    %swap3A_61 = arith.constant 0 : index
    %swap3A_62 = vector.load %arg12[%swap3A, %swap3A_60, %swap3A_61] : memref<1x1x1024xf32, #tpu.memory_space<vmem>>, vector<1x1x1024xf32>
    %swap3A_63 = vector.shape_cast %swap3A_62 : vector<1x1x1024xf32> to vector<1x1024xf32>
    %swap3A_64 = vector.shape_cast %dot_general3A_59 : vector<1x1024xf32> to vector<1x1x1024xf32>
    tpu.vector_store %arg12[%swap3A, %swap3A_60, %swap3A_61], %swap3A_64 {strides = array<i32>} : memref<1x1x1024xf32, #tpu.memory_space<vmem>>, vector<1x1x1024xf32>,
    return
  }
  func.func @transform_0(%arg0: i32) -> (i32, i32) {
    %c0_i32 = arith.constant 0 : i32
    %c0_i32_0 = arith.constant 0 : i32
    return %arg0, %c0_i32 : i32, i32
  }
  func.func @transform_1(%arg0: i32) -> (i32, i32) {
    %c0_i32 = arith.constant 0 : i32
    %c0_i32_0 = arith.constant 0 : i32
    return %arg0, %c0_i32 : i32, i32
  }
  func.func @transform_2(%arg0: i32) -> (i32, i32) {
    %c0_i32 = arith.constant 0 : i32
    %c0_i32_0 = arith.constant 0 : i32
    %c0_i32_1 = arith.constant 0 : i32
    return %c0_i32, %c0_i32_0 : i32, i32
  }
  func.func @transform_3(%arg0: i32) -> (i32, i32) {
    %c0_i32 = arith.constant 0 : i32
    %c0_i32_0 = arith.constant 0 : i32
    %c0_i32_1 = arith.constant 0 : i32
    return %c0_i32, %c0_i32_0 : i32, i32
  }
  func.func @transform_4(%arg0: i32) -> (i32, i32) {
    %c0_i32 = arith.constant 0 : i32
    %c0_i32_0 = arith.constant 0 : i32
    %c0_i32_1 = arith.constant 0 : i32
    return %c0_i32, %c0_i32_0 : i32, i32
  }
  func.func @transform_5(%arg0: i32) -> (i32, i32) {
    %c0_i32 = arith.constant 0 : i32
    %c0_i32_0 = arith.constant 0 : i32
    %c0_i32_1 = arith.constant 0 : i32
    return %c0_i32, %c0_i32_0 : i32, i32
  }
  func.func @transform_6(%arg0: i32) -> (i32, i32) {
    %c0_i32 = arith.constant 0 : i32
    %c0_i32_0 = arith.constant 0 : i32
    %c0_i32_1 = arith.constant 0 : i32
    return %c0_i32, %c0_i32_0 : i32, i32
  }
  func.func @transform_7(%arg0: i32) -> (i32, i32) {
    %c0_i32 = arith.constant 0 : i32
    %c0_i32_0 = arith.constant 0 : i32
    %c0_i32_1 = arith.constant 0 : i32
    return %c0_i32, %c0_i32_0 : i32, i32
  }
  func.func @transform_8(%arg0: i32) -> (i32, i32) {
    %c0_i32 = arith.constant 0 : i32
    %c0_i32_0 = arith.constant 0 : i32
    %c0_i32_1 = arith.constant 0 : i32
    return %c0_i32, %c0_i32_0 : i32, i32
  }
  func.func @transform_9(%arg0: i32) -> (i32, i32) {
    %c0_i32 = arith.constant 0 : i32
    %c0_i32_0 = arith.constant 0 : i32
    %c0_i32_1 = arith.constant 0 : i32
    return %c0_i32, %c0_i32_0 : i32, i32
  }
  func.func @transform_10(%arg0: i32) -> (i32, i32) {
    %c0_i32 = arith.constant 0 : i32
    %c0_i32_0 = arith.constant 0 : i32
    %c0_i32_1 = arith.constant 0 : i32
    return %c0_i32, %c0_i32_0 : i32, i32
  }
  func.func @transform_11(%arg0: i32) -> (i32, i32, i32) {
    %c0_i32 = arith.constant 0 : i32
    %c0_i32_0 = arith.constant 0 : i32
    %c0_i32_1 = arith.constant 0 : i32
    return %arg0, %c0_i32, %c0_i32_0 : i32, i32, i32
  }
}

module attributes {stable_mosaic.version = 14 : i64} {
  func.func @_state_body(%arg0: memref<4096x128xf32, #tpu.memory_space<vmem>>, %arg1: memref<128x128xf32, #tpu.memory_space<vmem>>, %arg2: memref<8x128xf32, #tpu.memory_space<vmem>>, %arg3: memref<128x128xf32, #tpu.memory_space<vmem>>, %arg4: memref<8x128xf32, #tpu.memory_space<vmem>>, %arg5: memref<128x64xf32, #tpu.memory_space<vmem>>, %arg6: memref<8x64xf32, #tpu.memory_space<vmem>>, %arg7: memref<64x128xf32, #tpu.memory_space<vmem>>, %arg8: memref<4096x128xf32, #tpu.memory_space<vmem>>) attributes {dimension_semantics = [], scalar_prefetch = 0 : i64, scratch_operands = 0 : i64, tpu.core_type = #tpu.core_type<tc>} {
    %get3A = arith.constant 0 : index
    %get3A_0 = arith.constant 0 : index
    %get3A_1 = vector.load %arg0[%get3A, %get3A_0] : memref<4096x128xf32, #tpu.memory_space<vmem>>, vector<4096x128xf32>
    %get3A_2 = arith.constant 0 : index
    %get3A_3 = arith.constant 0 : index
    %get3A_4 = vector.load %arg1[%get3A_2, %get3A_3] : memref<128x128xf32, #tpu.memory_space<vmem>>, vector<128x128xf32>
    %dot_general3A = arith.constant dense<0.000000e+00> : vector<4096x128xf32>
    %dot_general3A_5 = tpu.matmul %get3A_1, %get3A_4, %dot_general3A {dimension_numbers = #tpu.dot_dimension_numbers<[1], [0], [0], [1], [0, 0, 1, 1], [], []>, transpose_lhs_hint = false} : vector<4096x128xf32>, vector<128x128xf32>, vector<4096x128xf32> -> vector<4096x128xf32>
    %get3A_6 = arith.constant 0 : index
    %get3A_7 = arith.constant 0 : index
    %get3A_8 = vector.load %arg2[%get3A_6, %get3A_7] : memref<8x128xf32, #tpu.memory_space<vmem>>, vector<1x128xf32>
    %add3A = vector.broadcast %get3A_8 : vector<1x128xf32> to vector<4096x128xf32>
    %add3A_9 = arith.addf %dot_general3A_5, %add3A : vector<4096x128xf32>
    %max3A = arith.constant 0.000000e+00 : f32
    %max3A_10 = vector.broadcast %max3A : f32 to vector<4096x128xf32>
    %max3A_11 = arith.maximumf %add3A_9, %max3A_10 : vector<4096x128xf32>
    %get3A_12 = arith.constant 0 : index
    %get3A_13 = arith.constant 0 : index
    %get3A_14 = vector.load %arg3[%get3A_12, %get3A_13] : memref<128x128xf32, #tpu.memory_space<vmem>>, vector<128x128xf32>
    %dot_general3A_15 = arith.constant dense<0.000000e+00> : vector<4096x128xf32>
    %dot_general3A_16 = tpu.matmul %max3A_11, %get3A_14, %dot_general3A_15 {dimension_numbers = #tpu.dot_dimension_numbers<[1], [0], [0], [1], [0, 0, 1, 1], [], []>, transpose_lhs_hint = false} : vector<4096x128xf32>, vector<128x128xf32>, vector<4096x128xf32> -> vector<4096x128xf32>
    %get3A_17 = arith.constant 0 : index
    %get3A_18 = arith.constant 0 : index
    %get3A_19 = vector.load %arg4[%get3A_17, %get3A_18] : memref<8x128xf32, #tpu.memory_space<vmem>>, vector<1x128xf32>
    %add3A_20 = vector.broadcast %get3A_19 : vector<1x128xf32> to vector<4096x128xf32>
    %add3A_21 = arith.addf %dot_general3A_16, %add3A_20 : vector<4096x128xf32>
    %max3A_22 = arith.constant 0.000000e+00 : f32
    %max3A_23 = vector.broadcast %max3A_22 : f32 to vector<4096x128xf32>
    %max3A_24 = arith.maximumf %add3A_21, %max3A_23 : vector<4096x128xf32>
    %get3A_25 = arith.constant 0 : index
    %get3A_26 = arith.constant 0 : index
    %get3A_27 = vector.load %arg5[%get3A_25, %get3A_26] : memref<128x64xf32, #tpu.memory_space<vmem>>, vector<128x64xf32>
    %dot_general3A_28 = arith.constant dense<0.000000e+00> : vector<4096x64xf32>
    %dot_general3A_29 = tpu.matmul %max3A_24, %get3A_27, %dot_general3A_28 {dimension_numbers = #tpu.dot_dimension_numbers<[1], [0], [0], [1], [0, 0, 1, 1], [], []>, transpose_lhs_hint = false} : vector<4096x128xf32>, vector<128x64xf32>, vector<4096x64xf32> -> vector<4096x64xf32>
    %get3A_30 = arith.constant 0 : index
    %get3A_31 = arith.constant 0 : index
    %get3A_32 = vector.load %arg6[%get3A_30, %get3A_31] : memref<8x64xf32, #tpu.memory_space<vmem>>, vector<1x64xf32>
    %add3A_33 = vector.broadcast %get3A_32 : vector<1x64xf32> to vector<4096x64xf32>
    %add3A_34 = arith.addf %dot_general3A_29, %add3A_33 : vector<4096x64xf32>
    %max3A_35 = arith.constant 0.000000e+00 : f32
    %max3A_36 = vector.broadcast %max3A_35 : f32 to vector<4096x64xf32>
    %max3A_37 = arith.maximumf %add3A_34, %max3A_36 : vector<4096x64xf32>
    %get3A_38 = arith.constant 0 : index
    %get3A_39 = arith.constant 0 : index
    %get3A_40 = vector.load %arg7[%get3A_38, %get3A_39] : memref<64x128xf32, #tpu.memory_space<vmem>>, vector<64x128xf32>
    %dot_general3A_41 = arith.constant dense<0.000000e+00> : vector<4096x128xf32>
    %dot_general3A_42 = tpu.matmul %max3A_37, %get3A_40, %dot_general3A_41 {dimension_numbers = #tpu.dot_dimension_numbers<[1], [0], [0], [1], [0, 0, 1, 1], [], []>, transpose_lhs_hint = false} : vector<4096x64xf32>, vector<64x128xf32>, vector<4096x128xf32> -> vector<4096x128xf32>
    %swap3A = arith.constant 0 : index
    %swap3A_43 = arith.constant 0 : index
    %swap3A_44 = vector.load %arg8[%swap3A, %swap3A_43] : memref<4096x128xf32, #tpu.memory_space<vmem>>, vector<4096x128xf32>
    tpu.vector_store %arg8[%swap3A, %swap3A_43], %dot_general3A_42 {strides = array<i32>} : memref<4096x128xf32, #tpu.memory_space<vmem>>, vector<4096x128xf32>,
    return
  }
}

module attributes {stable_mosaic.version = 14 : i64} {
  func.func @_mini2_body(%arg0: memref<32x4096xf32, #tpu.memory_space<vmem>>, %arg1: memref<32x4096xf32, #tpu.memory_space<vmem>>, %arg2: memref<1x1x4096xf32, #tpu.memory_space<vmem>>, %arg3: memref<1x1x4096xf32, #tpu.memory_space<vmem>>, %arg4: memref<1x1x4096xi32, #tpu.memory_space<vmem>>) attributes {dimension_semantics = [], scalar_prefetch = 0 : i64, scratch_operands = 0 : i64, tpu.core_type = #tpu.core_type<tc>} {
    %get3A = arith.constant 0 : index
    %get3A_0 = arith.constant 0 : index
    %get3A_1 = vector.load %arg0[%get3A, %get3A_0] : memref<32x4096xf32, #tpu.memory_space<vmem>>, vector<32x4096xf32>
    %reduce_sum3A = arith.constant dense<0.000000e+00> : vector<4096xf32>
    %reduce_sum3A_2 = vector.multi_reduction <add>, %get3A_1, %reduce_sum3A [0] : vector<32x4096xf32> to vector<4096xf32>
    %broadcast_in_dim3A = vector.shape_cast %reduce_sum3A_2 : vector<4096xf32> to vector<1x4096xf32>
    %get3A_3 = arith.constant 0 : index
    %get3A_4 = arith.constant 0 : index
    %get3A_5 = vector.load %arg1[%get3A_3, %get3A_4] : memref<32x4096xf32, #tpu.memory_space<vmem>>, vector<32x4096xf32>
    %reduce_sum3A_6 = arith.constant dense<0.000000e+00> : vector<4096xf32>
    %reduce_sum3A_7 = vector.multi_reduction <add>, %get3A_5, %reduce_sum3A_6 [0] : vector<32x4096xf32> to vector<4096xf32>
    %broadcast_in_dim3A_8 = vector.shape_cast %reduce_sum3A_7 : vector<4096xf32> to vector<1x4096xf32>
    %add3A = arith.constant 9.99999974E-5 : f32
    %add3A_9 = vector.broadcast %add3A : f32 to vector<1x4096xf32>
    %add3A_10 = arith.addf %broadcast_in_dim3A, %add3A_9 : vector<1x4096xf32>
    %div3A = arith.constant 1.000000e+00 : f32
    %div3A_11 = vector.broadcast %div3A : f32 to vector<1x4096xf32>
    %div3A_12 = arith.divf %div3A_11, %add3A_10 : vector<1x4096xf32>
    %swap3A = arith.constant 0 : index
    %swap3A_13 = arith.constant 0 : index
    %swap3A_14 = arith.constant 0 : index
    %swap3A_15 = vector.load %arg2[%swap3A, %swap3A_13, %swap3A_14] : memref<1x1x4096xf32, #tpu.memory_space<vmem>>, vector<1x1x4096xf32>
    %swap3A_16 = vector.shape_cast %swap3A_15 : vector<1x1x4096xf32> to vector<1x4096xf32>
    %swap3A_17 = vector.shape_cast %div3A_12 : vector<1x4096xf32> to vector<1x1x4096xf32>
    tpu.vector_store %arg2[%swap3A, %swap3A_13, %swap3A_14], %swap3A_17 {strides = array<i32>} : memref<1x1x4096xf32, #tpu.memory_space<vmem>>, vector<1x1x4096xf32>,
    %log3A = math.log %add3A_10 : vector<1x4096xf32>
    %swap3A_18 = arith.constant 0 : index
    %swap3A_19 = arith.constant 0 : index
    %swap3A_20 = arith.constant 0 : index
    %swap3A_21 = vector.load %arg3[%swap3A_18, %swap3A_19, %swap3A_20] : memref<1x1x4096xf32, #tpu.memory_space<vmem>>, vector<1x1x4096xf32>
    %swap3A_22 = vector.shape_cast %swap3A_21 : vector<1x1x4096xf32> to vector<1x4096xf32>
    %swap3A_23 = vector.shape_cast %log3A : vector<1x4096xf32> to vector<1x1x4096xf32>
    tpu.vector_store %arg3[%swap3A_18, %swap3A_19, %swap3A_20], %swap3A_23 {strides = array<i32>} : memref<1x1x4096xf32, #tpu.memory_space<vmem>>, vector<1x1x4096xf32>,
    %iota3A = tpu.iota {dimensions = array<i32: 1>} : vector<1x4096xi32>
    %roll3A = arith.constant 1 : i32
    %roll3A_24 = tpu.dynamic_rotate %broadcast_in_dim3A_8 by %roll3A dim 1 : vector<1x4096xf32>, i32 -> vector<1x4096xf32>
    %ge3A = arith.constant 1 : i32
    %ge3A_25 = vector.broadcast %ge3A : i32 to vector<1x4096xi32>
    %ge3A_26 = arith.cmpi sge, %iota3A, %ge3A_25 : vector<1x4096xi32>
    %jit3A = arith.constant 0.000000e+00 : f32
    %broadcast_in_dim3A_27 = vector.broadcast %jit3A : f32 to vector<1x4096xf32>
    %select_n3A = arith.select %ge3A_26, %roll3A_24, %broadcast_in_dim3A_27 : vector<1x4096xi1>, vector<1x4096xf32>
    %add3A_28 = arith.addf %broadcast_in_dim3A_8, %select_n3A : vector<1x4096xf32>
    %roll3A_29 = arith.constant 2 : i32
    %roll3A_30 = tpu.dynamic_rotate %add3A_28 by %roll3A_29 dim 1 : vector<1x4096xf32>, i32 -> vector<1x4096xf32>
    %ge3A_31 = arith.constant 2 : i32
    %ge3A_32 = vector.broadcast %ge3A_31 : i32 to vector<1x4096xi32>
    %ge3A_33 = arith.cmpi sge, %iota3A, %ge3A_32 : vector<1x4096xi32>
    %jit3A_34 = arith.constant 0.000000e+00 : f32
    %broadcast_in_dim3A_35 = vector.broadcast %jit3A_34 : f32 to vector<1x4096xf32>
    %select_n3A_36 = arith.select %ge3A_33, %roll3A_30, %broadcast_in_dim3A_35 : vector<1x4096xi1>, vector<1x4096xf32>
    %add3A_37 = arith.addf %add3A_28, %select_n3A_36 : vector<1x4096xf32>
    %roll3A_38 = arith.constant 4 : i32
    %roll3A_39 = tpu.dynamic_rotate %add3A_37 by %roll3A_38 dim 1 : vector<1x4096xf32>, i32 -> vector<1x4096xf32>
    %ge3A_40 = arith.constant 4 : i32
    %ge3A_41 = vector.broadcast %ge3A_40 : i32 to vector<1x4096xi32>
    %ge3A_42 = arith.cmpi sge, %iota3A, %ge3A_41 : vector<1x4096xi32>
    %jit3A_43 = arith.constant 0.000000e+00 : f32
    %broadcast_in_dim3A_44 = vector.broadcast %jit3A_43 : f32 to vector<1x4096xf32>
    %select_n3A_45 = arith.select %ge3A_42, %roll3A_39, %broadcast_in_dim3A_44 : vector<1x4096xi1>, vector<1x4096xf32>
    %add3A_46 = arith.addf %add3A_37, %select_n3A_45 : vector<1x4096xf32>
    %roll3A_47 = arith.constant 8 : i32
    %roll3A_48 = tpu.dynamic_rotate %add3A_46 by %roll3A_47 dim 1 : vector<1x4096xf32>, i32 -> vector<1x4096xf32>
    %ge3A_49 = arith.constant 8 : i32
    %ge3A_50 = vector.broadcast %ge3A_49 : i32 to vector<1x4096xi32>
    %ge3A_51 = arith.cmpi sge, %iota3A, %ge3A_50 : vector<1x4096xi32>
    %jit3A_52 = arith.constant 0.000000e+00 : f32
    %broadcast_in_dim3A_53 = vector.broadcast %jit3A_52 : f32 to vector<1x4096xf32>
    %select_n3A_54 = arith.select %ge3A_51, %roll3A_48, %broadcast_in_dim3A_53 : vector<1x4096xi1>, vector<1x4096xf32>
    %add3A_55 = arith.addf %add3A_46, %select_n3A_54 : vector<1x4096xf32>
    %roll3A_56 = arith.constant 16 : i32
    %roll3A_57 = tpu.dynamic_rotate %add3A_55 by %roll3A_56 dim 1 : vector<1x4096xf32>, i32 -> vector<1x4096xf32>
    %ge3A_58 = arith.constant 16 : i32
    %ge3A_59 = vector.broadcast %ge3A_58 : i32 to vector<1x4096xi32>
    %ge3A_60 = arith.cmpi sge, %iota3A, %ge3A_59 : vector<1x4096xi32>
    %jit3A_61 = arith.constant 0.000000e+00 : f32
    %broadcast_in_dim3A_62 = vector.broadcast %jit3A_61 : f32 to vector<1x4096xf32>
    %select_n3A_63 = arith.select %ge3A_60, %roll3A_57, %broadcast_in_dim3A_62 : vector<1x4096xi1>, vector<1x4096xf32>
    %add3A_64 = arith.addf %add3A_55, %select_n3A_63 : vector<1x4096xf32>
    %roll3A_65 = arith.constant 32 : i32
    %roll3A_66 = tpu.dynamic_rotate %add3A_64 by %roll3A_65 dim 1 : vector<1x4096xf32>, i32 -> vector<1x4096xf32>
    %ge3A_67 = arith.constant 32 : i32
    %ge3A_68 = vector.broadcast %ge3A_67 : i32 to vector<1x4096xi32>
    %ge3A_69 = arith.cmpi sge, %iota3A, %ge3A_68 : vector<1x4096xi32>
    %jit3A_70 = arith.constant 0.000000e+00 : f32
    %broadcast_in_dim3A_71 = vector.broadcast %jit3A_70 : f32 to vector<1x4096xf32>
    %select_n3A_72 = arith.select %ge3A_69, %roll3A_66, %broadcast_in_dim3A_71 : vector<1x4096xi1>, vector<1x4096xf32>
    %add3A_73 = arith.addf %add3A_64, %select_n3A_72 : vector<1x4096xf32>
    %roll3A_74 = arith.constant 64 : i32
    %roll3A_75 = tpu.dynamic_rotate %add3A_73 by %roll3A_74 dim 1 : vector<1x4096xf32>, i32 -> vector<1x4096xf32>
    %ge3A_76 = arith.constant 64 : i32
    %ge3A_77 = vector.broadcast %ge3A_76 : i32 to vector<1x4096xi32>
    %ge3A_78 = arith.cmpi sge, %iota3A, %ge3A_77 : vector<1x4096xi32>
    %jit3A_79 = arith.constant 0.000000e+00 : f32
    %broadcast_in_dim3A_80 = vector.broadcast %jit3A_79 : f32 to vector<1x4096xf32>
    %select_n3A_81 = arith.select %ge3A_78, %roll3A_75, %broadcast_in_dim3A_80 : vector<1x4096xi1>, vector<1x4096xf32>
    %add3A_82 = arith.addf %add3A_73, %select_n3A_81 : vector<1x4096xf32>
    %roll3A_83 = arith.constant 128 : i32
    %roll3A_84 = tpu.dynamic_rotate %add3A_82 by %roll3A_83 dim 1 : vector<1x4096xf32>, i32 -> vector<1x4096xf32>
    %ge3A_85 = arith.constant 128 : i32
    %ge3A_86 = vector.broadcast %ge3A_85 : i32 to vector<1x4096xi32>
    %ge3A_87 = arith.cmpi sge, %iota3A, %ge3A_86 : vector<1x4096xi32>
    %jit3A_88 = arith.constant 0.000000e+00 : f32
    %broadcast_in_dim3A_89 = vector.broadcast %jit3A_88 : f32 to vector<1x4096xf32>
    %select_n3A_90 = arith.select %ge3A_87, %roll3A_84, %broadcast_in_dim3A_89 : vector<1x4096xi1>, vector<1x4096xf32>
    %add3A_91 = arith.addf %add3A_82, %select_n3A_90 : vector<1x4096xf32>
    %roll3A_92 = arith.constant 256 : i32
    %roll3A_93 = tpu.dynamic_rotate %add3A_91 by %roll3A_92 dim 1 : vector<1x4096xf32>, i32 -> vector<1x4096xf32>
    %ge3A_94 = arith.constant 256 : i32
    %ge3A_95 = vector.broadcast %ge3A_94 : i32 to vector<1x4096xi32>
    %ge3A_96 = arith.cmpi sge, %iota3A, %ge3A_95 : vector<1x4096xi32>
    %jit3A_97 = arith.constant 0.000000e+00 : f32
    %broadcast_in_dim3A_98 = vector.broadcast %jit3A_97 : f32 to vector<1x4096xf32>
    %select_n3A_99 = arith.select %ge3A_96, %roll3A_93, %broadcast_in_dim3A_98 : vector<1x4096xi1>, vector<1x4096xf32>
    %add3A_100 = arith.addf %add3A_91, %select_n3A_99 : vector<1x4096xf32>
    %roll3A_101 = arith.constant 512 : i32
    %roll3A_102 = tpu.dynamic_rotate %add3A_100 by %roll3A_101 dim 1 : vector<1x4096xf32>, i32 -> vector<1x4096xf32>
    %ge3A_103 = arith.constant 512 : i32
    %ge3A_104 = vector.broadcast %ge3A_103 : i32 to vector<1x4096xi32>
    %ge3A_105 = arith.cmpi sge, %iota3A, %ge3A_104 : vector<1x4096xi32>
    %jit3A_106 = arith.constant 0.000000e+00 : f32
    %broadcast_in_dim3A_107 = vector.broadcast %jit3A_106 : f32 to vector<1x4096xf32>
    %select_n3A_108 = arith.select %ge3A_105, %roll3A_102, %broadcast_in_dim3A_107 : vector<1x4096xi1>, vector<1x4096xf32>
    %add3A_109 = arith.addf %add3A_100, %select_n3A_108 : vector<1x4096xf32>
    %roll3A_110 = arith.constant 1024 : i32
    %roll3A_111 = tpu.dynamic_rotate %add3A_109 by %roll3A_110 dim 1 : vector<1x4096xf32>, i32 -> vector<1x4096xf32>
    %ge3A_112 = arith.constant 1024 : i32
    %ge3A_113 = vector.broadcast %ge3A_112 : i32 to vector<1x4096xi32>
    %ge3A_114 = arith.cmpi sge, %iota3A, %ge3A_113 : vector<1x4096xi32>
    %jit3A_115 = arith.constant 0.000000e+00 : f32
    %broadcast_in_dim3A_116 = vector.broadcast %jit3A_115 : f32 to vector<1x4096xf32>
    %select_n3A_117 = arith.select %ge3A_114, %roll3A_111, %broadcast_in_dim3A_116 : vector<1x4096xi1>, vector<1x4096xf32>
    %add3A_118 = arith.addf %add3A_109, %select_n3A_117 : vector<1x4096xf32>
    %roll3A_119 = arith.constant 2048 : i32
    %roll3A_120 = tpu.dynamic_rotate %add3A_118 by %roll3A_119 dim 1 : vector<1x4096xf32>, i32 -> vector<1x4096xf32>
    %ge3A_121 = arith.constant 2048 : i32
    %ge3A_122 = vector.broadcast %ge3A_121 : i32 to vector<1x4096xi32>
    %ge3A_123 = arith.cmpi sge, %iota3A, %ge3A_122 : vector<1x4096xi32>
    %jit3A_124 = arith.constant 0.000000e+00 : f32
    %broadcast_in_dim3A_125 = vector.broadcast %jit3A_124 : f32 to vector<1x4096xf32>
    %select_n3A_126 = arith.select %ge3A_123, %roll3A_120, %broadcast_in_dim3A_125 : vector<1x4096xi1>, vector<1x4096xf32>
    %add3A_127 = arith.addf %add3A_118, %select_n3A_126 : vector<1x4096xf32>
    %sub3A = arith.subf %add3A_127, %broadcast_in_dim3A_8 : vector<1x4096xf32>
    %convert_element_type3A = arith.fptosi %sub3A : vector<1x4096xf32> to vector<1x4096xi32>
    %swap3A_128 = arith.constant 0 : index
    %swap3A_129 = arith.constant 0 : index
    %swap3A_130 = arith.constant 0 : index
    %swap3A_131 = vector.load %arg4[%swap3A_128, %swap3A_129, %swap3A_130] : memref<1x1x4096xi32, #tpu.memory_space<vmem>>, vector<1x1x4096xi32>
    %swap3A_132 = vector.shape_cast %swap3A_131 : vector<1x1x4096xi32> to vector<1x4096xi32>
    %swap3A_133 = vector.shape_cast %convert_element_type3A : vector<1x4096xi32> to vector<1x1x4096xi32>
    tpu.vector_store %arg4[%swap3A_128, %swap3A_129, %swap3A_130], %swap3A_133 {strides = array<i32>} : memref<1x1x4096xi32, #tpu.memory_space<vmem>>, vector<1x1x4096xi32>,
    return
  }
}

module attributes {stable_mosaic.version = 14 : i64} {
  func.func @_mini3_body(%arg0: memref<32x4096xf32, #tpu.memory_space<vmem>>, %arg1: memref<32x4096xi32, #tpu.memory_space<vmem>>, %arg2: memref<32x4096xf32, #tpu.memory_space<vmem>>, %arg3: memref<1x1x4096xi32, #tpu.memory_space<vmem>>, %arg4: memref<1x1x4096xf32, #tpu.memory_space<vmem>>, %arg5: memref<1x1x4096xi32, #tpu.memory_space<vmem>>, %arg6: memref<1x1x4096xf32, #tpu.memory_space<vmem>>) attributes {dimension_semantics = [], scalar_prefetch = 0 : i64, scratch_operands = 0 : i64, tpu.core_type = #tpu.core_type<tc>} {
    %get3A = arith.constant 0 : index
    %get3A_0 = arith.constant 0 : index
    %get3A_1 = vector.load %arg0[%get3A, %get3A_0] : memref<32x4096xf32, #tpu.memory_space<vmem>>, vector<32x4096xf32>
    %get3A_2 = arith.constant 0 : index
    %get3A_3 = arith.constant 0 : index
    %get3A_4 = vector.load %arg1[%get3A_2, %get3A_3] : memref<32x4096xi32, #tpu.memory_space<vmem>>, vector<32x4096xi32>
    %get3A_5 = arith.constant 0 : index
    %get3A_6 = arith.constant 0 : index
    %get3A_7 = vector.load %arg2[%get3A_5, %get3A_6] : memref<32x4096xf32, #tpu.memory_space<vmem>>, vector<32x4096xf32>
    %slice3A = vector.extract_strided_slice %get3A_1 {offsets = [0, 0], sizes = [1, 4096], strides = [1, 1]} : vector<32x4096xf32> to vector<1x4096xf32>
    %slice3A_8 = vector.extract_strided_slice %get3A_4 {offsets = [0, 0], sizes = [1, 4096], strides = [1, 1]} : vector<32x4096xi32> to vector<1x4096xi32>
    %slice3A_9 = vector.extract_strided_slice %get3A_7 {offsets = [0, 0], sizes = [1, 4096], strides = [1, 1]} : vector<32x4096xf32> to vector<1x4096xf32>
    %slice3A_10 = vector.extract_strided_slice %get3A_1 {offsets = [1, 0], sizes = [1, 4096], strides = [1, 1]} : vector<32x4096xf32> to vector<1x4096xf32>
    %slice3A_11 = vector.extract_strided_slice %get3A_4 {offsets = [1, 0], sizes = [1, 4096], strides = [1, 1]} : vector<32x4096xi32> to vector<1x4096xi32>
    %slice3A_12 = vector.extract_strided_slice %get3A_7 {offsets = [1, 0], sizes = [1, 4096], strides = [1, 1]} : vector<32x4096xf32> to vector<1x4096xf32>
    %gt3A = arith.cmpf ogt, %slice3A_10, %slice3A : vector<1x4096xf32>
    %eq3A = arith.cmpf oeq, %slice3A_10, %slice3A : vector<1x4096xf32>
    %lt3A = arith.cmpi slt, %slice3A_11, %slice3A_8 : vector<1x4096xi32>
    %and3A = arith.andi %eq3A, %lt3A : vector<1x4096xi1>
    %or3A = arith.ori %gt3A, %and3A : vector<1x4096xi1>
    %select_n3A = arith.select %or3A, %slice3A_10, %slice3A : vector<1x4096xi1>, vector<1x4096xf32>
    %select_n3A_13 = arith.select %or3A, %slice3A_11, %slice3A_8 : vector<1x4096xi1>, vector<1x4096xi32>
    %select_n3A_14 = arith.select %or3A, %slice3A_12, %slice3A_9 : vector<1x4096xi1>, vector<1x4096xf32>
    %slice3A_15 = vector.extract_strided_slice %get3A_1 {offsets = [2, 0], sizes = [1, 4096], strides = [1, 1]} : vector<32x4096xf32> to vector<1x4096xf32>
    %slice3A_16 = vector.extract_strided_slice %get3A_4 {offsets = [2, 0], sizes = [1, 4096], strides = [1, 1]} : vector<32x4096xi32> to vector<1x4096xi32>
    %slice3A_17 = vector.extract_strided_slice %get3A_7 {offsets = [2, 0], sizes = [1, 4096], strides = [1, 1]} : vector<32x4096xf32> to vector<1x4096xf32>
    %gt3A_18 = arith.cmpf ogt, %slice3A_15, %select_n3A : vector<1x4096xf32>
    %eq3A_19 = arith.cmpf oeq, %slice3A_15, %select_n3A : vector<1x4096xf32>
    %lt3A_20 = arith.cmpi slt, %slice3A_16, %select_n3A_13 : vector<1x4096xi32>
    %and3A_21 = arith.andi %eq3A_19, %lt3A_20 : vector<1x4096xi1>
    %or3A_22 = arith.ori %gt3A_18, %and3A_21 : vector<1x4096xi1>
    %select_n3A_23 = arith.select %or3A_22, %slice3A_15, %select_n3A : vector<1x4096xi1>, vector<1x4096xf32>
    %select_n3A_24 = arith.select %or3A_22, %slice3A_16, %select_n3A_13 : vector<1x4096xi1>, vector<1x4096xi32>
    %select_n3A_25 = arith.select %or3A_22, %slice3A_17, %select_n3A_14 : vector<1x4096xi1>, vector<1x4096xf32>
    %slice3A_26 = vector.extract_strided_slice %get3A_1 {offsets = [3, 0], sizes = [1, 4096], strides = [1, 1]} : vector<32x4096xf32> to vector<1x4096xf32>
    %slice3A_27 = vector.extract_strided_slice %get3A_4 {offsets = [3, 0], sizes = [1, 4096], strides = [1, 1]} : vector<32x4096xi32> to vector<1x4096xi32>
    %slice3A_28 = vector.extract_strided_slice %get3A_7 {offsets = [3, 0], sizes = [1, 4096], strides = [1, 1]} : vector<32x4096xf32> to vector<1x4096xf32>
    %gt3A_29 = arith.cmpf ogt, %slice3A_26, %select_n3A_23 : vector<1x4096xf32>
    %eq3A_30 = arith.cmpf oeq, %slice3A_26, %select_n3A_23 : vector<1x4096xf32>
    %lt3A_31 = arith.cmpi slt, %slice3A_27, %select_n3A_24 : vector<1x4096xi32>
    %and3A_32 = arith.andi %eq3A_30, %lt3A_31 : vector<1x4096xi1>
    %or3A_33 = arith.ori %gt3A_29, %and3A_32 : vector<1x4096xi1>
    %select_n3A_34 = arith.select %or3A_33, %slice3A_26, %select_n3A_23 : vector<1x4096xi1>, vector<1x4096xf32>
    %select_n3A_35 = arith.select %or3A_33, %slice3A_27, %select_n3A_24 : vector<1x4096xi1>, vector<1x4096xi32>
    %select_n3A_36 = arith.select %or3A_33, %slice3A_28, %select_n3A_25 : vector<1x4096xi1>, vector<1x4096xf32>
    %slice3A_37 = vector.extract_strided_slice %get3A_1 {offsets = [4, 0], sizes = [1, 4096], strides = [1, 1]} : vector<32x4096xf32> to vector<1x4096xf32>
    %slice3A_38 = vector.extract_strided_slice %get3A_4 {offsets = [4, 0], sizes = [1, 4096], strides = [1, 1]} : vector<32x4096xi32> to vector<1x4096xi32>
    %slice3A_39 = vector.extract_strided_slice %get3A_7 {offsets = [4, 0], sizes = [1, 4096], strides = [1, 1]} : vector<32x4096xf32> to vector<1x4096xf32>
    %gt3A_40 = arith.cmpf ogt, %slice3A_37, %select_n3A_34 : vector<1x4096xf32>
    %eq3A_41 = arith.cmpf oeq, %slice3A_37, %select_n3A_34 : vector<1x4096xf32>
    %lt3A_42 = arith.cmpi slt, %slice3A_38, %select_n3A_35 : vector<1x4096xi32>
    %and3A_43 = arith.andi %eq3A_41, %lt3A_42 : vector<1x4096xi1>
    %or3A_44 = arith.ori %gt3A_40, %and3A_43 : vector<1x4096xi1>
    %select_n3A_45 = arith.select %or3A_44, %slice3A_37, %select_n3A_34 : vector<1x4096xi1>, vector<1x4096xf32>
    %select_n3A_46 = arith.select %or3A_44, %slice3A_38, %select_n3A_35 : vector<1x4096xi1>, vector<1x4096xi32>
    %select_n3A_47 = arith.select %or3A_44, %slice3A_39, %select_n3A_36 : vector<1x4096xi1>, vector<1x4096xf32>
    %slice3A_48 = vector.extract_strided_slice %get3A_1 {offsets = [5, 0], sizes = [1, 4096], strides = [1, 1]} : vector<32x4096xf32> to vector<1x4096xf32>
    %slice3A_49 = vector.extract_strided_slice %get3A_4 {offsets = [5, 0], sizes = [1, 4096], strides = [1, 1]} : vector<32x4096xi32> to vector<1x4096xi32>
    %slice3A_50 = vector.extract_strided_slice %get3A_7 {offsets = [5, 0], sizes = [1, 4096], strides = [1, 1]} : vector<32x4096xf32> to vector<1x4096xf32>
    %gt3A_51 = arith.cmpf ogt, %slice3A_48, %select_n3A_45 : vector<1x4096xf32>
    %eq3A_52 = arith.cmpf oeq, %slice3A_48, %select_n3A_45 : vector<1x4096xf32>
    %lt3A_53 = arith.cmpi slt, %slice3A_49, %select_n3A_46 : vector<1x4096xi32>
    %and3A_54 = arith.andi %eq3A_52, %lt3A_53 : vector<1x4096xi1>
    %or3A_55 = arith.ori %gt3A_51, %and3A_54 : vector<1x4096xi1>
    %select_n3A_56 = arith.select %or3A_55, %slice3A_48, %select_n3A_45 : vector<1x4096xi1>, vector<1x4096xf32>
    %select_n3A_57 = arith.select %or3A_55, %slice3A_49, %select_n3A_46 : vector<1x4096xi1>, vector<1x4096xi32>
    %select_n3A_58 = arith.select %or3A_55, %slice3A_50, %select_n3A_47 : vector<1x4096xi1>, vector<1x4096xf32>
    %slice3A_59 = vector.extract_strided_slice %get3A_1 {offsets = [6, 0], sizes = [1, 4096], strides = [1, 1]} : vector<32x4096xf32> to vector<1x4096xf32>
    %slice3A_60 = vector.extract_strided_slice %get3A_4 {offsets = [6, 0], sizes = [1, 4096], strides = [1, 1]} : vector<32x4096xi32> to vector<1x4096xi32>
    %slice3A_61 = vector.extract_strided_slice %get3A_7 {offsets = [6, 0], sizes = [1, 4096], strides = [1, 1]} : vector<32x4096xf32> to vector<1x4096xf32>
    %gt3A_62 = arith.cmpf ogt, %slice3A_59, %select_n3A_56 : vector<1x4096xf32>
    %eq3A_63 = arith.cmpf oeq, %slice3A_59, %select_n3A_56 : vector<1x4096xf32>
    %lt3A_64 = arith.cmpi slt, %slice3A_60, %select_n3A_57 : vector<1x4096xi32>
    %and3A_65 = arith.andi %eq3A_63, %lt3A_64 : vector<1x4096xi1>
    %or3A_66 = arith.ori %gt3A_62, %and3A_65 : vector<1x4096xi1>
    %select_n3A_67 = arith.select %or3A_66, %slice3A_59, %select_n3A_56 : vector<1x4096xi1>, vector<1x4096xf32>
    %select_n3A_68 = arith.select %or3A_66, %slice3A_60, %select_n3A_57 : vector<1x4096xi1>, vector<1x4096xi32>
    %select_n3A_69 = arith.select %or3A_66, %slice3A_61, %select_n3A_58 : vector<1x4096xi1>, vector<1x4096xf32>
    %slice3A_70 = vector.extract_strided_slice %get3A_1 {offsets = [7, 0], sizes = [1, 4096], strides = [1, 1]} : vector<32x4096xf32> to vector<1x4096xf32>
    %slice3A_71 = vector.extract_strided_slice %get3A_4 {offsets = [7, 0], sizes = [1, 4096], strides = [1, 1]} : vector<32x4096xi32> to vector<1x4096xi32>
    %slice3A_72 = vector.extract_strided_slice %get3A_7 {offsets = [7, 0], sizes = [1, 4096], strides = [1, 1]} : vector<32x4096xf32> to vector<1x4096xf32>
    %gt3A_73 = arith.cmpf ogt, %slice3A_70, %select_n3A_67 : vector<1x4096xf32>
    %eq3A_74 = arith.cmpf oeq, %slice3A_70, %select_n3A_67 : vector<1x4096xf32>
    %lt3A_75 = arith.cmpi slt, %slice3A_71, %select_n3A_68 : vector<1x4096xi32>
    %and3A_76 = arith.andi %eq3A_74, %lt3A_75 : vector<1x4096xi1>
    %or3A_77 = arith.ori %gt3A_73, %and3A_76 : vector<1x4096xi1>
    %select_n3A_78 = arith.select %or3A_77, %slice3A_70, %select_n3A_67 : vector<1x4096xi1>, vector<1x4096xf32>
    %select_n3A_79 = arith.select %or3A_77, %slice3A_71, %select_n3A_68 : vector<1x4096xi1>, vector<1x4096xi32>
    %select_n3A_80 = arith.select %or3A_77, %slice3A_72, %select_n3A_69 : vector<1x4096xi1>, vector<1x4096xf32>
    %slice3A_81 = vector.extract_strided_slice %get3A_1 {offsets = [8, 0], sizes = [1, 4096], strides = [1, 1]} : vector<32x4096xf32> to vector<1x4096xf32>
    %slice3A_82 = vector.extract_strided_slice %get3A_4 {offsets = [8, 0], sizes = [1, 4096], strides = [1, 1]} : vector<32x4096xi32> to vector<1x4096xi32>
    %slice3A_83 = vector.extract_strided_slice %get3A_7 {offsets = [8, 0], sizes = [1, 4096], strides = [1, 1]} : vector<32x4096xf32> to vector<1x4096xf32>
    %gt3A_84 = arith.cmpf ogt, %slice3A_81, %select_n3A_78 : vector<1x4096xf32>
    %eq3A_85 = arith.cmpf oeq, %slice3A_81, %select_n3A_78 : vector<1x4096xf32>
    %lt3A_86 = arith.cmpi slt, %slice3A_82, %select_n3A_79 : vector<1x4096xi32>
    %and3A_87 = arith.andi %eq3A_85, %lt3A_86 : vector<1x4096xi1>
    %or3A_88 = arith.ori %gt3A_84, %and3A_87 : vector<1x4096xi1>
    %select_n3A_89 = arith.select %or3A_88, %slice3A_81, %select_n3A_78 : vector<1x4096xi1>, vector<1x4096xf32>
    %select_n3A_90 = arith.select %or3A_88, %slice3A_82, %select_n3A_79 : vector<1x4096xi1>, vector<1x4096xi32>
    %select_n3A_91 = arith.select %or3A_88, %slice3A_83, %select_n3A_80 : vector<1x4096xi1>, vector<1x4096xf32>
    %slice3A_92 = vector.extract_strided_slice %get3A_1 {offsets = [9, 0], sizes = [1, 4096], strides = [1, 1]} : vector<32x4096xf32> to vector<1x4096xf32>
    %slice3A_93 = vector.extract_strided_slice %get3A_4 {offsets = [9, 0], sizes = [1, 4096], strides = [1, 1]} : vector<32x4096xi32> to vector<1x4096xi32>
    %slice3A_94 = vector.extract_strided_slice %get3A_7 {offsets = [9, 0], sizes = [1, 4096], strides = [1, 1]} : vector<32x4096xf32> to vector<1x4096xf32>
    %gt3A_95 = arith.cmpf ogt, %slice3A_92, %select_n3A_89 : vector<1x4096xf32>
    %eq3A_96 = arith.cmpf oeq, %slice3A_92, %select_n3A_89 : vector<1x4096xf32>
    %lt3A_97 = arith.cmpi slt, %slice3A_93, %select_n3A_90 : vector<1x4096xi32>
    %and3A_98 = arith.andi %eq3A_96, %lt3A_97 : vector<1x4096xi1>
    %or3A_99 = arith.ori %gt3A_95, %and3A_98 : vector<1x4096xi1>
    %select_n3A_100 = arith.select %or3A_99, %slice3A_92, %select_n3A_89 : vector<1x4096xi1>, vector<1x4096xf32>
    %select_n3A_101 = arith.select %or3A_99, %slice3A_93, %select_n3A_90 : vector<1x4096xi1>, vector<1x4096xi32>
    %select_n3A_102 = arith.select %or3A_99, %slice3A_94, %select_n3A_91 : vector<1x4096xi1>, vector<1x4096xf32>
    %slice3A_103 = vector.extract_strided_slice %get3A_1 {offsets = [10, 0], sizes = [1, 4096], strides = [1, 1]} : vector<32x4096xf32> to vector<1x4096xf32>
    %slice3A_104 = vector.extract_strided_slice %get3A_4 {offsets = [10, 0], sizes = [1, 4096], strides = [1, 1]} : vector<32x4096xi32> to vector<1x4096xi32>
    %slice3A_105 = vector.extract_strided_slice %get3A_7 {offsets = [10, 0], sizes = [1, 4096], strides = [1, 1]} : vector<32x4096xf32> to vector<1x4096xf32>
    %gt3A_106 = arith.cmpf ogt, %slice3A_103, %select_n3A_100 : vector<1x4096xf32>
    %eq3A_107 = arith.cmpf oeq, %slice3A_103, %select_n3A_100 : vector<1x4096xf32>
    %lt3A_108 = arith.cmpi slt, %slice3A_104, %select_n3A_101 : vector<1x4096xi32>
    %and3A_109 = arith.andi %eq3A_107, %lt3A_108 : vector<1x4096xi1>
    %or3A_110 = arith.ori %gt3A_106, %and3A_109 : vector<1x4096xi1>
    %select_n3A_111 = arith.select %or3A_110, %slice3A_103, %select_n3A_100 : vector<1x4096xi1>, vector<1x4096xf32>
    %select_n3A_112 = arith.select %or3A_110, %slice3A_104, %select_n3A_101 : vector<1x4096xi1>, vector<1x4096xi32>
    %select_n3A_113 = arith.select %or3A_110, %slice3A_105, %select_n3A_102 : vector<1x4096xi1>, vector<1x4096xf32>
    %slice3A_114 = vector.extract_strided_slice %get3A_1 {offsets = [11, 0], sizes = [1, 4096], strides = [1, 1]} : vector<32x4096xf32> to vector<1x4096xf32>
    %slice3A_115 = vector.extract_strided_slice %get3A_4 {offsets = [11, 0], sizes = [1, 4096], strides = [1, 1]} : vector<32x4096xi32> to vector<1x4096xi32>
    %slice3A_116 = vector.extract_strided_slice %get3A_7 {offsets = [11, 0], sizes = [1, 4096], strides = [1, 1]} : vector<32x4096xf32> to vector<1x4096xf32>
    %gt3A_117 = arith.cmpf ogt, %slice3A_114, %select_n3A_111 : vector<1x4096xf32>
    %eq3A_118 = arith.cmpf oeq, %slice3A_114, %select_n3A_111 : vector<1x4096xf32>
    %lt3A_119 = arith.cmpi slt, %slice3A_115, %select_n3A_112 : vector<1x4096xi32>
    %and3A_120 = arith.andi %eq3A_118, %lt3A_119 : vector<1x4096xi1>
    %or3A_121 = arith.ori %gt3A_117, %and3A_120 : vector<1x4096xi1>
    %select_n3A_122 = arith.select %or3A_121, %slice3A_114, %select_n3A_111 : vector<1x4096xi1>, vector<1x4096xf32>
    %select_n3A_123 = arith.select %or3A_121, %slice3A_115, %select_n3A_112 : vector<1x4096xi1>, vector<1x4096xi32>
    %select_n3A_124 = arith.select %or3A_121, %slice3A_116, %select_n3A_113 : vector<1x4096xi1>, vector<1x4096xf32>
    %slice3A_125 = vector.extract_strided_slice %get3A_1 {offsets = [12, 0], sizes = [1, 4096], strides = [1, 1]} : vector<32x4096xf32> to vector<1x4096xf32>
    %slice3A_126 = vector.extract_strided_slice %get3A_4 {offsets = [12, 0], sizes = [1, 4096], strides = [1, 1]} : vector<32x4096xi32> to vector<1x4096xi32>
    %slice3A_127 = vector.extract_strided_slice %get3A_7 {offsets = [12, 0], sizes = [1, 4096], strides = [1, 1]} : vector<32x4096xf32> to vector<1x4096xf32>
    %gt3A_128 = arith.cmpf ogt, %slice3A_125, %select_n3A_122 : vector<1x4096xf32>
    %eq3A_129 = arith.cmpf oeq, %slice3A_125, %select_n3A_122 : vector<1x4096xf32>
    %lt3A_130 = arith.cmpi slt, %slice3A_126, %select_n3A_123 : vector<1x4096xi32>
    %and3A_131 = arith.andi %eq3A_129, %lt3A_130 : vector<1x4096xi1>
    %or3A_132 = arith.ori %gt3A_128, %and3A_131 : vector<1x4096xi1>
    %select_n3A_133 = arith.select %or3A_132, %slice3A_125, %select_n3A_122 : vector<1x4096xi1>, vector<1x4096xf32>
    %select_n3A_134 = arith.select %or3A_132, %slice3A_126, %select_n3A_123 : vector<1x4096xi1>, vector<1x4096xi32>
    %select_n3A_135 = arith.select %or3A_132, %slice3A_127, %select_n3A_124 : vector<1x4096xi1>, vector<1x4096xf32>
    %slice3A_136 = vector.extract_strided_slice %get3A_1 {offsets = [13, 0], sizes = [1, 4096], strides = [1, 1]} : vector<32x4096xf32> to vector<1x4096xf32>
    %slice3A_137 = vector.extract_strided_slice %get3A_4 {offsets = [13, 0], sizes = [1, 4096], strides = [1, 1]} : vector<32x4096xi32> to vector<1x4096xi32>
    %slice3A_138 = vector.extract_strided_slice %get3A_7 {offsets = [13, 0], sizes = [1, 4096], strides = [1, 1]} : vector<32x4096xf32> to vector<1x4096xf32>
    %gt3A_139 = arith.cmpf ogt, %slice3A_136, %select_n3A_133 : vector<1x4096xf32>
    %eq3A_140 = arith.cmpf oeq, %slice3A_136, %select_n3A_133 : vector<1x4096xf32>
    %lt3A_141 = arith.cmpi slt, %slice3A_137, %select_n3A_134 : vector<1x4096xi32>
    %and3A_142 = arith.andi %eq3A_140, %lt3A_141 : vector<1x4096xi1>
    %or3A_143 = arith.ori %gt3A_139, %and3A_142 : vector<1x4096xi1>
    %select_n3A_144 = arith.select %or3A_143, %slice3A_136, %select_n3A_133 : vector<1x4096xi1>, vector<1x4096xf32>
    %select_n3A_145 = arith.select %or3A_143, %slice3A_137, %select_n3A_134 : vector<1x4096xi1>, vector<1x4096xi32>
    %select_n3A_146 = arith.select %or3A_143, %slice3A_138, %select_n3A_135 : vector<1x4096xi1>, vector<1x4096xf32>
    %slice3A_147 = vector.extract_strided_slice %get3A_1 {offsets = [14, 0], sizes = [1, 4096], strides = [1, 1]} : vector<32x4096xf32> to vector<1x4096xf32>
    %slice3A_148 = vector.extract_strided_slice %get3A_4 {offsets = [14, 0], sizes = [1, 4096], strides = [1, 1]} : vector<32x4096xi32> to vector<1x4096xi32>
    %slice3A_149 = vector.extract_strided_slice %get3A_7 {offsets = [14, 0], sizes = [1, 4096], strides = [1, 1]} : vector<32x4096xf32> to vector<1x4096xf32>
    %gt3A_150 = arith.cmpf ogt, %slice3A_147, %select_n3A_144 : vector<1x4096xf32>
    %eq3A_151 = arith.cmpf oeq, %slice3A_147, %select_n3A_144 : vector<1x4096xf32>
    %lt3A_152 = arith.cmpi slt, %slice3A_148, %select_n3A_145 : vector<1x4096xi32>
    %and3A_153 = arith.andi %eq3A_151, %lt3A_152 : vector<1x4096xi1>
    %or3A_154 = arith.ori %gt3A_150, %and3A_153 : vector<1x4096xi1>
    %select_n3A_155 = arith.select %or3A_154, %slice3A_147, %select_n3A_144 : vector<1x4096xi1>, vector<1x4096xf32>
    %select_n3A_156 = arith.select %or3A_154, %slice3A_148, %select_n3A_145 : vector<1x4096xi1>, vector<1x4096xi32>
    %select_n3A_157 = arith.select %or3A_154, %slice3A_149, %select_n3A_146 : vector<1x4096xi1>, vector<1x4096xf32>
    %slice3A_158 = vector.extract_strided_slice %get3A_1 {offsets = [15, 0], sizes = [1, 4096], strides = [1, 1]} : vector<32x4096xf32> to vector<1x4096xf32>
    %slice3A_159 = vector.extract_strided_slice %get3A_4 {offsets = [15, 0], sizes = [1, 4096], strides = [1, 1]} : vector<32x4096xi32> to vector<1x4096xi32>
    %slice3A_160 = vector.extract_strided_slice %get3A_7 {offsets = [15, 0], sizes = [1, 4096], strides = [1, 1]} : vector<32x4096xf32> to vector<1x4096xf32>
    %gt3A_161 = arith.cmpf ogt, %slice3A_158, %select_n3A_155 : vector<1x4096xf32>
    %eq3A_162 = arith.cmpf oeq, %slice3A_158, %select_n3A_155 : vector<1x4096xf32>
    %lt3A_163 = arith.cmpi slt, %slice3A_159, %select_n3A_156 : vector<1x4096xi32>
    %and3A_164 = arith.andi %eq3A_162, %lt3A_163 : vector<1x4096xi1>
    %or3A_165 = arith.ori %gt3A_161, %and3A_164 : vector<1x4096xi1>
    %select_n3A_166 = arith.select %or3A_165, %slice3A_158, %select_n3A_155 : vector<1x4096xi1>, vector<1x4096xf32>
    %select_n3A_167 = arith.select %or3A_165, %slice3A_159, %select_n3A_156 : vector<1x4096xi1>, vector<1x4096xi32>
    %select_n3A_168 = arith.select %or3A_165, %slice3A_160, %select_n3A_157 : vector<1x4096xi1>, vector<1x4096xf32>
    %slice3A_169 = vector.extract_strided_slice %get3A_1 {offsets = [16, 0], sizes = [1, 4096], strides = [1, 1]} : vector<32x4096xf32> to vector<1x4096xf32>
    %slice3A_170 = vector.extract_strided_slice %get3A_4 {offsets = [16, 0], sizes = [1, 4096], strides = [1, 1]} : vector<32x4096xi32> to vector<1x4096xi32>
    %slice3A_171 = vector.extract_strided_slice %get3A_7 {offsets = [16, 0], sizes = [1, 4096], strides = [1, 1]} : vector<32x4096xf32> to vector<1x4096xf32>
    %gt3A_172 = arith.cmpf ogt, %slice3A_169, %select_n3A_166 : vector<1x4096xf32>
    %eq3A_173 = arith.cmpf oeq, %slice3A_169, %select_n3A_166 : vector<1x4096xf32>
    %lt3A_174 = arith.cmpi slt, %slice3A_170, %select_n3A_167 : vector<1x4096xi32>
    %and3A_175 = arith.andi %eq3A_173, %lt3A_174 : vector<1x4096xi1>
    %or3A_176 = arith.ori %gt3A_172, %and3A_175 : vector<1x4096xi1>
    %select_n3A_177 = arith.select %or3A_176, %slice3A_169, %select_n3A_166 : vector<1x4096xi1>, vector<1x4096xf32>
    %select_n3A_178 = arith.select %or3A_176, %slice3A_170, %select_n3A_167 : vector<1x4096xi1>, vector<1x4096xi32>
    %select_n3A_179 = arith.select %or3A_176, %slice3A_171, %select_n3A_168 : vector<1x4096xi1>, vector<1x4096xf32>
    %slice3A_180 = vector.extract_strided_slice %get3A_1 {offsets = [17, 0], sizes = [1, 4096], strides = [1, 1]} : vector<32x4096xf32> to vector<1x4096xf32>
    %slice3A_181 = vector.extract_strided_slice %get3A_4 {offsets = [17, 0], sizes = [1, 4096], strides = [1, 1]} : vector<32x4096xi32> to vector<1x4096xi32>
    %slice3A_182 = vector.extract_strided_slice %get3A_7 {offsets = [17, 0], sizes = [1, 4096], strides = [1, 1]} : vector<32x4096xf32> to vector<1x4096xf32>
    %gt3A_183 = arith.cmpf ogt, %slice3A_180, %select_n3A_177 : vector<1x4096xf32>
    %eq3A_184 = arith.cmpf oeq, %slice3A_180, %select_n3A_177 : vector<1x4096xf32>
    %lt3A_185 = arith.cmpi slt, %slice3A_181, %select_n3A_178 : vector<1x4096xi32>
    %and3A_186 = arith.andi %eq3A_184, %lt3A_185 : vector<1x4096xi1>
    %or3A_187 = arith.ori %gt3A_183, %and3A_186 : vector<1x4096xi1>
    %select_n3A_188 = arith.select %or3A_187, %slice3A_180, %select_n3A_177 : vector<1x4096xi1>, vector<1x4096xf32>
    %select_n3A_189 = arith.select %or3A_187, %slice3A_181, %select_n3A_178 : vector<1x4096xi1>, vector<1x4096xi32>
    %select_n3A_190 = arith.select %or3A_187, %slice3A_182, %select_n3A_179 : vector<1x4096xi1>, vector<1x4096xf32>
    %slice3A_191 = vector.extract_strided_slice %get3A_1 {offsets = [18, 0], sizes = [1, 4096], strides = [1, 1]} : vector<32x4096xf32> to vector<1x4096xf32>
    %slice3A_192 = vector.extract_strided_slice %get3A_4 {offsets = [18, 0], sizes = [1, 4096], strides = [1, 1]} : vector<32x4096xi32> to vector<1x4096xi32>
    %slice3A_193 = vector.extract_strided_slice %get3A_7 {offsets = [18, 0], sizes = [1, 4096], strides = [1, 1]} : vector<32x4096xf32> to vector<1x4096xf32>
    %gt3A_194 = arith.cmpf ogt, %slice3A_191, %select_n3A_188 : vector<1x4096xf32>
    %eq3A_195 = arith.cmpf oeq, %slice3A_191, %select_n3A_188 : vector<1x4096xf32>
    %lt3A_196 = arith.cmpi slt, %slice3A_192, %select_n3A_189 : vector<1x4096xi32>
    %and3A_197 = arith.andi %eq3A_195, %lt3A_196 : vector<1x4096xi1>
    %or3A_198 = arith.ori %gt3A_194, %and3A_197 : vector<1x4096xi1>
    %select_n3A_199 = arith.select %or3A_198, %slice3A_191, %select_n3A_188 : vector<1x4096xi1>, vector<1x4096xf32>
    %select_n3A_200 = arith.select %or3A_198, %slice3A_192, %select_n3A_189 : vector<1x4096xi1>, vector<1x4096xi32>
    %select_n3A_201 = arith.select %or3A_198, %slice3A_193, %select_n3A_190 : vector<1x4096xi1>, vector<1x4096xf32>
    %slice3A_202 = vector.extract_strided_slice %get3A_1 {offsets = [19, 0], sizes = [1, 4096], strides = [1, 1]} : vector<32x4096xf32> to vector<1x4096xf32>
    %slice3A_203 = vector.extract_strided_slice %get3A_4 {offsets = [19, 0], sizes = [1, 4096], strides = [1, 1]} : vector<32x4096xi32> to vector<1x4096xi32>
    %slice3A_204 = vector.extract_strided_slice %get3A_7 {offsets = [19, 0], sizes = [1, 4096], strides = [1, 1]} : vector<32x4096xf32> to vector<1x4096xf32>
    %gt3A_205 = arith.cmpf ogt, %slice3A_202, %select_n3A_199 : vector<1x4096xf32>
    %eq3A_206 = arith.cmpf oeq, %slice3A_202, %select_n3A_199 : vector<1x4096xf32>
    %lt3A_207 = arith.cmpi slt, %slice3A_203, %select_n3A_200 : vector<1x4096xi32>
    %and3A_208 = arith.andi %eq3A_206, %lt3A_207 : vector<1x4096xi1>
    %or3A_209 = arith.ori %gt3A_205, %and3A_208 : vector<1x4096xi1>
    %select_n3A_210 = arith.select %or3A_209, %slice3A_202, %select_n3A_199 : vector<1x4096xi1>, vector<1x4096xf32>
    %select_n3A_211 = arith.select %or3A_209, %slice3A_203, %select_n3A_200 : vector<1x4096xi1>, vector<1x4096xi32>
    %select_n3A_212 = arith.select %or3A_209, %slice3A_204, %select_n3A_201 : vector<1x4096xi1>, vector<1x4096xf32>
    %slice3A_213 = vector.extract_strided_slice %get3A_1 {offsets = [20, 0], sizes = [1, 4096], strides = [1, 1]} : vector<32x4096xf32> to vector<1x4096xf32>
    %slice3A_214 = vector.extract_strided_slice %get3A_4 {offsets = [20, 0], sizes = [1, 4096], strides = [1, 1]} : vector<32x4096xi32> to vector<1x4096xi32>
    %slice3A_215 = vector.extract_strided_slice %get3A_7 {offsets = [20, 0], sizes = [1, 4096], strides = [1, 1]} : vector<32x4096xf32> to vector<1x4096xf32>
    %gt3A_216 = arith.cmpf ogt, %slice3A_213, %select_n3A_210 : vector<1x4096xf32>
    %eq3A_217 = arith.cmpf oeq, %slice3A_213, %select_n3A_210 : vector<1x4096xf32>
    %lt3A_218 = arith.cmpi slt, %slice3A_214, %select_n3A_211 : vector<1x4096xi32>
    %and3A_219 = arith.andi %eq3A_217, %lt3A_218 : vector<1x4096xi1>
    %or3A_220 = arith.ori %gt3A_216, %and3A_219 : vector<1x4096xi1>
    %select_n3A_221 = arith.select %or3A_220, %slice3A_213, %select_n3A_210 : vector<1x4096xi1>, vector<1x4096xf32>
    %select_n3A_222 = arith.select %or3A_220, %slice3A_214, %select_n3A_211 : vector<1x4096xi1>, vector<1x4096xi32>
    %select_n3A_223 = arith.select %or3A_220, %slice3A_215, %select_n3A_212 : vector<1x4096xi1>, vector<1x4096xf32>
    %slice3A_224 = vector.extract_strided_slice %get3A_1 {offsets = [21, 0], sizes = [1, 4096], strides = [1, 1]} : vector<32x4096xf32> to vector<1x4096xf32>
    %slice3A_225 = vector.extract_strided_slice %get3A_4 {offsets = [21, 0], sizes = [1, 4096], strides = [1, 1]} : vector<32x4096xi32> to vector<1x4096xi32>
    %slice3A_226 = vector.extract_strided_slice %get3A_7 {offsets = [21, 0], sizes = [1, 4096], strides = [1, 1]} : vector<32x4096xf32> to vector<1x4096xf32>
    %gt3A_227 = arith.cmpf ogt, %slice3A_224, %select_n3A_221 : vector<1x4096xf32>
    %eq3A_228 = arith.cmpf oeq, %slice3A_224, %select_n3A_221 : vector<1x4096xf32>
    %lt3A_229 = arith.cmpi slt, %slice3A_225, %select_n3A_222 : vector<1x4096xi32>
    %and3A_230 = arith.andi %eq3A_228, %lt3A_229 : vector<1x4096xi1>
    %or3A_231 = arith.ori %gt3A_227, %and3A_230 : vector<1x4096xi1>
    %select_n3A_232 = arith.select %or3A_231, %slice3A_224, %select_n3A_221 : vector<1x4096xi1>, vector<1x4096xf32>
    %select_n3A_233 = arith.select %or3A_231, %slice3A_225, %select_n3A_222 : vector<1x4096xi1>, vector<1x4096xi32>
    %select_n3A_234 = arith.select %or3A_231, %slice3A_226, %select_n3A_223 : vector<1x4096xi1>, vector<1x4096xf32>
    %slice3A_235 = vector.extract_strided_slice %get3A_1 {offsets = [22, 0], sizes = [1, 4096], strides = [1, 1]} : vector<32x4096xf32> to vector<1x4096xf32>
    %slice3A_236 = vector.extract_strided_slice %get3A_4 {offsets = [22, 0], sizes = [1, 4096], strides = [1, 1]} : vector<32x4096xi32> to vector<1x4096xi32>
    %slice3A_237 = vector.extract_strided_slice %get3A_7 {offsets = [22, 0], sizes = [1, 4096], strides = [1, 1]} : vector<32x4096xf32> to vector<1x4096xf32>
    %gt3A_238 = arith.cmpf ogt, %slice3A_235, %select_n3A_232 : vector<1x4096xf32>
    %eq3A_239 = arith.cmpf oeq, %slice3A_235, %select_n3A_232 : vector<1x4096xf32>
    %lt3A_240 = arith.cmpi slt, %slice3A_236, %select_n3A_233 : vector<1x4096xi32>
    %and3A_241 = arith.andi %eq3A_239, %lt3A_240 : vector<1x4096xi1>
    %or3A_242 = arith.ori %gt3A_238, %and3A_241 : vector<1x4096xi1>
    %select_n3A_243 = arith.select %or3A_242, %slice3A_235, %select_n3A_232 : vector<1x4096xi1>, vector<1x4096xf32>
    %select_n3A_244 = arith.select %or3A_242, %slice3A_236, %select_n3A_233 : vector<1x4096xi1>, vector<1x4096xi32>
    %select_n3A_245 = arith.select %or3A_242, %slice3A_237, %select_n3A_234 : vector<1x4096xi1>, vector<1x4096xf32>
    %slice3A_246 = vector.extract_strided_slice %get3A_1 {offsets = [23, 0], sizes = [1, 4096], strides = [1, 1]} : vector<32x4096xf32> to vector<1x4096xf32>
    %slice3A_247 = vector.extract_strided_slice %get3A_4 {offsets = [23, 0], sizes = [1, 4096], strides = [1, 1]} : vector<32x4096xi32> to vector<1x4096xi32>
    %slice3A_248 = vector.extract_strided_slice %get3A_7 {offsets = [23, 0], sizes = [1, 4096], strides = [1, 1]} : vector<32x4096xf32> to vector<1x4096xf32>
    %gt3A_249 = arith.cmpf ogt, %slice3A_246, %select_n3A_243 : vector<1x4096xf32>
    %eq3A_250 = arith.cmpf oeq, %slice3A_246, %select_n3A_243 : vector<1x4096xf32>
    %lt3A_251 = arith.cmpi slt, %slice3A_247, %select_n3A_244 : vector<1x4096xi32>
    %and3A_252 = arith.andi %eq3A_250, %lt3A_251 : vector<1x4096xi1>
    %or3A_253 = arith.ori %gt3A_249, %and3A_252 : vector<1x4096xi1>
    %select_n3A_254 = arith.select %or3A_253, %slice3A_246, %select_n3A_243 : vector<1x4096xi1>, vector<1x4096xf32>
    %select_n3A_255 = arith.select %or3A_253, %slice3A_247, %select_n3A_244 : vector<1x4096xi1>, vector<1x4096xi32>
    %select_n3A_256 = arith.select %or3A_253, %slice3A_248, %select_n3A_245 : vector<1x4096xi1>, vector<1x4096xf32>
    %slice3A_257 = vector.extract_strided_slice %get3A_1 {offsets = [24, 0], sizes = [1, 4096], strides = [1, 1]} : vector<32x4096xf32> to vector<1x4096xf32>
    %slice3A_258 = vector.extract_strided_slice %get3A_4 {offsets = [24, 0], sizes = [1, 4096], strides = [1, 1]} : vector<32x4096xi32> to vector<1x4096xi32>
    %slice3A_259 = vector.extract_strided_slice %get3A_7 {offsets = [24, 0], sizes = [1, 4096], strides = [1, 1]} : vector<32x4096xf32> to vector<1x4096xf32>
    %gt3A_260 = arith.cmpf ogt, %slice3A_257, %select_n3A_254 : vector<1x4096xf32>
    %eq3A_261 = arith.cmpf oeq, %slice3A_257, %select_n3A_254 : vector<1x4096xf32>
    %lt3A_262 = arith.cmpi slt, %slice3A_258, %select_n3A_255 : vector<1x4096xi32>
    %and3A_263 = arith.andi %eq3A_261, %lt3A_262 : vector<1x4096xi1>
    %or3A_264 = arith.ori %gt3A_260, %and3A_263 : vector<1x4096xi1>
    %select_n3A_265 = arith.select %or3A_264, %slice3A_257, %select_n3A_254 : vector<1x4096xi1>, vector<1x4096xf32>
    %select_n3A_266 = arith.select %or3A_264, %slice3A_258, %select_n3A_255 : vector<1x4096xi1>, vector<1x4096xi32>
    %select_n3A_267 = arith.select %or3A_264, %slice3A_259, %select_n3A_256 : vector<1x4096xi1>, vector<1x4096xf32>
    %slice3A_268 = vector.extract_strided_slice %get3A_1 {offsets = [25, 0], sizes = [1, 4096], strides = [1, 1]} : vector<32x4096xf32> to vector<1x4096xf32>
    %slice3A_269 = vector.extract_strided_slice %get3A_4 {offsets = [25, 0], sizes = [1, 4096], strides = [1, 1]} : vector<32x4096xi32> to vector<1x4096xi32>
    %slice3A_270 = vector.extract_strided_slice %get3A_7 {offsets = [25, 0], sizes = [1, 4096], strides = [1, 1]} : vector<32x4096xf32> to vector<1x4096xf32>
    %gt3A_271 = arith.cmpf ogt, %slice3A_268, %select_n3A_265 : vector<1x4096xf32>
    %eq3A_272 = arith.cmpf oeq, %slice3A_268, %select_n3A_265 : vector<1x4096xf32>
    %lt3A_273 = arith.cmpi slt, %slice3A_269, %select_n3A_266 : vector<1x4096xi32>
    %and3A_274 = arith.andi %eq3A_272, %lt3A_273 : vector<1x4096xi1>
    %or3A_275 = arith.ori %gt3A_271, %and3A_274 : vector<1x4096xi1>
    %select_n3A_276 = arith.select %or3A_275, %slice3A_268, %select_n3A_265 : vector<1x4096xi1>, vector<1x4096xf32>
    %select_n3A_277 = arith.select %or3A_275, %slice3A_269, %select_n3A_266 : vector<1x4096xi1>, vector<1x4096xi32>
    %select_n3A_278 = arith.select %or3A_275, %slice3A_270, %select_n3A_267 : vector<1x4096xi1>, vector<1x4096xf32>
    %slice3A_279 = vector.extract_strided_slice %get3A_1 {offsets = [26, 0], sizes = [1, 4096], strides = [1, 1]} : vector<32x4096xf32> to vector<1x4096xf32>
    %slice3A_280 = vector.extract_strided_slice %get3A_4 {offsets = [26, 0], sizes = [1, 4096], strides = [1, 1]} : vector<32x4096xi32> to vector<1x4096xi32>
    %slice3A_281 = vector.extract_strided_slice %get3A_7 {offsets = [26, 0], sizes = [1, 4096], strides = [1, 1]} : vector<32x4096xf32> to vector<1x4096xf32>
    %gt3A_282 = arith.cmpf ogt, %slice3A_279, %select_n3A_276 : vector<1x4096xf32>
    %eq3A_283 = arith.cmpf oeq, %slice3A_279, %select_n3A_276 : vector<1x4096xf32>
    %lt3A_284 = arith.cmpi slt, %slice3A_280, %select_n3A_277 : vector<1x4096xi32>
    %and3A_285 = arith.andi %eq3A_283, %lt3A_284 : vector<1x4096xi1>
    %or3A_286 = arith.ori %gt3A_282, %and3A_285 : vector<1x4096xi1>
    %select_n3A_287 = arith.select %or3A_286, %slice3A_279, %select_n3A_276 : vector<1x4096xi1>, vector<1x4096xf32>
    %select_n3A_288 = arith.select %or3A_286, %slice3A_280, %select_n3A_277 : vector<1x4096xi1>, vector<1x4096xi32>
    %select_n3A_289 = arith.select %or3A_286, %slice3A_281, %select_n3A_278 : vector<1x4096xi1>, vector<1x4096xf32>
    %slice3A_290 = vector.extract_strided_slice %get3A_1 {offsets = [27, 0], sizes = [1, 4096], strides = [1, 1]} : vector<32x4096xf32> to vector<1x4096xf32>
    %slice3A_291 = vector.extract_strided_slice %get3A_4 {offsets = [27, 0], sizes = [1, 4096], strides = [1, 1]} : vector<32x4096xi32> to vector<1x4096xi32>
    %slice3A_292 = vector.extract_strided_slice %get3A_7 {offsets = [27, 0], sizes = [1, 4096], strides = [1, 1]} : vector<32x4096xf32> to vector<1x4096xf32>
    %gt3A_293 = arith.cmpf ogt, %slice3A_290, %select_n3A_287 : vector<1x4096xf32>
    %eq3A_294 = arith.cmpf oeq, %slice3A_290, %select_n3A_287 : vector<1x4096xf32>
    %lt3A_295 = arith.cmpi slt, %slice3A_291, %select_n3A_288 : vector<1x4096xi32>
    %and3A_296 = arith.andi %eq3A_294, %lt3A_295 : vector<1x4096xi1>
    %or3A_297 = arith.ori %gt3A_293, %and3A_296 : vector<1x4096xi1>
    %select_n3A_298 = arith.select %or3A_297, %slice3A_290, %select_n3A_287 : vector<1x4096xi1>, vector<1x4096xf32>
    %select_n3A_299 = arith.select %or3A_297, %slice3A_291, %select_n3A_288 : vector<1x4096xi1>, vector<1x4096xi32>
    %select_n3A_300 = arith.select %or3A_297, %slice3A_292, %select_n3A_289 : vector<1x4096xi1>, vector<1x4096xf32>
    %slice3A_301 = vector.extract_strided_slice %get3A_1 {offsets = [28, 0], sizes = [1, 4096], strides = [1, 1]} : vector<32x4096xf32> to vector<1x4096xf32>
    %slice3A_302 = vector.extract_strided_slice %get3A_4 {offsets = [28, 0], sizes = [1, 4096], strides = [1, 1]} : vector<32x4096xi32> to vector<1x4096xi32>
    %slice3A_303 = vector.extract_strided_slice %get3A_7 {offsets = [28, 0], sizes = [1, 4096], strides = [1, 1]} : vector<32x4096xf32> to vector<1x4096xf32>
    %gt3A_304 = arith.cmpf ogt, %slice3A_301, %select_n3A_298 : vector<1x4096xf32>
    %eq3A_305 = arith.cmpf oeq, %slice3A_301, %select_n3A_298 : vector<1x4096xf32>
    %lt3A_306 = arith.cmpi slt, %slice3A_302, %select_n3A_299 : vector<1x4096xi32>
    %and3A_307 = arith.andi %eq3A_305, %lt3A_306 : vector<1x4096xi1>
    %or3A_308 = arith.ori %gt3A_304, %and3A_307 : vector<1x4096xi1>
    %select_n3A_309 = arith.select %or3A_308, %slice3A_301, %select_n3A_298 : vector<1x4096xi1>, vector<1x4096xf32>
    %select_n3A_310 = arith.select %or3A_308, %slice3A_302, %select_n3A_299 : vector<1x4096xi1>, vector<1x4096xi32>
    %select_n3A_311 = arith.select %or3A_308, %slice3A_303, %select_n3A_300 : vector<1x4096xi1>, vector<1x4096xf32>
    %slice3A_312 = vector.extract_strided_slice %get3A_1 {offsets = [29, 0], sizes = [1, 4096], strides = [1, 1]} : vector<32x4096xf32> to vector<1x4096xf32>
    %slice3A_313 = vector.extract_strided_slice %get3A_4 {offsets = [29, 0], sizes = [1, 4096], strides = [1, 1]} : vector<32x4096xi32> to vector<1x4096xi32>
    %slice3A_314 = vector.extract_strided_slice %get3A_7 {offsets = [29, 0], sizes = [1, 4096], strides = [1, 1]} : vector<32x4096xf32> to vector<1x4096xf32>
    %gt3A_315 = arith.cmpf ogt, %slice3A_312, %select_n3A_309 : vector<1x4096xf32>
    %eq3A_316 = arith.cmpf oeq, %slice3A_312, %select_n3A_309 : vector<1x4096xf32>
    %lt3A_317 = arith.cmpi slt, %slice3A_313, %select_n3A_310 : vector<1x4096xi32>
    %and3A_318 = arith.andi %eq3A_316, %lt3A_317 : vector<1x4096xi1>
    %or3A_319 = arith.ori %gt3A_315, %and3A_318 : vector<1x4096xi1>
    %select_n3A_320 = arith.select %or3A_319, %slice3A_312, %select_n3A_309 : vector<1x4096xi1>, vector<1x4096xf32>
    %select_n3A_321 = arith.select %or3A_319, %slice3A_313, %select_n3A_310 : vector<1x4096xi1>, vector<1x4096xi32>
    %select_n3A_322 = arith.select %or3A_319, %slice3A_314, %select_n3A_311 : vector<1x4096xi1>, vector<1x4096xf32>
    %slice3A_323 = vector.extract_strided_slice %get3A_1 {offsets = [30, 0], sizes = [1, 4096], strides = [1, 1]} : vector<32x4096xf32> to vector<1x4096xf32>
    %slice3A_324 = vector.extract_strided_slice %get3A_4 {offsets = [30, 0], sizes = [1, 4096], strides = [1, 1]} : vector<32x4096xi32> to vector<1x4096xi32>
    %slice3A_325 = vector.extract_strided_slice %get3A_7 {offsets = [30, 0], sizes = [1, 4096], strides = [1, 1]} : vector<32x4096xf32> to vector<1x4096xf32>
    %gt3A_326 = arith.cmpf ogt, %slice3A_323, %select_n3A_320 : vector<1x4096xf32>
    %eq3A_327 = arith.cmpf oeq, %slice3A_323, %select_n3A_320 : vector<1x4096xf32>
    %lt3A_328 = arith.cmpi slt, %slice3A_324, %select_n3A_321 : vector<1x4096xi32>
    %and3A_329 = arith.andi %eq3A_327, %lt3A_328 : vector<1x4096xi1>
    %or3A_330 = arith.ori %gt3A_326, %and3A_329 : vector<1x4096xi1>
    %select_n3A_331 = arith.select %or3A_330, %slice3A_323, %select_n3A_320 : vector<1x4096xi1>, vector<1x4096xf32>
    %select_n3A_332 = arith.select %or3A_330, %slice3A_324, %select_n3A_321 : vector<1x4096xi1>, vector<1x4096xi32>
    %select_n3A_333 = arith.select %or3A_330, %slice3A_325, %select_n3A_322 : vector<1x4096xi1>, vector<1x4096xf32>
    %slice3A_334 = vector.extract_strided_slice %get3A_1 {offsets = [31, 0], sizes = [1, 4096], strides = [1, 1]} : vector<32x4096xf32> to vector<1x4096xf32>
    %slice3A_335 = vector.extract_strided_slice %get3A_4 {offsets = [31, 0], sizes = [1, 4096], strides = [1, 1]} : vector<32x4096xi32> to vector<1x4096xi32>
    %slice3A_336 = vector.extract_strided_slice %get3A_7 {offsets = [31, 0], sizes = [1, 4096], strides = [1, 1]} : vector<32x4096xf32> to vector<1x4096xf32>
    %gt3A_337 = arith.cmpf ogt, %slice3A_334, %select_n3A_331 : vector<1x4096xf32>
    %eq3A_338 = arith.cmpf oeq, %slice3A_334, %select_n3A_331 : vector<1x4096xf32>
    %lt3A_339 = arith.cmpi slt, %slice3A_335, %select_n3A_332 : vector<1x4096xi32>
    %and3A_340 = arith.andi %eq3A_338, %lt3A_339 : vector<1x4096xi1>
    %or3A_341 = arith.ori %gt3A_337, %and3A_340 : vector<1x4096xi1>
    %select_n3A_342 = arith.select %or3A_341, %slice3A_335, %select_n3A_332 : vector<1x4096xi1>, vector<1x4096xi32>
    %select_n3A_343 = arith.select %or3A_341, %slice3A_336, %select_n3A_333 : vector<1x4096xi1>, vector<1x4096xf32>
    %get3A_344 = arith.constant 0 : index
    %get3A_345 = arith.constant 0 : index
    %get3A_346 = arith.constant 0 : index
    %get3A_347 = vector.load %arg3[%get3A_344, %get3A_345, %get3A_346] : memref<1x1x4096xi32, #tpu.memory_space<vmem>>, vector<1x1x4096xi32>
    %get3A_348 = vector.shape_cast %get3A_347 : vector<1x1x4096xi32> to vector<1x4096xi32>
    %sub3A = arith.subi %select_n3A_342, %get3A_348 : vector<1x4096xi32>
    %swap3A = arith.constant 0 : index
    %swap3A_349 = arith.constant 0 : index
    %swap3A_350 = arith.constant 0 : index
    %swap3A_351 = vector.load %arg5[%swap3A, %swap3A_349, %swap3A_350] : memref<1x1x4096xi32, #tpu.memory_space<vmem>>, vector<1x1x4096xi32>
    %swap3A_352 = vector.shape_cast %swap3A_351 : vector<1x1x4096xi32> to vector<1x4096xi32>
    %swap3A_353 = vector.shape_cast %sub3A : vector<1x4096xi32> to vector<1x1x4096xi32>
    tpu.vector_store %arg5[%swap3A, %swap3A_349, %swap3A_350], %swap3A_353 {strides = array<i32>} : memref<1x1x4096xi32, #tpu.memory_space<vmem>>, vector<1x1x4096xi32>,
    %get3A_354 = arith.constant 0 : index
    %get3A_355 = arith.constant 0 : index
    %get3A_356 = arith.constant 0 : index
    %get3A_357 = vector.load %arg4[%get3A_354, %get3A_355, %get3A_356] : memref<1x1x4096xf32, #tpu.memory_space<vmem>>, vector<1x1x4096xf32>
    %get3A_358 = vector.shape_cast %get3A_357 : vector<1x1x4096xf32> to vector<1x4096xf32>
    %sub3A_359 = arith.subf %select_n3A_343, %get3A_358 : vector<1x4096xf32>
    %swap3A_360 = arith.constant 0 : index
    %swap3A_361 = arith.constant 0 : index
    %swap3A_362 = arith.constant 0 : index
    %swap3A_363 = vector.load %arg6[%swap3A_360, %swap3A_361, %swap3A_362] : memref<1x1x4096xf32, #tpu.memory_space<vmem>>, vector<1x1x4096xf32>
    %swap3A_364 = vector.shape_cast %swap3A_363 : vector<1x1x4096xf32> to vector<1x4096xf32>
    %swap3A_365 = vector.shape_cast %sub3A_359 : vector<1x4096xf32> to vector<1x1x4096xf32>
    tpu.vector_store %arg6[%swap3A_360, %swap3A_361, %swap3A_362], %swap3A_365 {strides = array<i32>} : memref<1x1x4096xf32, #tpu.memory_space<vmem>>, vector<1x1x4096xf32>,
    return
  }
}

</mosaic_0001>

<sc_bundles>
// kernel: kernel.12.cloned.1.call-start
scs
__scs_entry_jumppad:
0x0: {  	(pc) =	sbr.rel $0x88, $3  }
0x1: {  	(tag) =	ssettag $0x0;
	lr =	simm.s32 $0x1  }
0x2: {  	[smem:$0x3F8F] =	sst lr;
	_ =	strace $0xD0000000  }
0x3: {  	_ = 	snop  }
0x4: {  	_ = 	snop  }
0x5: {  	_ = 	snop  }
0x6: {  	_ = 	snop  }
0x7: {  	_ = 	snop  }
__scs_overlays_trampoline_lowered:
0x8: {  	[smem:$0x3F9E] =	sst s0  }
0x9: {  	[smem:$0x3F9F] =	sst s1  }
0xa: {  	[smem:$0x3FA0] =	sst s2  }
0xb: {  	[smem:$0x3FA1] =	sst s3  }
0xc: {  	[smem:$0x3FA2] =	sst s4  }
0xd: {  	[smem:$0x3FA3] =	sst s5  }
0xe: {  	[smem:$0x3FA4] =	sst s6  }
0xf: {  	[smem:$0x3FA5] =	sst s7  }
0x10: {  	[smem:$0x3FA6] =	sst s8  }
0x11: {  	[smem:$0x3FA7] =	sst s9;
	s0 =	simm.s32 @!p0 $0x0  }
0x12: {  	s1 =	sld [smem:$0x3F8D];
	s0 =	simm.s32 @p0 $0x1  }
0x13: {  	[smem:$0x3FA8] =	sst s0;
	s0 =	simm.s32 @!p1 $0x0  }
0x14: {  	s2 =	sld [smem:$0x3F8C];
	s0 =	simm.s32 @p1 $0x1  }
0x15: {  	[smem:$0x3FA9] =	sst s0;
	s0 =	simm.s32 @!p2 $0x0  }
0x16: {  	s3 =	sld [smem:$0x3FDB];
	s0 =	simm.s32 @p2 $0x1  }
0x17: {  	s4 =	simm.s32 $0x1BF5;
	[smem:$0x3FAB] =	sst s0  }
0x18: {  	s0 =	sld [smem:$0x3F8E];
	_ =	swait.ge [sflag:s4], $0x0  }
0x19: {  	s7 =	sld [smem:$0x3F8F]  }
0x1a: {  	s8 =	sadd.s32 $0xFFFFE003, lr  }
0x1b: {  	s9 =	sadd.s32 $0xFFFFFEF7, lr;
	s5 =	simm.s32 $0xFFFFFFFF;
	p2 =	slt.u32 s8, $0xFFFFF086  }
0x1c: {  	p1 =	slt.u32 s9, $0xF7A;
	s5 =	simm.s32 @!p2 $0x0  }
0x1d: {  	s5 =	simm.s32 @p1 $0x1;
	p0 =	seq.s32 s7, s2  }
0x1e: {  	s7 =	smul.u32 @!p0 $0xF7A, s2;
	p2 =	seq.s32 @!p0 s5, $0x0  }
0x1f: {  	s9 =	smul.u32 $0xF7A, s1;
	s8 =	simm.s32 @!p0 $0x1BF5;
	p2 =	por !p2, p0  }
0x20: {  	[sflag:s8] =	ssyncset.s32 @!p0 $0xFFFFF086;
	s6 =	sadd.s32 @!p0 s3, s7;
	s7 =	simm.s32 @!p0 $0x108  }
0x21: {  	s3 =	sadd.s32 s3, s9;
	s6 =	sadd.s32 @!p0 $0x88, s6;
	s7 =	simm.s32 @p2 $0x1082  }
0x22: {  	[simem:s7], [sflag:s8] =	dma.local @!p0 [hbm:s6], $0xF7A  }
0x23: {  	s9 =	sor.u32 $0xD0000000, s2;
	s6 =	simm.s32 $0x108;
	_ =	swait.ge @!p0 [sflag:s8], $0x0  }
0x24: {  	s3 =	sadd.s32 $0x88, s3;
	s6 =	simm.s32 @!p1 $0x1082;
	[sflag:s4] =	ssyncset.s32 $0xFFFFF086  }
0x25: {  	[simem:s6], [sflag:s4] =	dma.local [hbm:s3], $0xF7A  }
0x26: {  	[smem:$0x3F8F] =	sst s1;
	(tag) =	ssettag s2;
	_ =	strace s9  }
0x27: {  	s1 =	sld [smem:$0x3F9F]  }
0x28: {  	s2 =	sld [smem:$0x3FA0]  }
0x29: {  	s4 =	sld [smem:$0x3FA2]  }
0x2a: {  	p0 =	seq.s32 s5, $0x0;
	s5 =	sld [smem:$0x3FA3]  }
0x2b: {  	s6 =	sld [smem:$0x3FA4]  }
0x2c: {  	s7 =	sld [smem:$0x3FA5]  }
0x2d: {  	s3 =	simm.s32 $0x108;
	s8 =	sld [smem:$0x3FA6]  }
0x2e: {  	s3 =	simm.s32 @!p0 $0x1082;
	s9 =	sld [smem:$0x3FA7]  }
0x2f: {  	lr =	sadd.s32 s0, s3;
	s0 =	sld [smem:$0x3F9E]  }
0x30: {  	s3 =	sld [smem:$0x3FA1]  }
0x31: {  	[smem:$0x3FAA] =	sst s10  }
0x32: {  	s10 =	sld [smem:$0x3FA8];
	_ =	sdelay $0x3  }
0x33: {  	p0 =	seq.s32 s10, $0x1;
	s10 =	sld [smem:$0x3FAA];
	_ =	sdelay $0x3  }
0x34: {  	[smem:$0x3FAA] =	sst s10  }
0x35: {  	s10 =	sld [smem:$0x3FA9];
	_ =	sdelay $0x3  }
0x36: {  	p1 =	seq.s32 s10, $0x1;
	s10 =	sld [smem:$0x3FAA];
	_ =	sdelay $0x3  }
0x37: {  	[smem:$0x3FAA] =	sst s10  }
0x38: {  	s10 =	sld [smem:$0x3FAB]  }
0x39: {  	_ = 	snop;
	(pc) =	sbr.ind lr, $3  }
0x3a: {  	_ = 	snop  }
0x3b: {  	_ = 	snop  }
0x3c: {  	p2 =	seq.s32 s10, $0x1;
	s10 =	sld [smem:$0x3FAA]  }
0x3d: {  	_ =	shalt  }
0x3e: {  	_ =	shalt  }
0x3f: {  	_ =	shalt  }
0x40: {  	_ =	shalt  }
0x41: {  	_ =	shalt  }
0x42: {  	_ =	shalt  }
0x43: {  	_ =	shalt  }
0x44: {  	_ =	shalt  }
0x45: {  	_ =	shalt  }
0x46: {  	_ =	shalt  }
0x47: {  	_ =	shalt  }
0x48: {  	_ =	shalt  }
0x49: {  	_ =	shalt  }
0x4a: {  	_ =	shalt  }
0x4b: {  	_ =	shalt  }
0x4c: {  	_ =	shalt  }
0x4d: {  	_ =	shalt  }
0x4e: {  	_ =	shalt  }
0x4f: {  	_ =	shalt  }
0x50: {  	_ =	shalt  }
0x51: {  	_ =	shalt  }
0x52: {  	_ =	shalt  }
0x53: {  	_ =	shalt  }
0x54: {  	_ =	shalt  }
0x55: {  	_ =	shalt  }
0x56: {  	_ =	shalt  }
0x57: {  	_ =	shalt  }
0x58: {  	_ =	shalt  }
0x59: {  	_ =	shalt  }
0x5a: {  	_ =	shalt  }
0x5b: {  	_ =	shalt  }
0x5c: {  	_ =	shalt  }
0x5d: {  	_ =	shalt  }
0x5e: {  	_ =	shalt  }
0x5f: {  	_ =	shalt  }
0x60: {  	_ =	shalt  }
0x61: {  	_ =	shalt  }
0x62: {  	_ =	shalt  }
0x63: {  	_ =	shalt  }
0x64: {  	_ =	shalt  }
0x65: {  	_ =	shalt  }
0x66: {  	_ =	shalt  }
0x67: {  	_ =	shalt  }
0x68: {  	_ =	shalt  }
0x69: {  	_ =	shalt  }
0x6a: {  	_ =	shalt  }
0x6b: {  	_ =	shalt  }
0x6c: {  	_ =	shalt  }
0x6d: {  	_ =	shalt  }
0x6e: {  	_ =	shalt  }
0x6f: {  	_ =	shalt  }
0x70: {  	_ =	shalt  }
0x71: {  	_ =	shalt  }
0x72: {  	_ =	shalt  }
0x73: {  	_ =	shalt  }
0x74: {  	_ =	shalt  }
0x75: {  	_ =	shalt  }
0x76: {  	_ =	shalt  }
0x77: {  	_ =	shalt  }
0x78: {  	_ =	shalt  }
0x79: {  	_ =	shalt  }
0x7a: {  	_ =	shalt  }
0x7b: {  	_ =	shalt  }
0x7c: {  	_ =	shalt  }
0x7d: {  	_ =	shalt  }
0x7e: {  	_ =	shalt  }
0x7f: {  	_ =	shalt  }
0x80: {  	_ =	shalt  }
0x81: {  	_ =	shalt  }
0x82: {  	_ =	shalt  }
0x83: {  	_ =	shalt  }
0x84: {  	_ =	shalt  }
0x85: {  	_ =	shalt  }
0x86: {  	_ =	shalt  }
0x87: {  	_ =	shalt  }
.Lfunc_end0:
.L_simem_size_0:
called_computation.1_lowered:
.L_overlay_start_0:
0x88: {  	s2 =	sld [smem:$0x3FD9]  }
0x89: {  	s3 =	sld [smem:$0x3FFE];
	_ =	sdelay $0x1  }
0x8a: {  	s1 =	srdreg.scid  }
0x8b: {  	s0 =	sand.u32 $0x1, s1  }
0x8c: {  	s14 =	sshll.u32 s0, $0xA;
	s2 =	sadd.s32 s3, s2  }
0x8d: {  	s2 =	sadd.s32 s2, s14  }
0x8e: {  	[smem:$0x3FB6] =	sst s2  }
0x8f: {  	_ = 	snop  }
0x90: {  	s2 =	sld [smem:$0x3FD0];
	_ =	sdelay $0x2  }
0x91: {  	s4 =	simm.s32 $0xA;
	s5 =	simm.s32 $0x10;
	s15 =	sld [smem:$0x3FC7]  }
0x92: {  	[smem:s5], [sflag:s4] =	dma.local [hbm:s2], $0x1  }
0x93: {  	_ =	swait.eq [sflag:s4], $0x1  }
0x94: {  	[sflag:s4] =	ssyncset.done $0x0  }
0x95: {  	s16 =	sld [smem:$0x10];
	[sflag:s4] =	ssyncadd.s32 $0xFFFFFFFF  }
0x96: {  	s17 =	sld [smem:$0x11];
	(tm) =	ssettm $0x1  }
0x97: {  	s18 =	sld [smem:$0x3FFB];
	_ =	sdelay $0x3  }
0x98: {  	_ =	strace s18  }
0x99: {  	s5 =	sld [smem:$0x3FFC];
	_ =	sdelay $0x3  }
0x9a: {  	_ =	strace s5  }
0x9b: {  	s5 =	sld [smem:$0x3FFD];
	_ =	sdelay $0x3  }
0x9c: {  	_ =	strace s5  }
0x9d: {  	_ =	strace $0x8FFFFFFF  }
0x9e: {  	s19 =	sld [smem:$0x3FDB];
	_ =	sdelay $0x1  }
0x9f: {  	s6 =	simm.s32 $_scs_section_size  }
0xa0: {  	s7 =	simm.s32 $_size__tile_overlayer_lowered;
	s8 =	simm.s32 $_tile_overlayer_lowered  }
0xa1: {  	s22 =	simm.s32 $0x1BFF;
	s21 =	sshll.u32 s8, $0x1;
	s5 =	sadd.s32 s6, s19  }
0xa2: {  	s9 =	simm.s32 $0x0;
	s20 =	sshll.u32 s7, $0x1;
	s7 =	sadd.s32 s21, s5  }
0xa3: {  	[timem:s9], [sflag:s22] =	dma.local [hbm:s7], s20  }
0xa4: {  	_ =	swait.ge [sflag:s22], s20  }
0xa5: {  	s6 =	ssub.s32 $0x0, s20;
	[sflag:s22] =	ssyncset.done $0x0  }
0xa6: {  	[sflag:s22] =	ssyncadd.s32 s6;
	_ =	sdelay $0x1  }
0xa7: {  	s23 =	simm.s32 $0x1B8B  }
0xa8: {  	_ =	swait.ge [sflag:s23], $0x1  }
0xa9: {  	[sflag:s23] =	ssyncset.done $0x0  }
0xaa: {  	s25 =	simm.s32 $0x1B8E;
	s24 =	sld [smem:$0x3FFE];
	[sflag:s23] =	ssyncadd.s32 $0xFFFFFFFF  }
0xab: {  	s26 =	simm.s32 $execute0_lowered;
	[smem:$0x3FD2] =	sst s25  }
0xac: {  	s7 =	sshll.u32 s26, $0x1;
	_ =	strace $0x80000049;
	[dreg:$0x1] =	wrdreg $0xFFFFFFFF  }
0xad: {  	s28 =	simm.s32 $_size_execute0_lowered;
	s5 =	sadd.s32 s5, s7;
	[dreg:$0x0] =	wrdreg $0x0  }
0xae: {  	s7 =	sshll.u32 s28, $0x1;
	[dreg:$0x2] =	wrdreg s5  }
0xaf: {  	[dreg:$0x3] =	wrdreg s7  }
0xb0: {  	[dreg:$0x4] =	wrdreg $0xC0  }
0xb1: {  	_ =	task [dreg:s9], $0x5FFFF  }
0xb2: {  	[dreg:$0x1] =	wrdreg $0xFFFFFFFF  }
0xb3: {  	[dreg:$0x0] =	wrdreg $0x60  }
0xb4: {  	[dreg:$0x2] =	wrdreg s24  }
0xb5: {  	[dreg:$0x3] =	wrdreg s15  }
0xb6: {  	[dreg:$0x4] =	wrdreg s17  }
0xb7: {  	[dreg:$0x5] =	wrdreg s16  }
0xb8: {  	[dreg:$0x6] =	wrdreg $0x9  }
0xb9: {  	_ =	task.clear_ibuf [dreg:s9], $0x7FFFF;
	_ =	strace $0x90000049  }
0xba: {  	s29 =	simm.s32 $0x9;
	_ =	strace $0x8000004B  }
0xbb: {  	_ =	swait.ge [sflag:s29], $0x1  }
0xbc: {  	[sflag:s29] =	ssyncadd.s32 $0xFFFFFFFF  }
0xbd: {  	_ =	strace $0x9000004B  }
0xbe: {  	_ =	sfence  }
0xbf: {  	s30 =	sld [smem:$0x0];
	_ =	sdelay $0x2  }
0xc0: {  	s31 =	sshll.u32 s1, $0xD;
	s1 =	sshrl.u32 s1, $0x2  }
0xc1: {  	s3 =	sand.u32 $0x4000, s31;
	s1 =	sadd.s32 s1, s30  }
0xc2: {  	s0 =	sor.u32 s3, s0;
	s1 =	sshll.u32 s1, $0x11  }
0xc3: {  	s0 =	sor.u32 s1, s0  }
0xc4: {  	s0 =	sadd.s32 $0x8F2B, s0  }
0xc5: {  	[sflag:s0] =	ssyncadd.remote.s32 $0x1  }
0xc6: {  	_ =	sfence.sel $0xFFFF  }
0xc7: {  	[dreg:$0x0] =	wrdreg $0xFFFFFFFF;
	(pc) =	sbr.abs _section_cstart, $3  }
0xc8: {  	[dreg:$0x1] =	wrdreg $0xFFFFFFFF  }
0xc9: {  	_ =	task.clear_ibuf [dreg:s9], $0x2FFFF;
	_ =	strace $0x9FFFFFFF  }
0xca: {  	(tm) =	ssettm $0x7FFFFFFF  }
0xcb: {  	_ =	shalt  }
tec
execute0_lowered:
.L_overlay_start_1:
0x0: {  	(tag) =	ssettag $0x1  }
0x1: {  	v0 =	vimm.s32 $0xEDCBA987;
	v1 =	vimm.s32 $0x65432100  }
0x2: {  	v2 =	vimm.s32 $0xDCBA9876;
	v3 =	vimm.s32 $0x54321000;
	v4 =	vimm.s32 $0xE40000  }
0x3: {  	v5 =	vimm.s32 $0xBA987654;
	v6 =	vimm.s32 $0x32100000;
	v0 =	vunpack.c.l.s4.s8 v0  }
0x4: {  	s4 =	rddreg [dreg:$0x0];
	v7 =	vimm.s32 $0x7060504;
	vm0 =	vcmask $0x3F30;
	v1 =	vunpack.c.l.s4.s8 v1  }
0x5: {  	s5 =	rddreg [dreg:$0x1];
	v2 =	vunpack.c.l.s4.s8 v2;
	v4 =	vunpack.c.l.s2.s4 v4;
	v0 =	vunpack.c.0.s8.s32 v0  }
0x6: {  	s0 =	rddreg [dreg:$0x2];
	v3 =	vunpack.c.l.s4.s8 v3;
	v5 =	vunpack.c.l.s4.s8 v5;
	v1 =	vunpack.c.0.s8.s32 v1  }
0x7: {  	s2 =	srdreg.scid;
	s1 =	stileid.u32;
	v2 =	vunpack.c.0.s8.s32 v2;
	v4 =	vunpack.c.l.s4.s8 v4;
	v0 =	vand.u32 $0xF, v0  }
0x8: {  	s6 =	rddreg [dreg:$0x3];
	s3 =	simm.s32 $0x0;
	s13 =	simm.s32 $0x80;
	v3 =	vunpack.c.0.s8.s32 v3;
	v0 =	vcombine.low v1, v0;
	v1 =	vunpack.c.l.s4.s8 v6  }
0x9: {  	s14 =	simm.s32 $0x400;
	s7 =	sand.u32 $0x1, s2;
	s2 =	rddreg [dreg:$0x4];
	v5 =	vunpack.c.0.s8.s32 v5;
	v2 =	vand.u32 $0xF, v2;
	v4 =	vunpack.c.0.s8.s32 v4  }
0xa: {  	s15 =	simm.s32 $0x0;
	s8 =	sshll.u32 s1, $0x1;
	[smem:$0x7FF] =	sst s3;
	v6 =	vunpack.c.0.s8.s32 v1;
	v1 =	vcombine.low v3, v2;
	v3 =	vunpack.c.0.s8.s32 v7  }
0xb: {  	vm1 =	vcmask $0x3F08;
	s9 =	sshll.u32 s1, $0xA;
	s8 =	sor.u32 s7, s8;
	_ =	strace $0x8000004A;
	v4 =	vand.u32 $0x3, v4;
	v2 =	vand.u32 $0xF, v5  }
0xc: {  	s7 =	ssub.s32 $0x2, s7;
	s10 =	sshll.u32 s8, $0x4;
	s8 =	sshll.u32 s8, $0xA;
	v5 =	vimm.s32 $0x87654321;
	v3 =	vsel vm0, v3, v4;
	v4 =	vimm.s32 $0xFFEDCBA9  }
0xd: {  	vm2 =	vcmask $0x3F10;
	s31 =	sshrl.u32 s7, $0x1;
	s9 =	sor.u32 s9, s10;
	s11 =	sadd.s32 s8, s4;
	v5 =	vunpack.c.l.s4.s8 v5;
	v7 =	vunpack.c.l.s4.s8 v4  }
0xe: {  	vm3 =	vcmask $0x3F20;
	s10 =	ssub.s32 s7, s31;
	s5 =	sadd.s32 s5, s8;
	s9 =	sand.u32 $0x3070, s9;
	v2 =	vcombine.low v6, v2;
	v6 =	vimm.f32 $1.000000000e+00  }
0xf: {  	s8 =	smax.u32 s10, $0x1;
	s10 =	simm.s32 $0x2000;
	s12 =	sadd.s32 s9, s4;
	v6 =	vperm.xlane v6, v0;
	v8 =	vunpack.c.0.s8.s32 v5;
	v7 =	vunpack.c.0.s8.s32 v7  }
0x10: {  	vm4 =	vcmask $0x3F3C;
	vm5 =	vmmov $0x7fff;
	s4 =	sadd.s32 $0x4600, s11;
	s6 =	sadd.s32 s6, s9;
	s9 =	simm.s32 $0x1;
	vm0 =	vcmask $0x3F04  }
0x11: {  	s11 =	simm.s32 $0x4000;
	s7 =	sadd.s32 $0xC600, s12;
	s12 =	simm.s32 $0x5000;
	v4 =	vlaneseq.u32;
	v5 =	vadd.f32 $1.000000000e+00, v6;
	v6 =	vcombine.low v8, v7  }
.LBB2_1:
0x12: {  	[tilespmem:s3], [sflag:$0x1] =	stream.linear.gather [hbm4b:s4+s3], $0x2000, $0x38;
	[tilespmem:$0x6000] =	vst v63  }
0x13: {  	_ =	swait.ge [sflag:s9], $0x2000  }
0x14: {  	[sflag:s9] =	ssyncset.done $0x0  }
0x15: {  	[sflag:s9] =	ssyncadd.s32 $0xFFFFE000  }
0x16: {  	[tilespmem:s10], [sflag:$0x1] =	stream.linear.gather [hbm4b:s5+s3], $0x2000, $0x38;
	[tilespmem:$0x6000] =	vst v63  }
0x17: {  	_ =	swait.ge [sflag:s9], $0x2000  }
0x18: {  	[sflag:s9] =	ssyncset.done $0x0  }
0x19: {  	[sflag:s9] =	ssyncadd.s32 $0xFFFFE000  }
0x1a: {  	[tilespmem:s11], [sflag:$0x1] =	stream.linear.gather [hbm4b:s0+s3], $0x1000, $0x38;
	[tilespmem:$0x6000] =	vst v63  }
0x1b: {  	_ =	swait.ge [sflag:s9], $0x1000  }
0x1c: {  	[sflag:s9] =	ssyncset.done $0x0  }
0x1d: {  	v7 =	vor.u32 s3, v4;
	[sflag:s9] =	ssyncadd.s32 $0xFFFFF000  }
0x1e: {  	[tilespmem:s12], [sflag:$0x1] =	stream.linear.gather [hbm4b:s0+s3], $0x1000, $0x38;
	[tilespmem:$0x6000] =	vst v63  }
0x1f: {  	_ =	swait.ge [sflag:s9], $0x1000  }
0x20: {  	[sflag:s9] =	ssyncset.done $0x0  }
0x21: {  	[sflag:s9] =	ssyncadd.s32 $0xFFFFF000  }
0x22: {  	v8 =	vld.idx.msk [tilespmem:v7+s3+$0x0], $0xffff;
	_ =	sdelay $0x4  }
0x23: {  	v8 =	vmul.f32 $1.442695020e+00, v8;
	_ =	sdelay $0x1  }
0x24: {  	(erf) = vpow2.f32 v8;
	_ =	sdelay $0x4  }
0x25: {  	v8 =	vld.idx.msk [tilespmem:v7+s10+$0x0], $0xffff;
	_ =	sdelay $0x3  }
0x26: {  	v7 =	vpop (erf)  }
0x27: {  	v10 =	vperm.xlane v8, v0;
	v9 =	vperm.xlane v7, v0;
	_ =	sdelay $0x1  }
0x28: {  	vm6 =	veq.s32 v10, v8;
	v9 =	vadd.f32 v7, v9  }
0x29: {  	vm6 =	vmand vm6, vm0  }
0x2a: {  	v7 =	vsel vm6, v9, v7  }
0x2b: {  	v10 =	vperm.xlane v8, v1;
	v9 =	vsel vm5, $0xFFFFFFFF, v8;
	v11 =	vperm.xlane v7, v1  }
0x2c: {  	v9 =	vxor.u32 $0x80000000, v9  }
0x2d: {  	vm7 =	veq.s32 v10, v8;
	(xrf0) =	vmax.scan.msk.u32 $0xffff, v9;
	v9 =	vadd.f32 v7, v11  }
0x2e: {  	v10 =	vnsel vm6, $0x3F800000, v5;
	vm7 =	vmand vm7, vm1  }
0x2f: {  	v12 =	vperm.xlane v10, v1;
	v7 =	vsel vm7, v9, v7  }
0x30: {  	v9 =	vperm.xlane v8, v2;
	v11 =	vperm.xlane v7, v2;
	_ =	sdelay $0x1  }
0x31: {  	vm6 =	veq.s32 v9, v8;
	v9 =	vadd.f32 v7, v11;
	v11 =	vadd.f32 v10, v12  }
0x32: {  	vm6 =	vmand vm6, vm2  }
0x33: {  	v7 =	vsel vm6, v9, v7;
	v9 =	vperm.xlane v8, v3;
	v10 =	vsel vm7, v11, v10  }
0x34: {  	v11 =	vperm.xlane v7, v3;
	v62 =	vperm.xlane v10, v2;
	_ =	sdelay $0x1  }
0x35: {  	v61, _, _ =	vpop (xrf0);
	vm7 =	veq.s32 v9, v8;
	v9 =	vadd.f32 v7, v11;
	v11 =	vadd.f32 v10, v62  }
0x36: {  	(v2sf) =	vpush v61, $0xF;
	vm7 =	vmand vm7, vm3  }
0x37: {  	s16 =	simm.f32 $0.0e+00;
	v63 =	vperm.xlane v8, v6;
	v7 =	vsel vm7, v9, v7;
	v9 =	vsel vm6, v11, v10  }
0x38: {  	s17 =	simm.s32 $0xFFFFFFFF;
	v10 =	vadd.f32 s16, v7;
	v11 =	vperm.xlane v9, v3  }
0x39: {  	vm8 =	veq.s32 v8, s17;
	vm6 =	vne.s32 v8, v63  }
0x3a: {  	vm6 =	vmor vm6, vm4;
	v10 =	vsel vm8, v10, v7;
	v7 =	vadd.f32 v9, v11;
	_ =	sdelay $0x1  }
0x3b: {  	s30 =	simm.s32 $0x10;
	v11 =	vsel vm5, $0x0, v10;
	v9 =	vsel vm7, v7, v9  }
0x3c: {  	(xrf0) =	vmax.scan.msk.f32 $0xffff, v11;
	v7 =	vor.u32 s30, v4;
	v11 =	vadd.f32 s16, v9;
	_ =	sdelay $0x1  }
0x3d: {  	v9 =	vsel vm8, v11, v9  }
0x3e: {  	[tilespmem:v8+s11+$0x0] =	vst.idx.msk vm6, v10;
	v10 =	vsel vm5, $0x0, v9  }
0x3f: {  	[tilespmem:v8+s12+$0x0] =	vst.idx.msk vm6, v9;
	(xrf0) =	vmax.scan.msk.f32 $0xffff, v10  }
0x40: {  	v8 =	vld.idx.msk [tilespmem:v7+s3+$0x0], $0xffff;
	_ =	sdelay $0x2  }
0x41: {  	s31 =	spop (v2sf)  }
0x42: {  	s17 =	simm.s32 $0x20;
	s16 =	sxor.u32 $0x80000000, s31;
	v9, _, _ =	vpop (xrf0)  }
.LBB2_2:
0x43: {  	p0 =	sne.s32 s17, $0x1FF0;
	v8 =	vmul.f32 $1.442695020e+00, v8;
	(v2sf) =	vpush v9, $0xF;
	v9, _, _ =	vpop (xrf0);
	s18 =	smov.u32 s17;
	s17 =	sadd.s32 $0x10, s17  }
0x44: {  	(v2sf) =	vpush v9, $0xF  }
0x45: {  	(erf) = vpow2.f32 v8;
	_ =	sdelay $0x3  }
0x46: {  	v8 =	vld.idx.msk [tilespmem:v7+s10+$0x0], $0xffff;
	_ =	sdelay $0x4  }
0x47: {  	v7 =	vpop (erf)  }
0x48: {  	v10 =	vperm.xlane v8, v0;
	v11 =	vsel vm5, $0xFFFFFFFF, v8;
	v9 =	vperm.xlane v7, v0  }
0x49: {  	v12 =	vperm.xlane v8, v1;
	v13 =	vperm.xlane v8, v2;
	v11 =	vxor.u32 $0x80000000, v11  }
0x4a: {  	vm6 =	veq.s32 v10, v8;
	v10 =	vperm.xlane v8, v6;
	v9 =	vadd.f32 v7, v9;
	(xrf0) =	vmax.scan.msk.u32 $0xffff, v11  }
0x4b: {  	vm7 =	veq.s32 v12, v8;
	vm8 =	veq.s32 v13, v8;
	vm6 =	vmand vm6, vm0;
	s19 =	spop (v2sf)  }
0x4c: {  	v7 =	vsel vm6, v9, v7;
	v9 =	vnsel vm6, $0x3F800000, v5;
	vm6 =	vne.s32 v8, v10;
	s20 =	spop (v2sf)  }
0x4d: {  	v10 =	vperm.xlane v7, v1;
	v11 =	vperm.xlane v9, v1  }
0x4e: {  	v13 =	vperm.xlane v8, v3  }
0x4f: {  	v10 =	vadd.f32 v7, v10;
	v11 =	vadd.f32 v9, v11  }
0x50: {  	vm7 =	vmand vm7, vm1;
	vm9 =	veq.s32 v13, v8;
	v12, _, _ =	vpop (xrf0)  }
0x51: {  	v7 =	vsel vm7, v10, v7;
	v9 =	vsel vm7, v11, v9;
	(v2sf) =	vpush v12, $0xF  }
0x52: {  	v10 =	vperm.xlane v7, v2;
	v11 =	vperm.xlane v9, v2;
	_ =	sdelay $0x1  }
0x53: {  	v10 =	vadd.f32 v7, v10;
	v11 =	vadd.f32 v9, v11  }
0x54: {  	vm7 =	vmand vm8, vm2  }
0x55: {  	v7 =	vsel vm7, v10, v7;
	v9 =	vsel vm7, v11, v9  }
0x56: {  	v10 =	vperm.xlane v7, v3;
	v11 =	vperm.xlane v9, v3;
	_ =	sdelay $0x1  }
0x57: {  	vm6 =	vmor vm6, vm4;
	v10 =	vadd.f32 v7, v10;
	v11 =	vadd.f32 v9, v11  }
0x58: {  	vm7 =	vmand vm9, vm3  }
0x59: {  	v10 =	vsel vm7, v10, v7;
	v9 =	vsel vm7, v11, v9  }
0x5a: {  	v7 =	vor.u32 s18, v4;
	v11 =	vadd.f32 s19, v10;
	v12 =	vadd.f32 s20, v9  }
0x5b: {  	vm7 =	veq.s32 v8, s16  }
0x5c: {  	v10 =	vsel vm7, v11, v10;
	v9 =	vsel vm7, v12, v9  }
0x5d: {  	[tilespmem:v8+s11+$0x0] =	vst.idx.msk vm6, v10;
	v10 =	vsel vm5, $0x0, v10;
	v11 =	vsel vm5, $0x0, v9  }
0x5e: {  	[tilespmem:v8+s12+$0x0] =	vst.idx.msk vm6, v9;
	s16 =	spop (v2sf);
	(xrf0) =	vmax.scan.msk.f32 $0xffff, v10  }
0x5f: {  	v8 =	vld.idx.msk [tilespmem:v7+s3+$0x0], $0xffff;
	s16 =	sxor.u32 $0x80000000, s16;
	(xrf0) =	vmax.scan.msk.f32 $0xffff, v11  }
.Ltmp0:
0x60: {  	(pc) =	sbr.rel @p0 .LBB2_2-.Ltmp0, $2  }
0x61: {  	_ =	sdelay $0x2  }
0x62: {  	v9, _, _ =	vpop (xrf0)  }
0x63: {  	v8 =	vmul.f32 $1.442695020e+00, v8;
	_ =	sdelay $0x1  }
0x64: {  	(erf) = vpow2.f32 v8;
	_ =	sdelay $0x4  }
0x65: {  	v7 =	vld.idx.msk [tilespmem:v7+s10+$0x0], $0xffff;
	_ =	sdelay $0x3  }
0x66: {  	v8 =	vpop (erf)  }
0x67: {  	v11 =	vperm.xlane v7, v0;
	v10 =	vperm.xlane v8, v0;
	_ =	sdelay $0x1  }
0x68: {  	vm6 =	veq.s32 v11, v7;
	v10 =	vadd.f32 v8, v10  }
0x69: {  	(v2sf) =	vpush v9, $0xF;
	v39, _, _ =	vpop (xrf0);
	vm6 =	vmand vm6, vm0  }
0x6a: {  	(v2sf) =	vpush v39, $0xF;
	v8 =	vsel vm6, v10, v8  }
0x6b: {  	v40 =	vperm.xlane v7, v1;
	v41 =	vnsel vm6, $0x3F800000, v5;
	v42 =	vperm.xlane v8, v1  }
0x6c: {  	v12 =	vperm.xlane v41, v1  }
0x6d: {  	vm6 =	veq.s32 v40, v7;
	v43 =	vadd.f32 v8, v42  }
0x6e: {  	v44 =	vadd.f32 v41, v12;
	vm6 =	vmand vm6, vm1  }
0x6f: {  	v8 =	vsel vm6, v43, v8  }
0x70: {  	v45 =	vperm.xlane v7, v2;
	v10 =	vsel vm6, v44, v41;
	v46 =	vperm.xlane v8, v2  }
0x71: {  	v47 =	vperm.xlane v10, v2  }
0x72: {  	vm6 =	veq.s32 v45, v7;
	v48 =	vadd.f32 v8, v46  }
0x73: {  	v49 =	vadd.f32 v10, v47;
	vm6 =	vmand vm6, vm2  }
0x74: {  	v8 =	vsel vm6, v48, v8  }
0x75: {  	v50 =	vperm.xlane v7, v3;
	v10 =	vsel vm6, v49, v10;
	v51 =	vperm.xlane v8, v3  }
0x76: {  	v52 =	vperm.xlane v10, v3  }
0x77: {  	vm6 =	veq.s32 v50, v7;
	v53 =	vadd.f32 v8, v51  }
0x78: {  	v54 =	vadd.f32 v10, v52;
	vm6 =	vmand vm6, vm3  }
0x79: {  	s17 =	spop (v2sf);
	v8 =	vsel vm6, v53, v8  }
0x7a: {  	v57 =	vsel vm5, $0xFFFFFFFF, v7;
	s18 =	spop (v2sf);
	v55 =	vsel vm6, v54, v10;
	v56 =	vadd.f32 s17, v8  }
0x7b: {  	v11 =	vxor.u32 $0x80000000, v57;
	v58 =	vadd.f32 s18, v55;
	vm6 =	veq.s32 v7, s16  }
0x7c: {  	(xrf0) =	vmax.scan.msk.u32 $0xffff, v11;
	v8 =	vsel vm6, v56, v8  }
0x7d: {  	v9 =	vsel vm6, v58, v55;
	v10 =	vsel vm5, $0x0, v8  }
0x7e: {  	v59 =	vsel vm5, $0x0, v9;
	(xrf0) =	vmax.scan.msk.f32 $0xffff, v10  }
0x7f: {  	(xrf0) =	vmax.scan.msk.f32 $0xffff, v59;
	_ =	sdelay $0x2  }
0x80: {  	v60, _, _ =	vpop (xrf0)  }
0x81: {  	(v2sf) =	vpush v60, $0xF  }
0x82: {  	v61, _, _ =	vpop (xrf0)  }
0x83: {  	(v2sf) =	vpush v61, $0xF;
	v62, _, _ =	vpop (xrf0)  }
0x84: {  	(v2sf) =	vpush v62, $0xF;
	_ =	sdelay $0x1  }
0x85: {  	v63 =	vperm.xlane v7, v6;
	_ =	sdelay $0x1  }
0x86: {  	vm6 =	vne.s32 v7, v63  }
0x87: {  	vm6 =	vmor vm6, vm4;
	_ =	sdelay $0x5  }
0x88: {  	[tilespmem:v7+s11+$0x0] =	vst.idx.msk vm6, v8  }
0x89: {  	s29 =	spop (v2sf);
	[tilespmem:v7+s12+$0x0] =	vst.idx.msk vm6, v9  }
0x8a: {  	[hbm4b:s6+s13] =	stream.strided.scatter [tilespmem:s11], [sflag:$0x1], $0x1000, s14, s13, $0x38;
	[tilespmem:$0x6000] =	vst v63  }
0x8b: {  	s30 =	spop (v2sf)  }
0x8c: {  	s31 =	spop (v2sf)  }
0x8d: {  	s15 =	sadd.s32 $0x1, s15;
	_ =	swait.ge [sflag:s9], $0x1000  }
0x8e: {  	p0 =	sne.s32 s15, s8;
	[sflag:s9] =	ssyncset.done $0x0  }
.Ltmp1:
0x8f: {  	[sflag:s9] =	ssyncadd.s32 $0xFFFFF000;
	(pc) =	sbr.rel @p0 .LBB2_1-.Ltmp1, $4  }
0x90: {  	[hbm4b:s7+s13] =	stream.strided.scatter [tilespmem:s12], [sflag:$0x1], $0x1000, s14, s13, $0x38;
	[tilespmem:$0x6000] =	vst v63  }
0x91: {  	_ =	swait.ge [sflag:s9], $0x1000  }
0x92: {  	[sflag:s9] =	ssyncset.done $0x0  }
0x93: {  	[sflag:s9] =	ssyncadd.s32 $0xFFFFF000  }
0x94: {  	_ =	sfence.sel $0x180000  }
0x95: {  	[bflag:$0x0] =	sbarrier.arrive $0xFFFF  }
0x96: {  	p0 =	sne.s32 s1, $0x0;
	_ =	strace $0x9000004A  }
0x97: {  	s0 =	sadd.s32 @!p0 $0x100000, s2;
	[bflag:$0x2] =	sbarrier.arrive $0xFFFF  }
0x98: {  	[sflag:s0] =	ssyncadd.tile.s32 @!p0 $0x1;
	_ =	shalt  }
.Lfunc_end2:
_tile_overlayer_lowered:
.L_overlay_start_2:
0x99: {  	(tag) =	ssettag $0x2  }
0x9a: {  	s0 =	rddreg [dreg:$0x0];
	s2 =	stileid.u32  }
0x9b: {  	s1 =	rddreg [dreg:$0x1];
	p0 =	sne.s32 s2, $0x0  }
0x9c: {  	s3 =	rddreg [dreg:$0x2];
	[bflag:$0x3] =	sbarrier.arrive $0xFFFF;
	s2 =	simm.s32 @!p0 $0x1C01  }
0x9d: {  	[timem:s3], [sflag:s2] =	dma.local @!p0 [hbm:s0], s1  }
0x9e: {  	s0 =	simm.s32 @!p0 $0x1  }
0x9f: {  	_ =	swait.ge @!p0 [sflag:s0], s1  }
0xa0: {  	s1 =	ssub.s32 @!p0 $0x0, s1;
	[sflag:s0] =	ssyncset.done @!p0 $0x0  }
0xa1: {  	[sflag:s0] =	ssyncadd.s32 @!p0 s1  }
0xa2: {  	[bflag:$0x3] =	sbarrier.arrive $0xFFFF  }
0xa3: {  	_ =	shalt  }

// kernel: kernel.15.cloned.1.call-start
scs
__scs_entry_jumppad:
0x0: {  	(pc) =	sbr.rel $0x88, $3  }
0x1: {  	(tag) =	ssettag $0x0;
	lr =	simm.s32 $0x1  }
0x2: {  	[smem:$0x3F8F] =	sst lr;
	_ =	strace $0xD0000000  }
0x3: {  	_ = 	snop  }
0x4: {  	_ = 	snop  }
0x5: {  	_ = 	snop  }
0x6: {  	_ = 	snop  }
0x7: {  	_ = 	snop  }
__scs_overlays_trampoline_lowered:
0x8: {  	[smem:$0x3F9E] =	sst s0  }
0x9: {  	[smem:$0x3F9F] =	sst s1  }
0xa: {  	[smem:$0x3FA0] =	sst s2  }
0xb: {  	[smem:$0x3FA1] =	sst s3  }
0xc: {  	[smem:$0x3FA2] =	sst s4  }
0xd: {  	[smem:$0x3FA3] =	sst s5  }
0xe: {  	[smem:$0x3FA4] =	sst s6  }
0xf: {  	[smem:$0x3FA5] =	sst s7  }
0x10: {  	[smem:$0x3FA6] =	sst s8  }
0x11: {  	[smem:$0x3FA7] =	sst s9;
	s0 =	simm.s32 @!p0 $0x0  }
0x12: {  	s1 =	sld [smem:$0x3F8D];
	s0 =	simm.s32 @p0 $0x1  }
0x13: {  	[smem:$0x3FA8] =	sst s0;
	s0 =	simm.s32 @!p1 $0x0  }
0x14: {  	s2 =	sld [smem:$0x3F8C];
	s0 =	simm.s32 @p1 $0x1  }
0x15: {  	[smem:$0x3FA9] =	sst s0;
	s0 =	simm.s32 @!p2 $0x0  }
0x16: {  	s3 =	sld [smem:$0x3FDB];
	s0 =	simm.s32 @p2 $0x1  }
0x17: {  	s4 =	simm.s32 $0x1BF5;
	[smem:$0x3FAB] =	sst s0  }
0x18: {  	s0 =	sld [smem:$0x3F8E];
	_ =	swait.ge [sflag:s4], $0x0  }
0x19: {  	s7 =	sld [smem:$0x3F8F]  }
0x1a: {  	s8 =	sadd.s32 $0xFFFFE003, lr  }
0x1b: {  	s9 =	sadd.s32 $0xFFFFFEF7, lr;
	s5 =	simm.s32 $0xFFFFFFFF;
	p2 =	slt.u32 s8, $0xFFFFF086  }
0x1c: {  	p1 =	slt.u32 s9, $0xF7A;
	s5 =	simm.s32 @!p2 $0x0  }
0x1d: {  	s5 =	simm.s32 @p1 $0x1;
	p0 =	seq.s32 s7, s2  }
0x1e: {  	s7 =	smul.u32 @!p0 $0xF7A, s2;
	p2 =	seq.s32 @!p0 s5, $0x0  }
0x1f: {  	s9 =	smul.u32 $0xF7A, s1;
	s8 =	simm.s32 @!p0 $0x1BF5;
	p2 =	por !p2, p0  }
0x20: {  	[sflag:s8] =	ssyncset.s32 @!p0 $0xFFFFF086;
	s6 =	sadd.s32 @!p0 s3, s7;
	s7 =	simm.s32 @!p0 $0x108  }
0x21: {  	s3 =	sadd.s32 s3, s9;
	s6 =	sadd.s32 @!p0 $0x88, s6;
	s7 =	simm.s32 @p2 $0x1082  }
0x22: {  	[simem:s7], [sflag:s8] =	dma.local @!p0 [hbm:s6], $0xF7A  }
0x23: {  	s9 =	sor.u32 $0xD0000000, s2;
	s6 =	simm.s32 $0x108;
	_ =	swait.ge @!p0 [sflag:s8], $0x0  }
0x24: {  	s3 =	sadd.s32 $0x88, s3;
	s6 =	simm.s32 @!p1 $0x1082;
	[sflag:s4] =	ssyncset.s32 $0xFFFFF086  }
0x25: {  	[simem:s6], [sflag:s4] =	dma.local [hbm:s3], $0xF7A  }
0x26: {  	[smem:$0x3F8F] =	sst s1;
	(tag) =	ssettag s2;
	_ =	strace s9  }
0x27: {  	s1 =	sld [smem:$0x3F9F]  }
0x28: {  	s2 =	sld [smem:$0x3FA0]  }
0x29: {  	s4 =	sld [smem:$0x3FA2]  }
0x2a: {  	p0 =	seq.s32 s5, $0x0;
	s5 =	sld [smem:$0x3FA3]  }
0x2b: {  	s6 =	sld [smem:$0x3FA4]  }
0x2c: {  	s7 =	sld [smem:$0x3FA5]  }
0x2d: {  	s3 =	simm.s32 $0x108;
	s8 =	sld [smem:$0x3FA6]  }
0x2e: {  	s3 =	simm.s32 @!p0 $0x1082;
	s9 =	sld [smem:$0x3FA7]  }
0x2f: {  	lr =	sadd.s32 s0, s3;
	s0 =	sld [smem:$0x3F9E]  }
0x30: {  	s3 =	sld [smem:$0x3FA1]  }
0x31: {  	[smem:$0x3FAA] =	sst s10  }
0x32: {  	s10 =	sld [smem:$0x3FA8];
	_ =	sdelay $0x3  }
0x33: {  	p0 =	seq.s32 s10, $0x1;
	s10 =	sld [smem:$0x3FAA];
	_ =	sdelay $0x3  }
0x34: {  	[smem:$0x3FAA] =	sst s10  }
0x35: {  	s10 =	sld [smem:$0x3FA9];
	_ =	sdelay $0x3  }
0x36: {  	p1 =	seq.s32 s10, $0x1;
	s10 =	sld [smem:$0x3FAA];
	_ =	sdelay $0x3  }
0x37: {  	[smem:$0x3FAA] =	sst s10  }
0x38: {  	s10 =	sld [smem:$0x3FAB]  }
0x39: {  	_ = 	snop;
	(pc) =	sbr.ind lr, $3  }
0x3a: {  	_ = 	snop  }
0x3b: {  	_ = 	snop  }
0x3c: {  	p2 =	seq.s32 s10, $0x1;
	s10 =	sld [smem:$0x3FAA]  }
0x3d: {  	_ =	shalt  }
0x3e: {  	_ =	shalt  }
0x3f: {  	_ =	shalt  }
0x40: {  	_ =	shalt  }
0x41: {  	_ =	shalt  }
0x42: {  	_ =	shalt  }
0x43: {  	_ =	shalt  }
0x44: {  	_ =	shalt  }
0x45: {  	_ =	shalt  }
0x46: {  	_ =	shalt  }
0x47: {  	_ =	shalt  }
0x48: {  	_ =	shalt  }
0x49: {  	_ =	shalt  }
0x4a: {  	_ =	shalt  }
0x4b: {  	_ =	shalt  }
0x4c: {  	_ =	shalt  }
0x4d: {  	_ =	shalt  }
0x4e: {  	_ =	shalt  }
0x4f: {  	_ =	shalt  }
0x50: {  	_ =	shalt  }
0x51: {  	_ =	shalt  }
0x52: {  	_ =	shalt  }
0x53: {  	_ =	shalt  }
0x54: {  	_ =	shalt  }
0x55: {  	_ =	shalt  }
0x56: {  	_ =	shalt  }
0x57: {  	_ =	shalt  }
0x58: {  	_ =	shalt  }
0x59: {  	_ =	shalt  }
0x5a: {  	_ =	shalt  }
0x5b: {  	_ =	shalt  }
0x5c: {  	_ =	shalt  }
0x5d: {  	_ =	shalt  }
0x5e: {  	_ =	shalt  }
0x5f: {  	_ =	shalt  }
0x60: {  	_ =	shalt  }
0x61: {  	_ =	shalt  }
0x62: {  	_ =	shalt  }
0x63: {  	_ =	shalt  }
0x64: {  	_ =	shalt  }
0x65: {  	_ =	shalt  }
0x66: {  	_ =	shalt  }
0x67: {  	_ =	shalt  }
0x68: {  	_ =	shalt  }
0x69: {  	_ =	shalt  }
0x6a: {  	_ =	shalt  }
0x6b: {  	_ =	shalt  }
0x6c: {  	_ =	shalt  }
0x6d: {  	_ =	shalt  }
0x6e: {  	_ =	shalt  }
0x6f: {  	_ =	shalt  }
0x70: {  	_ =	shalt  }
0x71: {  	_ =	shalt  }
0x72: {  	_ =	shalt  }
0x73: {  	_ =	shalt  }
0x74: {  	_ =	shalt  }
0x75: {  	_ =	shalt  }
0x76: {  	_ =	shalt  }
0x77: {  	_ =	shalt  }
0x78: {  	_ =	shalt  }
0x79: {  	_ =	shalt  }
0x7a: {  	_ =	shalt  }
0x7b: {  	_ =	shalt  }
0x7c: {  	_ =	shalt  }
0x7d: {  	_ =	shalt  }
0x7e: {  	_ =	shalt  }
0x7f: {  	_ =	shalt  }
0x80: {  	_ =	shalt  }
0x81: {  	_ =	shalt  }
0x82: {  	_ =	shalt  }
0x83: {  	_ =	shalt  }
0x84: {  	_ =	shalt  }
0x85: {  	_ =	shalt  }
0x86: {  	_ =	shalt  }
0x87: {  	_ =	shalt  }
.Lfunc_end0:
.L_simem_size_0:
called_computation.2_lowered:
.L_overlay_start_0:
0x88: {  	s2 =	sld [smem:$0x3FD9]  }
0x89: {  	s3 =	sld [smem:$0x3FFE];
	_ =	sdelay $0x1  }
0x8a: {  	s1 =	srdreg.scid  }
0x8b: {  	s0 =	sand.u32 $0x1, s1  }
0x8c: {  	s14 =	sshll.u32 s0, $0xA;
	s2 =	sadd.s32 s3, s2  }
0x8d: {  	s2 =	sadd.s32 s2, s14  }
0x8e: {  	[smem:$0x3FB6] =	sst s2  }
0x8f: {  	_ = 	snop  }
0x90: {  	s2 =	sld [smem:$0x3FD0];
	_ =	sdelay $0x2  }
0x91: {  	s4 =	simm.s32 $0xA;
	s5 =	simm.s32 $0x10;
	s15 =	sld [smem:$0x3FC7]  }
0x92: {  	[smem:s5], [sflag:s4] =	dma.local [hbm:s2], $0x1  }
0x93: {  	_ =	swait.eq [sflag:s4], $0x1  }
0x94: {  	s16 =	sld [smem:$0x10];
	[sflag:s4] =	ssyncset.done $0x0  }
0x95: {  	s17 =	sld [smem:$0x11];
	[sflag:s4] =	ssyncadd.s32 $0xFFFFFFFF  }
0x96: {  	s18 =	sld [smem:$0x12];
	(tm) =	ssettm $0x1  }
0x97: {  	s6 =	sld [smem:$0x3FFB];
	_ =	sdelay $0x3  }
0x98: {  	_ =	strace s6  }
0x99: {  	s6 =	sld [smem:$0x3FFC];
	_ =	sdelay $0x3  }
0x9a: {  	_ =	strace s6  }
0x9b: {  	s6 =	sld [smem:$0x3FFD];
	_ =	sdelay $0x3  }
0x9c: {  	_ =	strace s6  }
0x9d: {  	_ =	strace $0x8FFFFFFF  }
0x9e: {  	s19 =	sld [smem:$0x3FDB];
	_ =	sdelay $0x1  }
0x9f: {  	s7 =	simm.s32 $_scs_section_size  }
0xa0: {  	s8 =	simm.s32 $_size__tile_overlayer_lowered;
	s9 =	simm.s32 $_tile_overlayer_lowered  }
0xa1: {  	s22 =	simm.s32 $0x1BFF;
	s21 =	sshll.u32 s9, $0x1;
	s6 =	sadd.s32 s7, s19  }
0xa2: {  	s10 =	simm.s32 $0x0;
	s20 =	sshll.u32 s8, $0x1;
	s8 =	sadd.s32 s21, s6  }
0xa3: {  	[timem:s10], [sflag:s22] =	dma.local [hbm:s8], s20  }
0xa4: {  	_ =	swait.ge [sflag:s22], s20  }
0xa5: {  	s7 =	ssub.s32 $0x0, s20;
	[sflag:s22] =	ssyncset.done $0x0  }
0xa6: {  	[sflag:s22] =	ssyncadd.s32 s7;
	_ =	sdelay $0x1  }
0xa7: {  	s23 =	simm.s32 $0x1B8B  }
0xa8: {  	_ =	swait.ge [sflag:s23], $0x1  }
0xa9: {  	[sflag:s23] =	ssyncset.done $0x0  }
0xaa: {  	s25 =	simm.s32 $0x1B8E;
	s24 =	sld [smem:$0x3FFE];
	[sflag:s23] =	ssyncadd.s32 $0xFFFFFFFF  }
0xab: {  	s26 =	simm.s32 $execute0_lowered;
	[smem:$0x3FD2] =	sst s25  }
0xac: {  	s8 =	sshll.u32 s26, $0x1;
	_ =	strace $0x8000004C;
	[dreg:$0x1] =	wrdreg $0xFFFFFFFF  }
0xad: {  	s28 =	simm.s32 $_size_execute0_lowered;
	s6 =	sadd.s32 s6, s8;
	[dreg:$0x0] =	wrdreg $0x0  }
0xae: {  	s8 =	sshll.u32 s28, $0x1;
	[dreg:$0x2] =	wrdreg s6  }
0xaf: {  	[dreg:$0x3] =	wrdreg s8  }
0xb0: {  	[dreg:$0x4] =	wrdreg $0xC0  }
0xb1: {  	_ =	task [dreg:s10], $0x5FFFF  }
0xb2: {  	[dreg:$0x1] =	wrdreg $0xFFFFFFFF  }
0xb3: {  	[dreg:$0x0] =	wrdreg $0x60  }
0xb4: {  	[dreg:$0x2] =	wrdreg s24  }
0xb5: {  	[dreg:$0x3] =	wrdreg s15  }
0xb6: {  	[dreg:$0x4] =	wrdreg s18  }
0xb7: {  	[dreg:$0x5] =	wrdreg s17  }
0xb8: {  	[dreg:$0x6] =	wrdreg s16  }
0xb9: {  	[dreg:$0x7] =	wrdreg $0x9  }
0xba: {  	_ =	task.clear_ibuf [dreg:s10], $0x8FFFF;
	_ =	strace $0x9000004C  }
0xbb: {  	s29 =	simm.s32 $0x9;
	_ =	strace $0x8000004E  }
0xbc: {  	_ =	swait.ge [sflag:s29], $0x1  }
0xbd: {  	[sflag:s29] =	ssyncadd.s32 $0xFFFFFFFF  }
0xbe: {  	_ =	strace $0x9000004E  }
0xbf: {  	_ =	sfence  }
0xc0: {  	s30 =	sld [smem:$0x0];
	_ =	sdelay $0x2  }
0xc1: {  	s31 =	sshll.u32 s1, $0xD;
	s1 =	sshrl.u32 s1, $0x2  }
0xc2: {  	s3 =	sand.u32 $0x4000, s31;
	s1 =	sadd.s32 s1, s30  }
0xc3: {  	s0 =	sor.u32 s3, s0;
	s1 =	sshll.u32 s1, $0x11  }
0xc4: {  	s0 =	sor.u32 s1, s0  }
0xc5: {  	s0 =	sadd.s32 $0x8F2B, s0  }
0xc6: {  	[sflag:s0] =	ssyncadd.remote.s32 $0x1  }
0xc7: {  	_ =	sfence.sel $0xFFFF  }
0xc8: {  	[dreg:$0x0] =	wrdreg $0xFFFFFFFF;
	(pc) =	sbr.abs _section_cstart, $3  }
0xc9: {  	[dreg:$0x1] =	wrdreg $0xFFFFFFFF  }
0xca: {  	_ =	task.clear_ibuf [dreg:s10], $0x2FFFF;
	_ =	strace $0x9FFFFFFF  }
0xcb: {  	(tm) =	ssettm $0x7FFFFFFF  }
tec
execute0_lowered:
.L_overlay_start_1:
0x0: {  	(tag) =	ssettag $0x1  }
0x1: {  	s0 =	rddreg [dreg:$0x0]  }
0x2: {  	s1 =	rddreg [dreg:$0x1]  }
0x3: {  	v0 =	vimm.s32 $0xEDCBA987;
	s2 =	rddreg [dreg:$0x4];
	v1 =	vimm.s32 $0x65432100  }
0x4: {  	s3 =	srdreg.scid;
	s6 =	stileid.u32;
	s4 =	simm.s32 $0x0;
	v2 =	vimm.s32 $0xDCBA9876;
	v3 =	vimm.s32 $0x54321000;
	v5 =	vimm.s32 $0xBA987654  }
0x5: {  	v6 =	vimm.s32 $0xFFEDCBA9;
	v7 =	vimm.s32 $0x87654321;
	s17 =	simm.s32 $0x1;
	s18 =	simm.s32 $0x2000;
	s19 =	simm.s32 $0x4000;
	v0 =	vunpack.c.l.s4.s8 v0  }
0x6: {  	v4 =	vimm.s32 $0xE40000;
	vm0 =	vcmask $0x3F30;
	s20 =	simm.s32 $0x8000;
	s21 =	simm.s32 $0x9000;
	s22 =	simm.s32 $0xA000;
	v1 =	vunpack.c.l.s4.s8 v1  }
0x7: {  	s23 =	simm.s32 $0xB000;
	s24 =	simm.s32 $0xC000;
	s25 =	simm.s32 $0x6000;
	vm1 =	vcmask $0x3F08;
	vm2 =	vcmask $0x3F10;
	v0 =	vunpack.c.0.s8.s32 v0  }
0x8: {  	vm3 =	vcmask $0x3F20;
	s28 =	simm.s32 $0x400;
	s29 =	simm.s32 $0x0;
	s3 =	sand.u32 $0x1, s3;
	v4 =	vunpack.c.l.s2.s4 v4;
	v1 =	vunpack.c.0.s8.s32 v1  }
0x9: {  	s5 =	sshll.u32 s6, $0x1;
	[smem:$0x7FF] =	sst s4;
	v2 =	vunpack.c.l.s4.s8 v2;
	v3 =	vunpack.c.l.s4.s8 v3;
	s8 =	sadd.s32 $0xC600, s0;
	v0 =	vand.u32 $0xF, v0  }
0xa: {  	s26 =	sadd.s32 $0xCA00, s0;
	v6 =	vunpack.c.l.s4.s8 v6;
	_ =	strace $0x8000004D;
	[dreg:$0x6] =	wrdreg s8;
	v4 =	vunpack.c.l.s4.s8 v4;
	v0 =	vcombine.low v1, v0  }
0xb: {  	s6 =	sshll.u32 s6, $0xA;
	s31 =	sadd.s32 $0xC800, s0;
	[dreg:$0x7] =	wrdreg s26;
	v1 =	vunpack.c.0.s8.s32 v2;
	v2 =	vunpack.c.l.s4.s8 v5;
	v5 =	vimm.s32 $0x32100000  }
0xc: {  	v7 =	vunpack.c.l.s4.s8 v7;
	s5 =	sor.u32 s3, s5;
	s3 =	ssub.s32 $0x2, s3;
	[dreg:$0x8] =	wrdreg s31;
	v3 =	vunpack.c.0.s8.s32 v3;
	v5 =	vunpack.c.l.s4.s8 v5  }
0xd: {  	s26 =	simm.s32 $0x80;
	s12 =	sshll.u32 s5, $0xA;
	s7 =	sshll.u32 s5, $0x4;
	v4 =	vunpack.c.0.s8.s32 v4;
	v1 =	vand.u32 $0xF, v1;
	v2 =	vunpack.c.0.s8.s32 v2  }
0xe: {  	s9 =	sshrl.u32 s3, $0x1;
	s8 =	sshll.u32 s5, $0xD;
	s11 =	sadd.s32 s12, s0;
	v1 =	vcombine.low v3, v1;
	v3 =	vimm.s32 $0x7060504;
	v5 =	vunpack.c.0.s8.s32 v5  }
0xf: {  	s7 =	sor.u32 s6, s7;
	s3 =	ssub.s32 s3, s9;
	s10 =	sadd.s32 s1, s12;
	v4 =	vand.u32 $0x3, v4;
	v2 =	vand.u32 $0xF, v2;
	v3 =	vunpack.c.0.s8.s32 v3  }
0x10: {  	s12 =	sadd.s32 s2, s12;
	s30 =	sand.u32 $0x3070, s7;
	s9 =	sadd.s32 $0x4600, s11;
	v2 =	vcombine.low v5, v2;
	v5 =	vunpack.c.0.s8.s32 v6;
	v6 =	vunpack.c.0.s8.s32 v7  }
0x11: {  	vm4 =	vcmask $0x3F3C;
	vm5 =	vmmov $0x7fff;
	s11 =	sadd.s32 $0x10600, s11;
	s16 =	smax.u32 s3, $0x1;
	s0 =	sadd.s32 s30, s0;
	v3 =	vsel vm0, v3, v4  }
0x12: {  	s13 =	sadd.s32 $0x18600, s0;
	s14 =	sadd.s32 $0x1C600, s0;
	s15 =	sadd.s32 $0x20600, s0;
	v4 =	vlaneseq.u32;
	vm0 =	vcmask $0x3F04;
	v5 =	vcombine.low v6, v5  }
.LBB2_1:
0x13: {  	[tilespmem:s4], [sflag:$0x1] =	stream.linear.gather [hbm4b:s9+s4], $0x2000, $0x38;
	[tilespmem:$0xD000] =	vst v63  }
0x14: {  	_ =	swait.ge [sflag:s17], $0x2000  }
0x15: {  	[sflag:s17] =	ssyncset.done $0x0  }
0x16: {  	[sflag:s17] =	ssyncadd.s32 $0xFFFFE000  }
0x17: {  	[tilespmem:s18], [sflag:$0x1] =	stream.linear.gather [hbm4b:s10+s4], $0x2000, $0x38;
	[tilespmem:$0xD000] =	vst v63  }
0x18: {  	_ =	swait.ge [sflag:s17], $0x2000  }
0x19: {  	[sflag:s17] =	ssyncset.done $0x0  }
0x1a: {  	[sflag:s17] =	ssyncadd.s32 $0xFFFFE000  }
0x1b: {  	[tilespmem:s19], [sflag:$0x1] =	stream.linear.gather [hbm4b:s11+s4], $0x2000, $0x38;
	[tilespmem:$0xD000] =	vst v63  }
0x1c: {  	_ =	swait.ge [sflag:s17], $0x2000  }
0x1d: {  	[sflag:s17] =	ssyncset.done $0x0  }
0x1e: {  	[sflag:s17] =	ssyncadd.s32 $0xFFFFE000  }
0x1f: {  	s0 =	rddreg [dreg:$0x2]  }
0x20: {  	[tilespmem:s20], [sflag:$0x1] =	stream.linear.gather [hbm4b:s0+s4], $0x1000, $0x38;
	[tilespmem:$0xD000] =	vst v63  }
0x21: {  	_ =	swait.ge [sflag:s17], $0x1000  }
0x22: {  	[sflag:s17] =	ssyncset.done $0x0  }
0x23: {  	s3 =	rddreg [dreg:$0x6];
	[sflag:s17] =	ssyncadd.s32 $0xFFFFF000  }
0x24: {  	[tilespmem:s21], [sflag:$0x1] =	stream.linear.gather [hbm4b:s3+s4], $0x1000, $0x38;
	[tilespmem:$0xD000] =	vst v63  }
0x25: {  	_ =	swait.ge [sflag:s17], $0x1000  }
0x26: {  	[sflag:s17] =	ssyncset.done $0x0  }
0x27: {  	s5 =	rddreg [dreg:$0x7];
	[sflag:s17] =	ssyncadd.s32 $0xFFFFF000  }
0x28: {  	[tilespmem:s22], [sflag:$0x1] =	stream.linear.gather [hbm4b:s5+s4], $0x1000, $0x38;
	[tilespmem:$0xD000] =	vst v63  }
0x29: {  	_ =	swait.ge [sflag:s17], $0x1000  }
0x2a: {  	[sflag:s17] =	ssyncset.done $0x0  }
0x2b: {  	s6 =	rddreg [dreg:$0x8];
	[sflag:s17] =	ssyncadd.s32 $0xFFFFF000  }
0x2c: {  	[tilespmem:s23], [sflag:$0x1] =	stream.linear.gather [hbm4b:s6+s4], $0x1000, $0x38;
	[tilespmem:$0xD000] =	vst v63  }
0x2d: {  	_ =	swait.ge [sflag:s17], $0x1000  }
0x2e: {  	[sflag:s17] =	ssyncset.done $0x0  }
0x2f: {  	[sflag:s17] =	ssyncadd.s32 $0xFFFFF000  }
0x30: {  	v6 =	vor.u32 s4, v4;
	s7 =	rddreg [dreg:$0x3]  }
0x31: {  	[tilespmem:s24], [sflag:$0x1] =	stream.linear.gather [hbm4b:s7+s4], $0x1000, $0x38;
	[tilespmem:$0xD000] =	vst v63  }
0x32: {  	_ =	swait.ge [sflag:s17], $0x1000  }
0x33: {  	[sflag:s17] =	ssyncset.done $0x0  }
0x34: {  	[sflag:s17] =	ssyncadd.s32 $0xFFFFF000  }
0x35: {  	v9 =	vld.idx.msk [tilespmem:v6+s4+$0x0], $0xffff  }
0x36: {  	v7 =	vld.idx.msk [tilespmem:v6+s18+$0x0], $0xffff;
	_ =	sdelay $0x3  }
0x37: {  	v8 =	vmul.f32 $1.442695020e+00, v9  }
0x38: {  	v12 =	vsel vm5, $0xFFFFFFFF, v7  }
0x39: {  	v12 =	vxor.u32 $0x80000000, v12;
	(erf) = vpow2.f32 v8  }
0x3a: {  	(xrf0) =	vmax.scan.msk.u32 $0xffff, v12;
	_ =	sdelay $0x2  }
0x3b: {  	v8 =	vld.idx.msk [tilespmem:v7+s21+$0x0], $0xffff  }
0x3c: {  	v10 =	vld.idx.msk [tilespmem:v7+s20+$0x0], $0xffff  }
0x3d: {  	v11 =	vld.idx.msk [tilespmem:v6+s19+$0x0], $0xffff  }
0x3e: {  	v13, _, _ =	vpop (xrf0)  }
0x3f: {  	(v2sf) =	vpush v13, $0xF  }
0x40: {  	v62 =	vsub.f32 v9, v8;
	v8 =	vpop (erf)  }
0x41: {  	v8 =	vmul.f32 v10, v8  }
0x42: {  	v10 =	vadd.f32 v62, v11  }
0x43: {  	vm6 =	vgt.f32 v8, $9.999999740e-05  }
0x44: {  	v10 =	vnsel vm6, $0xFF800000, v10  }
0x45: {  	s31 =	simm.s32 $0xFFFFFFFF;
	v63 =	vperm.xlane v7, v0;
	v11 =	vperm.xlane v10, v0  }
0x46: {  	s2 =	simm.f32 $-Inf;
	s1 =	simm.f32 $0.0e+00;
	s30 =	simm.s32 $0x10  }
0x47: {  	s0 =	simm.s32 $0x0;
	s3 =	simm.s32 $0x20;
	s5 =	simm.s32 $0x0;
	vm6 =	veq.s32 v63, v7;
	vm7 =	vge.f32 v11, v10  }
.LBB2_2:
0x48: {  	p0 =	sne.s32 s3, $0x1FF0;
	vm6 =	vmand vm6, vm7  }
0x49: {  	vm6 =	vmand vm6, vm0  }
0x4a: {  	v10 =	vsel vm6, v11, v10  }
0x4b: {  	v12 =	vperm.xlane v7, v1;
	v11 =	vperm.xlane v10, v1;
	_ =	sdelay $0x1  }
0x4c: {  	vm7 =	veq.s32 v12, v7;
	vm8 =	vge.f32 v11, v10  }
0x4d: {  	vm7 =	vmand vm7, vm8;
	s6 =	spop (v2sf)  }
0x4e: {  	vm7 =	vmand vm7, vm1;
	s6 =	sxor.u32 $0x80000000, s6  }
0x4f: {  	v10 =	vsel vm7, v11, v10  }
0x50: {  	v12 =	vperm.xlane v7, v2;
	v11 =	vperm.xlane v10, v2  }
0x51: {  	s7 =	sor.u32 s8, s0;
	s0 =	smov.u32 s30;
	s30 =	smov.u32 s3  }
0x52: {  	v13 =	vor.u32 s7, v4;
	vm8 =	veq.s32 v12, v7;
	vm9 =	vge.f32 v11, v10  }
0x53: {  	v12 =	vperm.xlane v13, v0;
	vm8 =	vmand vm8, vm9  }
0x54: {  	v14 =	vperm.xlane v9, v0;
	v15 =	vperm.xlane v7, v5;
	vm8 =	vmand vm8, vm2  }
0x55: {  	v12 =	vsel vm6, v12, v13;
	v10 =	vsel vm8, v11, v10;
	v11 =	vperm.xlane v7, v3  }
0x56: {  	v9 =	vsel vm6, v14, v9;
	v13 =	vperm.xlane v12, v1;
	v14 =	vperm.xlane v10, v3  }
0x57: {  	v16 =	vperm.xlane v9, v1;
	vm6 =	vne.s32 v7, v15;
	vm9 =	veq.s32 v11, v7  }
0x58: {  	vm6 =	vmor vm6, vm4;
	v11 =	vsel vm7, v13, v12;
	vm10 =	vge.f32 v14, v10  }
0x59: {  	v9 =	vsel vm7, v16, v9;
	v12 =	vperm.xlane v11, v2;
	vm7 =	vmand vm9, vm10  }
0x5a: {  	v15 =	vmov s2;
	v13 =	vperm.xlane v9, v2;
	vm7 =	vmand vm7, vm3  }
0x5b: {  	vm9 =	veq.s32 v7, s31;
	s31 =	smov.u32 s6;
	v11 =	vsel vm8, v12, v11;
	v10 =	vsel vm7, v14, v10  }
0x5c: {  	v9 =	vsel vm8, v13, v9;
	v12 =	vperm.xlane v11, v3;
	vm8 =	vge.f32 v15, v10  }
0x5d: {  	v13 =	vor.u32 s0, v4;
	v14 =	vperm.xlane v9, v3;
	vm8 =	vmand vm9, vm8  }
0x5e: {  	[tilespmem:v6+s25+$0x0] =	vst.idx.msk $0xffff, v8;
	v8 =	vsel vm7, v12, v11;
	v10 =	vsel vm8, s2, v10;
	v6 =	vmov v13  }
0x5f: {  	v9 =	vsel vm7, v14, v9;
	v8 =	vsel vm8, s5, v8;
	[tilespmem:v7+s22+$0x0] =	vst.idx.msk vm6, v10;
	v10 =	vsel vm5, $0xFF800000, v10  }
0x60: {  	v9 =	vsel vm8, s1, v9;
	[tilespmem:v7+s23+$0x0] =	vst.idx.msk vm6, v8;
	v8 =	vsel vm5, $0x0, v8;
	(xrf0) =	vmax.scan.msk.f32 $0xffff, v10  }
0x61: {  	[tilespmem:v7+s24+$0x0] =	vst.idx.msk vm6, v9;
	v7 =	vxor.u32 $0x80000000, v8;
	v8 =	vsel vm5, $0xFF800000, v9  }
0x62: {  	v9 =	vld.idx.msk [tilespmem:v13+s4+$0x0], $0xffff;
	(xrf0) =	vmax.scan.msk.u32 $0xffff, v7  }
0x63: {  	v7 =	vld.idx.msk [tilespmem:v13+s18+$0x0], $0xffff;
	(xrf0) =	vmax.scan.msk.f32 $0xffff, v8  }
0x64: {  	v10 =	vld.idx.msk [tilespmem:v13+s19+$0x0], $0xffff;
	_ =	sdelay $0x1  }
0x65: {  	v8, _, _ =	vpop (xrf0)  }
0x66: {  	(v2sf) =	vpush v8, $0xF  }
0x67: {  	v8 =	vmul.f32 $1.442695020e+00, v9;
	v11, _, _ =	vpop (xrf0)  }
0x68: {  	v12 =	vsel vm5, $0xFFFFFFFF, v7;
	(v2sf) =	vpush v11, $0xF;
	v11, _, _ =	vpop (xrf0)  }
0x69: {  	v12 =	vxor.u32 $0x80000000, v12;
	(erf) = vpow2.f32 v8;
	(v2sf) =	vpush v11, $0xF  }
0x6a: {  	(xrf0) =	vmax.scan.msk.u32 $0xffff, v12;
	_ =	sdelay $0x1  }
0x6b: {  	v8 =	vld.idx.msk [tilespmem:v7+s21+$0x0], $0xffff  }
0x6c: {  	v11 =	vld.idx.msk [tilespmem:v7+s20+$0x0], $0xffff;
	_ =	sdelay $0x2  }
0x6d: {  	v12, _, _ =	vpop (xrf0)  }
0x6e: {  	(v2sf) =	vpush v12, $0xF  }
0x6f: {  	v12 =	vsub.f32 v9, v8;
	v8 =	vpop (erf)  }
0x70: {  	v8 =	vmul.f32 v11, v8  }
0x71: {  	v10 =	vadd.f32 v12, v10  }
.Ltmp0:
0x72: {  	vm6 =	vgt.f32 v8, $9.999999740e-05;
	s2 =	spop (v2sf);
	(pc) =	sbr.rel @p0 .LBB2_2-.Ltmp0, $4  }
0x73: {  	v10 =	vnsel vm6, $0xFF800000, v10  }
0x74: {  	v12 =	vperm.xlane v7, v0;
	v11 =	vperm.xlane v10, v0;
	s1 =	spop (v2sf)  }
0x75: {  	s5 =	sxor.u32 $0x80000000, s1;
	s1 =	spop (v2sf)  }
0x76: {  	s3 =	sadd.s32 $0x10, s3;
	vm6 =	veq.s32 v12, v7;
	vm7 =	vge.f32 v11, v10  }
0x77: {  	vm6 =	vmand vm6, vm7  }
0x78: {  	vm6 =	vmand vm6, vm0  }
0x79: {  	v10 =	vsel vm6, v11, v10  }
0x7a: {  	v12 =	vperm.xlane v7, v1;
	v11 =	vperm.xlane v10, v1;
	_ =	sdelay $0x1  }
0x7b: {  	vm7 =	veq.s32 v12, v7;
	vm8 =	vge.f32 v11, v10  }
0x7c: {  	vm7 =	vmand vm7, vm8  }
0x7d: {  	vm7 =	vmand vm7, vm1  }
0x7e: {  	v10 =	vsel vm7, v11, v10  }
0x7f: {  	v19 =	vperm.xlane v7, v2;
	v11 =	vperm.xlane v10, v2  }
0x80: {  	s0 =	sor.u32 s8, s0;
	v14 =	vperm.xlane v9, v0  }
0x81: {  	v13 =	vor.u32 s0, v4;
	vm12 =	veq.s32 v19, v7;
	vm9 =	vge.f32 v11, v10  }
0x82: {  	v15 =	vperm.xlane v7, v5;
	v20 =	vperm.xlane v13, v0;
	vm8 =	vmand vm12, vm9  }
0x83: {  	v21 =	vperm.xlane v7, v3;
	v9 =	vsel vm6, v14, v9;
	vm8 =	vmand vm8, vm2  }
0x84: {  	v16 =	vperm.xlane v9, v1;
	v12 =	vsel vm6, v20, v13;
	v10 =	vsel vm8, v11, v10  }
0x85: {  	v13 =	vperm.xlane v12, v1;
	v22 =	vperm.xlane v10, v3  }
0x86: {  	vm13 =	vne.s32 v7, v15;
	vm6 =	veq.s32 v21, v7  }
0x87: {  	v23 =	vsel vm7, v13, v12;
	v9 =	vsel vm7, v16, v9;
	vm10 =	vge.f32 v22, v10  }
0x88: {  	v12 =	vperm.xlane v23, v2;
	vm9 =	vmor vm13, vm4;
	vm6 =	vmand vm6, vm10  }
0x89: {  	v25 =	vmov s2;
	v24 =	vperm.xlane v9, v2;
	vm6 =	vmand vm6, vm3  }
0x8a: {  	vm7 =	veq.s32 v7, s31;
	v11 =	vsel vm8, v12, v23;
	v10 =	vsel vm6, v22, v10  }
0x8b: {  	v9 =	vsel vm8, v24, v9;
	v12 =	vperm.xlane v11, v3;
	vm14 =	vge.f32 v25, v10  }
0x8c: {  	v26 =	vor.u32 s30, v4;
	v27 =	vperm.xlane v9, v3;
	vm7 =	vmand vm7, vm14  }
0x8d: {  	[tilespmem:v6+s25+$0x0] =	vst.idx.msk $0xffff, v8;
	v6 =	vsel vm6, v12, v11;
	v28 =	vsel vm7, s2, v10  }
0x8e: {  	v9 =	vsel vm6, v27, v9;
	v6 =	vsel vm7, s5, v6;
	[tilespmem:v7+s22+$0x0] =	vst.idx.msk vm9, v28  }
0x8f: {  	v9 =	vsel vm7, s1, v9;
	[tilespmem:v7+s23+$0x0] =	vst.idx.msk vm9, v6  }
0x90: {  	[tilespmem:v7+s24+$0x0] =	vst.idx.msk vm9, v9  }
0x91: {  	v7 =	vld.idx.msk [tilespmem:v26+s4+$0x0], $0xffff;
	_ =	sdelay $0x2  }
0x92: {  	v29 =	vld.idx.msk [tilespmem:v26+s18+$0x0], $0xffff;
	_ =	sdelay $0x1  }
0x93: {  	v30 =	vmul.f32 $1.442695020e+00, v7;
	_ =	sdelay $0x1  }
0x94: {  	(erf) = vpow2.f32 v30;
	_ =	sdelay $0x3  }
0x95: {  	v31 =	vld.idx.msk [tilespmem:v29+s21+$0x0], $0xffff  }
0x96: {  	v32 =	vld.idx.msk [tilespmem:v29+s20+$0x0], $0xffff  }
0x97: {  	v33 =	vld.idx.msk [tilespmem:v26+s19+$0x0], $0xffff;
	_ =	sdelay $0x2  }
0x98: {  	v11 =	vsub.f32 v7, v31;
	v34 =	vpop (erf)  }
0x99: {  	v12 =	vmul.f32 v32, v34  }
0x9a: {  	v8 =	vsel vm5, $0xFF800000, v28;
	v11 =	vadd.f32 v11, v33  }
0x9b: {  	(xrf0) =	vmax.scan.msk.f32 $0xffff, v8;
	vm6 =	vgt.f32 v12, $9.999999740e-05  }
0x9c: {  	v11 =	vnsel vm6, $0xFF800000, v11  }
0x9d: {  	v6 =	vsel vm5, $0x0, v6;
	v36 =	vperm.xlane v29, v0;
	v35 =	vperm.xlane v11, v0  }
0x9e: {  	v6 =	vxor.u32 $0x80000000, v6  }
0x9f: {  	(xrf0) =	vmax.scan.msk.u32 $0xffff, v6;
	vm6 =	veq.s32 v36, v29;
	vm7 =	vge.f32 v35, v11  }
0xa0: {  	vm6 =	vmand vm6, vm7  }
0xa1: {  	v6 =	vsel vm5, $0xFF800000, v9;
	v37, _, _ =	vpop (xrf0);
	vm6 =	vmand vm6, vm0  }
0xa2: {  	(xrf0) =	vmax.scan.msk.f32 $0xffff, v6;
	(v2sf) =	vpush v37, $0xF;
	v6 =	vsel vm6, v35, v11  }
0xa3: {  	v39 =	vperm.xlane v29, v1;
	v38 =	vperm.xlane v6, v1;
	_ =	sdelay $0x1  }
0xa4: {  	v40, _, _ =	vpop (xrf0);
	vm7 =	veq.s32 v39, v29;
	vm15 =	vge.f32 v38, v6  }
0xa5: {  	(v2sf) =	vpush v40, $0xF;
	vm7 =	vmand vm7, vm15  }
0xa6: {  	vm7 =	vmand vm7, vm1  }
0xa7: {  	v41, _, _ =	vpop (xrf0);
	v6 =	vsel vm7, v38, v6  }
0xa8: {  	s6 =	sor.u32 s8, s30;
	v43 =	vperm.xlane v29, v2;
	(v2sf) =	vpush v41, $0xF;
	v42 =	vperm.xlane v6, v2  }
0xa9: {  	v44 =	vor.u32 s6, v4  }
0xaa: {  	v45 =	vperm.xlane v44, v0;
	vm12 =	veq.s32 v43, v29;
	vm13 =	vge.f32 v42, v6  }
0xab: {  	vm8 =	vmand vm12, vm13  }
0xac: {  	v46 =	vperm.xlane v7, v0;
	v9 =	vsel vm6, v45, v44;
	vm8 =	vmand vm8, vm2  }
0xad: {  	v47 =	vperm.xlane v9, v1;
	v6 =	vsel vm8, v42, v6  }
0xae: {  	v48 =	vperm.xlane v29, v3;
	v7 =	vsel vm6, v46, v7;
	v49 =	vperm.xlane v6, v3  }
0xaf: {  	s7 =	spop (v2sf);
	v51 =	vsel vm5, $0xFFFFFFFF, v29;
	v50 =	vperm.xlane v7, v1;
	v8 =	vsel vm7, v47, v9  }
0xb0: {  	s30 =	spop (v2sf);
	vm6 =	veq.s32 v48, v29;
	v9 =	vperm.xlane v8, v2;
	vm14 =	vge.f32 v49, v6  }
0xb1: {  	v52 =	vmov s30;
	v7 =	vsel vm7, v50, v7;
	vm6 =	vmand vm6, vm14  }
0xb2: {  	v15 =	vperm.xlane v7, v2;
	v8 =	vsel vm8, v9, v8;
	vm6 =	vmand vm6, vm3  }
0xb3: {  	s0 =	sxor.u32 $0x80000000, s7;
	v11 =	vxor.u32 $0x80000000, v51;
	v53 =	vperm.xlane v8, v3;
	v6 =	vsel vm6, v49, v6  }
0xb4: {  	s31 =	spop (v2sf);
	vm7 =	veq.s32 v29, s0;
	v7 =	vsel vm8, v15, v7;
	vm15 =	vge.f32 v52, v6  }
0xb5: {  	s3 =	sxor.u32 $0x80000000, s31;
	v54 =	vperm.xlane v7, v3;
	v8 =	vsel vm6, v53, v8;
	vm7 =	vmand vm7, vm15  }
0xb6: {  	(xrf0) =	vmax.scan.msk.u32 $0xffff, v11;
	v6 =	vsel vm7, s30, v6;
	v8 =	vsel vm7, s3, v8  }
0xb7: {  	s5 =	spop (v2sf);
	v7 =	vsel vm6, v54, v7;
	v55 =	vsel vm5, $0xFF800000, v6;
	v56 =	vsel vm5, $0x0, v8  }
0xb8: {  	v7 =	vsel vm7, s5, v7;
	(xrf0) =	vmax.scan.msk.f32 $0xffff, v55;
	v57 =	vxor.u32 $0x80000000, v56  }
0xb9: {  	v58 =	vsel vm5, $0xFF800000, v7;
	(xrf0) =	vmax.scan.msk.u32 $0xffff, v57  }
0xba: {  	(xrf0) =	vmax.scan.msk.f32 $0xffff, v58;
	_ =	sdelay $0x1  }
0xbb: {  	v59, _, _ =	vpop (xrf0)  }
0xbc: {  	(v2sf) =	vpush v59, $0xF  }
0xbd: {  	v60, _, _ =	vpop (xrf0)  }
0xbe: {  	(v2sf) =	vpush v60, $0xF;
	v61, _, _ =	vpop (xrf0)  }
0xbf: {  	(v2sf) =	vpush v61, $0xF;
	v62, _, _ =	vpop (xrf0)  }
0xc0: {  	v63 =	vperm.xlane v29, v5;
	(v2sf) =	vpush v62, $0xF;
	_ =	sdelay $0x1  }
0xc1: {  	vm6 =	vne.s32 v29, v63  }
0xc2: {  	vm6 =	vmor vm6, vm4;
	_ =	sdelay $0x4  }
0xc3: {  	[tilespmem:v26+s25+$0x0] =	vst.idx.msk $0xffff, v12  }
0xc4: {  	[tilespmem:v29+s22+$0x0] =	vst.idx.msk vm6, v6  }
0xc5: {  	[tilespmem:v29+s23+$0x0] =	vst.idx.msk vm6, v8  }
0xc6: {  	s6 =	spop (v2sf);
	[tilespmem:v29+s24+$0x0] =	vst.idx.msk vm6, v7  }
0xc7: {  	[hbm4b:s12+s4] =	stream.linear.scatter [tilespmem:s25], [sflag:$0x1], $0x2000, $0x38;
	[tilespmem:$0xD000] =	vst v63  }
0xc8: {  	s7 =	spop (v2sf)  }
0xc9: {  	s30 =	spop (v2sf)  }
0xca: {  	s31 =	spop (v2sf)  }
0xcb: {  	_ =	swait.ge [sflag:s17], $0x2000  }
0xcc: {  	[sflag:s17] =	ssyncset.done $0x0  }
0xcd: {  	[sflag:s17] =	ssyncadd.s32 $0xFFFFE000  }
0xce: {  	[hbm4b:s13+s26] =	stream.strided.scatter [tilespmem:s22], [sflag:$0x1], $0x1000, s28, s26, $0x38;
	[tilespmem:$0xD000] =	vst v63  }
0xcf: {  	_ =	swait.ge [sflag:s17], $0x1000  }
0xd0: {  	[sflag:s17] =	ssyncset.done $0x0  }
0xd1: {  	[sflag:s17] =	ssyncadd.s32 $0xFFFFF000  }
0xd2: {  	[hbm4b:s14+s26] =	stream.strided.scatter [tilespmem:s23], [sflag:$0x1], $0x1000, s28, s26, $0x38;
	[tilespmem:$0xD000] =	vst v63  }
0xd3: {  	s29 =	sadd.s32 $0x1, s29;
	_ =	swait.ge [sflag:s17], $0x1000  }
0xd4: {  	p0 =	sne.s32 s29, s16;
	[sflag:s17] =	ssyncset.done $0x0  }
.Ltmp1:
0xd5: {  	[sflag:s17] =	ssyncadd.s32 $0xFFFFF000;
	(pc) =	sbr.rel @p0 .LBB2_1-.Ltmp1, $4  }
0xd6: {  	[hbm4b:s15+s26] =	stream.strided.scatter [tilespmem:s24], [sflag:$0x1], $0x1000, s28, s26, $0x38;
	[tilespmem:$0xD000] =	vst v63  }
0xd7: {  	_ =	swait.ge [sflag:s17], $0x1000  }
0xd8: {  	[sflag:s17] =	ssyncset.done $0x0  }
0xd9: {  	[sflag:s17] =	ssyncadd.s32 $0xFFFFF000  }
0xda: {  	_ =	sfence.sel $0x180000  }
0xdb: {  	[bflag:$0x0] =	sbarrier.arrive $0xFFFF  }
0xdc: {  	_ =	strace $0x9000004D  }
0xdd: {  	s0 =	stileid.u32;
	[bflag:$0x2] =	sbarrier.arrive $0xFFFF  }
0xde: {  	p0 =	sne.s32 s0, $0x0;
	s0 =	rddreg [dreg:$0x5]  }
0xdf: {  	s0 =	sadd.s32 @!p0 $0x100000, s0  }
0xe0: {  	[sflag:s0] =	ssyncadd.tile.s32 @!p0 $0x1;
	_ =	shalt  }
.Lfunc_end2:
_tile_overlayer_lowered:
.L_overlay_start_2:
0xe1: {  	(tag) =	ssettag $0x2  }
0xe2: {  	s0 =	rddreg [dreg:$0x0];
	s2 =	stileid.u32  }
0xe3: {  	s1 =	rddreg [dreg:$0x1];
	p0 =	sne.s32 s2, $0x0  }
0xe4: {  	s3 =	rddreg [dreg:$0x2];
	[bflag:$0x3] =	sbarrier.arrive $0xFFFF;
	s2 =	simm.s32 @!p0 $0x1C01  }
0xe5: {  	[timem:s3], [sflag:s2] =	dma.local @!p0 [hbm:s0], s1  }
0xe6: {  	s0 =	simm.s32 @!p0 $0x1  }
0xe7: {  	_ =	swait.ge @!p0 [sflag:s0], s1  }
0xe8: {  	s1 =	ssub.s32 @!p0 $0x0, s1;
	[sflag:s0] =	ssyncset.done @!p0 $0x0  }
0xe9: {  	[sflag:s0] =	ssyncadd.s32 @!p0 s1  }
0xea: {  	[bflag:$0x3] =	sbarrier.arrive $0xFFFF  }
0xeb: {  	_ =	shalt  }

// kernel: kernel.9.cloned.1.call-start
scs
__scs_entry_jumppad:
0x0: {  	(pc) =	sbr.rel $0x88, $3  }
0x1: {  	(tag) =	ssettag $0x0;
	lr =	simm.s32 $0x1  }
0x2: {  	[smem:$0x3F8F] =	sst lr;
	_ =	strace $0xD0000000  }
0x3: {  	_ = 	snop  }
0x4: {  	_ = 	snop  }
0x5: {  	_ = 	snop  }
0x6: {  	_ = 	snop  }
0x7: {  	_ = 	snop  }
__scs_overlays_trampoline_lowered:
0x8: {  	[smem:$0x3F9E] =	sst s0  }
0x9: {  	[smem:$0x3F9F] =	sst s1  }
0xa: {  	[smem:$0x3FA0] =	sst s2  }
0xb: {  	[smem:$0x3FA1] =	sst s3  }
0xc: {  	[smem:$0x3FA2] =	sst s4  }
0xd: {  	[smem:$0x3FA3] =	sst s5  }
0xe: {  	[smem:$0x3FA4] =	sst s6  }
0xf: {  	[smem:$0x3FA5] =	sst s7  }
0x10: {  	[smem:$0x3FA6] =	sst s8  }
0x11: {  	[smem:$0x3FA7] =	sst s9;
	s0 =	simm.s32 @!p0 $0x0  }
0x12: {  	s1 =	sld [smem:$0x3F8D];
	s0 =	simm.s32 @p0 $0x1  }
0x13: {  	[smem:$0x3FA8] =	sst s0;
	s0 =	simm.s32 @!p1 $0x0  }
0x14: {  	s2 =	sld [smem:$0x3F8C];
	s0 =	simm.s32 @p1 $0x1  }
0x15: {  	[smem:$0x3FA9] =	sst s0;
	s0 =	simm.s32 @!p2 $0x0  }
0x16: {  	s3 =	sld [smem:$0x3FDB];
	s0 =	simm.s32 @p2 $0x1  }
0x17: {  	s4 =	simm.s32 $0x1BF5;
	[smem:$0x3FAB] =	sst s0  }
0x18: {  	s0 =	sld [smem:$0x3F8E];
	_ =	swait.ge [sflag:s4], $0x0  }
0x19: {  	s7 =	sld [smem:$0x3F8F]  }
0x1a: {  	s8 =	sadd.s32 $0xFFFFE003, lr  }
0x1b: {  	s9 =	sadd.s32 $0xFFFFFEF7, lr;
	s5 =	simm.s32 $0xFFFFFFFF;
	p2 =	slt.u32 s8, $0xFFFFF086  }
0x1c: {  	p1 =	slt.u32 s9, $0xF7A;
	s5 =	simm.s32 @!p2 $0x0  }
0x1d: {  	s5 =	simm.s32 @p1 $0x1;
	p0 =	seq.s32 s7, s2  }
0x1e: {  	s7 =	smul.u32 @!p0 $0xF7A, s2;
	p2 =	seq.s32 @!p0 s5, $0x0  }
0x1f: {  	s9 =	smul.u32 $0xF7A, s1;
	s8 =	simm.s32 @!p0 $0x1BF5;
	p2 =	por !p2, p0  }
0x20: {  	[sflag:s8] =	ssyncset.s32 @!p0 $0xFFFFF086;
	s6 =	sadd.s32 @!p0 s3, s7;
	s7 =	simm.s32 @!p0 $0x108  }
0x21: {  	s3 =	sadd.s32 s3, s9;
	s6 =	sadd.s32 @!p0 $0x88, s6;
	s7 =	simm.s32 @p2 $0x1082  }
0x22: {  	[simem:s7], [sflag:s8] =	dma.local @!p0 [hbm:s6], $0xF7A  }
0x23: {  	s9 =	sor.u32 $0xD0000000, s2;
	s6 =	simm.s32 $0x108;
	_ =	swait.ge @!p0 [sflag:s8], $0x0  }
0x24: {  	s3 =	sadd.s32 $0x88, s3;
	s6 =	simm.s32 @!p1 $0x1082;
	[sflag:s4] =	ssyncset.s32 $0xFFFFF086  }
0x25: {  	[simem:s6], [sflag:s4] =	dma.local [hbm:s3], $0xF7A  }
0x26: {  	[smem:$0x3F8F] =	sst s1;
	(tag) =	ssettag s2;
	_ =	strace s9  }
0x27: {  	s1 =	sld [smem:$0x3F9F]  }
0x28: {  	s2 =	sld [smem:$0x3FA0]  }
0x29: {  	s4 =	sld [smem:$0x3FA2]  }
0x2a: {  	p0 =	seq.s32 s5, $0x0;
	s5 =	sld [smem:$0x3FA3]  }
0x2b: {  	s6 =	sld [smem:$0x3FA4]  }
0x2c: {  	s7 =	sld [smem:$0x3FA5]  }
0x2d: {  	s3 =	simm.s32 $0x108;
	s8 =	sld [smem:$0x3FA6]  }
0x2e: {  	s3 =	simm.s32 @!p0 $0x1082;
	s9 =	sld [smem:$0x3FA7]  }
0x2f: {  	lr =	sadd.s32 s0, s3;
	s0 =	sld [smem:$0x3F9E]  }
0x30: {  	s3 =	sld [smem:$0x3FA1]  }
0x31: {  	[smem:$0x3FAA] =	sst s10  }
0x32: {  	s10 =	sld [smem:$0x3FA8];
	_ =	sdelay $0x3  }
0x33: {  	p0 =	seq.s32 s10, $0x1;
	s10 =	sld [smem:$0x3FAA];
	_ =	sdelay $0x3  }
0x34: {  	[smem:$0x3FAA] =	sst s10  }
0x35: {  	s10 =	sld [smem:$0x3FA9];
	_ =	sdelay $0x3  }
0x36: {  	p1 =	seq.s32 s10, $0x1;
	s10 =	sld [smem:$0x3FAA];
	_ =	sdelay $0x3  }
0x37: {  	[smem:$0x3FAA] =	sst s10  }
0x38: {  	s10 =	sld [smem:$0x3FAB]  }
0x39: {  	_ = 	snop;
	(pc) =	sbr.ind lr, $3  }
0x3a: {  	_ = 	snop  }
0x3b: {  	_ = 	snop  }
0x3c: {  	p2 =	seq.s32 s10, $0x1;
	s10 =	sld [smem:$0x3FAA]  }
0x3d: {  	_ =	shalt  }
0x3e: {  	_ =	shalt  }
0x3f: {  	_ =	shalt  }
0x40: {  	_ =	shalt  }
0x41: {  	_ =	shalt  }
0x42: {  	_ =	shalt  }
0x43: {  	_ =	shalt  }
0x44: {  	_ =	shalt  }
0x45: {  	_ =	shalt  }
0x46: {  	_ =	shalt  }
0x47: {  	_ =	shalt  }
0x48: {  	_ =	shalt  }
0x49: {  	_ =	shalt  }
0x4a: {  	_ =	shalt  }
0x4b: {  	_ =	shalt  }
0x4c: {  	_ =	shalt  }
0x4d: {  	_ =	shalt  }
0x4e: {  	_ =	shalt  }
0x4f: {  	_ =	shalt  }
0x50: {  	_ =	shalt  }
0x51: {  	_ =	shalt  }
0x52: {  	_ =	shalt  }
0x53: {  	_ =	shalt  }
0x54: {  	_ =	shalt  }
0x55: {  	_ =	shalt  }
0x56: {  	_ =	shalt  }
0x57: {  	_ =	shalt  }
0x58: {  	_ =	shalt  }
0x59: {  	_ =	shalt  }
0x5a: {  	_ =	shalt  }
0x5b: {  	_ =	shalt  }
0x5c: {  	_ =	shalt  }
0x5d: {  	_ =	shalt  }
0x5e: {  	_ =	shalt  }
0x5f: {  	_ =	shalt  }
0x60: {  	_ =	shalt  }
0x61: {  	_ =	shalt  }
0x62: {  	_ =	shalt  }
0x63: {  	_ =	shalt  }
0x64: {  	_ =	shalt  }
0x65: {  	_ =	shalt  }
0x66: {  	_ =	shalt  }
0x67: {  	_ =	shalt  }
0x68: {  	_ =	shalt  }
0x69: {  	_ =	shalt  }
0x6a: {  	_ =	shalt  }
0x6b: {  	_ =	shalt  }
0x6c: {  	_ =	shalt  }
0x6d: {  	_ =	shalt  }
0x6e: {  	_ =	shalt  }
0x6f: {  	_ =	shalt  }
0x70: {  	_ =	shalt  }
0x71: {  	_ =	shalt  }
0x72: {  	_ =	shalt  }
0x73: {  	_ =	shalt  }
0x74: {  	_ =	shalt  }
0x75: {  	_ =	shalt  }
0x76: {  	_ =	shalt  }
0x77: {  	_ =	shalt  }
0x78: {  	_ =	shalt  }
0x79: {  	_ =	shalt  }
0x7a: {  	_ =	shalt  }
0x7b: {  	_ =	shalt  }
0x7c: {  	_ =	shalt  }
0x7d: {  	_ =	shalt  }
0x7e: {  	_ =	shalt  }
0x7f: {  	_ =	shalt  }
0x80: {  	_ =	shalt  }
0x81: {  	_ =	shalt  }
0x82: {  	_ =	shalt  }
0x83: {  	_ =	shalt  }
0x84: {  	_ =	shalt  }
0x85: {  	_ =	shalt  }
0x86: {  	_ =	shalt  }
0x87: {  	_ =	shalt  }
.Lfunc_end0:
.L_simem_size_0:
called_computation_lowered:
.L_overlay_start_0:
0x88: {  	s2 =	sld [smem:$0x3FD9]  }
0x89: {  	s3 =	sld [smem:$0x3FFE];
	_ =	sdelay $0x1  }
0x8a: {  	s1 =	srdreg.scid  }
0x8b: {  	s0 =	sand.u32 $0x1, s1  }
0x8c: {  	s17 =	sshll.u32 s0, $0xA;
	s2 =	sadd.s32 s3, s2  }
0x8d: {  	s2 =	sadd.s32 s2, s17  }
0x8e: {  	[smem:$0x3FB6] =	sst s2  }
0x8f: {  	_ = 	snop  }
0x90: {  	s2 =	sld [smem:$0x3FC7];
	(tm) =	ssettm $0x1  }
0x91: {  	s18 =	sld [smem:$0x3FFB];
	_ =	sdelay $0x3  }
0x92: {  	_ =	strace s18  }
0x93: {  	s3 =	sld [smem:$0x3FFC];
	_ =	sdelay $0x3  }
0x94: {  	_ =	strace s3  }
0x95: {  	s3 =	sld [smem:$0x3FFD];
	_ =	sdelay $0x3  }
0x96: {  	_ =	strace s3  }
0x97: {  	_ =	strace $0x8FFFFFFF  }
0x98: {  	s19 =	sld [smem:$0x3FDB];
	_ =	sdelay $0x1  }
0x99: {  	s4 =	simm.s32 $_scs_section_size  }
0x9a: {  	s5 =	simm.s32 $_size__tile_overlayer_lowered;
	s6 =	simm.s32 $_tile_overlayer_lowered  }
0x9b: {  	s22 =	simm.s32 $0x1BFF;
	s21 =	sshll.u32 s6, $0x1;
	s3 =	sadd.s32 s4, s19  }
0x9c: {  	s7 =	simm.s32 $0x0;
	s20 =	sshll.u32 s5, $0x1;
	s5 =	sadd.s32 s21, s3  }
0x9d: {  	[timem:s7], [sflag:s22] =	dma.local [hbm:s5], s20  }
0x9e: {  	_ =	swait.ge [sflag:s22], s20  }
0x9f: {  	s4 =	ssub.s32 $0x0, s20;
	[sflag:s22] =	ssyncset.done $0x0  }
0xa0: {  	[sflag:s22] =	ssyncadd.s32 s4;
	_ =	sdelay $0x1  }
0xa1: {  	s23 =	simm.s32 $0x1B8B  }
0xa2: {  	_ =	swait.ge [sflag:s23], $0x1  }
0xa3: {  	[sflag:s23] =	ssyncset.done $0x0  }
0xa4: {  	s25 =	simm.s32 $0x1B8E;
	s24 =	sld [smem:$0x3FFE];
	[sflag:s23] =	ssyncadd.s32 $0xFFFFFFFF  }
0xa5: {  	s26 =	simm.s32 $execute0_lowered;
	[smem:$0x3FD2] =	sst s25  }
0xa6: {  	s5 =	sshll.u32 s26, $0x1;
	_ =	strace $0x80000046;
	[dreg:$0x1] =	wrdreg $0xFFFFFFFF  }
0xa7: {  	s28 =	simm.s32 $_size_execute0_lowered;
	s3 =	sadd.s32 s3, s5;
	[dreg:$0x0] =	wrdreg $0x0  }
0xa8: {  	s5 =	sshll.u32 s28, $0x1;
	[dreg:$0x2] =	wrdreg s3  }
0xa9: {  	[dreg:$0x3] =	wrdreg s5  }
0xaa: {  	[dreg:$0x4] =	wrdreg $0xC0  }
0xab: {  	_ =	task [dreg:s7], $0x5FFFF  }
0xac: {  	[dreg:$0x1] =	wrdreg $0xFFFFFFFF  }
0xad: {  	[dreg:$0x0] =	wrdreg $0x60  }
0xae: {  	[dreg:$0x2] =	wrdreg s24  }
0xaf: {  	[dreg:$0x3] =	wrdreg s2  }
0xb0: {  	[dreg:$0x4] =	wrdreg $0x9  }
0xb1: {  	_ =	task.clear_ibuf [dreg:s7], $0x5FFFF;
	_ =	strace $0x90000046  }
0xb2: {  	s29 =	simm.s32 $0x9;
	_ =	strace $0x80000048  }
0xb3: {  	_ =	swait.ge [sflag:s29], $0x1  }
0xb4: {  	[sflag:s29] =	ssyncadd.s32 $0xFFFFFFFF  }
0xb5: {  	_ =	strace $0x90000048  }
0xb6: {  	_ =	sfence  }
0xb7: {  	s30 =	sld [smem:$0x0];
	_ =	sdelay $0x2  }
0xb8: {  	s31 =	sshll.u32 s1, $0xD;
	s1 =	sshrl.u32 s1, $0x2  }
0xb9: {  	s3 =	sand.u32 $0x4000, s31;
	s1 =	sadd.s32 s1, s30  }
0xba: {  	s0 =	sor.u32 s3, s0;
	s1 =	sshll.u32 s1, $0x11  }
0xbb: {  	s0 =	sor.u32 s1, s0  }
0xbc: {  	s0 =	sadd.s32 $0x8F2B, s0  }
0xbd: {  	[sflag:s0] =	ssyncadd.remote.s32 $0x1  }
0xbe: {  	_ =	sfence.sel $0xFFFF  }
0xbf: {  	[dreg:$0x0] =	wrdreg $0xFFFFFFFF;
	(pc) =	sbr.abs _section_cstart, $3  }
0xc0: {  	[dreg:$0x1] =	wrdreg $0xFFFFFFFF  }
0xc1: {  	_ =	task.clear_ibuf [dreg:s7], $0x2FFFF;
	_ =	strace $0x9FFFFFFF  }
0xc2: {  	(tm) =	ssettm $0x7FFFFFFF  }
0xc3: {  	_ =	shalt  }
tec
execute0_lowered:
.L_overlay_start_1:
0x0: {  	(tag) =	ssettag $0x1  }
0x1: {  	s0 =	srdreg.scid  }
0x2: {  	s3 =	rddreg [dreg:$0x0];
	s2 =	stileid.u32  }
0x3: {  	s1 =	rddreg [dreg:$0x1];
	p0 =	por $0x0, $0x0;
	s6 =	sand.u32 $0x1, s0  }
0x4: {  	s23 =	sshll.u32 s2, $0xE;
	s2 =	simm.s32 $0x0;
	s4 =	sshll.u32 s6, $0xD  }
0x5: {  	[smem:$0x7FF] =	sst s2;
	s6 =	ssub.s32 $0x2, s6;
	s5 =	sor.u32 s4, s23  }
0x6: {  	_ =	strace $0x80000047;
	s4 =	sadd.s32 $0x14600, s3;
	s3 =	sadd.s32 $0x4600, s3  }
0x7: {  	s0 =	sshrl.u32 s5, $0x3;
	s7 =	sor.u32 $0x100, s5;
	s8 =	sshll.u32 s5, $0x4  }
0x8: {  	s9 =	sor.u32 $0x200, s5;
	s12 =	sor.u32 $0x300, s5;
	s15 =	sor.u32 $0x400, s5  }
0x9: {  	s20 =	sor.u32 $0x500, s5;
	s23 =	sor.u32 $0x600, s5;
	s0 =	sadd.s32 s1, s0  }
0xa: {  	s24 =	sshrl.u32 s7, $0x3;
	s25 =	sadd.s32 s4, s8;
	s26 =	sshrl.u32 s9, $0x3  }
0xb: {  	s7 =	sshll.u32 s7, $0x4;
	s13 =	sshrl.u32 s12, $0x3;
	s14 =	sshll.u32 s9, $0x4  }
0xc: {  	s17 =	sshrl.u32 s15, $0x3;
	s21 =	sshrl.u32 s20, $0x3;
	[dreg:$0x3] =	wrdreg s0  }
0xd: {  	s22 =	sshll.u32 s15, $0x4;
	s0 =	sadd.s32 s1, s24;
	[dreg:$0x5] =	wrdreg s25  }
0xe: {  	s10 =	sadd.s32 s1, s26;
	s11 =	sadd.s32 s4, s7;
	[dreg:$0x4] =	wrdreg s0  }
0xf: {  	s16 =	sadd.s32 s4, s14;
	s18 =	sadd.s32 s1, s17;
	[dreg:$0x6] =	wrdreg s10  }
0x10: {  	s7 =	sshll.u32 s12, $0x4;
	s24 =	sadd.s32 s4, s22;
	[dreg:$0x7] =	wrdreg s11  }
0x11: {  	s25 =	sshrl.u32 s23, $0x3;
	s12 =	sshll.u32 s23, $0x4;
	[dreg:$0x9] =	wrdreg s16  }
0x12: {  	s0 =	sadd.s32 s1, s13;
	[dreg:$0xa] =	wrdreg s18;
	s19 =	sadd.s32 s4, s7  }
0x13: {  	[dreg:$0xd] =	wrdreg s24;
	s26 =	sadd.s32 s1, s25;
	s7 =	sshll.u32 s20, $0x4  }
0x14: {  	s10 =	sor.u32 $0x700, s5;
	s13 =	sor.u32 $0x800, s5;
	[dreg:$0x8] =	wrdreg s0  }
0x15: {  	s14 =	sadd.s32 s4, s12;
	s18 =	sor.u32 $0x900, s5;
	[dreg:$0xb] =	wrdreg s19  }
0x16: {  	s0 =	sadd.s32 s1, s21;
	[dreg:$0xe] =	wrdreg s26;
	s8 =	sadd.s32 s4, s7  }
0x17: {  	s11 =	sshrl.u32 s10, $0x3;
	s15 =	sshrl.u32 s13, $0x3;
	[dreg:$0x11] =	wrdreg s14  }
0x18: {  	s7 =	sshll.u32 s10, $0x4;
	s19 =	sshrl.u32 s18, $0x3;
	s20 =	sshll.u32 s13, $0x4  }
0x19: {  	s21 =	sor.u32 $0xA00, s5;
	s26 =	sor.u32 $0xB00, s5;
	[dreg:$0xc] =	wrdreg s0  }
0x1a: {  	s10 =	sor.u32 $0xC00, s5;
	[dreg:$0xf] =	wrdreg s8;
	s0 =	sadd.s32 s1, s11  }
0x1b: {  	s16 =	sadd.s32 s1, s15;
	s17 =	sadd.s32 s4, s7;
	s22 =	sadd.s32 s4, s20  }
0x1c: {  	s23 =	sshrl.u32 s21, $0x3;
	s7 =	sshll.u32 s18, $0x4;
	[dreg:$0x10] =	wrdreg s0  }
0x1d: {  	s8 =	sshrl.u32 s26, $0x3;
	s9 =	sshll.u32 s21, $0x4;
	[dreg:$0x12] =	wrdreg s16  }
0x1e: {  	s12 =	sshrl.u32 s10, $0x3;
	s15 =	sor.u32 $0xD00, s5;
	[dreg:$0x13] =	wrdreg s17  }
0x1f: {  	s18 =	sor.u32 $0xE00, s5;
	s0 =	sadd.s32 s1, s19;
	[dreg:$0x15] =	wrdreg s22  }
0x20: {  	s24 =	sadd.s32 s1, s23;
	s25 =	sadd.s32 s4, s7;
	s11 =	sadd.s32 s4, s9  }
0x21: {  	s13 =	sadd.s32 s1, s12;
	s7 =	sshll.u32 s26, $0x4;
	[dreg:$0x14] =	wrdreg s0  }
0x22: {  	s16 =	sshrl.u32 s15, $0x3;
	s17 =	sshll.u32 s10, $0x4;
	[dreg:$0x16] =	wrdreg s24  }
0x23: {  	s20 =	sshrl.u32 s18, $0x3;
	s23 =	sor.u32 $0xF00, s5;
	[dreg:$0x17] =	wrdreg s25  }
0x24: {  	s26 =	sor.u32 $0x1000, s5;
	s0 =	sadd.s32 s1, s8;
	[dreg:$0x19] =	wrdreg s11  }
0x25: {  	[dreg:$0x1a] =	wrdreg s13;
	s14 =	sadd.s32 s4, s7;
	s19 =	sadd.s32 s4, s17  }
0x26: {  	s21 =	sadd.s32 s1, s20;
	s7 =	sshll.u32 s15, $0x4;
	[dreg:$0x18] =	wrdreg s0  }
0x27: {  	s24 =	sshrl.u32 s23, $0x3;
	s25 =	sshll.u32 s18, $0x4;
	[dreg:$0x1b] =	wrdreg s14  }
0x28: {  	s10 =	sshrl.u32 s26, $0x3;
	s13 =	sor.u32 $0x1100, s5;
	[dreg:$0x1d] =	wrdreg s19  }
0x29: {  	s15 =	sshll.u32 s26, $0x4;
	s0 =	sadd.s32 s1, s16;
	[dreg:$0x1e] =	wrdreg s21  }
0x2a: {  	s22 =	sadd.s32 s4, s7;
	s8 =	sadd.s32 s4, s25;
	s11 =	sadd.s32 s1, s10  }
0x2b: {  	s7 =	sshll.u32 s23, $0x4;
	s14 =	sshrl.u32 s13, $0x3;
	[dreg:$0x1c] =	wrdreg s0  }
0x2c: {  	s16 =	sor.u32 $0x1200, s5;
	s17 =	sadd.s32 s4, s15;
	[dreg:$0x1f] =	wrdreg s22  }
0x2d: {  	s21 =	sor.u32 $0x1300, s5;
	s10 =	sor.u32 $0x1400, s5;
	[smem:$0x7EF] =	sst s8  }
0x2e: {  	s0 =	sadd.s32 s1, s24;
	[smem:$0x7F0] =	sst s11;
	s12 =	sadd.s32 s4, s7  }
0x2f: {  	s18 =	sshrl.u32 s16, $0x3;
	[smem:$0x7F3] =	sst s17;
	s7 =	sshll.u32 s13, $0x4  }
0x30: {  	s22 =	sshrl.u32 s6, $0x1;
	s23 =	sshrl.u32 s21, $0x3;
	s9 =	sshll.u32 s16, $0x4  }
0x31: {  	s25 =	sshrl.u32 s10, $0x3;
	s11 =	sor.u32 $0x1500, s5;
	[smem:$0x7EE] =	sst s0  }
0x32: {  	s13 =	sshll.u32 s10, $0x4;
	s10 =	sor.u32 $0x1A00, s5;
	[smem:$0x7F1] =	sst s12  }
0x33: {  	s0 =	sadd.s32 s1, s14;
	s19 =	sadd.s32 s1, s18;
	s20 =	sadd.s32 s4, s7  }
0x34: {  	s24 =	sadd.s32 s4, s9;
	s26 =	sadd.s32 s1, s25;
	[smem:$0x7F2] =	sst s0  }
0x35: {  	s7 =	sshll.u32 s21, $0x4;
	s6 =	ssub.s32 s6, s22;
	[smem:$0x7F4] =	sst s19  }
0x36: {  	s12 =	sshrl.u32 s11, $0x3;
	s14 =	sor.u32 $0x1600, s5;
	[smem:$0x7F5] =	sst s20  }
0x37: {  	s15 =	sadd.s32 s4, s13;
	s22 =	sor.u32 $0x1800, s5;
	[smem:$0x7F7] =	sst s24  }
0x38: {  	s13 =	sor.u32 $0x1B00, s5;
	s0 =	sadd.s32 s1, s23;
	[smem:$0x7F8] =	sst s26  }
0x39: {  	s9 =	sadd.s32 s4, s7;
	s16 =	sshrl.u32 s14, $0x3;
	[smem:$0x7FB] =	sst s15  }
0x3a: {  	s7 =	sshll.u32 s11, $0x4;
	s19 =	sor.u32 $0x1700, s5;
	s21 =	sshll.u32 s14, $0x4  }
0x3b: {  	s23 =	sshrl.u32 s22, $0x3;
	s24 =	sor.u32 $0x1900, s5;
	s11 =	sshrl.u32 s10, $0x3  }
0x3c: {  	s14 =	sshrl.u32 s13, $0x3;
	s15 =	sor.u32 $0x1C00, s5;
	[smem:$0x7F6] =	sst s0  }
0x3d: {  	[smem:$0x7F9] =	sst s9;
	s0 =	sadd.s32 s1, s12;
	s17 =	sadd.s32 s1, s16  }
0x3e: {  	s18 =	sadd.s32 s4, s7;
	s20 =	sshrl.u32 s19, $0x3;
	s29 =	sadd.s32 s4, s21  }
0x3f: {  	s7 =	sshll.u32 s19, $0x4;
	s30 =	sadd.s32 s1, s23;
	s8 =	sshrl.u32 s24, $0x3  }
0x40: {  	s12 =	sshll.u32 s24, $0x4;
	s24 =	sadd.s32 s1, s11;
	[smem:$0x7FA] =	sst s0  }
0x41: {  	s23 =	sadd.s32 s1, s14;
	s16 =	sshrl.u32 s15, $0x3;
	[smem:$0x7FC] =	sst s17  }
0x42: {  	s11 =	sor.u32 $0x1E00, s5;
	s9 =	simm.s32 $0x8200;
	[smem:$0x7FD] =	sst s18  }
0x43: {  	s31 =	sadd.s32 s1, s20;
	s28 =	sadd.s32 s4, s7;
	s26 =	sadd.s32 s1, s8  }
0x44: {  	s0 =	sshll.u32 s22, $0x4;
	s22 =	sadd.s32 s4, s12;
	s7 =	sshll.u32 s10, $0x4  }
0x45: {  	s20 =	sadd.s32 s1, s16;
	s17 =	sor.u32 $0x1D00, s5;
	s10 =	sshll.u32 s15, $0x4  }
0x46: {  	s12 =	sshrl.u32 s11, $0x3;
	s5 =	sor.u32 $0x1F00, s5;
	s15 =	smax.u32 s6, $0x1  }
0x47: {  	s6 =	simm.s32 $0x4;
	s25 =	sadd.s32 s4, s0;
	s21 =	sadd.s32 s4, s7  }
0x48: {  	s0 =	sshll.u32 s13, $0x4;
	s8 =	sshrl.u32 s17, $0x3;
	s16 =	sadd.s32 s4, s10  }
0x49: {  	s7 =	sshll.u32 s17, $0x4;
	s17 =	sadd.s32 s1, s12;
	s13 =	sshrl.u32 s5, $0x3  }
0x4a: {  	s14 =	sshll.u32 s5, $0x4;
	s12 =	simm.s32 $0x100;
	p1 =	sne.s32 s15, $0x1  }
.Ltmp0:
0x4b: {  	s19 =	sadd.s32 s4, s0;
	s18 =	sadd.s32 s1, s8;
	(pc) =	sbr.rel @!p1 .LBB2_3-.Ltmp0, $4  }
0x4c: {  	s10 =	sadd.s32 s4, s7;
	s8 =	sadd.s32 s1, s13;
	s0 =	sshll.u32 s11, $0x4  }
0x4d: {  	s11 =	simm.s32 $0x5;
	s1 =	sadd.s32 $0xFFFFFFFF, s15;
	s13 =	simm.s32 $0x200  }
0x4e: {  	s15 =	simm.s32 $0x1;
	s7 =	simm.s32 $0x3;
	s5 =	sadd.s32 s4, s0  }
0x4f: {  	s4 =	sadd.s32 s4, s14;
	s14 =	simm.s32 $0x2;
	s0 =	rddreg [dreg:$0x3]  }
0x50: {  	[tilespmem:s2], [sflag:$0x5] =	stream.linear.gather [hbm4b:s0+s2], $0x100, $0x38;
	[tilespmem:$0x10200] =	vst v63  }
0x51: {  	_ =	swait.ge [sflag:s11], $0x100  }
0x52: {  	[sflag:s11] =	ssyncset.done $0x0  }
0x53: {  	[sflag:s11] =	ssyncadd.s32 $0xFFFFFF00  }
0x54: {  	[tilespmem:s13], [sflag:$0x1] =	stream.indirect.gather [hbm4b:s3+s12], $0x80, s2, s12, $0xb8;
	[tilespmem:$0x10200] =	vst v63  }
0x55: {  	s0 =	rddreg [dreg:$0x4]  }
0x56: {  	[tilespmem:s12], [sflag:$0x5] =	stream.linear.gather [hbm4b:s0+s2], $0x100, $0x38;
	[tilespmem:$0x10200] =	vst v63  }
0x57: {  	_ =	swait.ge [sflag:s11], $0x100  }
0x58: {  	[sflag:s11] =	ssyncset.done $0x0  }
0x59: {  	[sflag:s11] =	ssyncadd.s32 $0xFFFFFF00  }
0x5a: {  	[tilespmem:s9], [sflag:$0x2] =	stream.indirect.gather [hbm4b:s3+s12], $0x80, s12, s12, $0xb8;
	[tilespmem:$0x10200] =	vst v63  }
0x5b: {  	_ =	swait.ge [sflag:s15], $0x8000  }
0x5c: {  	[sflag:s15] =	ssyncset.done $0x0  }
0x5d: {  	s0 =	rddreg [dreg:$0x5];
	[sflag:s15] =	ssyncadd.s32 $0xFFFF8000  }
0x5e: {  	[hbm4b:s0+s2] =	stream.linear.scatter [tilespmem:s13], [sflag:$0x3], $0x8000, $0x38;
	[tilespmem:$0x10200] =	vst v63  }
0x5f: {  	_ =	swait.ge [sflag:s7], $0x8000  }
0x60: {  	[sflag:s7] =	ssyncset.done $0x0  }
0x61: {  	s0 =	rddreg [dreg:$0x6];
	[sflag:s7] =	ssyncadd.s32 $0xFFFF8000  }
0x62: {  	[tilespmem:s2], [sflag:$0x5] =	stream.linear.gather [hbm4b:s0+s2], $0x100, $0x38;
	[tilespmem:$0x10200] =	vst v63  }
0x63: {  	_ =	swait.ge [sflag:s11], $0x100  }
0x64: {  	[sflag:s11] =	ssyncset.done $0x0  }
0x65: {  	[sflag:s11] =	ssyncadd.s32 $0xFFFFFF00  }
0x66: {  	[tilespmem:s13], [sflag:$0x1] =	stream.indirect.gather [hbm4b:s3+s12], $0x80, s2, s12, $0xb8;
	[tilespmem:$0x10200] =	vst v63  }
0x67: {  	_ =	swait.ge [sflag:s14], $0x8000  }
0x68: {  	[sflag:s14] =	ssyncset.done $0x0  }
0x69: {  	s0 =	rddreg [dreg:$0x7];
	[sflag:s14] =	ssyncadd.s32 $0xFFFF8000  }
0x6a: {  	[hbm4b:s0+s2] =	stream.linear.scatter [tilespmem:s9], [sflag:$0x4], $0x8000, $0x38;
	[tilespmem:$0x10200] =	vst v63  }
0x6b: {  	_ =	swait.ge [sflag:s6], $0x8000  }
0x6c: {  	[sflag:s6] =	ssyncset.done $0x0  }
0x6d: {  	s0 =	rddreg [dreg:$0x8];
	[sflag:s6] =	ssyncadd.s32 $0xFFFF8000  }
0x6e: {  	[tilespmem:s12], [sflag:$0x5] =	stream.linear.gather [hbm4b:s0+s2], $0x100, $0x38;
	[tilespmem:$0x10200] =	vst v63  }
0x6f: {  	_ =	swait.ge [sflag:s11], $0x100  }
0x70: {  	[sflag:s11] =	ssyncset.done $0x0  }
0x71: {  	[sflag:s11] =	ssyncadd.s32 $0xFFFFFF00  }
0x72: {  	[tilespmem:s9], [sflag:$0x2] =	stream.indirect.gather [hbm4b:s3+s12], $0x80, s12, s12, $0xb8;
	[tilespmem:$0x10200] =	vst v63  }
0x73: {  	_ =	swait.ge [sflag:s15], $0x8000  }
0x74: {  	[sflag:s15] =	ssyncset.done $0x0  }
0x75: {  	s0 =	rddreg [dreg:$0x9];
	[sflag:s15] =	ssyncadd.s32 $0xFFFF8000  }
0x76: {  	[hbm4b:s0+s2] =	stream.linear.scatter [tilespmem:s13], [sflag:$0x3], $0x8000, $0x38;
	[tilespmem:$0x10200] =	vst v63  }
0x77: {  	_ =	swait.ge [sflag:s7], $0x8000  }
0x78: {  	[sflag:s7] =	ssyncset.done $0x0  }
0x79: {  	s0 =	rddreg [dreg:$0xa];
	[sflag:s7] =	ssyncadd.s32 $0xFFFF8000  }
0x7a: {  	[tilespmem:s2], [sflag:$0x5] =	stream.linear.gather [hbm4b:s0+s2], $0x100, $0x38;
	[tilespmem:$0x10200] =	vst v63  }
0x7b: {  	_ =	swait.ge [sflag:s11], $0x100  }
0x7c: {  	[sflag:s11] =	ssyncset.done $0x0  }
0x7d: {  	[sflag:s11] =	ssyncadd.s32 $0xFFFFFF00  }
0x7e: {  	[tilespmem:s13], [sflag:$0x1] =	stream.indirect.gather [hbm4b:s3+s12], $0x80, s2, s12, $0xb8;
	[tilespmem:$0x10200] =	vst v63  }
0x7f: {  	_ =	swait.ge [sflag:s14], $0x8000  }
0x80: {  	[sflag:s14] =	ssyncset.done $0x0  }
0x81: {  	s0 =	rddreg [dreg:$0xb];
	[sflag:s14] =	ssyncadd.s32 $0xFFFF8000  }
0x82: {  	[hbm4b:s0+s2] =	stream.linear.scatter [tilespmem:s9], [sflag:$0x4], $0x8000, $0x38;
	[tilespmem:$0x10200] =	vst v63  }
0x83: {  	_ =	swait.ge [sflag:s6], $0x8000  }
0x84: {  	[sflag:s6] =	ssyncset.done $0x0  }
0x85: {  	s0 =	rddreg [dreg:$0xc];
	[sflag:s6] =	ssyncadd.s32 $0xFFFF8000  }
0x86: {  	[tilespmem:s12], [sflag:$0x5] =	stream.linear.gather [hbm4b:s0+s2], $0x100, $0x38;
	[tilespmem:$0x10200] =	vst v63  }
0x87: {  	_ =	swait.ge [sflag:s11], $0x100  }
0x88: {  	[sflag:s11] =	ssyncset.done $0x0  }
0x89: {  	[sflag:s11] =	ssyncadd.s32 $0xFFFFFF00  }
0x8a: {  	[tilespmem:s9], [sflag:$0x2] =	stream.indirect.gather [hbm4b:s3+s12], $0x80, s12, s12, $0xb8;
	[tilespmem:$0x10200] =	vst v63  }
0x8b: {  	_ =	swait.ge [sflag:s15], $0x8000  }
0x8c: {  	[sflag:s15] =	ssyncset.done $0x0  }
0x8d: {  	s0 =	rddreg [dreg:$0xd];
	[sflag:s15] =	ssyncadd.s32 $0xFFFF8000  }
0x8e: {  	[hbm4b:s0+s2] =	stream.linear.scatter [tilespmem:s13], [sflag:$0x3], $0x8000, $0x38;
	[tilespmem:$0x10200] =	vst v63  }
0x8f: {  	_ =	swait.ge [sflag:s7], $0x8000  }
0x90: {  	[sflag:s7] =	ssyncset.done $0x0  }
0x91: {  	s0 =	rddreg [dreg:$0xe];
	[sflag:s7] =	ssyncadd.s32 $0xFFFF8000  }
0x92: {  	[tilespmem:s2], [sflag:$0x5] =	stream.linear.gather [hbm4b:s0+s2], $0x100, $0x38;
	[tilespmem:$0x10200] =	vst v63  }
0x93: {  	_ =	swait.ge [sflag:s11], $0x100  }
0x94: {  	[sflag:s11] =	ssyncset.done $0x0  }
0x95: {  	[sflag:s11] =	ssyncadd.s32 $0xFFFFFF00  }
0x96: {  	[tilespmem:s13], [sflag:$0x1] =	stream.indirect.gather [hbm4b:s3+s12], $0x80, s2, s12, $0xb8;
	[tilespmem:$0x10200] =	vst v63  }
0x97: {  	_ =	swait.ge [sflag:s14], $0x8000  }
0x98: {  	[sflag:s14] =	ssyncset.done $0x0  }
0x99: {  	s0 =	rddreg [dreg:$0xf];
	[sflag:s14] =	ssyncadd.s32 $0xFFFF8000  }
0x9a: {  	[hbm4b:s0+s2] =	stream.linear.scatter [tilespmem:s9], [sflag:$0x4], $0x8000, $0x38;
	[tilespmem:$0x10200] =	vst v63  }
0x9b: {  	_ =	swait.ge [sflag:s6], $0x8000  }
0x9c: {  	[sflag:s6] =	ssyncset.done $0x0  }
0x9d: {  	s0 =	rddreg [dreg:$0x10];
	[sflag:s6] =	ssyncadd.s32 $0xFFFF8000  }
0x9e: {  	[tilespmem:s12], [sflag:$0x5] =	stream.linear.gather [hbm4b:s0+s2], $0x100, $0x38;
	[tilespmem:$0x10200] =	vst v63  }
0x9f: {  	_ =	swait.ge [sflag:s11], $0x100  }
0xa0: {  	[sflag:s11] =	ssyncset.done $0x0  }
0xa1: {  	[sflag:s11] =	ssyncadd.s32 $0xFFFFFF00  }
0xa2: {  	[tilespmem:s9], [sflag:$0x2] =	stream.indirect.gather [hbm4b:s3+s12], $0x80, s12, s12, $0xb8;
	[tilespmem:$0x10200] =	vst v63  }
0xa3: {  	_ =	swait.ge [sflag:s15], $0x8000  }
0xa4: {  	[sflag:s15] =	ssyncset.done $0x0  }
0xa5: {  	s0 =	rddreg [dreg:$0x11];
	[sflag:s15] =	ssyncadd.s32 $0xFFFF8000  }
0xa6: {  	[hbm4b:s0+s2] =	stream.linear.scatter [tilespmem:s13], [sflag:$0x3], $0x8000, $0x38;
	[tilespmem:$0x10200] =	vst v63  }
0xa7: {  	_ =	swait.ge [sflag:s7], $0x8000  }
0xa8: {  	[sflag:s7] =	ssyncset.done $0x0  }
0xa9: {  	s0 =	rddreg [dreg:$0x12];
	[sflag:s7] =	ssyncadd.s32 $0xFFFF8000  }
0xaa: {  	[tilespmem:s2], [sflag:$0x5] =	stream.linear.gather [hbm4b:s0+s2], $0x100, $0x38;
	[tilespmem:$0x10200] =	vst v63  }
0xab: {  	_ =	swait.ge [sflag:s11], $0x100  }
0xac: {  	[sflag:s11] =	ssyncset.done $0x0  }
0xad: {  	[sflag:s11] =	ssyncadd.s32 $0xFFFFFF00  }
0xae: {  	[tilespmem:s13], [sflag:$0x1] =	stream.indirect.gather [hbm4b:s3+s12], $0x80, s2, s12, $0xb8;
	[tilespmem:$0x10200] =	vst v63  }
0xaf: {  	_ =	swait.ge [sflag:s14], $0x8000  }
0xb0: {  	[sflag:s14] =	ssyncset.done $0x0  }
0xb1: {  	s0 =	rddreg [dreg:$0x13];
	[sflag:s14] =	ssyncadd.s32 $0xFFFF8000  }
0xb2: {  	[hbm4b:s0+s2] =	stream.linear.scatter [tilespmem:s9], [sflag:$0x4], $0x8000, $0x38;
	[tilespmem:$0x10200] =	vst v63  }
0xb3: {  	_ =	swait.ge [sflag:s6], $0x8000  }
0xb4: {  	[sflag:s6] =	ssyncset.done $0x0  }
0xb5: {  	s0 =	rddreg [dreg:$0x14];
	[sflag:s6] =	ssyncadd.s32 $0xFFFF8000  }
0xb6: {  	[tilespmem:s12], [sflag:$0x5] =	stream.linear.gather [hbm4b:s0+s2], $0x100, $0x38;
	[tilespmem:$0x10200] =	vst v63  }
0xb7: {  	_ =	swait.ge [sflag:s11], $0x100  }
0xb8: {  	[sflag:s11] =	ssyncset.done $0x0  }
0xb9: {  	[sflag:s11] =	ssyncadd.s32 $0xFFFFFF00  }
0xba: {  	[tilespmem:s9], [sflag:$0x2] =	stream.indirect.gather [hbm4b:s3+s12], $0x80, s12, s12, $0xb8;
	[tilespmem:$0x10200] =	vst v63  }
0xbb: {  	_ =	swait.ge [sflag:s15], $0x8000  }
0xbc: {  	[sflag:s15] =	ssyncset.done $0x0  }
0xbd: {  	s0 =	rddreg [dreg:$0x15];
	[sflag:s15] =	ssyncadd.s32 $0xFFFF8000  }
0xbe: {  	[hbm4b:s0+s2] =	stream.linear.scatter [tilespmem:s13], [sflag:$0x3], $0x8000, $0x38;
	[tilespmem:$0x10200] =	vst v63  }
0xbf: {  	_ =	swait.ge [sflag:s7], $0x8000  }
0xc0: {  	[sflag:s7] =	ssyncset.done $0x0  }
0xc1: {  	s0 =	rddreg [dreg:$0x16];
	[sflag:s7] =	ssyncadd.s32 $0xFFFF8000  }
0xc2: {  	[tilespmem:s2], [sflag:$0x5] =	stream.linear.gather [hbm4b:s0+s2], $0x100, $0x38;
	[tilespmem:$0x10200] =	vst v63  }
0xc3: {  	_ =	swait.ge [sflag:s11], $0x100  }
0xc4: {  	[sflag:s11] =	ssyncset.done $0x0  }
0xc5: {  	[sflag:s11] =	ssyncadd.s32 $0xFFFFFF00  }
0xc6: {  	[tilespmem:s13], [sflag:$0x1] =	stream.indirect.gather [hbm4b:s3+s12], $0x80, s2, s12, $0xb8;
	[tilespmem:$0x10200] =	vst v63  }
0xc7: {  	_ =	swait.ge [sflag:s14], $0x8000  }
0xc8: {  	[sflag:s14] =	ssyncset.done $0x0  }
0xc9: {  	s0 =	rddreg [dreg:$0x17];
	[sflag:s14] =	ssyncadd.s32 $0xFFFF8000  }
0xca: {  	[hbm4b:s0+s2] =	stream.linear.scatter [tilespmem:s9], [sflag:$0x4], $0x8000, $0x38;
	[tilespmem:$0x10200] =	vst v63  }
0xcb: {  	_ =	swait.ge [sflag:s6], $0x8000  }
0xcc: {  	[sflag:s6] =	ssyncset.done $0x0  }
0xcd: {  	s0 =	rddreg [dreg:$0x18];
	[sflag:s6] =	ssyncadd.s32 $0xFFFF8000  }
0xce: {  	[tilespmem:s12], [sflag:$0x5] =	stream.linear.gather [hbm4b:s0+s2], $0x100, $0x38;
	[tilespmem:$0x10200] =	vst v63  }
0xcf: {  	_ =	swait.ge [sflag:s11], $0x100  }
0xd0: {  	[sflag:s11] =	ssyncset.done $0x0  }
0xd1: {  	[sflag:s11] =	ssyncadd.s32 $0xFFFFFF00  }
0xd2: {  	[tilespmem:s9], [sflag:$0x2] =	stream.indirect.gather [hbm4b:s3+s12], $0x80, s12, s12, $0xb8;
	[tilespmem:$0x10200] =	vst v63  }
0xd3: {  	_ =	swait.ge [sflag:s15], $0x8000  }
0xd4: {  	[sflag:s15] =	ssyncset.done $0x0  }
0xd5: {  	s0 =	rddreg [dreg:$0x19];
	[sflag:s15] =	ssyncadd.s32 $0xFFFF8000  }
0xd6: {  	[hbm4b:s0+s2] =	stream.linear.scatter [tilespmem:s13], [sflag:$0x3], $0x8000, $0x38;
	[tilespmem:$0x10200] =	vst v63  }
0xd7: {  	_ =	swait.ge [sflag:s7], $0x8000  }
0xd8: {  	[sflag:s7] =	ssyncset.done $0x0  }
0xd9: {  	s0 =	rddreg [dreg:$0x1a];
	[sflag:s7] =	ssyncadd.s32 $0xFFFF8000  }
0xda: {  	[tilespmem:s2], [sflag:$0x5] =	stream.linear.gather [hbm4b:s0+s2], $0x100, $0x38;
	[tilespmem:$0x10200] =	vst v63  }
0xdb: {  	_ =	swait.ge [sflag:s11], $0x100  }
0xdc: {  	[sflag:s11] =	ssyncset.done $0x0  }
0xdd: {  	[sflag:s11] =	ssyncadd.s32 $0xFFFFFF00  }
0xde: {  	[tilespmem:s13], [sflag:$0x1] =	stream.indirect.gather [hbm4b:s3+s12], $0x80, s2, s12, $0xb8;
	[tilespmem:$0x10200] =	vst v63  }
0xdf: {  	_ =	swait.ge [sflag:s14], $0x8000  }
0xe0: {  	[sflag:s14] =	ssyncset.done $0x0  }
0xe1: {  	s0 =	rddreg [dreg:$0x1b];
	[sflag:s14] =	ssyncadd.s32 $0xFFFF8000  }
0xe2: {  	[hbm4b:s0+s2] =	stream.linear.scatter [tilespmem:s9], [sflag:$0x4], $0x8000, $0x38;
	[tilespmem:$0x10200] =	vst v63  }
0xe3: {  	_ =	swait.ge [sflag:s6], $0x8000  }
0xe4: {  	[sflag:s6] =	ssyncset.done $0x0  }
0xe5: {  	s0 =	rddreg [dreg:$0x1c];
	[sflag:s6] =	ssyncadd.s32 $0xFFFF8000  }
0xe6: {  	[tilespmem:s12], [sflag:$0x5] =	stream.linear.gather [hbm4b:s0+s2], $0x100, $0x38;
	[tilespmem:$0x10200] =	vst v63  }
0xe7: {  	_ =	swait.ge [sflag:s11], $0x100  }
0xe8: {  	[sflag:s11] =	ssyncset.done $0x0  }
0xe9: {  	[sflag:s11] =	ssyncadd.s32 $0xFFFFFF00  }
0xea: {  	[tilespmem:s9], [sflag:$0x2] =	stream.indirect.gather [hbm4b:s3+s12], $0x80, s12, s12, $0xb8;
	[tilespmem:$0x10200] =	vst v63  }
0xeb: {  	_ =	swait.ge [sflag:s15], $0x8000  }
0xec: {  	[sflag:s15] =	ssyncset.done $0x0  }
0xed: {  	s0 =	rddreg [dreg:$0x1d];
	[sflag:s15] =	ssyncadd.s32 $0xFFFF8000  }
0xee: {  	[hbm4b:s0+s2] =	stream.linear.scatter [tilespmem:s13], [sflag:$0x3], $0x8000, $0x38;
	[tilespmem:$0x10200] =	vst v63  }
0xef: {  	_ =	swait.ge [sflag:s7], $0x8000  }
0xf0: {  	[sflag:s7] =	ssyncset.done $0x0  }
0xf1: {  	s0 =	rddreg [dreg:$0x1e];
	[sflag:s7] =	ssyncadd.s32 $0xFFFF8000  }
0xf2: {  	[tilespmem:s2], [sflag:$0x5] =	stream.linear.gather [hbm4b:s0+s2], $0x100, $0x38;
	[tilespmem:$0x10200] =	vst v63  }
0xf3: {  	_ =	swait.ge [sflag:s11], $0x100  }
0xf4: {  	[sflag:s11] =	ssyncset.done $0x0  }
0xf5: {  	[sflag:s11] =	ssyncadd.s32 $0xFFFFFF00  }
0xf6: {  	[tilespmem:s13], [sflag:$0x1] =	stream.indirect.gather [hbm4b:s3+s12], $0x80, s2, s12, $0xb8;
	[tilespmem:$0x10200] =	vst v63  }
0xf7: {  	_ =	swait.ge [sflag:s14], $0x8000  }
0xf8: {  	[sflag:s14] =	ssyncset.done $0x0  }
0xf9: {  	s0 =	rddreg [dreg:$0x1f];
	[sflag:s14] =	ssyncadd.s32 $0xFFFF8000  }
0xfa: {  	[hbm4b:s0+s2] =	stream.linear.scatter [tilespmem:s9], [sflag:$0x4], $0x8000, $0x38;
	[tilespmem:$0x10200] =	vst v63  }
0xfb: {  	_ =	swait.ge [sflag:s6], $0x8000  }
0xfc: {  	s0 =	sld [smem:$0x7EE]  }
0xfd: {  	[sflag:s6] =	ssyncset.done $0x0  }
0xfe: {  	[sflag:s6] =	ssyncadd.s32 $0xFFFF8000  }
0xff: {  	[tilespmem:s12], [sflag:$0x5] =	stream.linear.gather [hbm4b:s0+s2], $0x100, $0x38;
	[tilespmem:$0x10200] =	vst v63  }
0x100: {  	_ =	swait.ge [sflag:s11], $0x100  }
0x101: {  	[sflag:s11] =	ssyncset.done $0x0  }
0x102: {  	[sflag:s11] =	ssyncadd.s32 $0xFFFFFF00  }
0x103: {  	[tilespmem:s9], [sflag:$0x2] =	stream.indirect.gather [hbm4b:s3+s12], $0x80, s12, s12, $0xb8;
	[tilespmem:$0x10200] =	vst v63  }
0x104: {  	_ =	swait.ge [sflag:s15], $0x8000  }
0x105: {  	s0 =	sld [smem:$0x7EF]  }
0x106: {  	[sflag:s15] =	ssyncset.done $0x0  }
0x107: {  	[sflag:s15] =	ssyncadd.s32 $0xFFFF8000  }
0x108: {  	[hbm4b:s0+s2] =	stream.linear.scatter [tilespmem:s13], [sflag:$0x3], $0x8000, $0x38;
	[tilespmem:$0x10200] =	vst v63  }
0x109: {  	_ =	swait.ge [sflag:s7], $0x8000  }
0x10a: {  	s0 =	sld [smem:$0x7F0]  }
0x10b: {  	[sflag:s7] =	ssyncset.done $0x0  }
0x10c: {  	[sflag:s7] =	ssyncadd.s32 $0xFFFF8000  }
0x10d: {  	[tilespmem:s2], [sflag:$0x5] =	stream.linear.gather [hbm4b:s0+s2], $0x100, $0x38;
	[tilespmem:$0x10200] =	vst v63  }
0x10e: {  	_ =	swait.ge [sflag:s11], $0x100  }
0x10f: {  	[sflag:s11] =	ssyncset.done $0x0  }
0x110: {  	[sflag:s11] =	ssyncadd.s32 $0xFFFFFF00  }
0x111: {  	[tilespmem:s13], [sflag:$0x1] =	stream.indirect.gather [hbm4b:s3+s12], $0x80, s2, s12, $0xb8;
	[tilespmem:$0x10200] =	vst v63  }
0x112: {  	_ =	swait.ge [sflag:s14], $0x8000  }
0x113: {  	s0 =	sld [smem:$0x7F1]  }
0x114: {  	[sflag:s14] =	ssyncset.done $0x0  }
0x115: {  	[sflag:s14] =	ssyncadd.s32 $0xFFFF8000  }
0x116: {  	[hbm4b:s0+s2] =	stream.linear.scatter [tilespmem:s9], [sflag:$0x4], $0x8000, $0x38;
	[tilespmem:$0x10200] =	vst v63  }
0x117: {  	_ =	swait.ge [sflag:s6], $0x8000  }
0x118: {  	s0 =	sld [smem:$0x7F2]  }
0x119: {  	[sflag:s6] =	ssyncset.done $0x0  }
0x11a: {  	[sflag:s6] =	ssyncadd.s32 $0xFFFF8000  }
0x11b: {  	[tilespmem:s12], [sflag:$0x5] =	stream.linear.gather [hbm4b:s0+s2], $0x100, $0x38;
	[tilespmem:$0x10200] =	vst v63  }
0x11c: {  	_ =	swait.ge [sflag:s11], $0x100  }
0x11d: {  	[sflag:s11] =	ssyncset.done $0x0  }
0x11e: {  	[sflag:s11] =	ssyncadd.s32 $0xFFFFFF00  }
0x11f: {  	[tilespmem:s9], [sflag:$0x2] =	stream.indirect.gather [hbm4b:s3+s12], $0x80, s12, s12, $0xb8;
	[tilespmem:$0x10200] =	vst v63  }
0x120: {  	_ =	swait.ge [sflag:s15], $0x8000  }
0x121: {  	s0 =	sld [smem:$0x7F3]  }
0x122: {  	[sflag:s15] =	ssyncset.done $0x0  }
0x123: {  	[sflag:s15] =	ssyncadd.s32 $0xFFFF8000  }
0x124: {  	[hbm4b:s0+s2] =	stream.linear.scatter [tilespmem:s13], [sflag:$0x3], $0x8000, $0x38;
	[tilespmem:$0x10200] =	vst v63  }
0x125: {  	_ =	swait.ge [sflag:s7], $0x8000  }
0x126: {  	s0 =	sld [smem:$0x7F4]  }
0x127: {  	[sflag:s7] =	ssyncset.done $0x0  }
0x128: {  	[sflag:s7] =	ssyncadd.s32 $0xFFFF8000  }
0x129: {  	[tilespmem:s2], [sflag:$0x5] =	stream.linear.gather [hbm4b:s0+s2], $0x100, $0x38;
	[tilespmem:$0x10200] =	vst v63  }
0x12a: {  	_ =	swait.ge [sflag:s11], $0x100  }
0x12b: {  	[sflag:s11] =	ssyncset.done $0x0  }
0x12c: {  	[sflag:s11] =	ssyncadd.s32 $0xFFFFFF00  }
0x12d: {  	[tilespmem:s13], [sflag:$0x1] =	stream.indirect.gather [hbm4b:s3+s12], $0x80, s2, s12, $0xb8;
	[tilespmem:$0x10200] =	vst v63  }
0x12e: {  	_ =	swait.ge [sflag:s14], $0x8000  }
0x12f: {  	s0 =	sld [smem:$0x7F5]  }
0x130: {  	[sflag:s14] =	ssyncset.done $0x0  }
0x131: {  	[sflag:s14] =	ssyncadd.s32 $0xFFFF8000  }
0x132: {  	[hbm4b:s0+s2] =	stream.linear.scatter [tilespmem:s9], [sflag:$0x4], $0x8000, $0x38;
	[tilespmem:$0x10200] =	vst v63  }
0x133: {  	_ =	swait.ge [sflag:s6], $0x8000  }
0x134: {  	s0 =	sld [smem:$0x7F6]  }
0x135: {  	[sflag:s6] =	ssyncset.done $0x0  }
0x136: {  	[sflag:s6] =	ssyncadd.s32 $0xFFFF8000  }
0x137: {  	[tilespmem:s12], [sflag:$0x5] =	stream.linear.gather [hbm4b:s0+s2], $0x100, $0x38;
	[tilespmem:$0x10200] =	vst v63  }
0x138: {  	_ =	swait.ge [sflag:s11], $0x100  }
0x139: {  	[sflag:s11] =	ssyncset.done $0x0  }
0x13a: {  	[sflag:s11] =	ssyncadd.s32 $0xFFFFFF00  }
0x13b: {  	[tilespmem:s9], [sflag:$0x2] =	stream.indirect.gather [hbm4b:s3+s12], $0x80, s12, s12, $0xb8;
	[tilespmem:$0x10200] =	vst v63  }
0x13c: {  	_ =	swait.ge [sflag:s15], $0x8000  }
0x13d: {  	s0 =	sld [smem:$0x7F7]  }
0x13e: {  	[sflag:s15] =	ssyncset.done $0x0  }
0x13f: {  	[sflag:s15] =	ssyncadd.s32 $0xFFFF8000  }
0x140: {  	[hbm4b:s0+s2] =	stream.linear.scatter [tilespmem:s13], [sflag:$0x3], $0x8000, $0x38;
	[tilespmem:$0x10200] =	vst v63  }
0x141: {  	_ =	swait.ge [sflag:s7], $0x8000  }
0x142: {  	s0 =	sld [smem:$0x7F8]  }
0x143: {  	[sflag:s7] =	ssyncset.done $0x0  }
0x144: {  	[sflag:s7] =	ssyncadd.s32 $0xFFFF8000  }
0x145: {  	[tilespmem:s2], [sflag:$0x5] =	stream.linear.gather [hbm4b:s0+s2], $0x100, $0x38;
	[tilespmem:$0x10200] =	vst v63  }
0x146: {  	_ =	swait.ge [sflag:s11], $0x100  }
0x147: {  	[sflag:s11] =	ssyncset.done $0x0  }
0x148: {  	[sflag:s11] =	ssyncadd.s32 $0xFFFFFF00  }
0x149: {  	[tilespmem:s13], [sflag:$0x1] =	stream.indirect.gather [hbm4b:s3+s12], $0x80, s2, s12, $0xb8;
	[tilespmem:$0x10200] =	vst v63  }
0x14a: {  	_ =	swait.ge [sflag:s14], $0x8000  }
0x14b: {  	s0 =	sld [smem:$0x7F9]  }
0x14c: {  	[sflag:s14] =	ssyncset.done $0x0  }
0x14d: {  	[sflag:s14] =	ssyncadd.s32 $0xFFFF8000  }
0x14e: {  	[hbm4b:s0+s2] =	stream.linear.scatter [tilespmem:s9], [sflag:$0x4], $0x8000, $0x38;
	[tilespmem:$0x10200] =	vst v63  }
0x14f: {  	_ =	swait.ge [sflag:s6], $0x8000  }
0x150: {  	s0 =	sld [smem:$0x7FA]  }
0x151: {  	[sflag:s6] =	ssyncset.done $0x0  }
0x152: {  	[sflag:s6] =	ssyncadd.s32 $0xFFFF8000  }
0x153: {  	[tilespmem:s12], [sflag:$0x5] =	stream.linear.gather [hbm4b:s0+s2], $0x100, $0x38;
	[tilespmem:$0x10200] =	vst v63  }
0x154: {  	_ =	swait.ge [sflag:s11], $0x100  }
0x155: {  	[sflag:s11] =	ssyncset.done $0x0  }
0x156: {  	[sflag:s11] =	ssyncadd.s32 $0xFFFFFF00  }
0x157: {  	[tilespmem:s9], [sflag:$0x2] =	stream.indirect.gather [hbm4b:s3+s12], $0x80, s12, s12, $0xb8;
	[tilespmem:$0x10200] =	vst v63  }
0x158: {  	_ =	swait.ge [sflag:s15], $0x8000  }
0x159: {  	s0 =	sld [smem:$0x7FB]  }
0x15a: {  	[sflag:s15] =	ssyncset.done $0x0  }
0x15b: {  	[sflag:s15] =	ssyncadd.s32 $0xFFFF8000  }
0x15c: {  	[hbm4b:s0+s2] =	stream.linear.scatter [tilespmem:s13], [sflag:$0x3], $0x8000, $0x38;
	[tilespmem:$0x10200] =	vst v63  }
0x15d: {  	_ =	swait.ge [sflag:s7], $0x8000  }
0x15e: {  	s0 =	sld [smem:$0x7FC]  }
0x15f: {  	[sflag:s7] =	ssyncset.done $0x0  }
0x160: {  	[sflag:s7] =	ssyncadd.s32 $0xFFFF8000  }
0x161: {  	[tilespmem:s2], [sflag:$0x5] =	stream.linear.gather [hbm4b:s0+s2], $0x100, $0x38;
	[tilespmem:$0x10200] =	vst v63  }
0x162: {  	_ =	swait.ge [sflag:s11], $0x100  }
0x163: {  	[sflag:s11] =	ssyncset.done $0x0  }
0x164: {  	[sflag:s11] =	ssyncadd.s32 $0xFFFFFF00  }
0x165: {  	[tilespmem:s13], [sflag:$0x1] =	stream.indirect.gather [hbm4b:s3+s12], $0x80, s2, s12, $0xb8;
	[tilespmem:$0x10200] =	vst v63  }
0x166: {  	_ =	swait.ge [sflag:s14], $0x8000  }
0x167: {  	s0 =	sld [smem:$0x7FD]  }
0x168: {  	[sflag:s14] =	ssyncset.done $0x0  }
0x169: {  	[sflag:s14] =	ssyncadd.s32 $0xFFFF8000  }
0x16a: {  	[hbm4b:s0+s2] =	stream.linear.scatter [tilespmem:s9], [sflag:$0x4], $0x8000, $0x38;
	[tilespmem:$0x10200] =	vst v63  }
0x16b: {  	_ =	swait.ge [sflag:s6], $0x8000  }
0x16c: {  	[sflag:s6] =	ssyncset.done $0x0  }
0x16d: {  	[sflag:s6] =	ssyncadd.s32 $0xFFFF8000  }
0x16e: {  	[tilespmem:s12], [sflag:$0x5] =	stream.linear.gather [hbm4b:s31+s2], $0x100, $0x38;
	[tilespmem:$0x10200] =	vst v63  }
0x16f: {  	_ =	swait.ge [sflag:s11], $0x100  }
0x170: {  	[sflag:s11] =	ssyncset.done $0x0  }
0x171: {  	[sflag:s11] =	ssyncadd.s32 $0xFFFFFF00  }
0x172: {  	[tilespmem:s9], [sflag:$0x2] =	stream.indirect.gather [hbm4b:s3+s12], $0x80, s12, s12, $0xb8;
	[tilespmem:$0x10200] =	vst v63  }
0x173: {  	_ =	swait.ge [sflag:s15], $0x8000  }
0x174: {  	[sflag:s15] =	ssyncset.done $0x0  }
0x175: {  	[sflag:s15] =	ssyncadd.s32 $0xFFFF8000  }
0x176: {  	[hbm4b:s29+s2] =	stream.linear.scatter [tilespmem:s13], [sflag:$0x3], $0x8000, $0x38;
	[tilespmem:$0x10200] =	vst v63  }
0x177: {  	_ =	swait.ge [sflag:s7], $0x8000  }
0x178: {  	[sflag:s7] =	ssyncset.done $0x0  }
0x179: {  	[sflag:s7] =	ssyncadd.s32 $0xFFFF8000  }
0x17a: {  	[tilespmem:s2], [sflag:$0x5] =	stream.linear.gather [hbm4b:s30+s2], $0x100, $0x38;
	[tilespmem:$0x10200] =	vst v63  }
0x17b: {  	_ =	swait.ge [sflag:s11], $0x100  }
0x17c: {  	[sflag:s11] =	ssyncset.done $0x0  }
0x17d: {  	[sflag:s11] =	ssyncadd.s32 $0xFFFFFF00  }
0x17e: {  	[tilespmem:s13], [sflag:$0x1] =	stream.indirect.gather [hbm4b:s3+s12], $0x80, s2, s12, $0xb8;
	[tilespmem:$0x10200] =	vst v63  }
0x17f: {  	_ =	swait.ge [sflag:s14], $0x8000  }
0x180: {  	[sflag:s14] =	ssyncset.done $0x0  }
0x181: {  	[sflag:s14] =	ssyncadd.s32 $0xFFFF8000  }
0x182: {  	[hbm4b:s28+s2] =	stream.linear.scatter [tilespmem:s9], [sflag:$0x4], $0x8000, $0x38;
	[tilespmem:$0x10200] =	vst v63  }
0x183: {  	_ =	swait.ge [sflag:s6], $0x8000  }
0x184: {  	[sflag:s6] =	ssyncset.done $0x0  }
0x185: {  	[sflag:s6] =	ssyncadd.s32 $0xFFFF8000  }
0x186: {  	[tilespmem:s12], [sflag:$0x5] =	stream.linear.gather [hbm4b:s26+s2], $0x100, $0x38;
	[tilespmem:$0x10200] =	vst v63  }
0x187: {  	_ =	swait.ge [sflag:s11], $0x100  }
0x188: {  	[sflag:s11] =	ssyncset.done $0x0  }
0x189: {  	[sflag:s11] =	ssyncadd.s32 $0xFFFFFF00  }
0x18a: {  	[tilespmem:s9], [sflag:$0x2] =	stream.indirect.gather [hbm4b:s3+s12], $0x80, s12, s12, $0xb8;
	[tilespmem:$0x10200] =	vst v63  }
0x18b: {  	_ =	swait.ge [sflag:s15], $0x8000  }
0x18c: {  	[sflag:s15] =	ssyncset.done $0x0  }
0x18d: {  	[sflag:s15] =	ssyncadd.s32 $0xFFFF8000  }
0x18e: {  	[hbm4b:s25+s2] =	stream.linear.scatter [tilespmem:s13], [sflag:$0x3], $0x8000, $0x38;
	[tilespmem:$0x10200] =	vst v63  }
0x18f: {  	_ =	swait.ge [sflag:s7], $0x8000  }
0x190: {  	[sflag:s7] =	ssyncset.done $0x0  }
0x191: {  	[sflag:s7] =	ssyncadd.s32 $0xFFFF8000  }
0x192: {  	[tilespmem:s2], [sflag:$0x5] =	stream.linear.gather [hbm4b:s24+s2], $0x100, $0x38;
	[tilespmem:$0x10200] =	vst v63  }
0x193: {  	_ =	swait.ge [sflag:s11], $0x100  }
0x194: {  	[sflag:s11] =	ssyncset.done $0x0  }
0x195: {  	[sflag:s11] =	ssyncadd.s32 $0xFFFFFF00  }
0x196: {  	[tilespmem:s13], [sflag:$0x1] =	stream.indirect.gather [hbm4b:s3+s12], $0x80, s2, s12, $0xb8;
	[tilespmem:$0x10200] =	vst v63  }
0x197: {  	_ =	swait.ge [sflag:s14], $0x8000  }
0x198: {  	[sflag:s14] =	ssyncset.done $0x0  }
0x199: {  	[sflag:s14] =	ssyncadd.s32 $0xFFFF8000  }
0x19a: {  	[hbm4b:s22+s2] =	stream.linear.scatter [tilespmem:s9], [sflag:$0x4], $0x8000, $0x38;
	[tilespmem:$0x10200] =	vst v63  }
0x19b: {  	_ =	swait.ge [sflag:s6], $0x8000  }
0x19c: {  	[sflag:s6] =	ssyncset.done $0x0  }
0x19d: {  	[sflag:s6] =	ssyncadd.s32 $0xFFFF8000  }
0x19e: {  	[tilespmem:s12], [sflag:$0x5] =	stream.linear.gather [hbm4b:s23+s2], $0x100, $0x38;
	[tilespmem:$0x10200] =	vst v63  }
0x19f: {  	_ =	swait.ge [sflag:s11], $0x100  }
0x1a0: {  	[sflag:s11] =	ssyncset.done $0x0  }
0x1a1: {  	[sflag:s11] =	ssyncadd.s32 $0xFFFFFF00  }
0x1a2: {  	[tilespmem:s9], [sflag:$0x2] =	stream.indirect.gather [hbm4b:s3+s12], $0x80, s12, s12, $0xb8;
	[tilespmem:$0x10200] =	vst v63  }
0x1a3: {  	_ =	swait.ge [sflag:s15], $0x8000  }
0x1a4: {  	[sflag:s15] =	ssyncset.done $0x0  }
0x1a5: {  	[sflag:s15] =	ssyncadd.s32 $0xFFFF8000  }
0x1a6: {  	[hbm4b:s21+s2] =	stream.linear.scatter [tilespmem:s13], [sflag:$0x3], $0x8000, $0x38;
	[tilespmem:$0x10200] =	vst v63  }
0x1a7: {  	_ =	swait.ge [sflag:s7], $0x8000  }
0x1a8: {  	[sflag:s7] =	ssyncset.done $0x0  }
0x1a9: {  	[sflag:s7] =	ssyncadd.s32 $0xFFFF8000  }
0x1aa: {  	[tilespmem:s2], [sflag:$0x5] =	stream.linear.gather [hbm4b:s20+s2], $0x100, $0x38;
	[tilespmem:$0x10200] =	vst v63  }
0x1ab: {  	_ =	swait.ge [sflag:s11], $0x100  }
0x1ac: {  	[sflag:s11] =	ssyncset.done $0x0  }
0x1ad: {  	[sflag:s11] =	ssyncadd.s32 $0xFFFFFF00  }
0x1ae: {  	[tilespmem:s13], [sflag:$0x1] =	stream.indirect.gather [hbm4b:s3+s12], $0x80, s2, s12, $0xb8;
	[tilespmem:$0x10200] =	vst v63  }
0x1af: {  	_ =	swait.ge [sflag:s14], $0x8000  }
0x1b0: {  	[sflag:s14] =	ssyncset.done $0x0  }
0x1b1: {  	[sflag:s14] =	ssyncadd.s32 $0xFFFF8000  }
0x1b2: {  	[hbm4b:s19+s2] =	stream.linear.scatter [tilespmem:s9], [sflag:$0x4], $0x8000, $0x38;
	[tilespmem:$0x10200] =	vst v63  }
0x1b3: {  	_ =	swait.ge [sflag:s6], $0x8000  }
0x1b4: {  	[sflag:s6] =	ssyncset.done $0x0  }
0x1b5: {  	[sflag:s6] =	ssyncadd.s32 $0xFFFF8000  }
0x1b6: {  	[tilespmem:s12], [sflag:$0x5] =	stream.linear.gather [hbm4b:s18+s2], $0x100, $0x38;
	[tilespmem:$0x10200] =	vst v63  }
0x1b7: {  	_ =	swait.ge [sflag:s11], $0x100  }
0x1b8: {  	[sflag:s11] =	ssyncset.done $0x0  }
0x1b9: {  	[sflag:s11] =	ssyncadd.s32 $0xFFFFFF00  }
0x1ba: {  	[tilespmem:s9], [sflag:$0x2] =	stream.indirect.gather [hbm4b:s3+s12], $0x80, s12, s12, $0xb8;
	[tilespmem:$0x10200] =	vst v63  }
0x1bb: {  	_ =	swait.ge [sflag:s15], $0x8000  }
0x1bc: {  	[sflag:s15] =	ssyncset.done $0x0  }
0x1bd: {  	[sflag:s15] =	ssyncadd.s32 $0xFFFF8000  }
0x1be: {  	[hbm4b:s16+s2] =	stream.linear.scatter [tilespmem:s13], [sflag:$0x3], $0x8000, $0x38;
	[tilespmem:$0x10200] =	vst v63  }
0x1bf: {  	_ =	swait.ge [sflag:s7], $0x8000  }
0x1c0: {  	[sflag:s7] =	ssyncset.done $0x0  }
0x1c1: {  	[sflag:s7] =	ssyncadd.s32 $0xFFFF8000  }
0x1c2: {  	[tilespmem:s2], [sflag:$0x5] =	stream.linear.gather [hbm4b:s17+s2], $0x100, $0x38;
	[tilespmem:$0x10200] =	vst v63  }
0x1c3: {  	_ =	swait.ge [sflag:s11], $0x100  }
0x1c4: {  	[sflag:s11] =	ssyncset.done $0x0  }
0x1c5: {  	[sflag:s11] =	ssyncadd.s32 $0xFFFFFF00  }
0x1c6: {  	[tilespmem:s13], [sflag:$0x1] =	stream.indirect.gather [hbm4b:s3+s12], $0x80, s2, s12, $0xb8;
	[tilespmem:$0x10200] =	vst v63  }
0x1c7: {  	_ =	swait.ge [sflag:s14], $0x8000  }
0x1c8: {  	[sflag:s14] =	ssyncset.done $0x0  }
0x1c9: {  	[sflag:s14] =	ssyncadd.s32 $0xFFFF8000  }
0x1ca: {  	[hbm4b:s10+s2] =	stream.linear.scatter [tilespmem:s9], [sflag:$0x4], $0x8000, $0x38;
	[tilespmem:$0x10200] =	vst v63  }
0x1cb: {  	_ =	swait.ge [sflag:s6], $0x8000  }
0x1cc: {  	[sflag:s6] =	ssyncset.done $0x0  }
0x1cd: {  	[sflag:s6] =	ssyncadd.s32 $0xFFFF8000  }
0x1ce: {  	[tilespmem:s12], [sflag:$0x5] =	stream.linear.gather [hbm4b:s8+s2], $0x100, $0x38;
	[tilespmem:$0x10200] =	vst v63  }
0x1cf: {  	_ =	swait.ge [sflag:s11], $0x100  }
0x1d0: {  	[sflag:s11] =	ssyncset.done $0x0  }
0x1d1: {  	[sflag:s11] =	ssyncadd.s32 $0xFFFFFF00  }
0x1d2: {  	[tilespmem:s9], [sflag:$0x2] =	stream.indirect.gather [hbm4b:s3+s12], $0x80, s12, s12, $0xb8;
	[tilespmem:$0x10200] =	vst v63  }
0x1d3: {  	_ =	swait.ge [sflag:s15], $0x8000  }
0x1d4: {  	[sflag:s15] =	ssyncset.done $0x0  }
0x1d5: {  	[sflag:s15] =	ssyncadd.s32 $0xFFFF8000  }
0x1d6: {  	[hbm4b:s5+s2] =	stream.linear.scatter [tilespmem:s13], [sflag:$0x3], $0x8000, $0x38;
	[tilespmem:$0x10200] =	vst v63  }
0x1d7: {  	_ =	swait.ge [sflag:s14], $0x8000  }
0x1d8: {  	[sflag:s14] =	ssyncset.done $0x0  }
0x1d9: {  	p1 =	sne.s32 s1, $0x1;
	[sflag:s14] =	ssyncadd.s32 $0xFFFF8000  }
0x1da: {  	[hbm4b:s4+s2] =	stream.linear.scatter [tilespmem:s9], [sflag:$0x4], $0x8000, $0x38;
	[tilespmem:$0x10200] =	vst v63  }
.Ltmp1:
0x1db: {  	_ =	swait.ge [sflag:s7], $0x8000;
	(pc) =	sbr.rel @!p1 .LBB2_3-.Ltmp1, $4  }
0x1dc: {  	[sflag:s7] =	ssyncset.done $0x0  }
0x1dd: {  	[sflag:s7] =	ssyncadd.s32 $0xFFFF8000  }
0x1de: {  	s1 =	sadd.s32 $0xFFFFFFFF, s1;
	_ =	swait.ge [sflag:s6], $0x8000  }
0x1df: {  	p0 =	por $0x1, $0x1;
	s0 =	rddreg [dreg:$0x3];
	[sflag:s6] =	ssyncset.done $0x0  }
.LBB2_2:
0x1e0: {  	[sflag:s6] =	ssyncadd.s32 $0xFFFF8000  }
0x1e1: {  	[tilespmem:s2], [sflag:$0x5] =	stream.linear.gather [hbm4b:s0+s2], $0x100, $0x38;
	[tilespmem:$0x10200] =	vst v63  }
0x1e2: {  	_ =	swait.ge [sflag:s11], $0x100  }
0x1e3: {  	[sflag:s11] =	ssyncset.done $0x0  }
0x1e4: {  	[sflag:s11] =	ssyncadd.s32 $0xFFFFFF00  }
0x1e5: {  	[tilespmem:s13], [sflag:$0x1] =	stream.indirect.gather [hbm4b:s3+s12], $0x80, s2, s12, $0xb8;
	[tilespmem:$0x10200] =	vst v63  }
0x1e6: {  	s0 =	rddreg [dreg:$0x4]  }
0x1e7: {  	[tilespmem:s12], [sflag:$0x5] =	stream.linear.gather [hbm4b:s0+s2], $0x100, $0x38;
	[tilespmem:$0x10200] =	vst v63  }
0x1e8: {  	_ =	swait.ge [sflag:s11], $0x100  }
0x1e9: {  	[sflag:s11] =	ssyncset.done $0x0  }
0x1ea: {  	[sflag:s11] =	ssyncadd.s32 $0xFFFFFF00  }
0x1eb: {  	[tilespmem:s9], [sflag:$0x2] =	stream.indirect.gather [hbm4b:s3+s12], $0x80, s12, s12, $0xb8;
	[tilespmem:$0x10200] =	vst v63  }
0x1ec: {  	_ =	swait.ge [sflag:s15], $0x8000  }
0x1ed: {  	[sflag:s15] =	ssyncset.done $0x0  }
0x1ee: {  	s0 =	rddreg [dreg:$0x5];
	[sflag:s15] =	ssyncadd.s32 $0xFFFF8000  }
0x1ef: {  	[hbm4b:s0+s2] =	stream.linear.scatter [tilespmem:s13], [sflag:$0x3], $0x8000, $0x38;
	[tilespmem:$0x10200] =	vst v63  }
0x1f0: {  	_ =	swait.ge [sflag:s7], $0x8000  }
0x1f1: {  	[sflag:s7] =	ssyncset.done $0x0  }
0x1f2: {  	s0 =	rddreg [dreg:$0x6];
	[sflag:s7] =	ssyncadd.s32 $0xFFFF8000  }
0x1f3: {  	[tilespmem:s2], [sflag:$0x5] =	stream.linear.gather [hbm4b:s0+s2], $0x100, $0x38;
	[tilespmem:$0x10200] =	vst v63  }
0x1f4: {  	_ =	swait.ge [sflag:s11], $0x100  }
0x1f5: {  	[sflag:s11] =	ssyncset.done $0x0  }
0x1f6: {  	[sflag:s11] =	ssyncadd.s32 $0xFFFFFF00  }
0x1f7: {  	[tilespmem:s13], [sflag:$0x1] =	stream.indirect.gather [hbm4b:s3+s12], $0x80, s2, s12, $0xb8;
	[tilespmem:$0x10200] =	vst v63  }
0x1f8: {  	_ =	swait.ge [sflag:s14], $0x8000  }
0x1f9: {  	[sflag:s14] =	ssyncset.done $0x0  }
0x1fa: {  	s0 =	rddreg [dreg:$0x7];
	[sflag:s14] =	ssyncadd.s32 $0xFFFF8000  }
0x1fb: {  	[hbm4b:s0+s2] =	stream.linear.scatter [tilespmem:s9], [sflag:$0x4], $0x8000, $0x38;
	[tilespmem:$0x10200] =	vst v63  }
0x1fc: {  	_ =	swait.ge [sflag:s6], $0x8000  }
0x1fd: {  	[sflag:s6] =	ssyncset.done $0x0  }
0x1fe: {  	s0 =	rddreg [dreg:$0x8];
	[sflag:s6] =	ssyncadd.s32 $0xFFFF8000  }
0x1ff: {  	[tilespmem:s12], [sflag:$0x5] =	stream.linear.gather [hbm4b:s0+s2], $0x100, $0x38;
	[tilespmem:$0x10200] =	vst v63  }
0x200: {  	_ =	swait.ge [sflag:s11], $0x100  }
0x201: {  	[sflag:s11] =	ssyncset.done $0x0  }
0x202: {  	[sflag:s11] =	ssyncadd.s32 $0xFFFFFF00  }
0x203: {  	[tilespmem:s9], [sflag:$0x2] =	stream.indirect.gather [hbm4b:s3+s12], $0x80, s12, s12, $0xb8;
	[tilespmem:$0x10200] =	vst v63  }
0x204: {  	_ =	swait.ge [sflag:s15], $0x8000  }
0x205: {  	[sflag:s15] =	ssyncset.done $0x0  }
0x206: {  	s0 =	rddreg [dreg:$0x9];
	[sflag:s15] =	ssyncadd.s32 $0xFFFF8000  }
0x207: {  	[hbm4b:s0+s2] =	stream.linear.scatter [tilespmem:s13], [sflag:$0x3], $0x8000, $0x38;
	[tilespmem:$0x10200] =	vst v63  }
0x208: {  	_ =	swait.ge [sflag:s7], $0x8000  }
0x209: {  	[sflag:s7] =	ssyncset.done $0x0  }
0x20a: {  	s0 =	rddreg [dreg:$0xa];
	[sflag:s7] =	ssyncadd.s32 $0xFFFF8000  }
0x20b: {  	[tilespmem:s2], [sflag:$0x5] =	stream.linear.gather [hbm4b:s0+s2], $0x100, $0x38;
	[tilespmem:$0x10200] =	vst v63  }
0x20c: {  	_ =	swait.ge [sflag:s11], $0x100  }
0x20d: {  	[sflag:s11] =	ssyncset.done $0x0  }
0x20e: {  	[sflag:s11] =	ssyncadd.s32 $0xFFFFFF00  }
0x20f: {  	[tilespmem:s13], [sflag:$0x1] =	stream.indirect.gather [hbm4b:s3+s12], $0x80, s2, s12, $0xb8;
	[tilespmem:$0x10200] =	vst v63  }
0x210: {  	_ =	swait.ge [sflag:s14], $0x8000  }
0x211: {  	[sflag:s14] =	ssyncset.done $0x0  }
0x212: {  	s0 =	rddreg [dreg:$0xb];
	[sflag:s14] =	ssyncadd.s32 $0xFFFF8000  }
0x213: {  	[hbm4b:s0+s2] =	stream.linear.scatter [tilespmem:s9], [sflag:$0x4], $0x8000, $0x38;
	[tilespmem:$0x10200] =	vst v63  }
0x214: {  	_ =	swait.ge [sflag:s6], $0x8000  }
0x215: {  	[sflag:s6] =	ssyncset.done $0x0  }
0x216: {  	s0 =	rddreg [dreg:$0xc];
	[sflag:s6] =	ssyncadd.s32 $0xFFFF8000  }
0x217: {  	[tilespmem:s12], [sflag:$0x5] =	stream.linear.gather [hbm4b:s0+s2], $0x100, $0x38;
	[tilespmem:$0x10200] =	vst v63  }
0x218: {  	_ =	swait.ge [sflag:s11], $0x100  }
0x219: {  	[sflag:s11] =	ssyncset.done $0x0  }
0x21a: {  	[sflag:s11] =	ssyncadd.s32 $0xFFFFFF00  }
0x21b: {  	[tilespmem:s9], [sflag:$0x2] =	stream.indirect.gather [hbm4b:s3+s12], $0x80, s12, s12, $0xb8;
	[tilespmem:$0x10200] =	vst v63  }
0x21c: {  	_ =	swait.ge [sflag:s15], $0x8000  }
0x21d: {  	[sflag:s15] =	ssyncset.done $0x0  }
0x21e: {  	s0 =	rddreg [dreg:$0xd];
	[sflag:s15] =	ssyncadd.s32 $0xFFFF8000  }
0x21f: {  	[hbm4b:s0+s2] =	stream.linear.scatter [tilespmem:s13], [sflag:$0x3], $0x8000, $0x38;
	[tilespmem:$0x10200] =	vst v63  }
0x220: {  	_ =	swait.ge [sflag:s7], $0x8000  }
0x221: {  	[sflag:s7] =	ssyncset.done $0x0  }
0x222: {  	s0 =	rddreg [dreg:$0xe];
	[sflag:s7] =	ssyncadd.s32 $0xFFFF8000  }
0x223: {  	[tilespmem:s2], [sflag:$0x5] =	stream.linear.gather [hbm4b:s0+s2], $0x100, $0x38;
	[tilespmem:$0x10200] =	vst v63  }
0x224: {  	_ =	swait.ge [sflag:s11], $0x100  }
0x225: {  	[sflag:s11] =	ssyncset.done $0x0  }
0x226: {  	[sflag:s11] =	ssyncadd.s32 $0xFFFFFF00  }
0x227: {  	[tilespmem:s13], [sflag:$0x1] =	stream.indirect.gather [hbm4b:s3+s12], $0x80, s2, s12, $0xb8;
	[tilespmem:$0x10200] =	vst v63  }
0x228: {  	_ =	swait.ge [sflag:s14], $0x8000  }
0x229: {  	[sflag:s14] =	ssyncset.done $0x0  }
0x22a: {  	s0 =	rddreg [dreg:$0xf];
	[sflag:s14] =	ssyncadd.s32 $0xFFFF8000  }
0x22b: {  	[hbm4b:s0+s2] =	stream.linear.scatter [tilespmem:s9], [sflag:$0x4], $0x8000, $0x38;
	[tilespmem:$0x10200] =	vst v63  }
0x22c: {  	_ =	swait.ge [sflag:s6], $0x8000  }
0x22d: {  	[sflag:s6] =	ssyncset.done $0x0  }
0x22e: {  	s0 =	rddreg [dreg:$0x10];
	[sflag:s6] =	ssyncadd.s32 $0xFFFF8000  }
0x22f: {  	[tilespmem:s12], [sflag:$0x5] =	stream.linear.gather [hbm4b:s0+s2], $0x100, $0x38;
	[tilespmem:$0x10200] =	vst v63  }
0x230: {  	_ =	swait.ge [sflag:s11], $0x100  }
0x231: {  	[sflag:s11] =	ssyncset.done $0x0  }
0x232: {  	[sflag:s11] =	ssyncadd.s32 $0xFFFFFF00  }
0x233: {  	[tilespmem:s9], [sflag:$0x2] =	stream.indirect.gather [hbm4b:s3+s12], $0x80, s12, s12, $0xb8;
	[tilespmem:$0x10200] =	vst v63  }
0x234: {  	_ =	swait.ge [sflag:s15], $0x8000  }
0x235: {  	[sflag:s15] =	ssyncset.done $0x0  }
0x236: {  	s0 =	rddreg [dreg:$0x11];
	[sflag:s15] =	ssyncadd.s32 $0xFFFF8000  }
0x237: {  	[hbm4b:s0+s2] =	stream.linear.scatter [tilespmem:s13], [sflag:$0x3], $0x8000, $0x38;
	[tilespmem:$0x10200] =	vst v63  }
0x238: {  	_ =	swait.ge [sflag:s7], $0x8000  }
0x239: {  	[sflag:s7] =	ssyncset.done $0x0  }
0x23a: {  	s0 =	rddreg [dreg:$0x12];
	[sflag:s7] =	ssyncadd.s32 $0xFFFF8000  }
0x23b: {  	[tilespmem:s2], [sflag:$0x5] =	stream.linear.gather [hbm4b:s0+s2], $0x100, $0x38;
	[tilespmem:$0x10200] =	vst v63  }
0x23c: {  	_ =	swait.ge [sflag:s11], $0x100  }
0x23d: {  	[sflag:s11] =	ssyncset.done $0x0  }
0x23e: {  	[sflag:s11] =	ssyncadd.s32 $0xFFFFFF00  }
0x23f: {  	[tilespmem:s13], [sflag:$0x1] =	stream.indirect.gather [hbm4b:s3+s12], $0x80, s2, s12, $0xb8;
	[tilespmem:$0x10200] =	vst v63  }
0x240: {  	_ =	swait.ge [sflag:s14], $0x8000  }
0x241: {  	[sflag:s14] =	ssyncset.done $0x0  }
0x242: {  	s0 =	rddreg [dreg:$0x13];
	[sflag:s14] =	ssyncadd.s32 $0xFFFF8000  }
0x243: {  	[hbm4b:s0+s2] =	stream.linear.scatter [tilespmem:s9], [sflag:$0x4], $0x8000, $0x38;
	[tilespmem:$0x10200] =	vst v63  }
0x244: {  	_ =	swait.ge [sflag:s6], $0x8000  }
0x245: {  	[sflag:s6] =	ssyncset.done $0x0  }
0x246: {  	s0 =	rddreg [dreg:$0x14];
	[sflag:s6] =	ssyncadd.s32 $0xFFFF8000  }
0x247: {  	[tilespmem:s12], [sflag:$0x5] =	stream.linear.gather [hbm4b:s0+s2], $0x100, $0x38;
	[tilespmem:$0x10200] =	vst v63  }
0x248: {  	_ =	swait.ge [sflag:s11], $0x100  }
0x249: {  	[sflag:s11] =	ssyncset.done $0x0  }
0x24a: {  	[sflag:s11] =	ssyncadd.s32 $0xFFFFFF00  }
0x24b: {  	[tilespmem:s9], [sflag:$0x2] =	stream.indirect.gather [hbm4b:s3+s12], $0x80, s12, s12, $0xb8;
	[tilespmem:$0x10200] =	vst v63  }
0x24c: {  	_ =	swait.ge [sflag:s15], $0x8000  }
0x24d: {  	[sflag:s15] =	ssyncset.done $0x0  }
0x24e: {  	s0 =	rddreg [dreg:$0x15];
	[sflag:s15] =	ssyncadd.s32 $0xFFFF8000  }
0x24f: {  	[hbm4b:s0+s2] =	stream.linear.scatter [tilespmem:s13], [sflag:$0x3], $0x8000, $0x38;
	[tilespmem:$0x10200] =	vst v63  }
0x250: {  	_ =	swait.ge [sflag:s7], $0x8000  }
0x251: {  	[sflag:s7] =	ssyncset.done $0x0  }
0x252: {  	s0 =	rddreg [dreg:$0x16];
	[sflag:s7] =	ssyncadd.s32 $0xFFFF8000  }
0x253: {  	[tilespmem:s2], [sflag:$0x5] =	stream.linear.gather [hbm4b:s0+s2], $0x100, $0x38;
	[tilespmem:$0x10200] =	vst v63  }
0x254: {  	_ =	swait.ge [sflag:s11], $0x100  }
0x255: {  	[sflag:s11] =	ssyncset.done $0x0  }
0x256: {  	[sflag:s11] =	ssyncadd.s32 $0xFFFFFF00  }
0x257: {  	[tilespmem:s13], [sflag:$0x1] =	stream.indirect.gather [hbm4b:s3+s12], $0x80, s2, s12, $0xb8;
	[tilespmem:$0x10200] =	vst v63  }
0x258: {  	_ =	swait.ge [sflag:s14], $0x8000  }
0x259: {  	[sflag:s14] =	ssyncset.done $0x0  }
0x25a: {  	s0 =	rddreg [dreg:$0x17];
	[sflag:s14] =	ssyncadd.s32 $0xFFFF8000  }
0x25b: {  	[hbm4b:s0+s2] =	stream.linear.scatter [tilespmem:s9], [sflag:$0x4], $0x8000, $0x38;
	[tilespmem:$0x10200] =	vst v63  }
0x25c: {  	_ =	swait.ge [sflag:s6], $0x8000  }
0x25d: {  	[sflag:s6] =	ssyncset.done $0x0  }
0x25e: {  	s0 =	rddreg [dreg:$0x18];
	[sflag:s6] =	ssyncadd.s32 $0xFFFF8000  }
0x25f: {  	[tilespmem:s12], [sflag:$0x5] =	stream.linear.gather [hbm4b:s0+s2], $0x100, $0x38;
	[tilespmem:$0x10200] =	vst v63  }
0x260: {  	_ =	swait.ge [sflag:s11], $0x100  }
0x261: {  	[sflag:s11] =	ssyncset.done $0x0  }
0x262: {  	[sflag:s11] =	ssyncadd.s32 $0xFFFFFF00  }
0x263: {  	[tilespmem:s9], [sflag:$0x2] =	stream.indirect.gather [hbm4b:s3+s12], $0x80, s12, s12, $0xb8;
	[tilespmem:$0x10200] =	vst v63  }
0x264: {  	_ =	swait.ge [sflag:s15], $0x8000  }
0x265: {  	[sflag:s15] =	ssyncset.done $0x0  }
0x266: {  	s0 =	rddreg [dreg:$0x19];
	[sflag:s15] =	ssyncadd.s32 $0xFFFF8000  }
0x267: {  	[hbm4b:s0+s2] =	stream.linear.scatter [tilespmem:s13], [sflag:$0x3], $0x8000, $0x38;
	[tilespmem:$0x10200] =	vst v63  }
0x268: {  	_ =	swait.ge [sflag:s7], $0x8000  }
0x269: {  	[sflag:s7] =	ssyncset.done $0x0  }
0x26a: {  	s0 =	rddreg [dreg:$0x1a];
	[sflag:s7] =	ssyncadd.s32 $0xFFFF8000  }
0x26b: {  	[tilespmem:s2], [sflag:$0x5] =	stream.linear.gather [hbm4b:s0+s2], $0x100, $0x38;
	[tilespmem:$0x10200] =	vst v63  }
0x26c: {  	_ =	swait.ge [sflag:s11], $0x100  }
0x26d: {  	[sflag:s11] =	ssyncset.done $0x0  }
0x26e: {  	[sflag:s11] =	ssyncadd.s32 $0xFFFFFF00  }
0x26f: {  	[tilespmem:s13], [sflag:$0x1] =	stream.indirect.gather [hbm4b:s3+s12], $0x80, s2, s12, $0xb8;
	[tilespmem:$0x10200] =	vst v63  }
0x270: {  	_ =	swait.ge [sflag:s14], $0x8000  }
0x271: {  	[sflag:s14] =	ssyncset.done $0x0  }
0x272: {  	s0 =	rddreg [dreg:$0x1b];
	[sflag:s14] =	ssyncadd.s32 $0xFFFF8000  }
0x273: {  	[hbm4b:s0+s2] =	stream.linear.scatter [tilespmem:s9], [sflag:$0x4], $0x8000, $0x38;
	[tilespmem:$0x10200] =	vst v63  }
0x274: {  	_ =	swait.ge [sflag:s6], $0x8000  }
0x275: {  	[sflag:s6] =	ssyncset.done $0x0  }
0x276: {  	s0 =	rddreg [dreg:$0x1c];
	[sflag:s6] =	ssyncadd.s32 $0xFFFF8000  }
0x277: {  	[tilespmem:s12], [sflag:$0x5] =	stream.linear.gather [hbm4b:s0+s2], $0x100, $0x38;
	[tilespmem:$0x10200] =	vst v63  }
0x278: {  	_ =	swait.ge [sflag:s11], $0x100  }
0x279: {  	[sflag:s11] =	ssyncset.done $0x0  }
0x27a: {  	[sflag:s11] =	ssyncadd.s32 $0xFFFFFF00  }
0x27b: {  	[tilespmem:s9], [sflag:$0x2] =	stream.indirect.gather [hbm4b:s3+s12], $0x80, s12, s12, $0xb8;
	[tilespmem:$0x10200] =	vst v63  }
0x27c: {  	_ =	swait.ge [sflag:s15], $0x8000  }
0x27d: {  	[sflag:s15] =	ssyncset.done $0x0  }
0x27e: {  	s0 =	rddreg [dreg:$0x1d];
	[sflag:s15] =	ssyncadd.s32 $0xFFFF8000  }
0x27f: {  	[hbm4b:s0+s2] =	stream.linear.scatter [tilespmem:s13], [sflag:$0x3], $0x8000, $0x38;
	[tilespmem:$0x10200] =	vst v63  }
0x280: {  	_ =	swait.ge [sflag:s7], $0x8000  }
0x281: {  	[sflag:s7] =	ssyncset.done $0x0  }
0x282: {  	s0 =	rddreg [dreg:$0x1e];
	[sflag:s7] =	ssyncadd.s32 $0xFFFF8000  }
0x283: {  	[tilespmem:s2], [sflag:$0x5] =	stream.linear.gather [hbm4b:s0+s2], $0x100, $0x38;
	[tilespmem:$0x10200] =	vst v63  }
0x284: {  	_ =	swait.ge [sflag:s11], $0x100  }
0x285: {  	[sflag:s11] =	ssyncset.done $0x0  }
0x286: {  	[sflag:s11] =	ssyncadd.s32 $0xFFFFFF00  }
0x287: {  	[tilespmem:s13], [sflag:$0x1] =	stream.indirect.gather [hbm4b:s3+s12], $0x80, s2, s12, $0xb8;
	[tilespmem:$0x10200] =	vst v63  }
0x288: {  	_ =	swait.ge [sflag:s14], $0x8000  }
0x289: {  	[sflag:s14] =	ssyncset.done $0x0  }
0x28a: {  	s0 =	rddreg [dreg:$0x1f];
	[sflag:s14] =	ssyncadd.s32 $0xFFFF8000  }
0x28b: {  	[hbm4b:s0+s2] =	stream.linear.scatter [tilespmem:s9], [sflag:$0x4], $0x8000, $0x38;
	[tilespmem:$0x10200] =	vst v63  }
0x28c: {  	_ =	swait.ge [sflag:s6], $0x8000  }
0x28d: {  	s0 =	sld [smem:$0x7EE]  }
0x28e: {  	[sflag:s6] =	ssyncset.done $0x0  }
0x28f: {  	[sflag:s6] =	ssyncadd.s32 $0xFFFF8000  }
0x290: {  	[tilespmem:s12], [sflag:$0x5] =	stream.linear.gather [hbm4b:s0+s2], $0x100, $0x38;
	[tilespmem:$0x10200] =	vst v63  }
0x291: {  	_ =	swait.ge [sflag:s11], $0x100  }
0x292: {  	[sflag:s11] =	ssyncset.done $0x0  }
0x293: {  	[sflag:s11] =	ssyncadd.s32 $0xFFFFFF00  }
0x294: {  	[tilespmem:s9], [sflag:$0x2] =	stream.indirect.gather [hbm4b:s3+s12], $0x80, s12, s12, $0xb8;
	[tilespmem:$0x10200] =	vst v63  }
0x295: {  	_ =	swait.ge [sflag:s15], $0x8000  }
0x296: {  	s0 =	sld [smem:$0x7EF]  }
0x297: {  	[sflag:s15] =	ssyncset.done $0x0  }
0x298: {  	[sflag:s15] =	ssyncadd.s32 $0xFFFF8000  }
0x299: {  	[hbm4b:s0+s2] =	stream.linear.scatter [tilespmem:s13], [sflag:$0x3], $0x8000, $0x38;
	[tilespmem:$0x10200] =	vst v63  }
0x29a: {  	_ =	swait.ge [sflag:s7], $0x8000  }
0x29b: {  	s0 =	sld [smem:$0x7F0]  }
0x29c: {  	[sflag:s7] =	ssyncset.done $0x0  }
0x29d: {  	[sflag:s7] =	ssyncadd.s32 $0xFFFF8000  }
0x29e: {  	[tilespmem:s2], [sflag:$0x5] =	stream.linear.gather [hbm4b:s0+s2], $0x100, $0x38;
	[tilespmem:$0x10200] =	vst v63  }
0x29f: {  	_ =	swait.ge [sflag:s11], $0x100  }
0x2a0: {  	[sflag:s11] =	ssyncset.done $0x0  }
0x2a1: {  	[sflag:s11] =	ssyncadd.s32 $0xFFFFFF00  }
0x2a2: {  	[tilespmem:s13], [sflag:$0x1] =	stream.indirect.gather [hbm4b:s3+s12], $0x80, s2, s12, $0xb8;
	[tilespmem:$0x10200] =	vst v63  }
0x2a3: {  	_ =	swait.ge [sflag:s14], $0x8000  }
0x2a4: {  	s0 =	sld [smem:$0x7F1]  }
0x2a5: {  	[sflag:s14] =	ssyncset.done $0x0  }
0x2a6: {  	[sflag:s14] =	ssyncadd.s32 $0xFFFF8000  }
0x2a7: {  	[hbm4b:s0+s2] =	stream.linear.scatter [tilespmem:s9], [sflag:$0x4], $0x8000, $0x38;
	[tilespmem:$0x10200] =	vst v63  }
0x2a8: {  	_ =	swait.ge [sflag:s6], $0x8000  }
0x2a9: {  	s0 =	sld [smem:$0x7F2]  }
0x2aa: {  	[sflag:s6] =	ssyncset.done $0x0  }
0x2ab: {  	[sflag:s6] =	ssyncadd.s32 $0xFFFF8000  }
0x2ac: {  	[tilespmem:s12], [sflag:$0x5] =	stream.linear.gather [hbm4b:s0+s2], $0x100, $0x38;
	[tilespmem:$0x10200] =	vst v63  }
0x2ad: {  	_ =	swait.ge [sflag:s11], $0x100  }
0x2ae: {  	[sflag:s11] =	ssyncset.done $0x0  }
0x2af: {  	[sflag:s11] =	ssyncadd.s32 $0xFFFFFF00  }
0x2b0: {  	[tilespmem:s9], [sflag:$0x2] =	stream.indirect.gather [hbm4b:s3+s12], $0x80, s12, s12, $0xb8;
	[tilespmem:$0x10200] =	vst v63  }
0x2b1: {  	_ =	swait.ge [sflag:s15], $0x8000  }
0x2b2: {  	s0 =	sld [smem:$0x7F3]  }
0x2b3: {  	[sflag:s15] =	ssyncset.done $0x0  }
0x2b4: {  	[sflag:s15] =	ssyncadd.s32 $0xFFFF8000  }
0x2b5: {  	[hbm4b:s0+s2] =	stream.linear.scatter [tilespmem:s13], [sflag:$0x3], $0x8000, $0x38;
	[tilespmem:$0x10200] =	vst v63  }
0x2b6: {  	_ =	swait.ge [sflag:s7], $0x8000  }
0x2b7: {  	s0 =	sld [smem:$0x7F4]  }
0x2b8: {  	[sflag:s7] =	ssyncset.done $0x0  }
0x2b9: {  	[sflag:s7] =	ssyncadd.s32 $0xFFFF8000  }
0x2ba: {  	[tilespmem:s2], [sflag:$0x5] =	stream.linear.gather [hbm4b:s0+s2], $0x100, $0x38;
	[tilespmem:$0x10200] =	vst v63  }
0x2bb: {  	_ =	swait.ge [sflag:s11], $0x100  }
0x2bc: {  	[sflag:s11] =	ssyncset.done $0x0  }
0x2bd: {  	[sflag:s11] =	ssyncadd.s32 $0xFFFFFF00  }
0x2be: {  	[tilespmem:s13], [sflag:$0x1] =	stream.indirect.gather [hbm4b:s3+s12], $0x80, s2, s12, $0xb8;
	[tilespmem:$0x10200] =	vst v63  }
0x2bf: {  	_ =	swait.ge [sflag:s14], $0x8000  }
0x2c0: {  	s0 =	sld [smem:$0x7F5]  }
0x2c1: {  	[sflag:s14] =	ssyncset.done $0x0  }
0x2c2: {  	[sflag:s14] =	ssyncadd.s32 $0xFFFF8000  }
0x2c3: {  	[hbm4b:s0+s2] =	stream.linear.scatter [tilespmem:s9], [sflag:$0x4], $0x8000, $0x38;
	[tilespmem:$0x10200] =	vst v63  }
0x2c4: {  	_ =	swait.ge [sflag:s6], $0x8000  }
0x2c5: {  	s0 =	sld [smem:$0x7F6]  }
0x2c6: {  	[sflag:s6] =	ssyncset.done $0x0  }
0x2c7: {  	[sflag:s6] =	ssyncadd.s32 $0xFFFF8000  }
0x2c8: {  	[tilespmem:s12], [sflag:$0x5] =	stream.linear.gather [hbm4b:s0+s2], $0x100, $0x38;
	[tilespmem:$0x10200] =	vst v63  }
0x2c9: {  	_ =	swait.ge [sflag:s11], $0x100  }
0x2ca: {  	[sflag:s11] =	ssyncset.done $0x0  }
0x2cb: {  	[sflag:s11] =	ssyncadd.s32 $0xFFFFFF00  }
0x2cc: {  	[tilespmem:s9], [sflag:$0x2] =	stream.indirect.gather [hbm4b:s3+s12], $0x80, s12, s12, $0xb8;
	[tilespmem:$0x10200] =	vst v63  }
0x2cd: {  	_ =	swait.ge [sflag:s15], $0x8000  }
0x2ce: {  	s0 =	sld [smem:$0x7F7]  }
0x2cf: {  	[sflag:s15] =	ssyncset.done $0x0  }
0x2d0: {  	[sflag:s15] =	ssyncadd.s32 $0xFFFF8000  }
0x2d1: {  	[hbm4b:s0+s2] =	stream.linear.scatter [tilespmem:s13], [sflag:$0x3], $0x8000, $0x38;
	[tilespmem:$0x10200] =	vst v63  }
0x2d2: {  	_ =	swait.ge [sflag:s7], $0x8000  }
0x2d3: {  	s0 =	sld [smem:$0x7F8]  }
0x2d4: {  	[sflag:s7] =	ssyncset.done $0x0  }
0x2d5: {  	[sflag:s7] =	ssyncadd.s32 $0xFFFF8000  }
0x2d6: {  	[tilespmem:s2], [sflag:$0x5] =	stream.linear.gather [hbm4b:s0+s2], $0x100, $0x38;
	[tilespmem:$0x10200] =	vst v63  }
0x2d7: {  	_ =	swait.ge [sflag:s11], $0x100  }
0x2d8: {  	[sflag:s11] =	ssyncset.done $0x0  }
0x2d9: {  	[sflag:s11] =	ssyncadd.s32 $0xFFFFFF00  }
0x2da: {  	[tilespmem:s13], [sflag:$0x1] =	stream.indirect.gather [hbm4b:s3+s12], $0x80, s2, s12, $0xb8;
	[tilespmem:$0x10200] =	vst v63  }
0x2db: {  	_ =	swait.ge [sflag:s14], $0x8000  }
0x2dc: {  	s0 =	sld [smem:$0x7F9]  }
0x2dd: {  	[sflag:s14] =	ssyncset.done $0x0  }
0x2de: {  	[sflag:s14] =	ssyncadd.s32 $0xFFFF8000  }
0x2df: {  	[hbm4b:s0+s2] =	stream.linear.scatter [tilespmem:s9], [sflag:$0x4], $0x8000, $0x38;
	[tilespmem:$0x10200] =	vst v63  }
0x2e0: {  	_ =	swait.ge [sflag:s6], $0x8000  }
0x2e1: {  	s0 =	sld [smem:$0x7FA]  }
0x2e2: {  	[sflag:s6] =	ssyncset.done $0x0  }
0x2e3: {  	[sflag:s6] =	ssyncadd.s32 $0xFFFF8000  }
0x2e4: {  	[tilespmem:s12], [sflag:$0x5] =	stream.linear.gather [hbm4b:s0+s2], $0x100, $0x38;
	[tilespmem:$0x10200] =	vst v63  }
0x2e5: {  	_ =	swait.ge [sflag:s11], $0x100  }
0x2e6: {  	[sflag:s11] =	ssyncset.done $0x0  }
0x2e7: {  	[sflag:s11] =	ssyncadd.s32 $0xFFFFFF00  }
0x2e8: {  	[tilespmem:s9], [sflag:$0x2] =	stream.indirect.gather [hbm4b:s3+s12], $0x80, s12, s12, $0xb8;
	[tilespmem:$0x10200] =	vst v63  }
0x2e9: {  	_ =	swait.ge [sflag:s15], $0x8000  }
0x2ea: {  	s0 =	sld [smem:$0x7FB]  }
0x2eb: {  	[sflag:s15] =	ssyncset.done $0x0  }
0x2ec: {  	[sflag:s15] =	ssyncadd.s32 $0xFFFF8000  }
0x2ed: {  	[hbm4b:s0+s2] =	stream.linear.scatter [tilespmem:s13], [sflag:$0x3], $0x8000, $0x38;
	[tilespmem:$0x10200] =	vst v63  }
0x2ee: {  	_ =	swait.ge [sflag:s7], $0x8000  }
0x2ef: {  	s0 =	sld [smem:$0x7FC]  }
0x2f0: {  	[sflag:s7] =	ssyncset.done $0x0  }
0x2f1: {  	[sflag:s7] =	ssyncadd.s32 $0xFFFF8000  }
0x2f2: {  	[tilespmem:s2], [sflag:$0x5] =	stream.linear.gather [hbm4b:s0+s2], $0x100, $0x38;
	[tilespmem:$0x10200] =	vst v63  }
0x2f3: {  	_ =	swait.ge [sflag:s11], $0x100  }
0x2f4: {  	[sflag:s11] =	ssyncset.done $0x0  }
0x2f5: {  	[sflag:s11] =	ssyncadd.s32 $0xFFFFFF00  }
0x2f6: {  	[tilespmem:s13], [sflag:$0x1] =	stream.indirect.gather [hbm4b:s3+s12], $0x80, s2, s12, $0xb8;
	[tilespmem:$0x10200] =	vst v63  }
0x2f7: {  	_ =	swait.ge [sflag:s14], $0x8000  }
0x2f8: {  	s0 =	sld [smem:$0x7FD]  }
0x2f9: {  	[sflag:s14] =	ssyncset.done $0x0  }
0x2fa: {  	[sflag:s14] =	ssyncadd.s32 $0xFFFF8000  }
0x2fb: {  	[hbm4b:s0+s2] =	stream.linear.scatter [tilespmem:s9], [sflag:$0x4], $0x8000, $0x38;
	[tilespmem:$0x10200] =	vst v63  }
0x2fc: {  	_ =	swait.ge [sflag:s6], $0x8000  }
0x2fd: {  	[sflag:s6] =	ssyncset.done $0x0  }
0x2fe: {  	[sflag:s6] =	ssyncadd.s32 $0xFFFF8000  }
0x2ff: {  	[tilespmem:s12], [sflag:$0x5] =	stream.linear.gather [hbm4b:s31+s2], $0x100, $0x38;
	[tilespmem:$0x10200] =	vst v63  }
0x300: {  	_ =	swait.ge [sflag:s11], $0x100  }
0x301: {  	[sflag:s11] =	ssyncset.done $0x0  }
0x302: {  	[sflag:s11] =	ssyncadd.s32 $0xFFFFFF00  }
0x303: {  	[tilespmem:s9], [sflag:$0x2] =	stream.indirect.gather [hbm4b:s3+s12], $0x80, s12, s12, $0xb8;
	[tilespmem:$0x10200] =	vst v63  }
0x304: {  	_ =	swait.ge [sflag:s15], $0x8000  }
0x305: {  	[sflag:s15] =	ssyncset.done $0x0  }
0x306: {  	[sflag:s15] =	ssyncadd.s32 $0xFFFF8000  }
0x307: {  	[hbm4b:s29+s2] =	stream.linear.scatter [tilespmem:s13], [sflag:$0x3], $0x8000, $0x38;
	[tilespmem:$0x10200] =	vst v63  }
0x308: {  	_ =	swait.ge [sflag:s7], $0x8000  }
0x309: {  	[sflag:s7] =	ssyncset.done $0x0  }
0x30a: {  	[sflag:s7] =	ssyncadd.s32 $0xFFFF8000  }
0x30b: {  	[tilespmem:s2], [sflag:$0x5] =	stream.linear.gather [hbm4b:s30+s2], $0x100, $0x38;
	[tilespmem:$0x10200] =	vst v63  }
0x30c: {  	_ =	swait.ge [sflag:s11], $0x100  }
0x30d: {  	[sflag:s11] =	ssyncset.done $0x0  }
0x30e: {  	[sflag:s11] =	ssyncadd.s32 $0xFFFFFF00  }
0x30f: {  	[tilespmem:s13], [sflag:$0x1] =	stream.indirect.gather [hbm4b:s3+s12], $0x80, s2, s12, $0xb8;
	[tilespmem:$0x10200] =	vst v63  }
0x310: {  	_ =	swait.ge [sflag:s14], $0x8000  }
0x311: {  	[sflag:s14] =	ssyncset.done $0x0  }
0x312: {  	[sflag:s14] =	ssyncadd.s32 $0xFFFF8000  }
0x313: {  	[hbm4b:s28+s2] =	stream.linear.scatter [tilespmem:s9], [sflag:$0x4], $0x8000, $0x38;
	[tilespmem:$0x10200] =	vst v63  }
0x314: {  	_ =	swait.ge [sflag:s6], $0x8000  }
0x315: {  	[sflag:s6] =	ssyncset.done $0x0  }
0x316: {  	[sflag:s6] =	ssyncadd.s32 $0xFFFF8000  }
0x317: {  	[tilespmem:s12], [sflag:$0x5] =	stream.linear.gather [hbm4b:s26+s2], $0x100, $0x38;
	[tilespmem:$0x10200] =	vst v63  }
0x318: {  	_ =	swait.ge [sflag:s11], $0x100  }
0x319: {  	[sflag:s11] =	ssyncset.done $0x0  }
0x31a: {  	[sflag:s11] =	ssyncadd.s32 $0xFFFFFF00  }
0x31b: {  	[tilespmem:s9], [sflag:$0x2] =	stream.indirect.gather [hbm4b:s3+s12], $0x80, s12, s12, $0xb8;
	[tilespmem:$0x10200] =	vst v63  }
0x31c: {  	_ =	swait.ge [sflag:s15], $0x8000  }
0x31d: {  	[sflag:s15] =	ssyncset.done $0x0  }
0x31e: {  	[sflag:s15] =	ssyncadd.s32 $0xFFFF8000  }
0x31f: {  	[hbm4b:s25+s2] =	stream.linear.scatter [tilespmem:s13], [sflag:$0x3], $0x8000, $0x38;
	[tilespmem:$0x10200] =	vst v63  }
0x320: {  	_ =	swait.ge [sflag:s7], $0x8000  }
0x321: {  	[sflag:s7] =	ssyncset.done $0x0  }
0x322: {  	[sflag:s7] =	ssyncadd.s32 $0xFFFF8000  }
0x323: {  	[tilespmem:s2], [sflag:$0x5] =	stream.linear.gather [hbm4b:s24+s2], $0x100, $0x38;
	[tilespmem:$0x10200] =	vst v63  }
0x324: {  	_ =	swait.ge [sflag:s11], $0x100  }
0x325: {  	[sflag:s11] =	ssyncset.done $0x0  }
0x326: {  	[sflag:s11] =	ssyncadd.s32 $0xFFFFFF00  }
0x327: {  	[tilespmem:s13], [sflag:$0x1] =	stream.indirect.gather [hbm4b:s3+s12], $0x80, s2, s12, $0xb8;
	[tilespmem:$0x10200] =	vst v63  }
0x328: {  	_ =	swait.ge [sflag:s14], $0x8000  }
0x329: {  	[sflag:s14] =	ssyncset.done $0x0  }
0x32a: {  	[sflag:s14] =	ssyncadd.s32 $0xFFFF8000  }
0x32b: {  	[hbm4b:s22+s2] =	stream.linear.scatter [tilespmem:s9], [sflag:$0x4], $0x8000, $0x38;
	[tilespmem:$0x10200] =	vst v63  }
0x32c: {  	_ =	swait.ge [sflag:s6], $0x8000  }
0x32d: {  	[sflag:s6] =	ssyncset.done $0x0  }
0x32e: {  	[sflag:s6] =	ssyncadd.s32 $0xFFFF8000  }
0x32f: {  	[tilespmem:s12], [sflag:$0x5] =	stream.linear.gather [hbm4b:s23+s2], $0x100, $0x38;
	[tilespmem:$0x10200] =	vst v63  }
0x330: {  	_ =	swait.ge [sflag:s11], $0x100  }
0x331: {  	[sflag:s11] =	ssyncset.done $0x0  }
0x332: {  	[sflag:s11] =	ssyncadd.s32 $0xFFFFFF00  }
0x333: {  	[tilespmem:s9], [sflag:$0x2] =	stream.indirect.gather [hbm4b:s3+s12], $0x80, s12, s12, $0xb8;
	[tilespmem:$0x10200] =	vst v63  }
0x334: {  	_ =	swait.ge [sflag:s15], $0x8000  }
0x335: {  	[sflag:s15] =	ssyncset.done $0x0  }
0x336: {  	[sflag:s15] =	ssyncadd.s32 $0xFFFF8000  }
0x337: {  	[hbm4b:s21+s2] =	stream.linear.scatter [tilespmem:s13], [sflag:$0x3], $0x8000, $0x38;
	[tilespmem:$0x10200] =	vst v63  }
0x338: {  	_ =	swait.ge [sflag:s7], $0x8000  }
0x339: {  	[sflag:s7] =	ssyncset.done $0x0  }
0x33a: {  	[sflag:s7] =	ssyncadd.s32 $0xFFFF8000  }
0x33b: {  	[tilespmem:s2], [sflag:$0x5] =	stream.linear.gather [hbm4b:s20+s2], $0x100, $0x38;
	[tilespmem:$0x10200] =	vst v63  }
0x33c: {  	_ =	swait.ge [sflag:s11], $0x100  }
0x33d: {  	[sflag:s11] =	ssyncset.done $0x0  }
0x33e: {  	[sflag:s11] =	ssyncadd.s32 $0xFFFFFF00  }
0x33f: {  	[tilespmem:s13], [sflag:$0x1] =	stream.indirect.gather [hbm4b:s3+s12], $0x80, s2, s12, $0xb8;
	[tilespmem:$0x10200] =	vst v63  }
0x340: {  	_ =	swait.ge [sflag:s14], $0x8000  }
0x341: {  	[sflag:s14] =	ssyncset.done $0x0  }
0x342: {  	[sflag:s14] =	ssyncadd.s32 $0xFFFF8000  }
0x343: {  	[hbm4b:s19+s2] =	stream.linear.scatter [tilespmem:s9], [sflag:$0x4], $0x8000, $0x38;
	[tilespmem:$0x10200] =	vst v63  }
0x344: {  	_ =	swait.ge [sflag:s6], $0x8000  }
0x345: {  	[sflag:s6] =	ssyncset.done $0x0  }
0x346: {  	[sflag:s6] =	ssyncadd.s32 $0xFFFF8000  }
0x347: {  	[tilespmem:s12], [sflag:$0x5] =	stream.linear.gather [hbm4b:s18+s2], $0x100, $0x38;
	[tilespmem:$0x10200] =	vst v63  }
0x348: {  	_ =	swait.ge [sflag:s11], $0x100  }
0x349: {  	[sflag:s11] =	ssyncset.done $0x0  }
0x34a: {  	[sflag:s11] =	ssyncadd.s32 $0xFFFFFF00  }
0x34b: {  	[tilespmem:s9], [sflag:$0x2] =	stream.indirect.gather [hbm4b:s3+s12], $0x80, s12, s12, $0xb8;
	[tilespmem:$0x10200] =	vst v63  }
0x34c: {  	_ =	swait.ge [sflag:s15], $0x8000  }
0x34d: {  	[sflag:s15] =	ssyncset.done $0x0  }
0x34e: {  	[sflag:s15] =	ssyncadd.s32 $0xFFFF8000  }
0x34f: {  	[hbm4b:s16+s2] =	stream.linear.scatter [tilespmem:s13], [sflag:$0x3], $0x8000, $0x38;
	[tilespmem:$0x10200] =	vst v63  }
0x350: {  	_ =	swait.ge [sflag:s7], $0x8000  }
0x351: {  	[sflag:s7] =	ssyncset.done $0x0  }
0x352: {  	[sflag:s7] =	ssyncadd.s32 $0xFFFF8000  }
0x353: {  	[tilespmem:s2], [sflag:$0x5] =	stream.linear.gather [hbm4b:s17+s2], $0x100, $0x38;
	[tilespmem:$0x10200] =	vst v63  }
0x354: {  	_ =	swait.ge [sflag:s11], $0x100  }
0x355: {  	[sflag:s11] =	ssyncset.done $0x0  }
0x356: {  	[sflag:s11] =	ssyncadd.s32 $0xFFFFFF00  }
0x357: {  	[tilespmem:s13], [sflag:$0x1] =	stream.indirect.gather [hbm4b:s3+s12], $0x80, s2, s12, $0xb8;
	[tilespmem:$0x10200] =	vst v63  }
0x358: {  	_ =	swait.ge [sflag:s14], $0x8000  }
0x359: {  	[sflag:s14] =	ssyncset.done $0x0  }
0x35a: {  	[sflag:s14] =	ssyncadd.s32 $0xFFFF8000  }
0x35b: {  	[hbm4b:s10+s2] =	stream.linear.scatter [tilespmem:s9], [sflag:$0x4], $0x8000, $0x38;
	[tilespmem:$0x10200] =	vst v63  }
0x35c: {  	_ =	swait.ge [sflag:s6], $0x8000  }
0x35d: {  	[sflag:s6] =	ssyncset.done $0x0  }
0x35e: {  	[sflag:s6] =	ssyncadd.s32 $0xFFFF8000  }
0x35f: {  	[tilespmem:s12], [sflag:$0x5] =	stream.linear.gather [hbm4b:s8+s2], $0x100, $0x38;
	[tilespmem:$0x10200] =	vst v63  }
0x360: {  	_ =	swait.ge [sflag:s11], $0x100  }
0x361: {  	[sflag:s11] =	ssyncset.done $0x0  }
0x362: {  	[sflag:s11] =	ssyncadd.s32 $0xFFFFFF00  }
0x363: {  	[tilespmem:s9], [sflag:$0x2] =	stream.indirect.gather [hbm4b:s3+s12], $0x80, s12, s12, $0xb8;
	[tilespmem:$0x10200] =	vst v63  }
0x364: {  	_ =	swait.ge [sflag:s15], $0x8000  }
0x365: {  	[sflag:s15] =	ssyncset.done $0x0  }
0x366: {  	[sflag:s15] =	ssyncadd.s32 $0xFFFF8000  }
0x367: {  	[hbm4b:s5+s2] =	stream.linear.scatter [tilespmem:s13], [sflag:$0x3], $0x8000, $0x38;
	[tilespmem:$0x10200] =	vst v63  }
0x368: {  	_ =	swait.ge [sflag:s14], $0x8000  }
0x369: {  	[sflag:s14] =	ssyncset.done $0x0  }
0x36a: {  	p1 =	sne.s32 s1, $0x1;
	[sflag:s14] =	ssyncadd.s32 $0xFFFF8000  }
0x36b: {  	[hbm4b:s4+s2] =	stream.linear.scatter [tilespmem:s9], [sflag:$0x4], $0x8000, $0x38;
	[tilespmem:$0x10200] =	vst v63  }
.Ltmp2:
0x36c: {  	_ =	swait.ge [sflag:s7], $0x8000;
	(pc) =	sbr.rel @p1 .LBB2_2-.Ltmp2, $4  }
0x36d: {  	[sflag:s7] =	ssyncset.done $0x0  }
0x36e: {  	[sflag:s7] =	ssyncadd.s32 $0xFFFF8000  }
0x36f: {  	_ =	swait.ge [sflag:s6], $0x8000  }
0x370: {  	s1 =	sadd.s32 $0xFFFFFFFF, s1;
	s0 =	rddreg [dreg:$0x3];
	[sflag:s6] =	ssyncset.done $0x0  }
.LBB2_3:
0x371: {  	[sflag:s6] =	ssyncadd.s32 @p0 $0xFFFF8000  }
0x372: {  	[tilespmem:s2], [sflag:$0x5] =	stream.linear.gather [hbm4b:s0+s2], $0x100, $0x38;
	[tilespmem:$0x10200] =	vst v63  }
0x373: {  	_ =	swait.ge [sflag:s11], $0x100  }
0x374: {  	[sflag:s11] =	ssyncset.done $0x0  }
0x375: {  	[sflag:s11] =	ssyncadd.s32 $0xFFFFFF00  }
0x376: {  	[tilespmem:s13], [sflag:$0x1] =	stream.indirect.gather [hbm4b:s3+s12], $0x80, s2, s12, $0xb8;
	[tilespmem:$0x10200] =	vst v63  }
0x377: {  	s1 =	rddreg [dreg:$0x4]  }
0x378: {  	[tilespmem:s12], [sflag:$0x5] =	stream.linear.gather [hbm4b:s1+s2], $0x100, $0x38;
	[tilespmem:$0x10200] =	vst v63  }
0x379: {  	_ =	swait.ge [sflag:s11], $0x100  }
0x37a: {  	[sflag:s11] =	ssyncset.done $0x0  }
0x37b: {  	[sflag:s11] =	ssyncadd.s32 $0xFFFFFF00  }
0x37c: {  	[tilespmem:s9], [sflag:$0x2] =	stream.indirect.gather [hbm4b:s3+s12], $0x80, s12, s12, $0xb8;
	[tilespmem:$0x10200] =	vst v63  }
0x37d: {  	_ =	swait.ge [sflag:s15], $0x8000  }
0x37e: {  	[sflag:s15] =	ssyncset.done $0x0  }
0x37f: {  	s1 =	rddreg [dreg:$0x5];
	[sflag:s15] =	ssyncadd.s32 $0xFFFF8000  }
0x380: {  	[hbm4b:s1+s2] =	stream.linear.scatter [tilespmem:s13], [sflag:$0x3], $0x8000, $0x38;
	[tilespmem:$0x10200] =	vst v63  }
0x381: {  	_ =	swait.ge [sflag:s7], $0x8000  }
0x382: {  	[sflag:s7] =	ssyncset.done $0x0  }
0x383: {  	s1 =	rddreg [dreg:$0x6];
	[sflag:s7] =	ssyncadd.s32 $0xFFFF8000  }
0x384: {  	[tilespmem:s2], [sflag:$0x5] =	stream.linear.gather [hbm4b:s1+s2], $0x100, $0x38;
	[tilespmem:$0x10200] =	vst v63  }
0x385: {  	_ =	swait.ge [sflag:s11], $0x100  }
0x386: {  	[sflag:s11] =	ssyncset.done $0x0  }
0x387: {  	[sflag:s11] =	ssyncadd.s32 $0xFFFFFF00  }
0x388: {  	[tilespmem:s13], [sflag:$0x1] =	stream.indirect.gather [hbm4b:s3+s12], $0x80, s2, s12, $0xb8;
	[tilespmem:$0x10200] =	vst v63  }
0x389: {  	_ =	swait.ge [sflag:s14], $0x8000  }
0x38a: {  	[sflag:s14] =	ssyncset.done $0x0  }
0x38b: {  	s1 =	rddreg [dreg:$0x7];
	[sflag:s14] =	ssyncadd.s32 $0xFFFF8000  }
0x38c: {  	[hbm4b:s1+s2] =	stream.linear.scatter [tilespmem:s9], [sflag:$0x4], $0x8000, $0x38;
	[tilespmem:$0x10200] =	vst v63  }
0x38d: {  	_ =	swait.ge [sflag:s6], $0x8000  }
0x38e: {  	[sflag:s6] =	ssyncset.done $0x0  }
0x38f: {  	s1 =	rddreg [dreg:$0x8];
	[sflag:s6] =	ssyncadd.s32 $0xFFFF8000  }
0x390: {  	[tilespmem:s12], [sflag:$0x5] =	stream.linear.gather [hbm4b:s1+s2], $0x100, $0x38;
	[tilespmem:$0x10200] =	vst v63  }
0x391: {  	_ =	swait.ge [sflag:s11], $0x100  }
0x392: {  	[sflag:s11] =	ssyncset.done $0x0  }
0x393: {  	[sflag:s11] =	ssyncadd.s32 $0xFFFFFF00  }
0x394: {  	[tilespmem:s9], [sflag:$0x2] =	stream.indirect.gather [hbm4b:s3+s12], $0x80, s12, s12, $0xb8;
	[tilespmem:$0x10200] =	vst v63  }
0x395: {  	_ =	swait.ge [sflag:s15], $0x8000  }
0x396: {  	[sflag:s15] =	ssyncset.done $0x0  }
0x397: {  	s1 =	rddreg [dreg:$0x9];
	[sflag:s15] =	ssyncadd.s32 $0xFFFF8000  }
0x398: {  	[hbm4b:s1+s2] =	stream.linear.scatter [tilespmem:s13], [sflag:$0x3], $0x8000, $0x38;
	[tilespmem:$0x10200] =	vst v63  }
0x399: {  	_ =	swait.ge [sflag:s7], $0x8000  }
0x39a: {  	[sflag:s7] =	ssyncset.done $0x0  }
0x39b: {  	s1 =	rddreg [dreg:$0xa];
	[sflag:s7] =	ssyncadd.s32 $0xFFFF8000  }
0x39c: {  	[tilespmem:s2], [sflag:$0x5] =	stream.linear.gather [hbm4b:s1+s2], $0x100, $0x38;
	[tilespmem:$0x10200] =	vst v63  }
0x39d: {  	_ =	swait.ge [sflag:s11], $0x100  }
0x39e: {  	[sflag:s11] =	ssyncset.done $0x0  }
0x39f: {  	[sflag:s11] =	ssyncadd.s32 $0xFFFFFF00  }
0x3a0: {  	[tilespmem:s13], [sflag:$0x1] =	stream.indirect.gather [hbm4b:s3+s12], $0x80, s2, s12, $0xb8;
	[tilespmem:$0x10200] =	vst v63  }
0x3a1: {  	_ =	swait.ge [sflag:s14], $0x8000  }
0x3a2: {  	[sflag:s14] =	ssyncset.done $0x0  }
0x3a3: {  	s1 =	rddreg [dreg:$0xb];
	[sflag:s14] =	ssyncadd.s32 $0xFFFF8000  }
0x3a4: {  	[hbm4b:s1+s2] =	stream.linear.scatter [tilespmem:s9], [sflag:$0x4], $0x8000, $0x38;
	[tilespmem:$0x10200] =	vst v63  }
0x3a5: {  	_ =	swait.ge [sflag:s6], $0x8000  }
0x3a6: {  	[sflag:s6] =	ssyncset.done $0x0  }
0x3a7: {  	s1 =	rddreg [dreg:$0xc];
	[sflag:s6] =	ssyncadd.s32 $0xFFFF8000  }
0x3a8: {  	[tilespmem:s12], [sflag:$0x5] =	stream.linear.gather [hbm4b:s1+s2], $0x100, $0x38;
	[tilespmem:$0x10200] =	vst v63  }
0x3a9: {  	_ =	swait.ge [sflag:s11], $0x100  }
0x3aa: {  	[sflag:s11] =	ssyncset.done $0x0  }
0x3ab: {  	[sflag:s11] =	ssyncadd.s32 $0xFFFFFF00  }
0x3ac: {  	[tilespmem:s9], [sflag:$0x2] =	stream.indirect.gather [hbm4b:s3+s12], $0x80, s12, s12, $0xb8;
	[tilespmem:$0x10200] =	vst v63  }
0x3ad: {  	_ =	swait.ge [sflag:s15], $0x8000  }
0x3ae: {  	[sflag:s15] =	ssyncset.done $0x0  }
0x3af: {  	s1 =	rddreg [dreg:$0xd];
	[sflag:s15] =	ssyncadd.s32 $0xFFFF8000  }
0x3b0: {  	[hbm4b:s1+s2] =	stream.linear.scatter [tilespmem:s13], [sflag:$0x3], $0x8000, $0x38;
	[tilespmem:$0x10200] =	vst v63  }
0x3b1: {  	_ =	swait.ge [sflag:s7], $0x8000  }
0x3b2: {  	[sflag:s7] =	ssyncset.done $0x0  }
0x3b3: {  	s1 =	rddreg [dreg:$0xe];
	[sflag:s7] =	ssyncadd.s32 $0xFFFF8000  }
0x3b4: {  	[tilespmem:s2], [sflag:$0x5] =	stream.linear.gather [hbm4b:s1+s2], $0x100, $0x38;
	[tilespmem:$0x10200] =	vst v63  }
0x3b5: {  	_ =	swait.ge [sflag:s11], $0x100  }
0x3b6: {  	[sflag:s11] =	ssyncset.done $0x0  }
0x3b7: {  	[sflag:s11] =	ssyncadd.s32 $0xFFFFFF00  }
0x3b8: {  	[tilespmem:s13], [sflag:$0x1] =	stream.indirect.gather [hbm4b:s3+s12], $0x80, s2, s12, $0xb8;
	[tilespmem:$0x10200] =	vst v63  }
0x3b9: {  	_ =	swait.ge [sflag:s14], $0x8000  }
0x3ba: {  	[sflag:s14] =	ssyncset.done $0x0  }
0x3bb: {  	s1 =	rddreg [dreg:$0xf];
	[sflag:s14] =	ssyncadd.s32 $0xFFFF8000  }
0x3bc: {  	[hbm4b:s1+s2] =	stream.linear.scatter [tilespmem:s9], [sflag:$0x4], $0x8000, $0x38;
	[tilespmem:$0x10200] =	vst v63  }
0x3bd: {  	_ =	swait.ge [sflag:s6], $0x8000  }
0x3be: {  	[sflag:s6] =	ssyncset.done $0x0  }
0x3bf: {  	s1 =	rddreg [dreg:$0x10];
	[sflag:s6] =	ssyncadd.s32 $0xFFFF8000  }
0x3c0: {  	[tilespmem:s12], [sflag:$0x5] =	stream.linear.gather [hbm4b:s1+s2], $0x100, $0x38;
	[tilespmem:$0x10200] =	vst v63  }
0x3c1: {  	_ =	swait.ge [sflag:s11], $0x100  }
0x3c2: {  	[sflag:s11] =	ssyncset.done $0x0  }
0x3c3: {  	[sflag:s11] =	ssyncadd.s32 $0xFFFFFF00  }
0x3c4: {  	[tilespmem:s9], [sflag:$0x2] =	stream.indirect.gather [hbm4b:s3+s12], $0x80, s12, s12, $0xb8;
	[tilespmem:$0x10200] =	vst v63  }
0x3c5: {  	_ =	swait.ge [sflag:s15], $0x8000  }
0x3c6: {  	[sflag:s15] =	ssyncset.done $0x0  }
0x3c7: {  	s1 =	rddreg [dreg:$0x11];
	[sflag:s15] =	ssyncadd.s32 $0xFFFF8000  }
0x3c8: {  	[hbm4b:s1+s2] =	stream.linear.scatter [tilespmem:s13], [sflag:$0x3], $0x8000, $0x38;
	[tilespmem:$0x10200] =	vst v63  }
0x3c9: {  	_ =	swait.ge [sflag:s7], $0x8000  }
0x3ca: {  	[sflag:s7] =	ssyncset.done $0x0  }
0x3cb: {  	s1 =	rddreg [dreg:$0x12];
	[sflag:s7] =	ssyncadd.s32 $0xFFFF8000  }
0x3cc: {  	[tilespmem:s2], [sflag:$0x5] =	stream.linear.gather [hbm4b:s1+s2], $0x100, $0x38;
	[tilespmem:$0x10200] =	vst v63  }
0x3cd: {  	_ =	swait.ge [sflag:s11], $0x100  }
0x3ce: {  	[sflag:s11] =	ssyncset.done $0x0  }
0x3cf: {  	[sflag:s11] =	ssyncadd.s32 $0xFFFFFF00  }
0x3d0: {  	[tilespmem:s13], [sflag:$0x1] =	stream.indirect.gather [hbm4b:s3+s12], $0x80, s2, s12, $0xb8;
	[tilespmem:$0x10200] =	vst v63  }
0x3d1: {  	_ =	swait.ge [sflag:s14], $0x8000  }
0x3d2: {  	[sflag:s14] =	ssyncset.done $0x0  }
0x3d3: {  	s1 =	rddreg [dreg:$0x13];
	[sflag:s14] =	ssyncadd.s32 $0xFFFF8000  }
0x3d4: {  	[hbm4b:s1+s2] =	stream.linear.scatter [tilespmem:s9], [sflag:$0x4], $0x8000, $0x38;
	[tilespmem:$0x10200] =	vst v63  }
0x3d5: {  	_ =	swait.ge [sflag:s6], $0x8000  }
0x3d6: {  	[sflag:s6] =	ssyncset.done $0x0  }
0x3d7: {  	s1 =	rddreg [dreg:$0x14];
	[sflag:s6] =	ssyncadd.s32 $0xFFFF8000  }
0x3d8: {  	[tilespmem:s12], [sflag:$0x5] =	stream.linear.gather [hbm4b:s1+s2], $0x100, $0x38;
	[tilespmem:$0x10200] =	vst v63  }
0x3d9: {  	_ =	swait.ge [sflag:s11], $0x100  }
0x3da: {  	[sflag:s11] =	ssyncset.done $0x0  }
0x3db: {  	[sflag:s11] =	ssyncadd.s32 $0xFFFFFF00  }
0x3dc: {  	[tilespmem:s9], [sflag:$0x2] =	stream.indirect.gather [hbm4b:s3+s12], $0x80, s12, s12, $0xb8;
	[tilespmem:$0x10200] =	vst v63  }
0x3dd: {  	_ =	swait.ge [sflag:s15], $0x8000  }
0x3de: {  	[sflag:s15] =	ssyncset.done $0x0  }
0x3df: {  	s1 =	rddreg [dreg:$0x15];
	[sflag:s15] =	ssyncadd.s32 $0xFFFF8000  }
0x3e0: {  	[hbm4b:s1+s2] =	stream.linear.scatter [tilespmem:s13], [sflag:$0x3], $0x8000, $0x38;
	[tilespmem:$0x10200] =	vst v63  }
0x3e1: {  	_ =	swait.ge [sflag:s7], $0x8000  }
0x3e2: {  	[sflag:s7] =	ssyncset.done $0x0  }
0x3e3: {  	s1 =	rddreg [dreg:$0x16];
	[sflag:s7] =	ssyncadd.s32 $0xFFFF8000  }
0x3e4: {  	[tilespmem:s2], [sflag:$0x5] =	stream.linear.gather [hbm4b:s1+s2], $0x100, $0x38;
	[tilespmem:$0x10200] =	vst v63  }
0x3e5: {  	_ =	swait.ge [sflag:s11], $0x100  }
0x3e6: {  	[sflag:s11] =	ssyncset.done $0x0  }
0x3e7: {  	[sflag:s11] =	ssyncadd.s32 $0xFFFFFF00  }
0x3e8: {  	[tilespmem:s13], [sflag:$0x1] =	stream.indirect.gather [hbm4b:s3+s12], $0x80, s2, s12, $0xb8;
	[tilespmem:$0x10200] =	vst v63  }
0x3e9: {  	_ =	swait.ge [sflag:s14], $0x8000  }
0x3ea: {  	[sflag:s14] =	ssyncset.done $0x0  }
0x3eb: {  	s1 =	rddreg [dreg:$0x17];
	[sflag:s14] =	ssyncadd.s32 $0xFFFF8000  }
0x3ec: {  	[hbm4b:s1+s2] =	stream.linear.scatter [tilespmem:s9], [sflag:$0x4], $0x8000, $0x38;
	[tilespmem:$0x10200] =	vst v63  }
0x3ed: {  	_ =	swait.ge [sflag:s6], $0x8000  }
0x3ee: {  	[sflag:s6] =	ssyncset.done $0x0  }
0x3ef: {  	s1 =	rddreg [dreg:$0x18];
	[sflag:s6] =	ssyncadd.s32 $0xFFFF8000  }
0x3f0: {  	[tilespmem:s12], [sflag:$0x5] =	stream.linear.gather [hbm4b:s1+s2], $0x100, $0x38;
	[tilespmem:$0x10200] =	vst v63  }
0x3f1: {  	_ =	swait.ge [sflag:s11], $0x100  }
0x3f2: {  	[sflag:s11] =	ssyncset.done $0x0  }
0x3f3: {  	[sflag:s11] =	ssyncadd.s32 $0xFFFFFF00  }
0x3f4: {  	[tilespmem:s9], [sflag:$0x2] =	stream.indirect.gather [hbm4b:s3+s12], $0x80, s12, s12, $0xb8;
	[tilespmem:$0x10200] =	vst v63  }
0x3f5: {  	_ =	swait.ge [sflag:s15], $0x8000  }
0x3f6: {  	[sflag:s15] =	ssyncset.done $0x0  }
0x3f7: {  	s1 =	rddreg [dreg:$0x19];
	[sflag:s15] =	ssyncadd.s32 $0xFFFF8000  }
0x3f8: {  	[hbm4b:s1+s2] =	stream.linear.scatter [tilespmem:s13], [sflag:$0x3], $0x8000, $0x38;
	[tilespmem:$0x10200] =	vst v63  }
0x3f9: {  	_ =	swait.ge [sflag:s7], $0x8000  }
0x3fa: {  	[sflag:s7] =	ssyncset.done $0x0  }
0x3fb: {  	s1 =	rddreg [dreg:$0x1a];
	[sflag:s7] =	ssyncadd.s32 $0xFFFF8000  }
0x3fc: {  	[tilespmem:s2], [sflag:$0x5] =	stream.linear.gather [hbm4b:s1+s2], $0x100, $0x38;
	[tilespmem:$0x10200] =	vst v63  }
0x3fd: {  	_ =	swait.ge [sflag:s11], $0x100  }
0x3fe: {  	[sflag:s11] =	ssyncset.done $0x0  }
0x3ff: {  	[sflag:s11] =	ssyncadd.s32 $0xFFFFFF00  }
0x400: {  	[tilespmem:s13], [sflag:$0x1] =	stream.indirect.gather [hbm4b:s3+s12], $0x80, s2, s12, $0xb8;
	[tilespmem:$0x10200] =	vst v63  }
0x401: {  	_ =	swait.ge [sflag:s14], $0x8000  }
0x402: {  	[sflag:s14] =	ssyncset.done $0x0  }
0x403: {  	s1 =	rddreg [dreg:$0x1b];
	[sflag:s14] =	ssyncadd.s32 $0xFFFF8000  }
0x404: {  	[hbm4b:s1+s2] =	stream.linear.scatter [tilespmem:s9], [sflag:$0x4], $0x8000, $0x38;
	[tilespmem:$0x10200] =	vst v63  }
0x405: {  	_ =	swait.ge [sflag:s6], $0x8000  }
0x406: {  	[sflag:s6] =	ssyncset.done $0x0  }
0x407: {  	s1 =	rddreg [dreg:$0x1c];
	[sflag:s6] =	ssyncadd.s32 $0xFFFF8000  }
0x408: {  	[tilespmem:s12], [sflag:$0x5] =	stream.linear.gather [hbm4b:s1+s2], $0x100, $0x38;
	[tilespmem:$0x10200] =	vst v63  }
0x409: {  	_ =	swait.ge [sflag:s11], $0x100  }
0x40a: {  	[sflag:s11] =	ssyncset.done $0x0  }
0x40b: {  	[sflag:s11] =	ssyncadd.s32 $0xFFFFFF00  }
0x40c: {  	[tilespmem:s9], [sflag:$0x2] =	stream.indirect.gather [hbm4b:s3+s12], $0x80, s12, s12, $0xb8;
	[tilespmem:$0x10200] =	vst v63  }
0x40d: {  	_ =	swait.ge [sflag:s15], $0x8000  }
0x40e: {  	[sflag:s15] =	ssyncset.done $0x0  }
0x40f: {  	s1 =	rddreg [dreg:$0x1d];
	[sflag:s15] =	ssyncadd.s32 $0xFFFF8000  }
0x410: {  	[hbm4b:s1+s2] =	stream.linear.scatter [tilespmem:s13], [sflag:$0x3], $0x8000, $0x38;
	[tilespmem:$0x10200] =	vst v63  }
0x411: {  	_ =	swait.ge [sflag:s7], $0x8000  }
0x412: {  	[sflag:s7] =	ssyncset.done $0x0  }
0x413: {  	s1 =	rddreg [dreg:$0x1e];
	[sflag:s7] =	ssyncadd.s32 $0xFFFF8000  }
0x414: {  	[tilespmem:s2], [sflag:$0x5] =	stream.linear.gather [hbm4b:s1+s2], $0x100, $0x38;
	[tilespmem:$0x10200] =	vst v63  }
0x415: {  	_ =	swait.ge [sflag:s11], $0x100  }
0x416: {  	[sflag:s11] =	ssyncset.done $0x0  }
0x417: {  	[sflag:s11] =	ssyncadd.s32 $0xFFFFFF00  }
0x418: {  	[tilespmem:s13], [sflag:$0x1] =	stream.indirect.gather [hbm4b:s3+s12], $0x80, s2, s12, $0xb8;
	[tilespmem:$0x10200] =	vst v63  }
0x419: {  	_ =	swait.ge [sflag:s14], $0x8000  }
0x41a: {  	[sflag:s14] =	ssyncset.done $0x0  }
0x41b: {  	s1 =	rddreg [dreg:$0x1f];
	[sflag:s14] =	ssyncadd.s32 $0xFFFF8000  }
0x41c: {  	[hbm4b:s1+s2] =	stream.linear.scatter [tilespmem:s9], [sflag:$0x4], $0x8000, $0x38;
	[tilespmem:$0x10200] =	vst v63  }
0x41d: {  	_ =	swait.ge [sflag:s6], $0x8000  }
0x41e: {  	s1 =	sld [smem:$0x7EE]  }
0x41f: {  	[sflag:s6] =	ssyncset.done $0x0  }
0x420: {  	[sflag:s6] =	ssyncadd.s32 $0xFFFF8000  }
0x421: {  	[tilespmem:s12], [sflag:$0x5] =	stream.linear.gather [hbm4b:s1+s2], $0x100, $0x38;
	[tilespmem:$0x10200] =	vst v63  }
0x422: {  	_ =	swait.ge [sflag:s11], $0x100  }
0x423: {  	[sflag:s11] =	ssyncset.done $0x0  }
0x424: {  	[sflag:s11] =	ssyncadd.s32 $0xFFFFFF00  }
0x425: {  	[tilespmem:s9], [sflag:$0x2] =	stream.indirect.gather [hbm4b:s3+s12], $0x80, s12, s12, $0xb8;
	[tilespmem:$0x10200] =	vst v63  }
0x426: {  	_ =	swait.ge [sflag:s15], $0x8000  }
0x427: {  	s1 =	sld [smem:$0x7EF]  }
0x428: {  	[sflag:s15] =	ssyncset.done $0x0  }
0x429: {  	[sflag:s15] =	ssyncadd.s32 $0xFFFF8000  }
0x42a: {  	[hbm4b:s1+s2] =	stream.linear.scatter [tilespmem:s13], [sflag:$0x3], $0x8000, $0x38;
	[tilespmem:$0x10200] =	vst v63  }
0x42b: {  	_ =	swait.ge [sflag:s7], $0x8000  }
0x42c: {  	s1 =	sld [smem:$0x7F0]  }
0x42d: {  	[sflag:s7] =	ssyncset.done $0x0  }
0x42e: {  	[sflag:s7] =	ssyncadd.s32 $0xFFFF8000  }
0x42f: {  	[tilespmem:s2], [sflag:$0x5] =	stream.linear.gather [hbm4b:s1+s2], $0x100, $0x38;
	[tilespmem:$0x10200] =	vst v63  }
0x430: {  	_ =	swait.ge [sflag:s11], $0x100  }
0x431: {  	[sflag:s11] =	ssyncset.done $0x0  }
0x432: {  	[sflag:s11] =	ssyncadd.s32 $0xFFFFFF00  }
0x433: {  	[tilespmem:s13], [sflag:$0x1] =	stream.indirect.gather [hbm4b:s3+s12], $0x80, s2, s12, $0xb8;
	[tilespmem:$0x10200] =	vst v63  }
0x434: {  	_ =	swait.ge [sflag:s14], $0x8000  }
0x435: {  	s1 =	sld [smem:$0x7F1]  }
0x436: {  	[sflag:s14] =	ssyncset.done $0x0  }
0x437: {  	[sflag:s14] =	ssyncadd.s32 $0xFFFF8000  }
0x438: {  	[hbm4b:s1+s2] =	stream.linear.scatter [tilespmem:s9], [sflag:$0x4], $0x8000, $0x38;
	[tilespmem:$0x10200] =	vst v63  }
0x439: {  	_ =	swait.ge [sflag:s6], $0x8000  }
0x43a: {  	s1 =	sld [smem:$0x7F2]  }
0x43b: {  	[sflag:s6] =	ssyncset.done $0x0  }
0x43c: {  	[sflag:s6] =	ssyncadd.s32 $0xFFFF8000  }
0x43d: {  	[tilespmem:s12], [sflag:$0x5] =	stream.linear.gather [hbm4b:s1+s2], $0x100, $0x38;
	[tilespmem:$0x10200] =	vst v63  }
0x43e: {  	_ =	swait.ge [sflag:s11], $0x100  }
0x43f: {  	[sflag:s11] =	ssyncset.done $0x0  }
0x440: {  	[sflag:s11] =	ssyncadd.s32 $0xFFFFFF00  }
0x441: {  	[tilespmem:s9], [sflag:$0x2] =	stream.indirect.gather [hbm4b:s3+s12], $0x80, s12, s12, $0xb8;
	[tilespmem:$0x10200] =	vst v63  }
0x442: {  	_ =	swait.ge [sflag:s15], $0x8000  }
0x443: {  	s1 =	sld [smem:$0x7F3]  }
0x444: {  	[sflag:s15] =	ssyncset.done $0x0  }
0x445: {  	[sflag:s15] =	ssyncadd.s32 $0xFFFF8000  }
0x446: {  	[hbm4b:s1+s2] =	stream.linear.scatter [tilespmem:s13], [sflag:$0x3], $0x8000, $0x38;
	[tilespmem:$0x10200] =	vst v63  }
0x447: {  	_ =	swait.ge [sflag:s7], $0x8000  }
0x448: {  	s1 =	sld [smem:$0x7F4]  }
0x449: {  	[sflag:s7] =	ssyncset.done $0x0  }
0x44a: {  	[sflag:s7] =	ssyncadd.s32 $0xFFFF8000  }
0x44b: {  	[tilespmem:s2], [sflag:$0x5] =	stream.linear.gather [hbm4b:s1+s2], $0x100, $0x38;
	[tilespmem:$0x10200] =	vst v63  }
0x44c: {  	_ =	swait.ge [sflag:s11], $0x100  }
0x44d: {  	[sflag:s11] =	ssyncset.done $0x0  }
0x44e: {  	[sflag:s11] =	ssyncadd.s32 $0xFFFFFF00  }
0x44f: {  	[tilespmem:s13], [sflag:$0x1] =	stream.indirect.gather [hbm4b:s3+s12], $0x80, s2, s12, $0xb8;
	[tilespmem:$0x10200] =	vst v63  }
0x450: {  	_ =	swait.ge [sflag:s14], $0x8000  }
0x451: {  	s1 =	sld [smem:$0x7F5]  }
0x452: {  	[sflag:s14] =	ssyncset.done $0x0  }
0x453: {  	[sflag:s14] =	ssyncadd.s32 $0xFFFF8000  }
0x454: {  	[hbm4b:s1+s2] =	stream.linear.scatter [tilespmem:s9], [sflag:$0x4], $0x8000, $0x38;
	[tilespmem:$0x10200] =	vst v63  }
0x455: {  	_ =	swait.ge [sflag:s6], $0x8000  }
0x456: {  	s1 =	sld [smem:$0x7F6]  }
0x457: {  	[sflag:s6] =	ssyncset.done $0x0  }
0x458: {  	[sflag:s6] =	ssyncadd.s32 $0xFFFF8000  }
0x459: {  	[tilespmem:s12], [sflag:$0x5] =	stream.linear.gather [hbm4b:s1+s2], $0x100, $0x38;
	[tilespmem:$0x10200] =	vst v63  }
0x45a: {  	_ =	swait.ge [sflag:s11], $0x100  }
0x45b: {  	[sflag:s11] =	ssyncset.done $0x0  }
0x45c: {  	[sflag:s11] =	ssyncadd.s32 $0xFFFFFF00  }
0x45d: {  	[tilespmem:s9], [sflag:$0x2] =	stream.indirect.gather [hbm4b:s3+s12], $0x80, s12, s12, $0xb8;
	[tilespmem:$0x10200] =	vst v63  }
0x45e: {  	_ =	swait.ge [sflag:s15], $0x8000  }
0x45f: {  	s1 =	sld [smem:$0x7F7]  }
0x460: {  	[sflag:s15] =	ssyncset.done $0x0  }
0x461: {  	[sflag:s15] =	ssyncadd.s32 $0xFFFF8000  }
0x462: {  	[hbm4b:s1+s2] =	stream.linear.scatter [tilespmem:s13], [sflag:$0x3], $0x8000, $0x38;
	[tilespmem:$0x10200] =	vst v63  }
0x463: {  	_ =	swait.ge [sflag:s7], $0x8000  }
0x464: {  	s1 =	sld [smem:$0x7F8]  }
0x465: {  	[sflag:s7] =	ssyncset.done $0x0  }
0x466: {  	[sflag:s7] =	ssyncadd.s32 $0xFFFF8000  }
0x467: {  	[tilespmem:s2], [sflag:$0x5] =	stream.linear.gather [hbm4b:s1+s2], $0x100, $0x38;
	[tilespmem:$0x10200] =	vst v63  }
0x468: {  	_ =	swait.ge [sflag:s11], $0x100  }
0x469: {  	[sflag:s11] =	ssyncset.done $0x0  }
0x46a: {  	[sflag:s11] =	ssyncadd.s32 $0xFFFFFF00  }
0x46b: {  	[tilespmem:s13], [sflag:$0x1] =	stream.indirect.gather [hbm4b:s3+s12], $0x80, s2, s12, $0xb8;
	[tilespmem:$0x10200] =	vst v63  }
0x46c: {  	_ =	swait.ge [sflag:s14], $0x8000  }
0x46d: {  	s1 =	sld [smem:$0x7F9]  }
0x46e: {  	[sflag:s14] =	ssyncset.done $0x0  }
0x46f: {  	[sflag:s14] =	ssyncadd.s32 $0xFFFF8000  }
0x470: {  	[hbm4b:s1+s2] =	stream.linear.scatter [tilespmem:s9], [sflag:$0x4], $0x8000, $0x38;
	[tilespmem:$0x10200] =	vst v63  }
0x471: {  	_ =	swait.ge [sflag:s6], $0x8000  }
0x472: {  	s1 =	sld [smem:$0x7FA]  }
0x473: {  	[sflag:s6] =	ssyncset.done $0x0  }
0x474: {  	[sflag:s6] =	ssyncadd.s32 $0xFFFF8000  }
0x475: {  	[tilespmem:s12], [sflag:$0x5] =	stream.linear.gather [hbm4b:s1+s2], $0x100, $0x38;
	[tilespmem:$0x10200] =	vst v63  }
0x476: {  	_ =	swait.ge [sflag:s11], $0x100  }
0x477: {  	[sflag:s11] =	ssyncset.done $0x0  }
0x478: {  	[sflag:s11] =	ssyncadd.s32 $0xFFFFFF00  }
0x479: {  	[tilespmem:s9], [sflag:$0x2] =	stream.indirect.gather [hbm4b:s3+s12], $0x80, s12, s12, $0xb8;
	[tilespmem:$0x10200] =	vst v63  }
0x47a: {  	_ =	swait.ge [sflag:s15], $0x8000  }
0x47b: {  	s1 =	sld [smem:$0x7FB]  }
0x47c: {  	[sflag:s15] =	ssyncset.done $0x0  }
0x47d: {  	[sflag:s15] =	ssyncadd.s32 $0xFFFF8000  }
0x47e: {  	[hbm4b:s1+s2] =	stream.linear.scatter [tilespmem:s13], [sflag:$0x3], $0x8000, $0x38;
	[tilespmem:$0x10200] =	vst v63  }
0x47f: {  	_ =	swait.ge [sflag:s7], $0x8000  }
0x480: {  	s1 =	sld [smem:$0x7FC]  }
0x481: {  	[sflag:s7] =	ssyncset.done $0x0  }
0x482: {  	[sflag:s7] =	ssyncadd.s32 $0xFFFF8000  }
0x483: {  	[tilespmem:s2], [sflag:$0x5] =	stream.linear.gather [hbm4b:s1+s2], $0x100, $0x38;
	[tilespmem:$0x10200] =	vst v63  }
0x484: {  	_ =	swait.ge [sflag:s11], $0x100  }
0x485: {  	[sflag:s11] =	ssyncset.done $0x0  }
0x486: {  	[sflag:s11] =	ssyncadd.s32 $0xFFFFFF00  }
0x487: {  	[tilespmem:s13], [sflag:$0x1] =	stream.indirect.gather [hbm4b:s3+s12], $0x80, s2, s12, $0xb8;
	[tilespmem:$0x10200] =	vst v63  }
0x488: {  	_ =	swait.ge [sflag:s14], $0x8000  }
0x489: {  	s1 =	sld [smem:$0x7FD]  }
0x48a: {  	[sflag:s14] =	ssyncset.done $0x0  }
0x48b: {  	[sflag:s14] =	ssyncadd.s32 $0xFFFF8000  }
0x48c: {  	[hbm4b:s1+s2] =	stream.linear.scatter [tilespmem:s9], [sflag:$0x4], $0x8000, $0x38;
	[tilespmem:$0x10200] =	vst v63  }
0x48d: {  	_ =	swait.ge [sflag:s6], $0x8000  }
0x48e: {  	[sflag:s6] =	ssyncset.done $0x0  }
0x48f: {  	[sflag:s6] =	ssyncadd.s32 $0xFFFF8000  }
0x490: {  	[tilespmem:s12], [sflag:$0x5] =	stream.linear.gather [hbm4b:s31+s2], $0x100, $0x38;
	[tilespmem:$0x10200] =	vst v63  }
0x491: {  	_ =	swait.ge [sflag:s11], $0x100  }
0x492: {  	[sflag:s11] =	ssyncset.done $0x0  }
0x493: {  	[sflag:s11] =	ssyncadd.s32 $0xFFFFFF00  }
0x494: {  	[tilespmem:s9], [sflag:$0x2] =	stream.indirect.gather [hbm4b:s3+s12], $0x80, s12, s12, $0xb8;
	[tilespmem:$0x10200] =	vst v63  }
0x495: {  	_ =	swait.ge [sflag:s15], $0x8000  }
0x496: {  	[sflag:s15] =	ssyncset.done $0x0  }
0x497: {  	[sflag:s15] =	ssyncadd.s32 $0xFFFF8000  }
0x498: {  	[hbm4b:s29+s2] =	stream.linear.scatter [tilespmem:s13], [sflag:$0x3], $0x8000, $0x38;
	[tilespmem:$0x10200] =	vst v63  }
0x499: {  	_ =	swait.ge [sflag:s7], $0x8000  }
0x49a: {  	[sflag:s7] =	ssyncset.done $0x0  }
0x49b: {  	[sflag:s7] =	ssyncadd.s32 $0xFFFF8000  }
0x49c: {  	[tilespmem:s2], [sflag:$0x5] =	stream.linear.gather [hbm4b:s30+s2], $0x100, $0x38;
	[tilespmem:$0x10200] =	vst v63  }
0x49d: {  	_ =	swait.ge [sflag:s11], $0x100  }
0x49e: {  	[sflag:s11] =	ssyncset.done $0x0  }
0x49f: {  	[sflag:s11] =	ssyncadd.s32 $0xFFFFFF00  }
0x4a0: {  	[tilespmem:s13], [sflag:$0x1] =	stream.indirect.gather [hbm4b:s3+s12], $0x80, s2, s12, $0xb8;
	[tilespmem:$0x10200] =	vst v63  }
0x4a1: {  	_ =	swait.ge [sflag:s14], $0x8000  }
0x4a2: {  	[sflag:s14] =	ssyncset.done $0x0  }
0x4a3: {  	[sflag:s14] =	ssyncadd.s32 $0xFFFF8000  }
0x4a4: {  	[hbm4b:s28+s2] =	stream.linear.scatter [tilespmem:s9], [sflag:$0x4], $0x8000, $0x38;
	[tilespmem:$0x10200] =	vst v63  }
0x4a5: {  	_ =	swait.ge [sflag:s6], $0x8000  }
0x4a6: {  	[sflag:s6] =	ssyncset.done $0x0  }
0x4a7: {  	[sflag:s6] =	ssyncadd.s32 $0xFFFF8000  }
0x4a8: {  	[tilespmem:s12], [sflag:$0x5] =	stream.linear.gather [hbm4b:s26+s2], $0x100, $0x38;
	[tilespmem:$0x10200] =	vst v63  }
0x4a9: {  	_ =	swait.ge [sflag:s11], $0x100  }
0x4aa: {  	[sflag:s11] =	ssyncset.done $0x0  }
0x4ab: {  	[sflag:s11] =	ssyncadd.s32 $0xFFFFFF00  }
0x4ac: {  	[tilespmem:s9], [sflag:$0x2] =	stream.indirect.gather [hbm4b:s3+s12], $0x80, s12, s12, $0xb8;
	[tilespmem:$0x10200] =	vst v63  }
0x4ad: {  	_ =	swait.ge [sflag:s15], $0x8000  }
0x4ae: {  	[sflag:s15] =	ssyncset.done $0x0  }
0x4af: {  	[sflag:s15] =	ssyncadd.s32 $0xFFFF8000  }
0x4b0: {  	[hbm4b:s25+s2] =	stream.linear.scatter [tilespmem:s13], [sflag:$0x3], $0x8000, $0x38;
	[tilespmem:$0x10200] =	vst v63  }
0x4b1: {  	_ =	swait.ge [sflag:s7], $0x8000  }
0x4b2: {  	[sflag:s7] =	ssyncset.done $0x0  }
0x4b3: {  	[sflag:s7] =	ssyncadd.s32 $0xFFFF8000  }
0x4b4: {  	[tilespmem:s2], [sflag:$0x5] =	stream.linear.gather [hbm4b:s24+s2], $0x100, $0x38;
	[tilespmem:$0x10200] =	vst v63  }
0x4b5: {  	_ =	swait.ge [sflag:s11], $0x100  }
0x4b6: {  	[sflag:s11] =	ssyncset.done $0x0  }
0x4b7: {  	[sflag:s11] =	ssyncadd.s32 $0xFFFFFF00  }
0x4b8: {  	[tilespmem:s13], [sflag:$0x1] =	stream.indirect.gather [hbm4b:s3+s12], $0x80, s2, s12, $0xb8;
	[tilespmem:$0x10200] =	vst v63  }
0x4b9: {  	_ =	swait.ge [sflag:s14], $0x8000  }
0x4ba: {  	[sflag:s14] =	ssyncset.done $0x0  }
0x4bb: {  	[sflag:s14] =	ssyncadd.s32 $0xFFFF8000  }
0x4bc: {  	[hbm4b:s22+s2] =	stream.linear.scatter [tilespmem:s9], [sflag:$0x4], $0x8000, $0x38;
	[tilespmem:$0x10200] =	vst v63  }
0x4bd: {  	_ =	swait.ge [sflag:s6], $0x8000  }
0x4be: {  	[sflag:s6] =	ssyncset.done $0x0  }
0x4bf: {  	[sflag:s6] =	ssyncadd.s32 $0xFFFF8000  }
0x4c0: {  	[tilespmem:s12], [sflag:$0x5] =	stream.linear.gather [hbm4b:s23+s2], $0x100, $0x38;
	[tilespmem:$0x10200] =	vst v63  }
0x4c1: {  	_ =	swait.ge [sflag:s11], $0x100  }
0x4c2: {  	[sflag:s11] =	ssyncset.done $0x0  }
0x4c3: {  	[sflag:s11] =	ssyncadd.s32 $0xFFFFFF00  }
0x4c4: {  	[tilespmem:s9], [sflag:$0x2] =	stream.indirect.gather [hbm4b:s3+s12], $0x80, s12, s12, $0xb8;
	[tilespmem:$0x10200] =	vst v63  }
0x4c5: {  	_ =	swait.ge [sflag:s15], $0x8000  }
0x4c6: {  	[sflag:s15] =	ssyncset.done $0x0  }
0x4c7: {  	[sflag:s15] =	ssyncadd.s32 $0xFFFF8000  }
0x4c8: {  	[hbm4b:s21+s2] =	stream.linear.scatter [tilespmem:s13], [sflag:$0x3], $0x8000, $0x38;
	[tilespmem:$0x10200] =	vst v63  }
0x4c9: {  	_ =	swait.ge [sflag:s7], $0x8000  }
0x4ca: {  	[sflag:s7] =	ssyncset.done $0x0  }
0x4cb: {  	[sflag:s7] =	ssyncadd.s32 $0xFFFF8000  }
0x4cc: {  	[tilespmem:s2], [sflag:$0x5] =	stream.linear.gather [hbm4b:s20+s2], $0x100, $0x38;
	[tilespmem:$0x10200] =	vst v63  }
0x4cd: {  	_ =	swait.ge [sflag:s11], $0x100  }
0x4ce: {  	[sflag:s11] =	ssyncset.done $0x0  }
0x4cf: {  	[sflag:s11] =	ssyncadd.s32 $0xFFFFFF00  }
0x4d0: {  	[tilespmem:s13], [sflag:$0x1] =	stream.indirect.gather [hbm4b:s3+s12], $0x80, s2, s12, $0xb8;
	[tilespmem:$0x10200] =	vst v63  }
0x4d1: {  	_ =	swait.ge [sflag:s14], $0x8000  }
0x4d2: {  	[sflag:s14] =	ssyncset.done $0x0  }
0x4d3: {  	[sflag:s14] =	ssyncadd.s32 $0xFFFF8000  }
0x4d4: {  	[hbm4b:s19+s2] =	stream.linear.scatter [tilespmem:s9], [sflag:$0x4], $0x8000, $0x38;
	[tilespmem:$0x10200] =	vst v63  }
0x4d5: {  	_ =	swait.ge [sflag:s6], $0x8000  }
0x4d6: {  	[sflag:s6] =	ssyncset.done $0x0  }
0x4d7: {  	[sflag:s6] =	ssyncadd.s32 $0xFFFF8000  }
0x4d8: {  	[tilespmem:s12], [sflag:$0x5] =	stream.linear.gather [hbm4b:s18+s2], $0x100, $0x38;
	[tilespmem:$0x10200] =	vst v63  }
0x4d9: {  	_ =	swait.ge [sflag:s11], $0x100  }
0x4da: {  	[sflag:s11] =	ssyncset.done $0x0  }
0x4db: {  	[sflag:s11] =	ssyncadd.s32 $0xFFFFFF00  }
0x4dc: {  	[tilespmem:s9], [sflag:$0x2] =	stream.indirect.gather [hbm4b:s3+s12], $0x80, s12, s12, $0xb8;
	[tilespmem:$0x10200] =	vst v63  }
0x4dd: {  	_ =	swait.ge [sflag:s15], $0x8000  }
0x4de: {  	[sflag:s15] =	ssyncset.done $0x0  }
0x4df: {  	[sflag:s15] =	ssyncadd.s32 $0xFFFF8000  }
0x4e0: {  	[hbm4b:s16+s2] =	stream.linear.scatter [tilespmem:s13], [sflag:$0x3], $0x8000, $0x38;
	[tilespmem:$0x10200] =	vst v63  }
0x4e1: {  	_ =	swait.ge [sflag:s7], $0x8000  }
0x4e2: {  	[sflag:s7] =	ssyncset.done $0x0  }
0x4e3: {  	[sflag:s7] =	ssyncadd.s32 $0xFFFF8000  }
0x4e4: {  	[tilespmem:s2], [sflag:$0x5] =	stream.linear.gather [hbm4b:s17+s2], $0x100, $0x38;
	[tilespmem:$0x10200] =	vst v63  }
0x4e5: {  	_ =	swait.ge [sflag:s11], $0x100  }
0x4e6: {  	[sflag:s11] =	ssyncset.done $0x0  }
0x4e7: {  	[sflag:s11] =	ssyncadd.s32 $0xFFFFFF00  }
0x4e8: {  	[tilespmem:s13], [sflag:$0x1] =	stream.indirect.gather [hbm4b:s3+s12], $0x80, s2, s12, $0xb8;
	[tilespmem:$0x10200] =	vst v63  }
0x4e9: {  	_ =	swait.ge [sflag:s14], $0x8000  }
0x4ea: {  	[sflag:s14] =	ssyncset.done $0x0  }
0x4eb: {  	[sflag:s14] =	ssyncadd.s32 $0xFFFF8000  }
0x4ec: {  	[hbm4b:s10+s2] =	stream.linear.scatter [tilespmem:s9], [sflag:$0x4], $0x8000, $0x38;
	[tilespmem:$0x10200] =	vst v63  }
0x4ed: {  	_ =	swait.ge [sflag:s6], $0x8000  }
0x4ee: {  	[sflag:s6] =	ssyncset.done $0x0  }
0x4ef: {  	[sflag:s6] =	ssyncadd.s32 $0xFFFF8000  }
0x4f0: {  	[tilespmem:s12], [sflag:$0x5] =	stream.linear.gather [hbm4b:s8+s2], $0x100, $0x38;
	[tilespmem:$0x10200] =	vst v63  }
0x4f1: {  	_ =	swait.ge [sflag:s11], $0x100  }
0x4f2: {  	[sflag:s11] =	ssyncset.done $0x0  }
0x4f3: {  	[sflag:s11] =	ssyncadd.s32 $0xFFFFFF00  }
0x4f4: {  	[tilespmem:s9], [sflag:$0x2] =	stream.indirect.gather [hbm4b:s3+s12], $0x80, s12, s12, $0xb8;
	[tilespmem:$0x10200] =	vst v63  }
0x4f5: {  	_ =	swait.ge [sflag:s15], $0x8000  }
0x4f6: {  	[sflag:s15] =	ssyncset.done $0x0  }
0x4f7: {  	[sflag:s15] =	ssyncadd.s32 $0xFFFF8000  }
0x4f8: {  	[hbm4b:s5+s2] =	stream.linear.scatter [tilespmem:s13], [sflag:$0x3], $0x8000, $0x38;
	[tilespmem:$0x10200] =	vst v63  }
0x4f9: {  	_ =	swait.ge [sflag:s14], $0x8000  }
0x4fa: {  	[sflag:s14] =	ssyncset.done $0x0  }
0x4fb: {  	[sflag:s14] =	ssyncadd.s32 $0xFFFF8000  }
0x4fc: {  	[hbm4b:s4+s2] =	stream.linear.scatter [tilespmem:s9], [sflag:$0x4], $0x8000, $0x38;
	[tilespmem:$0x10200] =	vst v63  }
0x4fd: {  	_ =	swait.ge [sflag:s7], $0x8000  }
0x4fe: {  	[sflag:s7] =	ssyncset.done $0x0  }
0x4ff: {  	[sflag:s7] =	ssyncadd.s32 $0xFFFF8000  }
0x500: {  	_ =	swait.ge [sflag:s6], $0x8000  }
0x501: {  	[sflag:s6] =	ssyncset.done $0x0  }
0x502: {  	[sflag:s6] =	ssyncadd.s32 $0xFFFF8000  }
0x503: {  	_ =	sfence.sel $0x180000  }
0x504: {  	[bflag:$0x0] =	sbarrier.arrive $0xFFFF  }
0x505: {  	_ =	strace $0x90000047  }
0x506: {  	s31 =	stileid.u32;
	[bflag:$0x2] =	sbarrier.arrive $0xFFFF  }
0x507: {  	p0 =	sne.s32 s31, $0x0;
	s0 =	rddreg [dreg:$0x2]  }
0x508: {  	s0 =	sadd.s32 @!p0 $0x100000, s0  }
0x509: {  	[sflag:s0] =	ssyncadd.tile.s32 @!p0 $0x1;
	_ =	shalt  }
.Lfunc_end2:
_tile_overlayer_lowered:
.L_overlay_start_2:
0x50a: {  	(tag) =	ssettag $0x2  }
0x50b: {  	s0 =	rddreg [dreg:$0x0];
	s2 =	stileid.u32  }
0x50c: {  	s1 =	rddreg [dreg:$0x1];
	p0 =	sne.s32 s2, $0x0  }
0x50d: {  	s3 =	rddreg [dreg:$0x2];
	[bflag:$0x3] =	sbarrier.arrive $0xFFFF;
	s2 =	simm.s32 @!p0 $0x1C05  }
0x50e: {  	[timem:s3], [sflag:s2] =	dma.local @!p0 [hbm:s0], s1  }
0x50f: {  	s0 =	simm.s32 @!p0 $0x5  }
0x510: {  	_ =	swait.ge @!p0 [sflag:s0], s1  }
0x511: {  	s1 =	ssub.s32 @!p0 $0x0, s1;
	[sflag:s0] =	ssyncset.done @!p0 $0x0  }
0x512: {  	[sflag:s0] =	ssyncadd.s32 @!p0 s1  }
0x513: {  	[bflag:$0x3] =	sbarrier.arrive $0xFFFF  }
0x514: {  	_ =	shalt  }

</sc_bundles>
